<compile_context>
chip_gen: v7x
topology: tpu7x:2x2x1
jax: 0.10.2.dev20260603
libtpu: 0.0.44.dev20260713+nightly
codegen_flags: <defaults>
</compile_context>

<pallas_src>
import functools

import jax
import jax.numpy as jnp
from jax import lax
from jax.experimental import pallas as pl
from jax.experimental.pallas import tpu as pltpu
from jax.experimental.pallas import tpu_sc as plsc

NUM_CAT = 26
OUT_DIMS = 16
MOST_CAT = 100000
MIN_SIG = 1e-4

ROWS = NUM_CAT * (MOST_CAT + 1)
TCOLS = ROWS // 128
TEDGE = ROWS - TCOLS * 128
ROWS_PAD = (TCOLS + 1) * 128

NW = 32
CHUNK = 1024
GSIZE = 128
NG = CHUNK // GSIZE

GCOLS = 4
NGRP = TCOLS // GCOLS
GPW = -(-NGRP // NW)

_C = (
    3.5075520537e-06 + MIN_SIG,
    0.99979243573,
    -0.49697791117,
    0.31459053537,
    -0.18878267362,
    0.081726808375,
    -0.017208061121,
)


def _transpose_pair(tv_mu, tv_ps, ov_mu, ov_ps, tb, ob, ncols):
    idxs = [lax.iota(jnp.int32, 16) * OUT_DIMS + d for d in range(OUT_DIMS)]

    def blk_body(b, carry):
        c0 = tb + b * 16
        o0 = ob + b * 256
        ovb_mu = ov_mu.at[pl.ds(o0, 256)]
        ovb_ps = ov_ps.at[pl.ds(o0, 256)]
        for d in range(OUT_DIMS):
            vm = tv_mu[d, pl.ds(c0, 16)]
            vp = tv_ps[d, pl.ds(c0, 16)]
            plsc.store_scatter(ovb_mu, [idxs[d]], vm)
            plsc.store_scatter(ovb_ps, [idxs[d]], vp)
        return carry

    lax.fori_loop(0, ncols // 16, blk_body, 0, unroll=4)


GW = GCOLS * 128
GWORDS = GW * OUT_DIMS


def _detile_body(mu_t, ps_t, mu_tail, ps_tail, mu_lin, ps_lin,
                 tv_mu, tv_ps, ov_mu, ov_ps, sem_in, sem_out):
    wid = lax.axis_index("s") * 2 + lax.axis_index("c")
    g_lo = wid * GPW
    g_hi = jnp.minimum(g_lo + GPW, NGRP)

    def fire_in(g):
        par = (g - g_lo) % 2
        c0 = g * GW
        pltpu.async_copy(mu_t.at[:, pl.ds(c0, GW)],
                         tv_mu.at[:, pl.ds(par * GW, GW)], sem_in)
        pltpu.async_copy(ps_t.at[:, pl.ds(c0, GW)],
                         tv_ps.at[:, pl.ds(par * GW, GW)], sem_in)

    def drain_in(g):
        c0 = g * GW
        pltpu.make_async_copy(mu_t.at[:, pl.ds(c0, GW)],
                              tv_mu.at[:, pl.ds(0, GW)], sem_in).wait()
        pltpu.make_async_copy(ps_t.at[:, pl.ds(c0, GW)],
                              tv_ps.at[:, pl.ds(0, GW)], sem_in).wait()

    def fire_out(g):
        par = (g - g_lo) % 2
        w0 = g * GWORDS
        pltpu.async_copy(ov_mu.at[pl.ds(par * GWORDS, GWORDS)],
                         mu_lin.at[pl.ds(w0, GWORDS)], sem_out)
        pltpu.async_copy(ov_ps.at[pl.ds(par * GWORDS, GWORDS)],
                         ps_lin.at[pl.ds(w0, GWORDS)], sem_out)

    def drain_out(g):
        w0 = g * GWORDS
        pltpu.make_async_copy(ov_mu.at[pl.ds(0, GWORDS)],
                              mu_lin.at[pl.ds(w0, GWORDS)], sem_out).wait()
        pltpu.make_async_copy(ov_ps.at[pl.ds(0, GWORDS)],
                              ps_lin.at[pl.ds(w0, GWORDS)], sem_out).wait()

    fire_in(g_lo)

    def grp_body(g, carry):
        par = (g - g_lo) % 2

        @pl.when(g + 1 < g_hi)
        def _():
            fire_in(g + 1)

        drain_in(g)

        @pl.when(g - 2 >= g_lo)
        def _():
            drain_out(g - 2)

        _transpose_pair(tv_mu, tv_ps, ov_mu, ov_ps,
                        par * GW, par * GWORDS, GW)
        fire_out(g)
        return carry

    lax.fori_loop(g_lo, g_hi, grp_body, 0)
    drain_out(g_hi - 2)
    drain_out(g_hi - 1)

    @pl.when(wid == NW - 1)
    def _edge():
        w0 = TCOLS * 16 * 128
        pltpu.sync_copy(mu_tail, ov_mu.at[pl.ds(0, 2048)])
        pltpu.sync_copy(ov_mu.at[pl.ds(0, 2048)], mu_lin.at[pl.ds(w0, 2048)])
        pltpu.sync_copy(ps_tail, ov_ps.at[pl.ds(0, 2048)])
        pltpu.sync_copy(ov_ps.at[pl.ds(0, 2048)], ps_lin.at[pl.ds(w0, 2048)])


_detile = pl.kernel(
    _detile_body,
    out_type=(
        jax.ShapeDtypeStruct((ROWS_PAD * OUT_DIMS,), jnp.float32),
        jax.ShapeDtypeStruct((ROWS_PAD * OUT_DIMS,), jnp.float32),
    ),
    mesh=plsc.VectorSubcoreMesh(core_axis_name="c", subcore_axis_name="s"),
    compiler_params=pltpu.CompilerParams(use_tc_tiling_on_sc=True,
                                         needs_layout_passes=False),
    scratch_types=[
        pltpu.VMEM((16, 2 * GCOLS * 128), jnp.float32),
        pltpu.VMEM((16, 2 * GCOLS * 128), jnp.float32),
        pltpu.VMEM((2 * GCOLS * 16 * 128,), jnp.float32),
        pltpu.VMEM((2 * GCOLS * 16 * 128,), jnp.float32),
        pltpu.SemaphoreType.DMA,
        pltpu.SemaphoreType.DMA,
    ],
)


@functools.lru_cache(maxsize=None)
def _build_lookup(batch: int):
    n = batch * NUM_CAT
    per_w = n // NW
    nchunk = per_w // CHUNK
    assert per_w % CHUNK == 0

    def body(idx_hbm, mu_hbm, ps_hbm, mu_out, sig_out,
             idx_v, mu_v, ps_v, sem_i, sem_g, sem_o):
        wid = lax.axis_index("s") * 2 + lax.axis_index("c")
        base = wid * per_w

        def fire_chunk(ci):
            par = (ci % 2) * CHUNK
            fb = base + ci * CHUNK
            pltpu.async_copy(idx_hbm.at[pl.ds(fb, CHUNK)],
                             idx_v.at[pl.ds(par, CHUNK)], sem_i).wait()
            for j in range(NG):
                isl = idx_v.at[pl.ds(par + j * GSIZE, GSIZE)]
                dsl = pl.ds(par + j * GSIZE, GSIZE)
                pltpu.async_copy(mu_hbm.at[isl], mu_v.at[dsl], sem_g)
                pltpu.async_copy(ps_hbm.at[isl], ps_v.at[dsl], sem_g)

        def drain_gathers():
            for _ in range(2 * NG):
                pltpu.make_async_copy(mu_hbm.at[idx_v.at[pl.ds(0, GSIZE)]],
                                      mu_v.at[pl.ds(0, GSIZE)], sem_g).wait()

        def drain_out(ci):
            fb = base + ci * CHUNK
            pltpu.make_async_copy(mu_v.at[pl.ds(0, CHUNK)],
                                  mu_out.at[pl.ds(fb, CHUNK)], sem_o).wait()
            pltpu.make_async_copy(ps_v.at[pl.ds(0, CHUNK)],
                                  sig_out.at[pl.ds(fb, CHUNK)], sem_o).wait()

        fire_chunk(0)

        def chunk_body(ci, carry):
            par = (ci % 2) * CHUNK
            fb = base + ci * CHUNK
            drain_gathers()

            @pl.when(ci - 1 >= 0)
            def _():
                drain_out(ci - 1)

            @pl.when(ci + 1 < nchunk)
            def _():
                fire_chunk(ci + 1)

            pltpu.async_copy(mu_v.at[pl.ds(par, CHUNK)],
                             mu_out.at[pl.ds(fb, CHUNK)], sem_o)

            def sp_body(r, c2):
                v = ps_v[par + r, :]
                e = jnp.exp(-jnp.abs(v))
                p = jnp.float32(_C[6])
                for coef in (_C[5], _C[4], _C[3], _C[2], _C[1], _C[0]):
                    p = p * e + jnp.float32(coef)
                ps_v[par + r, :] = jnp.maximum(v, 0.0) + p
                return c2

            lax.fori_loop(0, CHUNK, sp_body, 0, unroll=4)

            pltpu.async_copy(ps_v.at[pl.ds(par, CHUNK)],
                             sig_out.at[pl.ds(fb, CHUNK)], sem_o)
            return carry

        lax.fori_loop(0, nchunk, chunk_body, 0)
        drain_out(nchunk - 1)

    return pl.kernel(
        body,
        out_type=(
            jax.ShapeDtypeStruct((n, OUT_DIMS), jnp.float32),
            jax.ShapeDtypeStruct((n, OUT_DIMS), jnp.float32),
        ),
        mesh=plsc.VectorSubcoreMesh(core_axis_name="c", subcore_axis_name="s"),
        compiler_params=pltpu.CompilerParams(use_tc_tiling_on_sc=False),
        scratch_types=[
            pltpu.VMEM((2 * CHUNK,), jnp.int32),
            pltpu.VMEM((2 * CHUNK, OUT_DIMS), jnp.float32),
            pltpu.VMEM((2 * CHUNK, OUT_DIMS), jnp.float32),
            pltpu.SemaphoreType.DMA,
            pltpu.SemaphoreType.DMA,
            pltpu.SemaphoreType.DMA,
        ],
    )


def kernel(x, mask, mu_embeddings, presig_embeddings):
    batch = x.shape[0]
    shift = (jnp.arange(NUM_CAT, dtype=jnp.int32) * (MOST_CAT + 1))[None, :]
    idx = ((x + 1.0) * mask).astype(jnp.int32) + shift
    def tail(t):
        return jnp.pad(t[TCOLS * 128:], ((0, 128 - TEDGE), (0, 0))).reshape(-1)

    mu_lin, ps_lin = _detile(jnp.swapaxes(mu_embeddings, 0, 1),
                             jnp.swapaxes(presig_embeddings, 0, 1),
                             tail(mu_embeddings), tail(presig_embeddings))
    mu_flat, sig_flat = _build_lookup(batch)(
        idx.reshape(-1),
        mu_lin.reshape(ROWS_PAD, OUT_DIMS),
        ps_lin.reshape(ROWS_PAD, OUT_DIMS))
    return (mu_flat.reshape(batch, NUM_CAT * OUT_DIMS),
            sig_flat.reshape(batch, NUM_CAT * OUT_DIMS))

# --- scband reference (transcript-rebuilt; emitter-appended) ---
"""Pipeline reference for scband-categorical-block-stochastic-mlp-57483842289744 (READ-ONLY COPY).

The authoritative reference and input builder live on the scoring server;
editing this copy changes nothing except your own understanding.
"""

import jax, jax.numpy as jnp
import numpy as np

NUM_CAT = 26
OUT_DIMS = 16
MOST_CAT = 100000
MIN_SIG = 1e-4
BATCH = 16384


def setup_inputs(seed: int = 0):
    key = jax.random.key(seed)
    k1, k2, k3, k4 = jax.random.split(key, 4)
    # x holds integer category ids represented as floats, values in [0, MOST_CAT)
    x = jax.random.randint(k1, (BATCH, NUM_CAT), 0, MOST_CAT).astype(jnp.float32)
    # binary presence mask (0/1) as floats
    mask = jax.random.randint(k2, (BATCH, NUM_CAT), 0, 2).astype(jnp.float32)
    rows = NUM_CAT * (MOST_CAT + 1)
    mu_embeddings = jax.random.normal(k3, (rows, OUT_DIMS), dtype=jnp.float32) * 0.02
    presig_embeddings = jax.random.normal(k4, (rows, OUT_DIMS), dtype=jnp.float32) * 0.02
    return {
        "x": x,
        "mask": mask,
        "mu_embeddings": mu_embeddings,
        "presig_embeddings": presig_embeddings,
    }


def reference(x, mask, mu_embeddings, presig_embeddings):
    batchsize = x.shape[0]
    # shift buffer: per-feature offset into the block embedding table
    shift = (jnp.arange(NUM_CAT, dtype=jnp.int32) * (MOST_CAT + 1))[None, :]
    idx = ((x + 1.0) * mask).astype(jnp.int32) + shift  # [B, NUM_CAT]
    mu = jnp.take(mu_embeddings, idx, axis=0).reshape(batchsize, -1)
    presig = jnp.take(presig_embeddings, idx, axis=0).reshape(batchsize, -1)
    sig = jax.nn.softplus(presig) + MIN_SIG
    return (mu, sig)

if __name__ == "__main__":
    import jax
    _d = setup_inputs()
    print(jax.jit(kernel)(*tuple(_d.values())))

</pallas_src>

<mosaic_0001>
#map = affine_map<(d0, d1) -> (0, 0)>
#map1 = affine_map<(d0, d1) -> (0)>
module attributes {stable_mosaic.version = 14 : i64} {
  func.func @_detile_body(%arg0: i32, %arg1: i32, %arg2: memref<16x2600026xf32, #tpu.memory_space<hbm>>, %arg3: memref<16x2600026xf32, #tpu.memory_space<hbm>>, %arg4: memref<2048xf32, #tpu.memory_space<hbm>>, %arg5: memref<2048xf32, #tpu.memory_space<hbm>>, %arg6: memref<41601024xf32, #tpu.memory_space<hbm>>, %arg7: memref<41601024xf32, #tpu.memory_space<hbm>>, %arg8: memref<16x1024xf32, #tpu.memory_space<vmem>>, %arg9: memref<16x1024xf32, #tpu.memory_space<vmem>>, %arg10: memref<16384xf32, #tpu.memory_space<vmem>>, %arg11: memref<16384xf32, #tpu.memory_space<vmem>>, %arg12: memref<!tpu.dma_semaphore, #tpu.memory_space<semaphore_mem>>, %arg13: memref<!tpu.dma_semaphore, #tpu.memory_space<semaphore_mem>>) attributes {dimension_semantics = [#tpu.dimension_semantics<core_parallel>, #tpu.dimension_semantics<subcore_parallel>], iteration_bounds = array<i64: 2, 16>, scalar_prefetch = 0 : i64, scratch_operands = 6 : i64, tpu.core_type = #tpu.core_type<sc_vector_subcore>, window_params = [{transform_indices = #map}, {transform_indices = #map}, {transform_indices = #map1}, {transform_indices = #map1}, {transform_indices = #map1}, {transform_indices = #map1}]} {
    %mul3A = arith.constant 2 : i32
    %mul3A_0 = arith.muli %arg1, %mul3A : i32
    %add3A = arith.addi %mul3A_0, %arg0 : i32
    %mul3A_1 = arith.constant 159 : i32
    %mul3A_2 = arith.muli %add3A, %mul3A_1 : i32
    %add3A_3 = arith.constant 159 : i32
    %add3A_4 = arith.addi %mul3A_2, %add3A_3 : i32
    %min3A = arith.constant 5078 : i32
    %min3A_5 = arith.minsi %add3A_4, %min3A : i32
    %sub3A = arith.subi %mul3A_2, %mul3A_2 : i32
    %jit3A = arith.constant 2 : i32
    %eq3A = arith.constant 0 : i32
    %eq3A_6 = arith.cmpi eq, %jit3A, %eq3A : i32
    %jit3A_7 = arith.constant 1 : i32
    %select_n3A = arith.select %eq3A_6, %jit3A_7, %jit3A : i32
    %rem3A = arith.remsi %sub3A, %select_n3A : i32
    %ne3A = arith.constant 0 : i32
    %ne3A_8 = arith.cmpi ne, %rem3A, %ne3A : i32
    %lt3A = arith.constant 0 : i32
    %lt3A_9 = arith.cmpi slt, %rem3A, %lt3A : i32
    %lt3A_10 = arith.constant 0 : i32
    %lt3A_11 = arith.cmpi slt, %select_n3A, %lt3A_10 : i32
    %ne3A_12 = arith.xori %lt3A_9, %lt3A_11 : i1
    %and3A = arith.andi %ne3A_12, %ne3A_8 : i1
    %add3A_13 = arith.addi %rem3A, %select_n3A : i32
    %select_n3A_14 = arith.select %and3A, %add3A_13, %rem3A : i32
    %mul3A_15 = arith.constant 512 : i32
    %mul3A_16 = arith.muli %mul3A_2, %mul3A_15 : i32
    %mul3A_17 = arith.constant 512 : i32
    %mul3A_18 = arith.muli %select_n3A_14, %mul3A_17 : i32
    %dma_start3A = arith.constant 0 : i32
    %dma_start3A_19 = tpu.memref_slice %arg8[%dma_start3A, %mul3A_18] : memref<16x1024xf32, #tpu.memory_space<vmem>> -> memref<16x512xf32, #tpu.memory_space<vmem>>
    %dma_start3A_20 = arith.constant 0 : i32
    %dma_start3A_21 = tpu.memref_slice %arg2[%dma_start3A_20, %mul3A_16] : memref<16x2600026xf32, #tpu.memory_space<hbm>> -> memref<16x512xf32, #tpu.memory_space<hbm>>
    %dma_start3A_22 = arith.constant 0 : i32
    %dma_start3A_23 = tpu.memref_slice %arg8[%dma_start3A_22, %mul3A_18] : memref<16x1024xf32, #tpu.memory_space<vmem>> -> memref<16x512xf32, #tpu.memory_space<vmem>>
    %dma_start3A_24 = arith.constant 0 : i32
    %dma_start3A_25 = tpu.memref_slice %arg2[%dma_start3A_24, %mul3A_16] : memref<16x2600026xf32, #tpu.memory_space<hbm>> -> memref<16x512xf32, #tpu.memory_space<hbm>>
    tpu.enqueue_dma source(%dma_start3A_25 : memref<16x512xf32, #tpu.memory_space<hbm>>) target(%dma_start3A_23 : memref<16x512xf32, #tpu.memory_space<vmem>>) target_semaphore(%arg12 : memref<!tpu.dma_semaphore, #tpu.memory_space<semaphore_mem>>)
    %mul3A_26 = arith.constant 512 : i32
    %mul3A_27 = arith.muli %select_n3A_14, %mul3A_26 : i32
    %dma_start3A_28 = arith.constant 0 : i32
    %dma_start3A_29 = tpu.memref_slice %arg9[%dma_start3A_28, %mul3A_27] : memref<16x1024xf32, #tpu.memory_space<vmem>> -> memref<16x512xf32, #tpu.memory_space<vmem>>
    %dma_start3A_30 = arith.constant 0 : i32
    %dma_start3A_31 = tpu.memref_slice %arg3[%dma_start3A_30, %mul3A_16] : memref<16x2600026xf32, #tpu.memory_space<hbm>> -> memref<16x512xf32, #tpu.memory_space<hbm>>
    %dma_start3A_32 = arith.constant 0 : i32
    %dma_start3A_33 = tpu.memref_slice %arg9[%dma_start3A_32, %mul3A_27] : memref<16x1024xf32, #tpu.memory_space<vmem>> -> memref<16x512xf32, #tpu.memory_space<vmem>>
    %dma_start3A_34 = arith.constant 0 : i32
    %dma_start3A_35 = tpu.memref_slice %arg3[%dma_start3A_34, %mul3A_16] : memref<16x2600026xf32, #tpu.memory_space<hbm>> -> memref<16x512xf32, #tpu.memory_space<hbm>>
    tpu.enqueue_dma source(%dma_start3A_35 : memref<16x512xf32, #tpu.memory_space<hbm>>) target(%dma_start3A_33 : memref<16x512xf32, #tpu.memory_space<vmem>>) target_semaphore(%arg12 : memref<!tpu.dma_semaphore, #tpu.memory_space<semaphore_mem>>)
    %while3A = arith.constant 0 : i32
    %while3A_36 = arith.subi %min3A_5, %mul3A_2 : i32
    %while3A_37 = arith.addi %mul3A_2, %while3A_36 : i32
    %while3A_38 = arith.constant 1 : i32
    %while3A_39 = arith.divsi %while3A_36, %while3A_38 : i32
    %while3A_40 = arith.muli %while3A_39, %while3A_38 : i32
    %while3A_41 = arith.addi %mul3A_2, %while3A_40 : i32
    %while3A_42 = arith.constant 1 : i32
    scf.for %while3A_78 = %mul3A_2 to %while3A_41 step %while3A_42  : i32 {
      %sub3A_79 = arith.subi %while3A_78, %mul3A_2 : i32
      %jit3A_80 = arith.constant 2 : i32
      %eq3A_81 = arith.constant 0 : i32
      %eq3A_82 = arith.cmpi eq, %jit3A_80, %eq3A_81 : i32
      %jit3A_83 = arith.constant 1 : i32
      %select_n3A_84 = arith.select %eq3A_82, %jit3A_83, %jit3A_80 : i32
      %rem3A_85 = arith.remsi %sub3A_79, %select_n3A_84 : i32
      %ne3A_86 = arith.constant 0 : i32
      %ne3A_87 = arith.cmpi ne, %rem3A_85, %ne3A_86 : i32
      %lt3A_88 = arith.constant 0 : i32
      %lt3A_89 = arith.cmpi slt, %rem3A_85, %lt3A_88 : i32
      %lt3A_90 = arith.constant 0 : i32
      %lt3A_91 = arith.cmpi slt, %select_n3A_84, %lt3A_90 : i32
      %ne3A_92 = arith.xori %lt3A_89, %lt3A_91 : i1
      %and3A_93 = arith.andi %ne3A_92, %ne3A_87 : i1
      %add3A_94 = arith.addi %rem3A_85, %select_n3A_84 : i32
      %select_n3A_95 = arith.select %and3A_93, %add3A_94, %rem3A_85 : i32
      %add3A_96 = arith.constant 1 : i32
      %add3A_97 = arith.addi %while3A_78, %add3A_96 : i32
      %lt3A_98 = arith.cmpi slt, %add3A_97, %min3A_5 : i32
      %convert_element_type3A_99 = arith.extui %lt3A_98 : i1 to i32
      %cond3A_100 = arith.constant 0 : i32
      %cond3A_101 = arith.cmpi ne, %convert_element_type3A_99, %cond3A_100 : i32
      scf.if %cond3A_101 {
        %add3A_280 = arith.constant 1 : i32
        %add3A_281 = arith.addi %while3A_78, %add3A_280 : i32
        %sub3A_282 = arith.subi %add3A_281, %mul3A_2 : i32
        %jit3A_283 = arith.constant 2 : i32
        %eq3A_284 = arith.constant 0 : i32
        %eq3A_285 = arith.cmpi eq, %jit3A_283, %eq3A_284 : i32
        %jit3A_286 = arith.constant 1 : i32
        %select_n3A_287 = arith.select %eq3A_285, %jit3A_286, %jit3A_283 : i32
        %rem3A_288 = arith.remsi %sub3A_282, %select_n3A_287 : i32
        %ne3A_289 = arith.constant 0 : i32
        %ne3A_290 = arith.cmpi ne, %rem3A_288, %ne3A_289 : i32
        %lt3A_291 = arith.constant 0 : i32
        %lt3A_292 = arith.cmpi slt, %rem3A_288, %lt3A_291 : i32
        %lt3A_293 = arith.constant 0 : i32
        %lt3A_294 = arith.cmpi slt, %select_n3A_287, %lt3A_293 : i32
        %ne3A_295 = arith.xori %lt3A_292, %lt3A_294 : i1
        %and3A_296 = arith.andi %ne3A_295, %ne3A_290 : i1
        %add3A_297 = arith.addi %rem3A_288, %select_n3A_287 : i32
        %select_n3A_298 = arith.select %and3A_296, %add3A_297, %rem3A_288 : i32
        %mul3A_299 = arith.constant 512 : i32
        %mul3A_300 = arith.muli %add3A_281, %mul3A_299 : i32
        %mul3A_301 = arith.constant 512 : i32
        %mul3A_302 = arith.muli %select_n3A_298, %mul3A_301 : i32
        %dma_start3A_303 = arith.constant 0 : i32
        %dma_start3A_304 = tpu.memref_slice %arg8[%dma_start3A_303, %mul3A_302] : memref<16x1024xf32, #tpu.memory_space<vmem>> -> memref<16x512xf32, #tpu.memory_space<vmem>>
        %dma_start3A_305 = arith.constant 0 : i32
        %dma_start3A_306 = tpu.memref_slice %arg2[%dma_start3A_305, %mul3A_300] : memref<16x2600026xf32, #tpu.memory_space<hbm>> -> memref<16x512xf32, #tpu.memory_space<hbm>>
        %dma_start3A_307 = arith.constant 0 : i32
        %dma_start3A_308 = tpu.memref_slice %arg8[%dma_start3A_307, %mul3A_302] : memref<16x1024xf32, #tpu.memory_space<vmem>> -> memref<16x512xf32, #tpu.memory_space<vmem>>
        %dma_start3A_309 = arith.constant 0 : i32
        %dma_start3A_310 = tpu.memref_slice %arg2[%dma_start3A_309, %mul3A_300] : memref<16x2600026xf32, #tpu.memory_space<hbm>> -> memref<16x512xf32, #tpu.memory_space<hbm>>
        tpu.enqueue_dma source(%dma_start3A_310 : memref<16x512xf32, #tpu.memory_space<hbm>>) target(%dma_start3A_308 : memref<16x512xf32, #tpu.memory_space<vmem>>) target_semaphore(%arg12 : memref<!tpu.dma_semaphore, #tpu.memory_space<semaphore_mem>>)
        %mul3A_311 = arith.constant 512 : i32
        %mul3A_312 = arith.muli %select_n3A_298, %mul3A_311 : i32
        %dma_start3A_313 = arith.constant 0 : i32
        %dma_start3A_314 = tpu.memref_slice %arg9[%dma_start3A_313, %mul3A_312] : memref<16x1024xf32, #tpu.memory_space<vmem>> -> memref<16x512xf32, #tpu.memory_space<vmem>>
        %dma_start3A_315 = arith.constant 0 : i32
        %dma_start3A_316 = tpu.memref_slice %arg3[%dma_start3A_315, %mul3A_300] : memref<16x2600026xf32, #tpu.memory_space<hbm>> -> memref<16x512xf32, #tpu.memory_space<hbm>>
        %dma_start3A_317 = arith.constant 0 : i32
        %dma_start3A_318 = tpu.memref_slice %arg9[%dma_start3A_317, %mul3A_312] : memref<16x1024xf32, #tpu.memory_space<vmem>> -> memref<16x512xf32, #tpu.memory_space<vmem>>
        %dma_start3A_319 = arith.constant 0 : i32
        %dma_start3A_320 = tpu.memref_slice %arg3[%dma_start3A_319, %mul3A_300] : memref<16x2600026xf32, #tpu.memory_space<hbm>> -> memref<16x512xf32, #tpu.memory_space<hbm>>
        tpu.enqueue_dma source(%dma_start3A_320 : memref<16x512xf32, #tpu.memory_space<hbm>>) target(%dma_start3A_318 : memref<16x512xf32, #tpu.memory_space<vmem>>) target_semaphore(%arg12 : memref<!tpu.dma_semaphore, #tpu.memory_space<semaphore_mem>>)
      } else {
      }
      %mul3A_102 = arith.constant 512 : i32
      %mul3A_103 = arith.muli %while3A_78, %mul3A_102 : i32
      %dma_wait3A_104 = arith.constant 0 : i32
      %dma_wait3A_105 = arith.constant 0 : i32
      %dma_wait3A_106 = tpu.memref_slice %arg8[%dma_wait3A_104, %dma_wait3A_105] : memref<16x1024xf32, #tpu.memory_space<vmem>> -> memref<16x512xf32, #tpu.memory_space<vmem>>
      %dma_wait3A_107 = arith.constant 0 : i32
      %dma_wait3A_108 = tpu.memref_slice %arg2[%dma_wait3A_107, %mul3A_103] : memref<16x2600026xf32, #tpu.memory_space<hbm>> -> memref<16x512xf32, #tpu.memory_space<hbm>>
      %dma_wait3A_109 = arith.constant 0 : i32
      %dma_wait3A_110 = arith.constant 0 : i32
      %dma_wait3A_111 = tpu.memref_slice %arg8[%dma_wait3A_109, %dma_wait3A_110] : memref<16x1024xf32, #tpu.memory_space<vmem>> -> memref<16x512xf32, #tpu.memory_space<vmem>>
      %dma_wait3A_112 = arith.constant 0 : i32
      %dma_wait3A_113 = tpu.memref_slice %arg2[%dma_wait3A_112, %mul3A_103] : memref<16x2600026xf32, #tpu.memory_space<hbm>> -> memref<16x512xf32, #tpu.memory_space<hbm>>
      tpu.wait_dma2 semaphore(%arg12 : memref<!tpu.dma_semaphore, #tpu.memory_space<semaphore_mem>>) src(%dma_wait3A_113 : memref<16x512xf32, #tpu.memory_space<hbm>>) dst(%dma_wait3A_111 : memref<16x512xf32, #tpu.memory_space<vmem>>)
      %dma_wait3A_114 = arith.constant 0 : i32
      %dma_wait3A_115 = arith.constant 0 : i32
      %dma_wait3A_116 = tpu.memref_slice %arg9[%dma_wait3A_114, %dma_wait3A_115] : memref<16x1024xf32, #tpu.memory_space<vmem>> -> memref<16x512xf32, #tpu.memory_space<vmem>>
      %dma_wait3A_117 = arith.constant 0 : i32
      %dma_wait3A_118 = tpu.memref_slice %arg3[%dma_wait3A_117, %mul3A_103] : memref<16x2600026xf32, #tpu.memory_space<hbm>> -> memref<16x512xf32, #tpu.memory_space<hbm>>
      %dma_wait3A_119 = arith.constant 0 : i32
      %dma_wait3A_120 = arith.constant 0 : i32
      %dma_wait3A_121 = tpu.memref_slice %arg9[%dma_wait3A_119, %dma_wait3A_120] : memref<16x1024xf32, #tpu.memory_space<vmem>> -> memref<16x512xf32, #tpu.memory_space<vmem>>
      %dma_wait3A_122 = arith.constant 0 : i32
      %dma_wait3A_123 = tpu.memref_slice %arg3[%dma_wait3A_122, %mul3A_103] : memref<16x2600026xf32, #tpu.memory_space<hbm>> -> memref<16x512xf32, #tpu.memory_space<hbm>>
      tpu.wait_dma2 semaphore(%arg12 : memref<!tpu.dma_semaphore, #tpu.memory_space<semaphore_mem>>) src(%dma_wait3A_123 : memref<16x512xf32, #tpu.memory_space<hbm>>) dst(%dma_wait3A_121 : memref<16x512xf32, #tpu.memory_space<vmem>>)
      %sub3A_124 = arith.constant 2 : i32
      %sub3A_125 = arith.subi %while3A_78, %sub3A_124 : i32
      %ge3A = arith.cmpi sge, %sub3A_125, %mul3A_2 : i32
      %convert_element_type3A_126 = arith.extui %ge3A : i1 to i32
      %cond3A_127 = arith.constant 0 : i32
      %cond3A_128 = arith.cmpi ne, %convert_element_type3A_126, %cond3A_127 : i32
      scf.if %cond3A_128 {
        %sub3A_280 = arith.constant 2 : i32
        %sub3A_281 = arith.subi %while3A_78, %sub3A_280 : i32
        %mul3A_282 = arith.constant 8192 : i32
        %mul3A_283 = arith.muli %sub3A_281, %mul3A_282 : i32
        %dma_wait3A_284 = arith.constant 0 : i32
        %dma_wait3A_285 = tpu.memref_slice %arg10[%dma_wait3A_284] : memref<16384xf32, #tpu.memory_space<vmem>> -> memref<8192xf32, #tpu.memory_space<vmem>>
        %dma_wait3A_286 = tpu.memref_slice %arg6[%mul3A_283] : memref<41601024xf32, #tpu.memory_space<hbm>> -> memref<8192xf32, #tpu.memory_space<hbm>>
        %dma_wait3A_287 = tpu.memref_slice %arg6[%mul3A_283] : memref<41601024xf32, #tpu.memory_space<hbm>> -> memref<8192xf32, #tpu.memory_space<hbm>>
        %dma_wait3A_288 = arith.constant 0 : i32
        %dma_wait3A_289 = tpu.memref_slice %arg10[%dma_wait3A_288] : memref<16384xf32, #tpu.memory_space<vmem>> -> memref<8192xf32, #tpu.memory_space<vmem>>
        tpu.wait_dma2 semaphore(%arg13 : memref<!tpu.dma_semaphore, #tpu.memory_space<semaphore_mem>>) src(%dma_wait3A_289 : memref<8192xf32, #tpu.memory_space<vmem>>) dst(%dma_wait3A_287 : memref<8192xf32, #tpu.memory_space<hbm>>)
        %dma_wait3A_290 = arith.constant 0 : i32
        %dma_wait3A_291 = tpu.memref_slice %arg11[%dma_wait3A_290] : memref<16384xf32, #tpu.memory_space<vmem>> -> memref<8192xf32, #tpu.memory_space<vmem>>
        %dma_wait3A_292 = tpu.memref_slice %arg7[%mul3A_283] : memref<41601024xf32, #tpu.memory_space<hbm>> -> memref<8192xf32, #tpu.memory_space<hbm>>
        %dma_wait3A_293 = tpu.memref_slice %arg7[%mul3A_283] : memref<41601024xf32, #tpu.memory_space<hbm>> -> memref<8192xf32, #tpu.memory_space<hbm>>
        %dma_wait3A_294 = arith.constant 0 : i32
        %dma_wait3A_295 = tpu.memref_slice %arg11[%dma_wait3A_294] : memref<16384xf32, #tpu.memory_space<vmem>> -> memref<8192xf32, #tpu.memory_space<vmem>>
        tpu.wait_dma2 semaphore(%arg13 : memref<!tpu.dma_semaphore, #tpu.memory_space<semaphore_mem>>) src(%dma_wait3A_295 : memref<8192xf32, #tpu.memory_space<vmem>>) dst(%dma_wait3A_293 : memref<8192xf32, #tpu.memory_space<hbm>>)
      } else {
      }
      %mul3A_129 = arith.constant 512 : i32
      %mul3A_130 = arith.muli %select_n3A_95, %mul3A_129 : i32
      %mul3A_131 = arith.constant 8192 : i32
      %mul3A_132 = arith.muli %select_n3A_95, %mul3A_131 : i32
      %iota3A = tpu.iota {dimensions = array<i32: 0>} : vector<16xi32>
      %mul3A_133 = arith.constant 16 : i32
      %mul3A_134 = vector.broadcast %mul3A_133 : i32 to vector<16xi32>
      %mul3A_135 = arith.muli %iota3A, %mul3A_134 : vector<16xi32>
      %add3A_136 = arith.constant 0 : i32
      %add3A_137 = vector.broadcast %add3A_136 : i32 to vector<16xi32>
      %add3A_138 = arith.addi %mul3A_135, %add3A_137 : vector<16xi32>
      %iota3A_139 = tpu.iota {dimensions = array<i32: 0>} : vector<16xi32>
      %mul3A_140 = arith.constant 16 : i32
      %mul3A_141 = vector.broadcast %mul3A_140 : i32 to vector<16xi32>
      %mul3A_142 = arith.muli %iota3A_139, %mul3A_141 : vector<16xi32>
      %add3A_143 = arith.constant 1 : i32
      %add3A_144 = vector.broadcast %add3A_143 : i32 to vector<16xi32>
      %add3A_145 = arith.addi %mul3A_142, %add3A_144 : vector<16xi32>
      %iota3A_146 = tpu.iota {dimensions = array<i32: 0>} : vector<16xi32>
      %mul3A_147 = arith.constant 16 : i32
      %mul3A_148 = vector.broadcast %mul3A_147 : i32 to vector<16xi32>
      %mul3A_149 = arith.muli %iota3A_146, %mul3A_148 : vector<16xi32>
      %add3A_150 = arith.constant 2 : i32
      %add3A_151 = vector.broadcast %add3A_150 : i32 to vector<16xi32>
      %add3A_152 = arith.addi %mul3A_149, %add3A_151 : vector<16xi32>
      %iota3A_153 = tpu.iota {dimensions = array<i32: 0>} : vector<16xi32>
      %mul3A_154 = arith.constant 16 : i32
      %mul3A_155 = vector.broadcast %mul3A_154 : i32 to vector<16xi32>
      %mul3A_156 = arith.muli %iota3A_153, %mul3A_155 : vector<16xi32>
      %add3A_157 = arith.constant 3 : i32
      %add3A_158 = vector.broadcast %add3A_157 : i32 to vector<16xi32>
      %add3A_159 = arith.addi %mul3A_156, %add3A_158 : vector<16xi32>
      %iota3A_160 = tpu.iota {dimensions = array<i32: 0>} : vector<16xi32>
      %mul3A_161 = arith.constant 16 : i32
      %mul3A_162 = vector.broadcast %mul3A_161 : i32 to vector<16xi32>
      %mul3A_163 = arith.muli %iota3A_160, %mul3A_162 : vector<16xi32>
      %add3A_164 = arith.constant 4 : i32
      %add3A_165 = vector.broadcast %add3A_164 : i32 to vector<16xi32>
      %add3A_166 = arith.addi %mul3A_163, %add3A_165 : vector<16xi32>
      %iota3A_167 = tpu.iota {dimensions = array<i32: 0>} : vector<16xi32>
      %mul3A_168 = arith.constant 16 : i32
      %mul3A_169 = vector.broadcast %mul3A_168 : i32 to vector<16xi32>
      %mul3A_170 = arith.muli %iota3A_167, %mul3A_169 : vector<16xi32>
      %add3A_171 = arith.constant 5 : i32
      %add3A_172 = vector.broadcast %add3A_171 : i32 to vector<16xi32>
      %add3A_173 = arith.addi %mul3A_170, %add3A_172 : vector<16xi32>
      %iota3A_174 = tpu.iota {dimensions = array<i32: 0>} : vector<16xi32>
      %mul3A_175 = arith.constant 16 : i32
      %mul3A_176 = vector.broadcast %mul3A_175 : i32 to vector<16xi32>
      %mul3A_177 = arith.muli %iota3A_174, %mul3A_176 : vector<16xi32>
      %add3A_178 = arith.constant 6 : i32
      %add3A_179 = vector.broadcast %add3A_178 : i32 to vector<16xi32>
      %add3A_180 = arith.addi %mul3A_177, %add3A_179 : vector<16xi32>
      %iota3A_181 = tpu.iota {dimensions = array<i32: 0>} : vector<16xi32>
      %mul3A_182 = arith.constant 16 : i32
      %mul3A_183 = vector.broadcast %mul3A_182 : i32 to vector<16xi32>
      %mul3A_184 = arith.muli %iota3A_181, %mul3A_183 : vector<16xi32>
      %add3A_185 = arith.constant 7 : i32
      %add3A_186 = vector.broadcast %add3A_185 : i32 to vector<16xi32>
      %add3A_187 = arith.addi %mul3A_184, %add3A_186 : vector<16xi32>
      %iota3A_188 = tpu.iota {dimensions = array<i32: 0>} : vector<16xi32>
      %mul3A_189 = arith.constant 16 : i32
      %mul3A_190 = vector.broadcast %mul3A_189 : i32 to vector<16xi32>
      %mul3A_191 = arith.muli %iota3A_188, %mul3A_190 : vector<16xi32>
      %add3A_192 = arith.constant 8 : i32
      %add3A_193 = vector.broadcast %add3A_192 : i32 to vector<16xi32>
      %add3A_194 = arith.addi %mul3A_191, %add3A_193 : vector<16xi32>
      %iota3A_195 = tpu.iota {dimensions = array<i32: 0>} : vector<16xi32>
      %mul3A_196 = arith.constant 16 : i32
      %mul3A_197 = vector.broadcast %mul3A_196 : i32 to vector<16xi32>
      %mul3A_198 = arith.muli %iota3A_195, %mul3A_197 : vector<16xi32>
      %add3A_199 = arith.constant 9 : i32
      %add3A_200 = vector.broadcast %add3A_199 : i32 to vector<16xi32>
      %add3A_201 = arith.addi %mul3A_198, %add3A_200 : vector<16xi32>
      %iota3A_202 = tpu.iota {dimensions = array<i32: 0>} : vector<16xi32>
      %mul3A_203 = arith.constant 16 : i32
      %mul3A_204 = vector.broadcast %mul3A_203 : i32 to vector<16xi32>
      %mul3A_205 = arith.muli %iota3A_202, %mul3A_204 : vector<16xi32>
      %add3A_206 = arith.constant 10 : i32
      %add3A_207 = vector.broadcast %add3A_206 : i32 to vector<16xi32>
      %add3A_208 = arith.addi %mul3A_205, %add3A_207 : vector<16xi32>
      %iota3A_209 = tpu.iota {dimensions = array<i32: 0>} : vector<16xi32>
      %mul3A_210 = arith.constant 16 : i32
      %mul3A_211 = vector.broadcast %mul3A_210 : i32 to vector<16xi32>
      %mul3A_212 = arith.muli %iota3A_209, %mul3A_211 : vector<16xi32>
      %add3A_213 = arith.constant 11 : i32
      %add3A_214 = vector.broadcast %add3A_213 : i32 to vector<16xi32>
      %add3A_215 = arith.addi %mul3A_212, %add3A_214 : vector<16xi32>
      %iota3A_216 = tpu.iota {dimensions = array<i32: 0>} : vector<16xi32>
      %mul3A_217 = arith.constant 16 : i32
      %mul3A_218 = vector.broadcast %mul3A_217 : i32 to vector<16xi32>
      %mul3A_219 = arith.muli %iota3A_216, %mul3A_218 : vector<16xi32>
      %add3A_220 = arith.constant 12 : i32
      %add3A_221 = vector.broadcast %add3A_220 : i32 to vector<16xi32>
      %add3A_222 = arith.addi %mul3A_219, %add3A_221 : vector<16xi32>
      %iota3A_223 = tpu.iota {dimensions = array<i32: 0>} : vector<16xi32>
      %mul3A_224 = arith.constant 16 : i32
      %mul3A_225 = vector.broadcast %mul3A_224 : i32 to vector<16xi32>
      %mul3A_226 = arith.muli %iota3A_223, %mul3A_225 : vector<16xi32>
      %add3A_227 = arith.constant 13 : i32
      %add3A_228 = vector.broadcast %add3A_227 : i32 to vector<16xi32>
      %add3A_229 = arith.addi %mul3A_226, %add3A_228 : vector<16xi32>
      %iota3A_230 = tpu.iota {dimensions = array<i32: 0>} : vector<16xi32>
      %mul3A_231 = arith.constant 16 : i32
      %mul3A_232 = vector.broadcast %mul3A_231 : i32 to vector<16xi32>
      %mul3A_233 = arith.muli %iota3A_230, %mul3A_232 : vector<16xi32>
      %add3A_234 = arith.constant 14 : i32
      %add3A_235 = vector.broadcast %add3A_234 : i32 to vector<16xi32>
      %add3A_236 = arith.addi %mul3A_233, %add3A_235 : vector<16xi32>
      %iota3A_237 = tpu.iota {dimensions = array<i32: 0>} : vector<16xi32>
      %mul3A_238 = arith.constant 16 : i32
      %mul3A_239 = vector.broadcast %mul3A_238 : i32 to vector<16xi32>
      %mul3A_240 = arith.muli %iota3A_237, %mul3A_239 : vector<16xi32>
      %add3A_241 = arith.constant 15 : i32
      %add3A_242 = vector.broadcast %add3A_241 : i32 to vector<16xi32>
      %add3A_243 = arith.addi %mul3A_240, %add3A_242 : vector<16xi32>
      %scan3A = arith.constant 0 : i32
      %scan3A_244 = arith.constant 0 : i32
      %scan3A_245 = arith.constant 32 : i32
      %scan3A_246 = arith.addi %scan3A_244, %scan3A_245 : i32
      %scan3A_247 = arith.constant 4 : i32
      scf.for %scan3A_280 = %scan3A_244 to %scan3A_246 step %scan3A_247  : i32 {
        %mul3A_281 = arith.constant 16 : i32
        %mul3A_282 = arith.muli %scan3A_280, %mul3A_281 : i32
        %add3A_283 = arith.addi %mul3A_130, %mul3A_282 : i32
        %mul3A_284 = arith.constant 256 : i32
        %mul3A_285 = arith.muli %scan3A_280, %mul3A_284 : i32
        %add3A_286 = arith.addi %mul3A_132, %mul3A_285 : i32
        %get3A = arith.constant 0 : i32
        %get3A_287 = arith.index_cast %get3A : i32 to index
        %get3A_288 = arith.index_cast %add3A_283 : i32 to index
        %get3A_289 = tpu.vector_load %arg8[%get3A_287, %get3A_288] {strides = array<i32>} : memref<16x1024xf32, #tpu.memory_space<vmem>>, vector<16xf32>,
        %get3A_290 = arith.constant 0 : i32
        %get3A_291 = arith.index_cast %get3A_290 : i32 to index
        %get3A_292 = arith.index_cast %add3A_283 : i32 to index
        %get3A_293 = tpu.vector_load %arg9[%get3A_291, %get3A_292] {strides = array<i32>} : memref<16x1024xf32, #tpu.memory_space<vmem>>, vector<16xf32>,
        %scatter3A = tpu.memref_slice %arg10[%add3A_286] : memref<16384xf32, #tpu.memory_space<vmem>> -> memref<256xf32, #tpu.memory_space<vmem>>
        tpu.vector_store_idx %scatter3A[%add3A_138], %get3A_289 : memref<256xf32, #tpu.memory_space<vmem>>[vector<16xi32>], vector<16xf32>,
        %scatter3A_294 = tpu.memref_slice %arg11[%add3A_286] : memref<16384xf32, #tpu.memory_space<vmem>> -> memref<256xf32, #tpu.memory_space<vmem>>
        tpu.vector_store_idx %scatter3A_294[%add3A_138], %get3A_293 : memref<256xf32, #tpu.memory_space<vmem>>[vector<16xi32>], vector<16xf32>,
        %get3A_295 = arith.constant 1 : i32
        %get3A_296 = arith.index_cast %get3A_295 : i32 to index
        %get3A_297 = arith.index_cast %add3A_283 : i32 to index
        %get3A_298 = tpu.vector_load %arg8[%get3A_296, %get3A_297] {strides = array<i32>} : memref<16x1024xf32, #tpu.memory_space<vmem>>, vector<16xf32>,
        %get3A_299 = arith.constant 1 : i32
        %get3A_300 = arith.index_cast %get3A_299 : i32 to index
        %get3A_301 = arith.index_cast %add3A_283 : i32 to index
        %get3A_302 = tpu.vector_load %arg9[%get3A_300, %get3A_301] {strides = array<i32>} : memref<16x1024xf32, #tpu.memory_space<vmem>>, vector<16xf32>,
        %scatter3A_303 = tpu.memref_slice %arg10[%add3A_286] : memref<16384xf32, #tpu.memory_space<vmem>> -> memref<256xf32, #tpu.memory_space<vmem>>
        tpu.vector_store_idx %scatter3A_303[%add3A_145], %get3A_298 : memref<256xf32, #tpu.memory_space<vmem>>[vector<16xi32>], vector<16xf32>,
        %scatter3A_304 = tpu.memref_slice %arg11[%add3A_286] : memref<16384xf32, #tpu.memory_space<vmem>> -> memref<256xf32, #tpu.memory_space<vmem>>
        tpu.vector_store_idx %scatter3A_304[%add3A_145], %get3A_302 : memref<256xf32, #tpu.memory_space<vmem>>[vector<16xi32>], vector<16xf32>,
        %get3A_305 = arith.constant 2 : i32
        %get3A_306 = arith.index_cast %get3A_305 : i32 to index
        %get3A_307 = arith.index_cast %add3A_283 : i32 to index
        %get3A_308 = tpu.vector_load %arg8[%get3A_306, %get3A_307] {strides = array<i32>} : memref<16x1024xf32, #tpu.memory_space<vmem>>, vector<16xf32>,
        %get3A_309 = arith.constant 2 : i32
        %get3A_310 = arith.index_cast %get3A_309 : i32 to index
        %get3A_311 = arith.index_cast %add3A_283 : i32 to index
        %get3A_312 = tpu.vector_load %arg9[%get3A_310, %get3A_311] {strides = array<i32>} : memref<16x1024xf32, #tpu.memory_space<vmem>>, vector<16xf32>,
        %scatter3A_313 = tpu.memref_slice %arg10[%add3A_286] : memref<16384xf32, #tpu.memory_space<vmem>> -> memref<256xf32, #tpu.memory_space<vmem>>
        tpu.vector_store_idx %scatter3A_313[%add3A_152], %get3A_308 : memref<256xf32, #tpu.memory_space<vmem>>[vector<16xi32>], vector<16xf32>,
        %scatter3A_314 = tpu.memref_slice %arg11[%add3A_286] : memref<16384xf32, #tpu.memory_space<vmem>> -> memref<256xf32, #tpu.memory_space<vmem>>
        tpu.vector_store_idx %scatter3A_314[%add3A_152], %get3A_312 : memref<256xf32, #tpu.memory_space<vmem>>[vector<16xi32>], vector<16xf32>,
        %get3A_315 = arith.constant 3 : i32
        %get3A_316 = arith.index_cast %get3A_315 : i32 to index
        %get3A_317 = arith.index_cast %add3A_283 : i32 to index
        %get3A_318 = tpu.vector_load %arg8[%get3A_316, %get3A_317] {strides = array<i32>} : memref<16x1024xf32, #tpu.memory_space<vmem>>, vector<16xf32>,
        %get3A_319 = arith.constant 3 : i32
        %get3A_320 = arith.index_cast %get3A_319 : i32 to index
        %get3A_321 = arith.index_cast %add3A_283 : i32 to index
        %get3A_322 = tpu.vector_load %arg9[%get3A_320, %get3A_321] {strides = array<i32>} : memref<16x1024xf32, #tpu.memory_space<vmem>>, vector<16xf32>,
        %scatter3A_323 = tpu.memref_slice %arg10[%add3A_286] : memref<16384xf32, #tpu.memory_space<vmem>> -> memref<256xf32, #tpu.memory_space<vmem>>
        tpu.vector_store_idx %scatter3A_323[%add3A_159], %get3A_318 : memref<256xf32, #tpu.memory_space<vmem>>[vector<16xi32>], vector<16xf32>,
        %scatter3A_324 = tpu.memref_slice %arg11[%add3A_286] : memref<16384xf32, #tpu.memory_space<vmem>> -> memref<256xf32, #tpu.memory_space<vmem>>
        tpu.vector_store_idx %scatter3A_324[%add3A_159], %get3A_322 : memref<256xf32, #tpu.memory_space<vmem>>[vector<16xi32>], vector<16xf32>,
        %get3A_325 = arith.constant 4 : i32
        %get3A_326 = arith.index_cast %get3A_325 : i32 to index
        %get3A_327 = arith.index_cast %add3A_283 : i32 to index
        %get3A_328 = tpu.vector_load %arg8[%get3A_326, %get3A_327] {strides = array<i32>} : memref<16x1024xf32, #tpu.memory_space<vmem>>, vector<16xf32>,
        %get3A_329 = arith.constant 4 : i32
        %get3A_330 = arith.index_cast %get3A_329 : i32 to index
        %get3A_331 = arith.index_cast %add3A_283 : i32 to index
        %get3A_332 = tpu.vector_load %arg9[%get3A_330, %get3A_331] {strides = array<i32>} : memref<16x1024xf32, #tpu.memory_space<vmem>>, vector<16xf32>,
        %scatter3A_333 = tpu.memref_slice %arg10[%add3A_286] : memref<16384xf32, #tpu.memory_space<vmem>> -> memref<256xf32, #tpu.memory_space<vmem>>
        tpu.vector_store_idx %scatter3A_333[%add3A_166], %get3A_328 : memref<256xf32, #tpu.memory_space<vmem>>[vector<16xi32>], vector<16xf32>,
        %scatter3A_334 = tpu.memref_slice %arg11[%add3A_286] : memref<16384xf32, #tpu.memory_space<vmem>> -> memref<256xf32, #tpu.memory_space<vmem>>
        tpu.vector_store_idx %scatter3A_334[%add3A_166], %get3A_332 : memref<256xf32, #tpu.memory_space<vmem>>[vector<16xi32>], vector<16xf32>,
        %get3A_335 = arith.constant 5 : i32
        %get3A_336 = arith.index_cast %get3A_335 : i32 to index
        %get3A_337 = arith.index_cast %add3A_283 : i32 to index
        %get3A_338 = tpu.vector_load %arg8[%get3A_336, %get3A_337] {strides = array<i32>} : memref<16x1024xf32, #tpu.memory_space<vmem>>, vector<16xf32>,
        %get3A_339 = arith.constant 5 : i32
        %get3A_340 = arith.index_cast %get3A_339 : i32 to index
        %get3A_341 = arith.index_cast %add3A_283 : i32 to index
        %get3A_342 = tpu.vector_load %arg9[%get3A_340, %get3A_341] {strides = array<i32>} : memref<16x1024xf32, #tpu.memory_space<vmem>>, vector<16xf32>,
        %scatter3A_343 = tpu.memref_slice %arg10[%add3A_286] : memref<16384xf32, #tpu.memory_space<vmem>> -> memref<256xf32, #tpu.memory_space<vmem>>
        tpu.vector_store_idx %scatter3A_343[%add3A_173], %get3A_338 : memref<256xf32, #tpu.memory_space<vmem>>[vector<16xi32>], vector<16xf32>,
        %scatter3A_344 = tpu.memref_slice %arg11[%add3A_286] : memref<16384xf32, #tpu.memory_space<vmem>> -> memref<256xf32, #tpu.memory_space<vmem>>
        tpu.vector_store_idx %scatter3A_344[%add3A_173], %get3A_342 : memref<256xf32, #tpu.memory_space<vmem>>[vector<16xi32>], vector<16xf32>,
        %get3A_345 = arith.constant 6 : i32
        %get3A_346 = arith.index_cast %get3A_345 : i32 to index
        %get3A_347 = arith.index_cast %add3A_283 : i32 to index
        %get3A_348 = tpu.vector_load %arg8[%get3A_346, %get3A_347] {strides = array<i32>} : memref<16x1024xf32, #tpu.memory_space<vmem>>, vector<16xf32>,
        %get3A_349 = arith.constant 6 : i32
        %get3A_350 = arith.index_cast %get3A_349 : i32 to index
        %get3A_351 = arith.index_cast %add3A_283 : i32 to index
        %get3A_352 = tpu.vector_load %arg9[%get3A_350, %get3A_351] {strides = array<i32>} : memref<16x1024xf32, #tpu.memory_space<vmem>>, vector<16xf32>,
        %scatter3A_353 = tpu.memref_slice %arg10[%add3A_286] : memref<16384xf32, #tpu.memory_space<vmem>> -> memref<256xf32, #tpu.memory_space<vmem>>
        tpu.vector_store_idx %scatter3A_353[%add3A_180], %get3A_348 : memref<256xf32, #tpu.memory_space<vmem>>[vector<16xi32>], vector<16xf32>,
        %scatter3A_354 = tpu.memref_slice %arg11[%add3A_286] : memref<16384xf32, #tpu.memory_space<vmem>> -> memref<256xf32, #tpu.memory_space<vmem>>
        tpu.vector_store_idx %scatter3A_354[%add3A_180], %get3A_352 : memref<256xf32, #tpu.memory_space<vmem>>[vector<16xi32>], vector<16xf32>,
        %get3A_355 = arith.constant 7 : i32
        %get3A_356 = arith.index_cast %get3A_355 : i32 to index
        %get3A_357 = arith.index_cast %add3A_283 : i32 to index
        %get3A_358 = tpu.vector_load %arg8[%get3A_356, %get3A_357] {strides = array<i32>} : memref<16x1024xf32, #tpu.memory_space<vmem>>, vector<16xf32>,
        %get3A_359 = arith.constant 7 : i32
        %get3A_360 = arith.index_cast %get3A_359 : i32 to index
        %get3A_361 = arith.index_cast %add3A_283 : i32 to index
        %get3A_362 = tpu.vector_load %arg9[%get3A_360, %get3A_361] {strides = array<i32>} : memref<16x1024xf32, #tpu.memory_space<vmem>>, vector<16xf32>,
        %scatter3A_363 = tpu.memref_slice %arg10[%add3A_286] : memref<16384xf32, #tpu.memory_space<vmem>> -> memref<256xf32, #tpu.memory_space<vmem>>
        tpu.vector_store_idx %scatter3A_363[%add3A_187], %get3A_358 : memref<256xf32, #tpu.memory_space<vmem>>[vector<16xi32>], vector<16xf32>,
        %scatter3A_364 = tpu.memref_slice %arg11[%add3A_286] : memref<16384xf32, #tpu.memory_space<vmem>> -> memref<256xf32, #tpu.memory_space<vmem>>
        tpu.vector_store_idx %scatter3A_364[%add3A_187], %get3A_362 : memref<256xf32, #tpu.memory_space<vmem>>[vector<16xi32>], vector<16xf32>,
        %get3A_365 = arith.constant 8 : i32
        %get3A_366 = arith.index_cast %get3A_365 : i32 to index
        %get3A_367 = arith.index_cast %add3A_283 : i32 to index
        %get3A_368 = tpu.vector_load %arg8[%get3A_366, %get3A_367] {strides = array<i32>} : memref<16x1024xf32, #tpu.memory_space<vmem>>, vector<16xf32>,
        %get3A_369 = arith.constant 8 : i32
        %get3A_370 = arith.index_cast %get3A_369 : i32 to index
        %get3A_371 = arith.index_cast %add3A_283 : i32 to index
        %get3A_372 = tpu.vector_load %arg9[%get3A_370, %get3A_371] {strides = array<i32>} : memref<16x1024xf32, #tpu.memory_space<vmem>>, vector<16xf32>,
        %scatter3A_373 = tpu.memref_slice %arg10[%add3A_286] : memref<16384xf32, #tpu.memory_space<vmem>> -> memref<256xf32, #tpu.memory_space<vmem>>
        tpu.vector_store_idx %scatter3A_373[%add3A_194], %get3A_368 : memref<256xf32, #tpu.memory_space<vmem>>[vector<16xi32>], vector<16xf32>,
        %scatter3A_374 = tpu.memref_slice %arg11[%add3A_286] : memref<16384xf32, #tpu.memory_space<vmem>> -> memref<256xf32, #tpu.memory_space<vmem>>
        tpu.vector_store_idx %scatter3A_374[%add3A_194], %get3A_372 : memref<256xf32, #tpu.memory_space<vmem>>[vector<16xi32>], vector<16xf32>,
        %get3A_375 = arith.constant 9 : i32
        %get3A_376 = arith.index_cast %get3A_375 : i32 to index
        %get3A_377 = arith.index_cast %add3A_283 : i32 to index
        %get3A_378 = tpu.vector_load %arg8[%get3A_376, %get3A_377] {strides = array<i32>} : memref<16x1024xf32, #tpu.memory_space<vmem>>, vector<16xf32>,
        %get3A_379 = arith.constant 9 : i32
        %get3A_380 = arith.index_cast %get3A_379 : i32 to index
        %get3A_381 = arith.index_cast %add3A_283 : i32 to index
        %get3A_382 = tpu.vector_load %arg9[%get3A_380, %get3A_381] {strides = array<i32>} : memref<16x1024xf32, #tpu.memory_space<vmem>>, vector<16xf32>,
        %scatter3A_383 = tpu.memref_slice %arg10[%add3A_286] : memref<16384xf32, #tpu.memory_space<vmem>> -> memref<256xf32, #tpu.memory_space<vmem>>
        tpu.vector_store_idx %scatter3A_383[%add3A_201], %get3A_378 : memref<256xf32, #tpu.memory_space<vmem>>[vector<16xi32>], vector<16xf32>,
        %scatter3A_384 = tpu.memref_slice %arg11[%add3A_286] : memref<16384xf32, #tpu.memory_space<vmem>> -> memref<256xf32, #tpu.memory_space<vmem>>
        tpu.vector_store_idx %scatter3A_384[%add3A_201], %get3A_382 : memref<256xf32, #tpu.memory_space<vmem>>[vector<16xi32>], vector<16xf32>,
        %get3A_385 = arith.constant 10 : i32
        %get3A_386 = arith.index_cast %get3A_385 : i32 to index
        %get3A_387 = arith.index_cast %add3A_283 : i32 to index
        %get3A_388 = tpu.vector_load %arg8[%get3A_386, %get3A_387] {strides = array<i32>} : memref<16x1024xf32, #tpu.memory_space<vmem>>, vector<16xf32>,
        %get3A_389 = arith.constant 10 : i32
        %get3A_390 = arith.index_cast %get3A_389 : i32 to index
        %get3A_391 = arith.index_cast %add3A_283 : i32 to index
        %get3A_392 = tpu.vector_load %arg9[%get3A_390, %get3A_391] {strides = array<i32>} : memref<16x1024xf32, #tpu.memory_space<vmem>>, vector<16xf32>,
        %scatter3A_393 = tpu.memref_slice %arg10[%add3A_286] : memref<16384xf32, #tpu.memory_space<vmem>> -> memref<256xf32, #tpu.memory_space<vmem>>
        tpu.vector_store_idx %scatter3A_393[%add3A_208], %get3A_388 : memref<256xf32, #tpu.memory_space<vmem>>[vector<16xi32>], vector<16xf32>,
        %scatter3A_394 = tpu.memref_slice %arg11[%add3A_286] : memref<16384xf32, #tpu.memory_space<vmem>> -> memref<256xf32, #tpu.memory_space<vmem>>
        tpu.vector_store_idx %scatter3A_394[%add3A_208], %get3A_392 : memref<256xf32, #tpu.memory_space<vmem>>[vector<16xi32>], vector<16xf32>,
        %get3A_395 = arith.constant 11 : i32
        %get3A_396 = arith.index_cast %get3A_395 : i32 to index
        %get3A_397 = arith.index_cast %add3A_283 : i32 to index
        %get3A_398 = tpu.vector_load %arg8[%get3A_396, %get3A_397] {strides = array<i32>} : memref<16x1024xf32, #tpu.memory_space<vmem>>, vector<16xf32>,
        %get3A_399 = arith.constant 11 : i32
        %get3A_400 = arith.index_cast %get3A_399 : i32 to index
        %get3A_401 = arith.index_cast %add3A_283 : i32 to index
        %get3A_402 = tpu.vector_load %arg9[%get3A_400, %get3A_401] {strides = array<i32>} : memref<16x1024xf32, #tpu.memory_space<vmem>>, vector<16xf32>,
        %scatter3A_403 = tpu.memref_slice %arg10[%add3A_286] : memref<16384xf32, #tpu.memory_space<vmem>> -> memref<256xf32, #tpu.memory_space<vmem>>
        tpu.vector_store_idx %scatter3A_403[%add3A_215], %get3A_398 : memref<256xf32, #tpu.memory_space<vmem>>[vector<16xi32>], vector<16xf32>,
        %scatter3A_404 = tpu.memref_slice %arg11[%add3A_286] : memref<16384xf32, #tpu.memory_space<vmem>> -> memref<256xf32, #tpu.memory_space<vmem>>
        tpu.vector_store_idx %scatter3A_404[%add3A_215], %get3A_402 : memref<256xf32, #tpu.memory_space<vmem>>[vector<16xi32>], vector<16xf32>,
        %get3A_405 = arith.constant 12 : i32
        %get3A_406 = arith.index_cast %get3A_405 : i32 to index
        %get3A_407 = arith.index_cast %add3A_283 : i32 to index
        %get3A_408 = tpu.vector_load %arg8[%get3A_406, %get3A_407] {strides = array<i32>} : memref<16x1024xf32, #tpu.memory_space<vmem>>, vector<16xf32>,
        %get3A_409 = arith.constant 12 : i32
        %get3A_410 = arith.index_cast %get3A_409 : i32 to index
        %get3A_411 = arith.index_cast %add3A_283 : i32 to index
        %get3A_412 = tpu.vector_load %arg9[%get3A_410, %get3A_411] {strides = array<i32>} : memref<16x1024xf32, #tpu.memory_space<vmem>>, vector<16xf32>,
        %scatter3A_413 = tpu.memref_slice %arg10[%add3A_286] : memref<16384xf32, #tpu.memory_space<vmem>> -> memref<256xf32, #tpu.memory_space<vmem>>
        tpu.vector_store_idx %scatter3A_413[%add3A_222], %get3A_408 : memref<256xf32, #tpu.memory_space<vmem>>[vector<16xi32>], vector<16xf32>,
        %scatter3A_414 = tpu.memref_slice %arg11[%add3A_286] : memref<16384xf32, #tpu.memory_space<vmem>> -> memref<256xf32, #tpu.memory_space<vmem>>
        tpu.vector_store_idx %scatter3A_414[%add3A_222], %get3A_412 : memref<256xf32, #tpu.memory_space<vmem>>[vector<16xi32>], vector<16xf32>,
        %get3A_415 = arith.constant 13 : i32
        %get3A_416 = arith.index_cast %get3A_415 : i32 to index
        %get3A_417 = arith.index_cast %add3A_283 : i32 to index
        %get3A_418 = tpu.vector_load %arg8[%get3A_416, %get3A_417] {strides = array<i32>} : memref<16x1024xf32, #tpu.memory_space<vmem>>, vector<16xf32>,
        %get3A_419 = arith.constant 13 : i32
        %get3A_420 = arith.index_cast %get3A_419 : i32 to index
        %get3A_421 = arith.index_cast %add3A_283 : i32 to index
        %get3A_422 = tpu.vector_load %arg9[%get3A_420, %get3A_421] {strides = array<i32>} : memref<16x1024xf32, #tpu.memory_space<vmem>>, vector<16xf32>,
        %scatter3A_423 = tpu.memref_slice %arg10[%add3A_286] : memref<16384xf32, #tpu.memory_space<vmem>> -> memref<256xf32, #tpu.memory_space<vmem>>
        tpu.vector_store_idx %scatter3A_423[%add3A_229], %get3A_418 : memref<256xf32, #tpu.memory_space<vmem>>[vector<16xi32>], vector<16xf32>,
        %scatter3A_424 = tpu.memref_slice %arg11[%add3A_286] : memref<16384xf32, #tpu.memory_space<vmem>> -> memref<256xf32, #tpu.memory_space<vmem>>
        tpu.vector_store_idx %scatter3A_424[%add3A_229], %get3A_422 : memref<256xf32, #tpu.memory_space<vmem>>[vector<16xi32>], vector<16xf32>,
        %get3A_425 = arith.constant 14 : i32
        %get3A_426 = arith.index_cast %get3A_425 : i32 to index
        %get3A_427 = arith.index_cast %add3A_283 : i32 to index
        %get3A_428 = tpu.vector_load %arg8[%get3A_426, %get3A_427] {strides = array<i32>} : memref<16x1024xf32, #tpu.memory_space<vmem>>, vector<16xf32>,
        %get3A_429 = arith.constant 14 : i32
        %get3A_430 = arith.index_cast %get3A_429 : i32 to index
        %get3A_431 = arith.index_cast %add3A_283 : i32 to index
        %get3A_432 = tpu.vector_load %arg9[%get3A_430, %get3A_431] {strides = array<i32>} : memref<16x1024xf32, #tpu.memory_space<vmem>>, vector<16xf32>,
        %scatter3A_433 = tpu.memref_slice %arg10[%add3A_286] : memref<16384xf32, #tpu.memory_space<vmem>> -> memref<256xf32, #tpu.memory_space<vmem>>
        tpu.vector_store_idx %scatter3A_433[%add3A_236], %get3A_428 : memref<256xf32, #tpu.memory_space<vmem>>[vector<16xi32>], vector<16xf32>,
        %scatter3A_434 = tpu.memref_slice %arg11[%add3A_286] : memref<16384xf32, #tpu.memory_space<vmem>> -> memref<256xf32, #tpu.memory_space<vmem>>
        tpu.vector_store_idx %scatter3A_434[%add3A_236], %get3A_432 : memref<256xf32, #tpu.memory_space<vmem>>[vector<16xi32>], vector<16xf32>,
        %get3A_435 = arith.constant 15 : i32
        %get3A_436 = arith.index_cast %get3A_435 : i32 to index
        %get3A_437 = arith.index_cast %add3A_283 : i32 to index
        %get3A_438 = tpu.vector_load %arg8[%get3A_436, %get3A_437] {strides = array<i32>} : memref<16x1024xf32, #tpu.memory_space<vmem>>, vector<16xf32>,
        %get3A_439 = arith.constant 15 : i32
        %get3A_440 = arith.index_cast %get3A_439 : i32 to index
        %get3A_441 = arith.index_cast %add3A_283 : i32 to index
        %get3A_442 = tpu.vector_load %arg9[%get3A_440, %get3A_441] {strides = array<i32>} : memref<16x1024xf32, #tpu.memory_space<vmem>>, vector<16xf32>,
        %scatter3A_443 = tpu.memref_slice %arg10[%add3A_286] : memref<16384xf32, #tpu.memory_space<vmem>> -> memref<256xf32, #tpu.memory_space<vmem>>
        tpu.vector_store_idx %scatter3A_443[%add3A_243], %get3A_438 : memref<256xf32, #tpu.memory_space<vmem>>[vector<16xi32>], vector<16xf32>,
        %scatter3A_444 = tpu.memref_slice %arg11[%add3A_286] : memref<16384xf32, #tpu.memory_space<vmem>> -> memref<256xf32, #tpu.memory_space<vmem>>
        tpu.vector_store_idx %scatter3A_444[%add3A_243], %get3A_442 : memref<256xf32, #tpu.memory_space<vmem>>[vector<16xi32>], vector<16xf32>,
        %scan3A_445 = arith.constant 1 : i32
        %scan3A_446 = arith.addi %scan3A_280, %scan3A_445 : i32
        %mul3A_447 = arith.constant 16 : i32
        %mul3A_448 = arith.muli %scan3A_446, %mul3A_447 : i32
        %add3A_449 = arith.addi %mul3A_130, %mul3A_448 : i32
        %mul3A_450 = arith.constant 256 : i32
        %mul3A_451 = arith.muli %scan3A_446, %mul3A_450 : i32
        %add3A_452 = arith.addi %mul3A_132, %mul3A_451 : i32
        %get3A_453 = arith.constant 0 : i32
        %get3A_454 = arith.index_cast %get3A_453 : i32 to index
        %get3A_455 = arith.index_cast %add3A_449 : i32 to index
        %get3A_456 = tpu.vector_load %arg8[%get3A_454, %get3A_455] {strides = array<i32>} : memref<16x1024xf32, #tpu.memory_space<vmem>>, vector<16xf32>,
        %get3A_457 = arith.constant 0 : i32
        %get3A_458 = arith.index_cast %get3A_457 : i32 to index
        %get3A_459 = arith.index_cast %add3A_449 : i32 to index
        %get3A_460 = tpu.vector_load %arg9[%get3A_458, %get3A_459] {strides = array<i32>} : memref<16x1024xf32, #tpu.memory_space<vmem>>, vector<16xf32>,
        %scatter3A_461 = tpu.memref_slice %arg10[%add3A_452] : memref<16384xf32, #tpu.memory_space<vmem>> -> memref<256xf32, #tpu.memory_space<vmem>>
        tpu.vector_store_idx %scatter3A_461[%add3A_138], %get3A_456 : memref<256xf32, #tpu.memory_space<vmem>>[vector<16xi32>], vector<16xf32>,
        %scatter3A_462 = tpu.memref_slice %arg11[%add3A_452] : memref<16384xf32, #tpu.memory_space<vmem>> -> memref<256xf32, #tpu.memory_space<vmem>>
        tpu.vector_store_idx %scatter3A_462[%add3A_138], %get3A_460 : memref<256xf32, #tpu.memory_space<vmem>>[vector<16xi32>], vector<16xf32>,
        %get3A_463 = arith.constant 1 : i32
        %get3A_464 = arith.index_cast %get3A_463 : i32 to index
        %get3A_465 = arith.index_cast %add3A_449 : i32 to index
        %get3A_466 = tpu.vector_load %arg8[%get3A_464, %get3A_465] {strides = array<i32>} : memref<16x1024xf32, #tpu.memory_space<vmem>>, vector<16xf32>,
        %get3A_467 = arith.constant 1 : i32
        %get3A_468 = arith.index_cast %get3A_467 : i32 to index
        %get3A_469 = arith.index_cast %add3A_449 : i32 to index
        %get3A_470 = tpu.vector_load %arg9[%get3A_468, %get3A_469] {strides = array<i32>} : memref<16x1024xf32, #tpu.memory_space<vmem>>, vector<16xf32>,
        %scatter3A_471 = tpu.memref_slice %arg10[%add3A_452] : memref<16384xf32, #tpu.memory_space<vmem>> -> memref<256xf32, #tpu.memory_space<vmem>>
        tpu.vector_store_idx %scatter3A_471[%add3A_145], %get3A_466 : memref<256xf32, #tpu.memory_space<vmem>>[vector<16xi32>], vector<16xf32>,
        %scatter3A_472 = tpu.memref_slice %arg11[%add3A_452] : memref<16384xf32, #tpu.memory_space<vmem>> -> memref<256xf32, #tpu.memory_space<vmem>>
        tpu.vector_store_idx %scatter3A_472[%add3A_145], %get3A_470 : memref<256xf32, #tpu.memory_space<vmem>>[vector<16xi32>], vector<16xf32>,
        %get3A_473 = arith.constant 2 : i32
        %get3A_474 = arith.index_cast %get3A_473 : i32 to index
        %get3A_475 = arith.index_cast %add3A_449 : i32 to index
        %get3A_476 = tpu.vector_load %arg8[%get3A_474, %get3A_475] {strides = array<i32>} : memref<16x1024xf32, #tpu.memory_space<vmem>>, vector<16xf32>,
        %get3A_477 = arith.constant 2 : i32
        %get3A_478 = arith.index_cast %get3A_477 : i32 to index
        %get3A_479 = arith.index_cast %add3A_449 : i32 to index
        %get3A_480 = tpu.vector_load %arg9[%get3A_478, %get3A_479] {strides = array<i32>} : memref<16x1024xf32, #tpu.memory_space<vmem>>, vector<16xf32>,
        %scatter3A_481 = tpu.memref_slice %arg10[%add3A_452] : memref<16384xf32, #tpu.memory_space<vmem>> -> memref<256xf32, #tpu.memory_space<vmem>>
        tpu.vector_store_idx %scatter3A_481[%add3A_152], %get3A_476 : memref<256xf32, #tpu.memory_space<vmem>>[vector<16xi32>], vector<16xf32>,
        %scatter3A_482 = tpu.memref_slice %arg11[%add3A_452] : memref<16384xf32, #tpu.memory_space<vmem>> -> memref<256xf32, #tpu.memory_space<vmem>>
        tpu.vector_store_idx %scatter3A_482[%add3A_152], %get3A_480 : memref<256xf32, #tpu.memory_space<vmem>>[vector<16xi32>], vector<16xf32>,
        %get3A_483 = arith.constant 3 : i32
        %get3A_484 = arith.index_cast %get3A_483 : i32 to index
        %get3A_485 = arith.index_cast %add3A_449 : i32 to index
        %get3A_486 = tpu.vector_load %arg8[%get3A_484, %get3A_485] {strides = array<i32>} : memref<16x1024xf32, #tpu.memory_space<vmem>>, vector<16xf32>,
        %get3A_487 = arith.constant 3 : i32
        %get3A_488 = arith.index_cast %get3A_487 : i32 to index
        %get3A_489 = arith.index_cast %add3A_449 : i32 to index
        %get3A_490 = tpu.vector_load %arg9[%get3A_488, %get3A_489] {strides = array<i32>} : memref<16x1024xf32, #tpu.memory_space<vmem>>, vector<16xf32>,
        %scatter3A_491 = tpu.memref_slice %arg10[%add3A_452] : memref<16384xf32, #tpu.memory_space<vmem>> -> memref<256xf32, #tpu.memory_space<vmem>>
        tpu.vector_store_idx %scatter3A_491[%add3A_159], %get3A_486 : memref<256xf32, #tpu.memory_space<vmem>>[vector<16xi32>], vector<16xf32>,
        %scatter3A_492 = tpu.memref_slice %arg11[%add3A_452] : memref<16384xf32, #tpu.memory_space<vmem>> -> memref<256xf32, #tpu.memory_space<vmem>>
        tpu.vector_store_idx %scatter3A_492[%add3A_159], %get3A_490 : memref<256xf32, #tpu.memory_space<vmem>>[vector<16xi32>], vector<16xf32>,
        %get3A_493 = arith.constant 4 : i32
        %get3A_494 = arith.index_cast %get3A_493 : i32 to index
        %get3A_495 = arith.index_cast %add3A_449 : i32 to index
        %get3A_496 = tpu.vector_load %arg8[%get3A_494, %get3A_495] {strides = array<i32>} : memref<16x1024xf32, #tpu.memory_space<vmem>>, vector<16xf32>,
        %get3A_497 = arith.constant 4 : i32
        %get3A_498 = arith.index_cast %get3A_497 : i32 to index
        %get3A_499 = arith.index_cast %add3A_449 : i32 to index
        %get3A_500 = tpu.vector_load %arg9[%get3A_498, %get3A_499] {strides = array<i32>} : memref<16x1024xf32, #tpu.memory_space<vmem>>, vector<16xf32>,
        %scatter3A_501 = tpu.memref_slice %arg10[%add3A_452] : memref<16384xf32, #tpu.memory_space<vmem>> -> memref<256xf32, #tpu.memory_space<vmem>>
        tpu.vector_store_idx %scatter3A_501[%add3A_166], %get3A_496 : memref<256xf32, #tpu.memory_space<vmem>>[vector<16xi32>], vector<16xf32>,
        %scatter3A_502 = tpu.memref_slice %arg11[%add3A_452] : memref<16384xf32, #tpu.memory_space<vmem>> -> memref<256xf32, #tpu.memory_space<vmem>>
        tpu.vector_store_idx %scatter3A_502[%add3A_166], %get3A_500 : memref<256xf32, #tpu.memory_space<vmem>>[vector<16xi32>], vector<16xf32>,
        %get3A_503 = arith.constant 5 : i32
        %get3A_504 = arith.index_cast %get3A_503 : i32 to index
        %get3A_505 = arith.index_cast %add3A_449 : i32 to index
        %get3A_506 = tpu.vector_load %arg8[%get3A_504, %get3A_505] {strides = array<i32>} : memref<16x1024xf32, #tpu.memory_space<vmem>>, vector<16xf32>,
        %get3A_507 = arith.constant 5 : i32
        %get3A_508 = arith.index_cast %get3A_507 : i32 to index
        %get3A_509 = arith.index_cast %add3A_449 : i32 to index
        %get3A_510 = tpu.vector_load %arg9[%get3A_508, %get3A_509] {strides = array<i32>} : memref<16x1024xf32, #tpu.memory_space<vmem>>, vector<16xf32>,
        %scatter3A_511 = tpu.memref_slice %arg10[%add3A_452] : memref<16384xf32, #tpu.memory_space<vmem>> -> memref<256xf32, #tpu.memory_space<vmem>>
        tpu.vector_store_idx %scatter3A_511[%add3A_173], %get3A_506 : memref<256xf32, #tpu.memory_space<vmem>>[vector<16xi32>], vector<16xf32>,
        %scatter3A_512 = tpu.memref_slice %arg11[%add3A_452] : memref<16384xf32, #tpu.memory_space<vmem>> -> memref<256xf32, #tpu.memory_space<vmem>>
        tpu.vector_store_idx %scatter3A_512[%add3A_173], %get3A_510 : memref<256xf32, #tpu.memory_space<vmem>>[vector<16xi32>], vector<16xf32>,
        %get3A_513 = arith.constant 6 : i32
        %get3A_514 = arith.index_cast %get3A_513 : i32 to index
        %get3A_515 = arith.index_cast %add3A_449 : i32 to index
        %get3A_516 = tpu.vector_load %arg8[%get3A_514, %get3A_515] {strides = array<i32>} : memref<16x1024xf32, #tpu.memory_space<vmem>>, vector<16xf32>,
        %get3A_517 = arith.constant 6 : i32
        %get3A_518 = arith.index_cast %get3A_517 : i32 to index
        %get3A_519 = arith.index_cast %add3A_449 : i32 to index
        %get3A_520 = tpu.vector_load %arg9[%get3A_518, %get3A_519] {strides = array<i32>} : memref<16x1024xf32, #tpu.memory_space<vmem>>, vector<16xf32>,
        %scatter3A_521 = tpu.memref_slice %arg10[%add3A_452] : memref<16384xf32, #tpu.memory_space<vmem>> -> memref<256xf32, #tpu.memory_space<vmem>>
        tpu.vector_store_idx %scatter3A_521[%add3A_180], %get3A_516 : memref<256xf32, #tpu.memory_space<vmem>>[vector<16xi32>], vector<16xf32>,
        %scatter3A_522 = tpu.memref_slice %arg11[%add3A_452] : memref<16384xf32, #tpu.memory_space<vmem>> -> memref<256xf32, #tpu.memory_space<vmem>>
        tpu.vector_store_idx %scatter3A_522[%add3A_180], %get3A_520 : memref<256xf32, #tpu.memory_space<vmem>>[vector<16xi32>], vector<16xf32>,
        %get3A_523 = arith.constant 7 : i32
        %get3A_524 = arith.index_cast %get3A_523 : i32 to index
        %get3A_525 = arith.index_cast %add3A_449 : i32 to index
        %get3A_526 = tpu.vector_load %arg8[%get3A_524, %get3A_525] {strides = array<i32>} : memref<16x1024xf32, #tpu.memory_space<vmem>>, vector<16xf32>,
        %get3A_527 = arith.constant 7 : i32
        %get3A_528 = arith.index_cast %get3A_527 : i32 to index
        %get3A_529 = arith.index_cast %add3A_449 : i32 to index
        %get3A_530 = tpu.vector_load %arg9[%get3A_528, %get3A_529] {strides = array<i32>} : memref<16x1024xf32, #tpu.memory_space<vmem>>, vector<16xf32>,
        %scatter3A_531 = tpu.memref_slice %arg10[%add3A_452] : memref<16384xf32, #tpu.memory_space<vmem>> -> memref<256xf32, #tpu.memory_space<vmem>>
        tpu.vector_store_idx %scatter3A_531[%add3A_187], %get3A_526 : memref<256xf32, #tpu.memory_space<vmem>>[vector<16xi32>], vector<16xf32>,
        %scatter3A_532 = tpu.memref_slice %arg11[%add3A_452] : memref<16384xf32, #tpu.memory_space<vmem>> -> memref<256xf32, #tpu.memory_space<vmem>>
        tpu.vector_store_idx %scatter3A_532[%add3A_187], %get3A_530 : memref<256xf32, #tpu.memory_space<vmem>>[vector<16xi32>], vector<16xf32>,
        %get3A_533 = arith.constant 8 : i32
        %get3A_534 = arith.index_cast %get3A_533 : i32 to index
        %get3A_535 = arith.index_cast %add3A_449 : i32 to index
        %get3A_536 = tpu.vector_load %arg8[%get3A_534, %get3A_535] {strides = array<i32>} : memref<16x1024xf32, #tpu.memory_space<vmem>>, vector<16xf32>,
        %get3A_537 = arith.constant 8 : i32
        %get3A_538 = arith.index_cast %get3A_537 : i32 to index
        %get3A_539 = arith.index_cast %add3A_449 : i32 to index
        %get3A_540 = tpu.vector_load %arg9[%get3A_538, %get3A_539] {strides = array<i32>} : memref<16x1024xf32, #tpu.memory_space<vmem>>, vector<16xf32>,
        %scatter3A_541 = tpu.memref_slice %arg10[%add3A_452] : memref<16384xf32, #tpu.memory_space<vmem>> -> memref<256xf32, #tpu.memory_space<vmem>>
        tpu.vector_store_idx %scatter3A_541[%add3A_194], %get3A_536 : memref<256xf32, #tpu.memory_space<vmem>>[vector<16xi32>], vector<16xf32>,
        %scatter3A_542 = tpu.memref_slice %arg11[%add3A_452] : memref<16384xf32, #tpu.memory_space<vmem>> -> memref<256xf32, #tpu.memory_space<vmem>>
        tpu.vector_store_idx %scatter3A_542[%add3A_194], %get3A_540 : memref<256xf32, #tpu.memory_space<vmem>>[vector<16xi32>], vector<16xf32>,
        %get3A_543 = arith.constant 9 : i32
        %get3A_544 = arith.index_cast %get3A_543 : i32 to index
        %get3A_545 = arith.index_cast %add3A_449 : i32 to index
        %get3A_546 = tpu.vector_load %arg8[%get3A_544, %get3A_545] {strides = array<i32>} : memref<16x1024xf32, #tpu.memory_space<vmem>>, vector<16xf32>,
        %get3A_547 = arith.constant 9 : i32
        %get3A_548 = arith.index_cast %get3A_547 : i32 to index
        %get3A_549 = arith.index_cast %add3A_449 : i32 to index
        %get3A_550 = tpu.vector_load %arg9[%get3A_548, %get3A_549] {strides = array<i32>} : memref<16x1024xf32, #tpu.memory_space<vmem>>, vector<16xf32>,
        %scatter3A_551 = tpu.memref_slice %arg10[%add3A_452] : memref<16384xf32, #tpu.memory_space<vmem>> -> memref<256xf32, #tpu.memory_space<vmem>>
        tpu.vector_store_idx %scatter3A_551[%add3A_201], %get3A_546 : memref<256xf32, #tpu.memory_space<vmem>>[vector<16xi32>], vector<16xf32>,
        %scatter3A_552 = tpu.memref_slice %arg11[%add3A_452] : memref<16384xf32, #tpu.memory_space<vmem>> -> memref<256xf32, #tpu.memory_space<vmem>>
        tpu.vector_store_idx %scatter3A_552[%add3A_201], %get3A_550 : memref<256xf32, #tpu.memory_space<vmem>>[vector<16xi32>], vector<16xf32>,
        %get3A_553 = arith.constant 10 : i32
        %get3A_554 = arith.index_cast %get3A_553 : i32 to index
        %get3A_555 = arith.index_cast %add3A_449 : i32 to index
        %get3A_556 = tpu.vector_load %arg8[%get3A_554, %get3A_555] {strides = array<i32>} : memref<16x1024xf32, #tpu.memory_space<vmem>>, vector<16xf32>,
        %get3A_557 = arith.constant 10 : i32
        %get3A_558 = arith.index_cast %get3A_557 : i32 to index
        %get3A_559 = arith.index_cast %add3A_449 : i32 to index
        %get3A_560 = tpu.vector_load %arg9[%get3A_558, %get3A_559] {strides = array<i32>} : memref<16x1024xf32, #tpu.memory_space<vmem>>, vector<16xf32>,
        %scatter3A_561 = tpu.memref_slice %arg10[%add3A_452] : memref<16384xf32, #tpu.memory_space<vmem>> -> memref<256xf32, #tpu.memory_space<vmem>>
        tpu.vector_store_idx %scatter3A_561[%add3A_208], %get3A_556 : memref<256xf32, #tpu.memory_space<vmem>>[vector<16xi32>], vector<16xf32>,
        %scatter3A_562 = tpu.memref_slice %arg11[%add3A_452] : memref<16384xf32, #tpu.memory_space<vmem>> -> memref<256xf32, #tpu.memory_space<vmem>>
        tpu.vector_store_idx %scatter3A_562[%add3A_208], %get3A_560 : memref<256xf32, #tpu.memory_space<vmem>>[vector<16xi32>], vector<16xf32>,
        %get3A_563 = arith.constant 11 : i32
        %get3A_564 = arith.index_cast %get3A_563 : i32 to index
        %get3A_565 = arith.index_cast %add3A_449 : i32 to index
        %get3A_566 = tpu.vector_load %arg8[%get3A_564, %get3A_565] {strides = array<i32>} : memref<16x1024xf32, #tpu.memory_space<vmem>>, vector<16xf32>,
        %get3A_567 = arith.constant 11 : i32
        %get3A_568 = arith.index_cast %get3A_567 : i32 to index
        %get3A_569 = arith.index_cast %add3A_449 : i32 to index
        %get3A_570 = tpu.vector_load %arg9[%get3A_568, %get3A_569] {strides = array<i32>} : memref<16x1024xf32, #tpu.memory_space<vmem>>, vector<16xf32>,
        %scatter3A_571 = tpu.memref_slice %arg10[%add3A_452] : memref<16384xf32, #tpu.memory_space<vmem>> -> memref<256xf32, #tpu.memory_space<vmem>>
        tpu.vector_store_idx %scatter3A_571[%add3A_215], %get3A_566 : memref<256xf32, #tpu.memory_space<vmem>>[vector<16xi32>], vector<16xf32>,
        %scatter3A_572 = tpu.memref_slice %arg11[%add3A_452] : memref<16384xf32, #tpu.memory_space<vmem>> -> memref<256xf32, #tpu.memory_space<vmem>>
        tpu.vector_store_idx %scatter3A_572[%add3A_215], %get3A_570 : memref<256xf32, #tpu.memory_space<vmem>>[vector<16xi32>], vector<16xf32>,
        %get3A_573 = arith.constant 12 : i32
        %get3A_574 = arith.index_cast %get3A_573 : i32 to index
        %get3A_575 = arith.index_cast %add3A_449 : i32 to index
        %get3A_576 = tpu.vector_load %arg8[%get3A_574, %get3A_575] {strides = array<i32>} : memref<16x1024xf32, #tpu.memory_space<vmem>>, vector<16xf32>,
        %get3A_577 = arith.constant 12 : i32
        %get3A_578 = arith.index_cast %get3A_577 : i32 to index
        %get3A_579 = arith.index_cast %add3A_449 : i32 to index
        %get3A_580 = tpu.vector_load %arg9[%get3A_578, %get3A_579] {strides = array<i32>} : memref<16x1024xf32, #tpu.memory_space<vmem>>, vector<16xf32>,
        %scatter3A_581 = tpu.memref_slice %arg10[%add3A_452] : memref<16384xf32, #tpu.memory_space<vmem>> -> memref<256xf32, #tpu.memory_space<vmem>>
        tpu.vector_store_idx %scatter3A_581[%add3A_222], %get3A_576 : memref<256xf32, #tpu.memory_space<vmem>>[vector<16xi32>], vector<16xf32>,
        %scatter3A_582 = tpu.memref_slice %arg11[%add3A_452] : memref<16384xf32, #tpu.memory_space<vmem>> -> memref<256xf32, #tpu.memory_space<vmem>>
        tpu.vector_store_idx %scatter3A_582[%add3A_222], %get3A_580 : memref<256xf32, #tpu.memory_space<vmem>>[vector<16xi32>], vector<16xf32>,
        %get3A_583 = arith.constant 13 : i32
        %get3A_584 = arith.index_cast %get3A_583 : i32 to index
        %get3A_585 = arith.index_cast %add3A_449 : i32 to index
        %get3A_586 = tpu.vector_load %arg8[%get3A_584, %get3A_585] {strides = array<i32>} : memref<16x1024xf32, #tpu.memory_space<vmem>>, vector<16xf32>,
        %get3A_587 = arith.constant 13 : i32
        %get3A_588 = arith.index_cast %get3A_587 : i32 to index
        %get3A_589 = arith.index_cast %add3A_449 : i32 to index
        %get3A_590 = tpu.vector_load %arg9[%get3A_588, %get3A_589] {strides = array<i32>} : memref<16x1024xf32, #tpu.memory_space<vmem>>, vector<16xf32>,
        %scatter3A_591 = tpu.memref_slice %arg10[%add3A_452] : memref<16384xf32, #tpu.memory_space<vmem>> -> memref<256xf32, #tpu.memory_space<vmem>>
        tpu.vector_store_idx %scatter3A_591[%add3A_229], %get3A_586 : memref<256xf32, #tpu.memory_space<vmem>>[vector<16xi32>], vector<16xf32>,
        %scatter3A_592 = tpu.memref_slice %arg11[%add3A_452] : memref<16384xf32, #tpu.memory_space<vmem>> -> memref<256xf32, #tpu.memory_space<vmem>>
        tpu.vector_store_idx %scatter3A_592[%add3A_229], %get3A_590 : memref<256xf32, #tpu.memory_space<vmem>>[vector<16xi32>], vector<16xf32>,
        %get3A_593 = arith.constant 14 : i32
        %get3A_594 = arith.index_cast %get3A_593 : i32 to index
        %get3A_595 = arith.index_cast %add3A_449 : i32 to index
        %get3A_596 = tpu.vector_load %arg8[%get3A_594, %get3A_595] {strides = array<i32>} : memref<16x1024xf32, #tpu.memory_space<vmem>>, vector<16xf32>,
        %get3A_597 = arith.constant 14 : i32
        %get3A_598 = arith.index_cast %get3A_597 : i32 to index
        %get3A_599 = arith.index_cast %add3A_449 : i32 to index
        %get3A_600 = tpu.vector_load %arg9[%get3A_598, %get3A_599] {strides = array<i32>} : memref<16x1024xf32, #tpu.memory_space<vmem>>, vector<16xf32>,
        %scatter3A_601 = tpu.memref_slice %arg10[%add3A_452] : memref<16384xf32, #tpu.memory_space<vmem>> -> memref<256xf32, #tpu.memory_space<vmem>>
        tpu.vector_store_idx %scatter3A_601[%add3A_236], %get3A_596 : memref<256xf32, #tpu.memory_space<vmem>>[vector<16xi32>], vector<16xf32>,
        %scatter3A_602 = tpu.memref_slice %arg11[%add3A_452] : memref<16384xf32, #tpu.memory_space<vmem>> -> memref<256xf32, #tpu.memory_space<vmem>>
        tpu.vector_store_idx %scatter3A_602[%add3A_236], %get3A_600 : memref<256xf32, #tpu.memory_space<vmem>>[vector<16xi32>], vector<16xf32>,
        %get3A_603 = arith.constant 15 : i32
        %get3A_604 = arith.index_cast %get3A_603 : i32 to index
        %get3A_605 = arith.index_cast %add3A_449 : i32 to index
        %get3A_606 = tpu.vector_load %arg8[%get3A_604, %get3A_605] {strides = array<i32>} : memref<16x1024xf32, #tpu.memory_space<vmem>>, vector<16xf32>,
        %get3A_607 = arith.constant 15 : i32
        %get3A_608 = arith.index_cast %get3A_607 : i32 to index
        %get3A_609 = arith.index_cast %add3A_449 : i32 to index
        %get3A_610 = tpu.vector_load %arg9[%get3A_608, %get3A_609] {strides = array<i32>} : memref<16x1024xf32, #tpu.memory_space<vmem>>, vector<16xf32>,
        %scatter3A_611 = tpu.memref_slice %arg10[%add3A_452] : memref<16384xf32, #tpu.memory_space<vmem>> -> memref<256xf32, #tpu.memory_space<vmem>>
        tpu.vector_store_idx %scatter3A_611[%add3A_243], %get3A_606 : memref<256xf32, #tpu.memory_space<vmem>>[vector<16xi32>], vector<16xf32>,
        %scatter3A_612 = tpu.memref_slice %arg11[%add3A_452] : memref<16384xf32, #tpu.memory_space<vmem>> -> memref<256xf32, #tpu.memory_space<vmem>>
        tpu.vector_store_idx %scatter3A_612[%add3A_243], %get3A_610 : memref<256xf32, #tpu.memory_space<vmem>>[vector<16xi32>], vector<16xf32>,
        %scan3A_613 = arith.constant 2 : i32
        %scan3A_614 = arith.addi %scan3A_280, %scan3A_613 : i32
        %mul3A_615 = arith.constant 16 : i32
        %mul3A_616 = arith.muli %scan3A_614, %mul3A_615 : i32
        %add3A_617 = arith.addi %mul3A_130, %mul3A_616 : i32
        %mul3A_618 = arith.constant 256 : i32
        %mul3A_619 = arith.muli %scan3A_614, %mul3A_618 : i32
        %add3A_620 = arith.addi %mul3A_132, %mul3A_619 : i32
        %get3A_621 = arith.constant 0 : i32
        %get3A_622 = arith.index_cast %get3A_621 : i32 to index
        %get3A_623 = arith.index_cast %add3A_617 : i32 to index
        %get3A_624 = tpu.vector_load %arg8[%get3A_622, %get3A_623] {strides = array<i32>} : memref<16x1024xf32, #tpu.memory_space<vmem>>, vector<16xf32>,
        %get3A_625 = arith.constant 0 : i32
        %get3A_626 = arith.index_cast %get3A_625 : i32 to index
        %get3A_627 = arith.index_cast %add3A_617 : i32 to index
        %get3A_628 = tpu.vector_load %arg9[%get3A_626, %get3A_627] {strides = array<i32>} : memref<16x1024xf32, #tpu.memory_space<vmem>>, vector<16xf32>,
        %scatter3A_629 = tpu.memref_slice %arg10[%add3A_620] : memref<16384xf32, #tpu.memory_space<vmem>> -> memref<256xf32, #tpu.memory_space<vmem>>
        tpu.vector_store_idx %scatter3A_629[%add3A_138], %get3A_624 : memref<256xf32, #tpu.memory_space<vmem>>[vector<16xi32>], vector<16xf32>,
        %scatter3A_630 = tpu.memref_slice %arg11[%add3A_620] : memref<16384xf32, #tpu.memory_space<vmem>> -> memref<256xf32, #tpu.memory_space<vmem>>
        tpu.vector_store_idx %scatter3A_630[%add3A_138], %get3A_628 : memref<256xf32, #tpu.memory_space<vmem>>[vector<16xi32>], vector<16xf32>,
        %get3A_631 = arith.constant 1 : i32
        %get3A_632 = arith.index_cast %get3A_631 : i32 to index
        %get3A_633 = arith.index_cast %add3A_617 : i32 to index
        %get3A_634 = tpu.vector_load %arg8[%get3A_632, %get3A_633] {strides = array<i32>} : memref<16x1024xf32, #tpu.memory_space<vmem>>, vector<16xf32>,
        %get3A_635 = arith.constant 1 : i32
        %get3A_636 = arith.index_cast %get3A_635 : i32 to index
        %get3A_637 = arith.index_cast %add3A_617 : i32 to index
        %get3A_638 = tpu.vector_load %arg9[%get3A_636, %get3A_637] {strides = array<i32>} : memref<16x1024xf32, #tpu.memory_space<vmem>>, vector<16xf32>,
        %scatter3A_639 = tpu.memref_slice %arg10[%add3A_620] : memref<16384xf32, #tpu.memory_space<vmem>> -> memref<256xf32, #tpu.memory_space<vmem>>
        tpu.vector_store_idx %scatter3A_639[%add3A_145], %get3A_634 : memref<256xf32, #tpu.memory_space<vmem>>[vector<16xi32>], vector<16xf32>,
        %scatter3A_640 = tpu.memref_slice %arg11[%add3A_620] : memref<16384xf32, #tpu.memory_space<vmem>> -> memref<256xf32, #tpu.memory_space<vmem>>
        tpu.vector_store_idx %scatter3A_640[%add3A_145], %get3A_638 : memref<256xf32, #tpu.memory_space<vmem>>[vector<16xi32>], vector<16xf32>,
        %get3A_641 = arith.constant 2 : i32
        %get3A_642 = arith.index_cast %get3A_641 : i32 to index
        %get3A_643 = arith.index_cast %add3A_617 : i32 to index
        %get3A_644 = tpu.vector_load %arg8[%get3A_642, %get3A_643] {strides = array<i32>} : memref<16x1024xf32, #tpu.memory_space<vmem>>, vector<16xf32>,
        %get3A_645 = arith.constant 2 : i32
        %get3A_646 = arith.index_cast %get3A_645 : i32 to index
        %get3A_647 = arith.index_cast %add3A_617 : i32 to index
        %get3A_648 = tpu.vector_load %arg9[%get3A_646, %get3A_647] {strides = array<i32>} : memref<16x1024xf32, #tpu.memory_space<vmem>>, vector<16xf32>,
        %scatter3A_649 = tpu.memref_slice %arg10[%add3A_620] : memref<16384xf32, #tpu.memory_space<vmem>> -> memref<256xf32, #tpu.memory_space<vmem>>
        tpu.vector_store_idx %scatter3A_649[%add3A_152], %get3A_644 : memref<256xf32, #tpu.memory_space<vmem>>[vector<16xi32>], vector<16xf32>,
        %scatter3A_650 = tpu.memref_slice %arg11[%add3A_620] : memref<16384xf32, #tpu.memory_space<vmem>> -> memref<256xf32, #tpu.memory_space<vmem>>
        tpu.vector_store_idx %scatter3A_650[%add3A_152], %get3A_648 : memref<256xf32, #tpu.memory_space<vmem>>[vector<16xi32>], vector<16xf32>,
        %get3A_651 = arith.constant 3 : i32
        %get3A_652 = arith.index_cast %get3A_651 : i32 to index
        %get3A_653 = arith.index_cast %add3A_617 : i32 to index
        %get3A_654 = tpu.vector_load %arg8[%get3A_652, %get3A_653] {strides = array<i32>} : memref<16x1024xf32, #tpu.memory_space<vmem>>, vector<16xf32>,
        %get3A_655 = arith.constant 3 : i32
        %get3A_656 = arith.index_cast %get3A_655 : i32 to index
        %get3A_657 = arith.index_cast %add3A_617 : i32 to index
        %get3A_658 = tpu.vector_load %arg9[%get3A_656, %get3A_657] {strides = array<i32>} : memref<16x1024xf32, #tpu.memory_space<vmem>>, vector<16xf32>,
        %scatter3A_659 = tpu.memref_slice %arg10[%add3A_620] : memref<16384xf32, #tpu.memory_space<vmem>> -> memref<256xf32, #tpu.memory_space<vmem>>
        tpu.vector_store_idx %scatter3A_659[%add3A_159], %get3A_654 : memref<256xf32, #tpu.memory_space<vmem>>[vector<16xi32>], vector<16xf32>,
        %scatter3A_660 = tpu.memref_slice %arg11[%add3A_620] : memref<16384xf32, #tpu.memory_space<vmem>> -> memref<256xf32, #tpu.memory_space<vmem>>
        tpu.vector_store_idx %scatter3A_660[%add3A_159], %get3A_658 : memref<256xf32, #tpu.memory_space<vmem>>[vector<16xi32>], vector<16xf32>,
        %get3A_661 = arith.constant 4 : i32
        %get3A_662 = arith.index_cast %get3A_661 : i32 to index
        %get3A_663 = arith.index_cast %add3A_617 : i32 to index
        %get3A_664 = tpu.vector_load %arg8[%get3A_662, %get3A_663] {strides = array<i32>} : memref<16x1024xf32, #tpu.memory_space<vmem>>, vector<16xf32>,
        %get3A_665 = arith.constant 4 : i32
        %get3A_666 = arith.index_cast %get3A_665 : i32 to index
        %get3A_667 = arith.index_cast %add3A_617 : i32 to index
        %get3A_668 = tpu.vector_load %arg9[%get3A_666, %get3A_667] {strides = array<i32>} : memref<16x1024xf32, #tpu.memory_space<vmem>>, vector<16xf32>,
        %scatter3A_669 = tpu.memref_slice %arg10[%add3A_620] : memref<16384xf32, #tpu.memory_space<vmem>> -> memref<256xf32, #tpu.memory_space<vmem>>
        tpu.vector_store_idx %scatter3A_669[%add3A_166], %get3A_664 : memref<256xf32, #tpu.memory_space<vmem>>[vector<16xi32>], vector<16xf32>,
        %scatter3A_670 = tpu.memref_slice %arg11[%add3A_620] : memref<16384xf32, #tpu.memory_space<vmem>> -> memref<256xf32, #tpu.memory_space<vmem>>
        tpu.vector_store_idx %scatter3A_670[%add3A_166], %get3A_668 : memref<256xf32, #tpu.memory_space<vmem>>[vector<16xi32>], vector<16xf32>,
        %get3A_671 = arith.constant 5 : i32
        %get3A_672 = arith.index_cast %get3A_671 : i32 to index
        %get3A_673 = arith.index_cast %add3A_617 : i32 to index
        %get3A_674 = tpu.vector_load %arg8[%get3A_672, %get3A_673] {strides = array<i32>} : memref<16x1024xf32, #tpu.memory_space<vmem>>, vector<16xf32>,
        %get3A_675 = arith.constant 5 : i32
        %get3A_676 = arith.index_cast %get3A_675 : i32 to index
        %get3A_677 = arith.index_cast %add3A_617 : i32 to index
        %get3A_678 = tpu.vector_load %arg9[%get3A_676, %get3A_677] {strides = array<i32>} : memref<16x1024xf32, #tpu.memory_space<vmem>>, vector<16xf32>,
        %scatter3A_679 = tpu.memref_slice %arg10[%add3A_620] : memref<16384xf32, #tpu.memory_space<vmem>> -> memref<256xf32, #tpu.memory_space<vmem>>
        tpu.vector_store_idx %scatter3A_679[%add3A_173], %get3A_674 : memref<256xf32, #tpu.memory_space<vmem>>[vector<16xi32>], vector<16xf32>,
        %scatter3A_680 = tpu.memref_slice %arg11[%add3A_620] : memref<16384xf32, #tpu.memory_space<vmem>> -> memref<256xf32, #tpu.memory_space<vmem>>
        tpu.vector_store_idx %scatter3A_680[%add3A_173], %get3A_678 : memref<256xf32, #tpu.memory_space<vmem>>[vector<16xi32>], vector<16xf32>,
        %get3A_681 = arith.constant 6 : i32
        %get3A_682 = arith.index_cast %get3A_681 : i32 to index
        %get3A_683 = arith.index_cast %add3A_617 : i32 to index
        %get3A_684 = tpu.vector_load %arg8[%get3A_682, %get3A_683] {strides = array<i32>} : memref<16x1024xf32, #tpu.memory_space<vmem>>, vector<16xf32>,
        %get3A_685 = arith.constant 6 : i32
        %get3A_686 = arith.index_cast %get3A_685 : i32 to index
        %get3A_687 = arith.index_cast %add3A_617 : i32 to index
        %get3A_688 = tpu.vector_load %arg9[%get3A_686, %get3A_687] {strides = array<i32>} : memref<16x1024xf32, #tpu.memory_space<vmem>>, vector<16xf32>,
        %scatter3A_689 = tpu.memref_slice %arg10[%add3A_620] : memref<16384xf32, #tpu.memory_space<vmem>> -> memref<256xf32, #tpu.memory_space<vmem>>
        tpu.vector_store_idx %scatter3A_689[%add3A_180], %get3A_684 : memref<256xf32, #tpu.memory_space<vmem>>[vector<16xi32>], vector<16xf32>,
        %scatter3A_690 = tpu.memref_slice %arg11[%add3A_620] : memref<16384xf32, #tpu.memory_space<vmem>> -> memref<256xf32, #tpu.memory_space<vmem>>
        tpu.vector_store_idx %scatter3A_690[%add3A_180], %get3A_688 : memref<256xf32, #tpu.memory_space<vmem>>[vector<16xi32>], vector<16xf32>,
        %get3A_691 = arith.constant 7 : i32
        %get3A_692 = arith.index_cast %get3A_691 : i32 to index
        %get3A_693 = arith.index_cast %add3A_617 : i32 to index
        %get3A_694 = tpu.vector_load %arg8[%get3A_692, %get3A_693] {strides = array<i32>} : memref<16x1024xf32, #tpu.memory_space<vmem>>, vector<16xf32>,
        %get3A_695 = arith.constant 7 : i32
        %get3A_696 = arith.index_cast %get3A_695 : i32 to index
        %get3A_697 = arith.index_cast %add3A_617 : i32 to index
        %get3A_698 = tpu.vector_load %arg9[%get3A_696, %get3A_697] {strides = array<i32>} : memref<16x1024xf32, #tpu.memory_space<vmem>>, vector<16xf32>,
        %scatter3A_699 = tpu.memref_slice %arg10[%add3A_620] : memref<16384xf32, #tpu.memory_space<vmem>> -> memref<256xf32, #tpu.memory_space<vmem>>
        tpu.vector_store_idx %scatter3A_699[%add3A_187], %get3A_694 : memref<256xf32, #tpu.memory_space<vmem>>[vector<16xi32>], vector<16xf32>,
        %scatter3A_700 = tpu.memref_slice %arg11[%add3A_620] : memref<16384xf32, #tpu.memory_space<vmem>> -> memref<256xf32, #tpu.memory_space<vmem>>
        tpu.vector_store_idx %scatter3A_700[%add3A_187], %get3A_698 : memref<256xf32, #tpu.memory_space<vmem>>[vector<16xi32>], vector<16xf32>,
        %get3A_701 = arith.constant 8 : i32
        %get3A_702 = arith.index_cast %get3A_701 : i32 to index
        %get3A_703 = arith.index_cast %add3A_617 : i32 to index
        %get3A_704 = tpu.vector_load %arg8[%get3A_702, %get3A_703] {strides = array<i32>} : memref<16x1024xf32, #tpu.memory_space<vmem>>, vector<16xf32>,
        %get3A_705 = arith.constant 8 : i32
        %get3A_706 = arith.index_cast %get3A_705 : i32 to index
        %get3A_707 = arith.index_cast %add3A_617 : i32 to index
        %get3A_708 = tpu.vector_load %arg9[%get3A_706, %get3A_707] {strides = array<i32>} : memref<16x1024xf32, #tpu.memory_space<vmem>>, vector<16xf32>,
        %scatter3A_709 = tpu.memref_slice %arg10[%add3A_620] : memref<16384xf32, #tpu.memory_space<vmem>> -> memref<256xf32, #tpu.memory_space<vmem>>
        tpu.vector_store_idx %scatter3A_709[%add3A_194], %get3A_704 : memref<256xf32, #tpu.memory_space<vmem>>[vector<16xi32>], vector<16xf32>,
        %scatter3A_710 = tpu.memref_slice %arg11[%add3A_620] : memref<16384xf32, #tpu.memory_space<vmem>> -> memref<256xf32, #tpu.memory_space<vmem>>
        tpu.vector_store_idx %scatter3A_710[%add3A_194], %get3A_708 : memref<256xf32, #tpu.memory_space<vmem>>[vector<16xi32>], vector<16xf32>,
        %get3A_711 = arith.constant 9 : i32
        %get3A_712 = arith.index_cast %get3A_711 : i32 to index
        %get3A_713 = arith.index_cast %add3A_617 : i32 to index
        %get3A_714 = tpu.vector_load %arg8[%get3A_712, %get3A_713] {strides = array<i32>} : memref<16x1024xf32, #tpu.memory_space<vmem>>, vector<16xf32>,
        %get3A_715 = arith.constant 9 : i32
        %get3A_716 = arith.index_cast %get3A_715 : i32 to index
        %get3A_717 = arith.index_cast %add3A_617 : i32 to index
        %get3A_718 = tpu.vector_load %arg9[%get3A_716, %get3A_717] {strides = array<i32>} : memref<16x1024xf32, #tpu.memory_space<vmem>>, vector<16xf32>,
        %scatter3A_719 = tpu.memref_slice %arg10[%add3A_620] : memref<16384xf32, #tpu.memory_space<vmem>> -> memref<256xf32, #tpu.memory_space<vmem>>
        tpu.vector_store_idx %scatter3A_719[%add3A_201], %get3A_714 : memref<256xf32, #tpu.memory_space<vmem>>[vector<16xi32>], vector<16xf32>,
        %scatter3A_720 = tpu.memref_slice %arg11[%add3A_620] : memref<16384xf32, #tpu.memory_space<vmem>> -> memref<256xf32, #tpu.memory_space<vmem>>
        tpu.vector_store_idx %scatter3A_720[%add3A_201], %get3A_718 : memref<256xf32, #tpu.memory_space<vmem>>[vector<16xi32>], vector<16xf32>,
        %get3A_721 = arith.constant 10 : i32
        %get3A_722 = arith.index_cast %get3A_721 : i32 to index
        %get3A_723 = arith.index_cast %add3A_617 : i32 to index
        %get3A_724 = tpu.vector_load %arg8[%get3A_722, %get3A_723] {strides = array<i32>} : memref<16x1024xf32, #tpu.memory_space<vmem>>, vector<16xf32>,
        %get3A_725 = arith.constant 10 : i32
        %get3A_726 = arith.index_cast %get3A_725 : i32 to index
        %get3A_727 = arith.index_cast %add3A_617 : i32 to index
        %get3A_728 = tpu.vector_load %arg9[%get3A_726, %get3A_727] {strides = array<i32>} : memref<16x1024xf32, #tpu.memory_space<vmem>>, vector<16xf32>,
        %scatter3A_729 = tpu.memref_slice %arg10[%add3A_620] : memref<16384xf32, #tpu.memory_space<vmem>> -> memref<256xf32, #tpu.memory_space<vmem>>
        tpu.vector_store_idx %scatter3A_729[%add3A_208], %get3A_724 : memref<256xf32, #tpu.memory_space<vmem>>[vector<16xi32>], vector<16xf32>,
        %scatter3A_730 = tpu.memref_slice %arg11[%add3A_620] : memref<16384xf32, #tpu.memory_space<vmem>> -> memref<256xf32, #tpu.memory_space<vmem>>
        tpu.vector_store_idx %scatter3A_730[%add3A_208], %get3A_728 : memref<256xf32, #tpu.memory_space<vmem>>[vector<16xi32>], vector<16xf32>,
        %get3A_731 = arith.constant 11 : i32
        %get3A_732 = arith.index_cast %get3A_731 : i32 to index
        %get3A_733 = arith.index_cast %add3A_617 : i32 to index
        %get3A_734 = tpu.vector_load %arg8[%get3A_732, %get3A_733] {strides = array<i32>} : memref<16x1024xf32, #tpu.memory_space<vmem>>, vector<16xf32>,
        %get3A_735 = arith.constant 11 : i32
        %get3A_736 = arith.index_cast %get3A_735 : i32 to index
        %get3A_737 = arith.index_cast %add3A_617 : i32 to index
        %get3A_738 = tpu.vector_load %arg9[%get3A_736, %get3A_737] {strides = array<i32>} : memref<16x1024xf32, #tpu.memory_space<vmem>>, vector<16xf32>,
        %scatter3A_739 = tpu.memref_slice %arg10[%add3A_620] : memref<16384xf32, #tpu.memory_space<vmem>> -> memref<256xf32, #tpu.memory_space<vmem>>
        tpu.vector_store_idx %scatter3A_739[%add3A_215], %get3A_734 : memref<256xf32, #tpu.memory_space<vmem>>[vector<16xi32>], vector<16xf32>,
        %scatter3A_740 = tpu.memref_slice %arg11[%add3A_620] : memref<16384xf32, #tpu.memory_space<vmem>> -> memref<256xf32, #tpu.memory_space<vmem>>
        tpu.vector_store_idx %scatter3A_740[%add3A_215], %get3A_738 : memref<256xf32, #tpu.memory_space<vmem>>[vector<16xi32>], vector<16xf32>,
        %get3A_741 = arith.constant 12 : i32
        %get3A_742 = arith.index_cast %get3A_741 : i32 to index
        %get3A_743 = arith.index_cast %add3A_617 : i32 to index
        %get3A_744 = tpu.vector_load %arg8[%get3A_742, %get3A_743] {strides = array<i32>} : memref<16x1024xf32, #tpu.memory_space<vmem>>, vector<16xf32>,
        %get3A_745 = arith.constant 12 : i32
        %get3A_746 = arith.index_cast %get3A_745 : i32 to index
        %get3A_747 = arith.index_cast %add3A_617 : i32 to index
        %get3A_748 = tpu.vector_load %arg9[%get3A_746, %get3A_747] {strides = array<i32>} : memref<16x1024xf32, #tpu.memory_space<vmem>>, vector<16xf32>,
        %scatter3A_749 = tpu.memref_slice %arg10[%add3A_620] : memref<16384xf32, #tpu.memory_space<vmem>> -> memref<256xf32, #tpu.memory_space<vmem>>
        tpu.vector_store_idx %scatter3A_749[%add3A_222], %get3A_744 : memref<256xf32, #tpu.memory_space<vmem>>[vector<16xi32>], vector<16xf32>,
        %scatter3A_750 = tpu.memref_slice %arg11[%add3A_620] : memref<16384xf32, #tpu.memory_space<vmem>> -> memref<256xf32, #tpu.memory_space<vmem>>
        tpu.vector_store_idx %scatter3A_750[%add3A_222], %get3A_748 : memref<256xf32, #tpu.memory_space<vmem>>[vector<16xi32>], vector<16xf32>,
        %get3A_751 = arith.constant 13 : i32
        %get3A_752 = arith.index_cast %get3A_751 : i32 to index
        %get3A_753 = arith.index_cast %add3A_617 : i32 to index
        %get3A_754 = tpu.vector_load %arg8[%get3A_752, %get3A_753] {strides = array<i32>} : memref<16x1024xf32, #tpu.memory_space<vmem>>, vector<16xf32>,
        %get3A_755 = arith.constant 13 : i32
        %get3A_756 = arith.index_cast %get3A_755 : i32 to index
        %get3A_757 = arith.index_cast %add3A_617 : i32 to index
        %get3A_758 = tpu.vector_load %arg9[%get3A_756, %get3A_757] {strides = array<i32>} : memref<16x1024xf32, #tpu.memory_space<vmem>>, vector<16xf32>,
        %scatter3A_759 = tpu.memref_slice %arg10[%add3A_620] : memref<16384xf32, #tpu.memory_space<vmem>> -> memref<256xf32, #tpu.memory_space<vmem>>
        tpu.vector_store_idx %scatter3A_759[%add3A_229], %get3A_754 : memref<256xf32, #tpu.memory_space<vmem>>[vector<16xi32>], vector<16xf32>,
        %scatter3A_760 = tpu.memref_slice %arg11[%add3A_620] : memref<16384xf32, #tpu.memory_space<vmem>> -> memref<256xf32, #tpu.memory_space<vmem>>
        tpu.vector_store_idx %scatter3A_760[%add3A_229], %get3A_758 : memref<256xf32, #tpu.memory_space<vmem>>[vector<16xi32>], vector<16xf32>,
        %get3A_761 = arith.constant 14 : i32
        %get3A_762 = arith.index_cast %get3A_761 : i32 to index
        %get3A_763 = arith.index_cast %add3A_617 : i32 to index
        %get3A_764 = tpu.vector_load %arg8[%get3A_762, %get3A_763] {strides = array<i32>} : memref<16x1024xf32, #tpu.memory_space<vmem>>, vector<16xf32>,
        %get3A_765 = arith.constant 14 : i32
        %get3A_766 = arith.index_cast %get3A_765 : i32 to index
        %get3A_767 = arith.index_cast %add3A_617 : i32 to index
        %get3A_768 = tpu.vector_load %arg9[%get3A_766, %get3A_767] {strides = array<i32>} : memref<16x1024xf32, #tpu.memory_space<vmem>>, vector<16xf32>,
        %scatter3A_769 = tpu.memref_slice %arg10[%add3A_620] : memref<16384xf32, #tpu.memory_space<vmem>> -> memref<256xf32, #tpu.memory_space<vmem>>
        tpu.vector_store_idx %scatter3A_769[%add3A_236], %get3A_764 : memref<256xf32, #tpu.memory_space<vmem>>[vector<16xi32>], vector<16xf32>,
        %scatter3A_770 = tpu.memref_slice %arg11[%add3A_620] : memref<16384xf32, #tpu.memory_space<vmem>> -> memref<256xf32, #tpu.memory_space<vmem>>
        tpu.vector_store_idx %scatter3A_770[%add3A_236], %get3A_768 : memref<256xf32, #tpu.memory_space<vmem>>[vector<16xi32>], vector<16xf32>,
        %get3A_771 = arith.constant 15 : i32
        %get3A_772 = arith.index_cast %get3A_771 : i32 to index
        %get3A_773 = arith.index_cast %add3A_617 : i32 to index
        %get3A_774 = tpu.vector_load %arg8[%get3A_772, %get3A_773] {strides = array<i32>} : memref<16x1024xf32, #tpu.memory_space<vmem>>, vector<16xf32>,
        %get3A_775 = arith.constant 15 : i32
        %get3A_776 = arith.index_cast %get3A_775 : i32 to index
        %get3A_777 = arith.index_cast %add3A_617 : i32 to index
        %get3A_778 = tpu.vector_load %arg9[%get3A_776, %get3A_777] {strides = array<i32>} : memref<16x1024xf32, #tpu.memory_space<vmem>>, vector<16xf32>,
        %scatter3A_779 = tpu.memref_slice %arg10[%add3A_620] : memref<16384xf32, #tpu.memory_space<vmem>> -> memref<256xf32, #tpu.memory_space<vmem>>
        tpu.vector_store_idx %scatter3A_779[%add3A_243], %get3A_774 : memref<256xf32, #tpu.memory_space<vmem>>[vector<16xi32>], vector<16xf32>,
        %scatter3A_780 = tpu.memref_slice %arg11[%add3A_620] : memref<16384xf32, #tpu.memory_space<vmem>> -> memref<256xf32, #tpu.memory_space<vmem>>
        tpu.vector_store_idx %scatter3A_780[%add3A_243], %get3A_778 : memref<256xf32, #tpu.memory_space<vmem>>[vector<16xi32>], vector<16xf32>,
        %scan3A_781 = arith.constant 3 : i32
        %scan3A_782 = arith.addi %scan3A_280, %scan3A_781 : i32
        %mul3A_783 = arith.constant 16 : i32
        %mul3A_784 = arith.muli %scan3A_782, %mul3A_783 : i32
        %add3A_785 = arith.addi %mul3A_130, %mul3A_784 : i32
        %mul3A_786 = arith.constant 256 : i32
        %mul3A_787 = arith.muli %scan3A_782, %mul3A_786 : i32
        %add3A_788 = arith.addi %mul3A_132, %mul3A_787 : i32
        %get3A_789 = arith.constant 0 : i32
        %get3A_790 = arith.index_cast %get3A_789 : i32 to index
        %get3A_791 = arith.index_cast %add3A_785 : i32 to index
        %get3A_792 = tpu.vector_load %arg8[%get3A_790, %get3A_791] {strides = array<i32>} : memref<16x1024xf32, #tpu.memory_space<vmem>>, vector<16xf32>,
        %get3A_793 = arith.constant 0 : i32
        %get3A_794 = arith.index_cast %get3A_793 : i32 to index
        %get3A_795 = arith.index_cast %add3A_785 : i32 to index
        %get3A_796 = tpu.vector_load %arg9[%get3A_794, %get3A_795] {strides = array<i32>} : memref<16x1024xf32, #tpu.memory_space<vmem>>, vector<16xf32>,
        %scatter3A_797 = tpu.memref_slice %arg10[%add3A_788] : memref<16384xf32, #tpu.memory_space<vmem>> -> memref<256xf32, #tpu.memory_space<vmem>>
        tpu.vector_store_idx %scatter3A_797[%add3A_138], %get3A_792 : memref<256xf32, #tpu.memory_space<vmem>>[vector<16xi32>], vector<16xf32>,
        %scatter3A_798 = tpu.memref_slice %arg11[%add3A_788] : memref<16384xf32, #tpu.memory_space<vmem>> -> memref<256xf32, #tpu.memory_space<vmem>>
        tpu.vector_store_idx %scatter3A_798[%add3A_138], %get3A_796 : memref<256xf32, #tpu.memory_space<vmem>>[vector<16xi32>], vector<16xf32>,
        %get3A_799 = arith.constant 1 : i32
        %get3A_800 = arith.index_cast %get3A_799 : i32 to index
        %get3A_801 = arith.index_cast %add3A_785 : i32 to index
        %get3A_802 = tpu.vector_load %arg8[%get3A_800, %get3A_801] {strides = array<i32>} : memref<16x1024xf32, #tpu.memory_space<vmem>>, vector<16xf32>,
        %get3A_803 = arith.constant 1 : i32
        %get3A_804 = arith.index_cast %get3A_803 : i32 to index
        %get3A_805 = arith.index_cast %add3A_785 : i32 to index
        %get3A_806 = tpu.vector_load %arg9[%get3A_804, %get3A_805] {strides = array<i32>} : memref<16x1024xf32, #tpu.memory_space<vmem>>, vector<16xf32>,
        %scatter3A_807 = tpu.memref_slice %arg10[%add3A_788] : memref<16384xf32, #tpu.memory_space<vmem>> -> memref<256xf32, #tpu.memory_space<vmem>>
        tpu.vector_store_idx %scatter3A_807[%add3A_145], %get3A_802 : memref<256xf32, #tpu.memory_space<vmem>>[vector<16xi32>], vector<16xf32>,
        %scatter3A_808 = tpu.memref_slice %arg11[%add3A_788] : memref<16384xf32, #tpu.memory_space<vmem>> -> memref<256xf32, #tpu.memory_space<vmem>>
        tpu.vector_store_idx %scatter3A_808[%add3A_145], %get3A_806 : memref<256xf32, #tpu.memory_space<vmem>>[vector<16xi32>], vector<16xf32>,
        %get3A_809 = arith.constant 2 : i32
        %get3A_810 = arith.index_cast %get3A_809 : i32 to index
        %get3A_811 = arith.index_cast %add3A_785 : i32 to index
        %get3A_812 = tpu.vector_load %arg8[%get3A_810, %get3A_811] {strides = array<i32>} : memref<16x1024xf32, #tpu.memory_space<vmem>>, vector<16xf32>,
        %get3A_813 = arith.constant 2 : i32
        %get3A_814 = arith.index_cast %get3A_813 : i32 to index
        %get3A_815 = arith.index_cast %add3A_785 : i32 to index
        %get3A_816 = tpu.vector_load %arg9[%get3A_814, %get3A_815] {strides = array<i32>} : memref<16x1024xf32, #tpu.memory_space<vmem>>, vector<16xf32>,
        %scatter3A_817 = tpu.memref_slice %arg10[%add3A_788] : memref<16384xf32, #tpu.memory_space<vmem>> -> memref<256xf32, #tpu.memory_space<vmem>>
        tpu.vector_store_idx %scatter3A_817[%add3A_152], %get3A_812 : memref<256xf32, #tpu.memory_space<vmem>>[vector<16xi32>], vector<16xf32>,
        %scatter3A_818 = tpu.memref_slice %arg11[%add3A_788] : memref<16384xf32, #tpu.memory_space<vmem>> -> memref<256xf32, #tpu.memory_space<vmem>>
        tpu.vector_store_idx %scatter3A_818[%add3A_152], %get3A_816 : memref<256xf32, #tpu.memory_space<vmem>>[vector<16xi32>], vector<16xf32>,
        %get3A_819 = arith.constant 3 : i32
        %get3A_820 = arith.index_cast %get3A_819 : i32 to index
        %get3A_821 = arith.index_cast %add3A_785 : i32 to index
        %get3A_822 = tpu.vector_load %arg8[%get3A_820, %get3A_821] {strides = array<i32>} : memref<16x1024xf32, #tpu.memory_space<vmem>>, vector<16xf32>,
        %get3A_823 = arith.constant 3 : i32
        %get3A_824 = arith.index_cast %get3A_823 : i32 to index
        %get3A_825 = arith.index_cast %add3A_785 : i32 to index
        %get3A_826 = tpu.vector_load %arg9[%get3A_824, %get3A_825] {strides = array<i32>} : memref<16x1024xf32, #tpu.memory_space<vmem>>, vector<16xf32>,
        %scatter3A_827 = tpu.memref_slice %arg10[%add3A_788] : memref<16384xf32, #tpu.memory_space<vmem>> -> memref<256xf32, #tpu.memory_space<vmem>>
        tpu.vector_store_idx %scatter3A_827[%add3A_159], %get3A_822 : memref<256xf32, #tpu.memory_space<vmem>>[vector<16xi32>], vector<16xf32>,
        %scatter3A_828 = tpu.memref_slice %arg11[%add3A_788] : memref<16384xf32, #tpu.memory_space<vmem>> -> memref<256xf32, #tpu.memory_space<vmem>>
        tpu.vector_store_idx %scatter3A_828[%add3A_159], %get3A_826 : memref<256xf32, #tpu.memory_space<vmem>>[vector<16xi32>], vector<16xf32>,
        %get3A_829 = arith.constant 4 : i32
        %get3A_830 = arith.index_cast %get3A_829 : i32 to index
        %get3A_831 = arith.index_cast %add3A_785 : i32 to index
        %get3A_832 = tpu.vector_load %arg8[%get3A_830, %get3A_831] {strides = array<i32>} : memref<16x1024xf32, #tpu.memory_space<vmem>>, vector<16xf32>,
        %get3A_833 = arith.constant 4 : i32
        %get3A_834 = arith.index_cast %get3A_833 : i32 to index
        %get3A_835 = arith.index_cast %add3A_785 : i32 to index
        %get3A_836 = tpu.vector_load %arg9[%get3A_834, %get3A_835] {strides = array<i32>} : memref<16x1024xf32, #tpu.memory_space<vmem>>, vector<16xf32>,
        %scatter3A_837 = tpu.memref_slice %arg10[%add3A_788] : memref<16384xf32, #tpu.memory_space<vmem>> -> memref<256xf32, #tpu.memory_space<vmem>>
        tpu.vector_store_idx %scatter3A_837[%add3A_166], %get3A_832 : memref<256xf32, #tpu.memory_space<vmem>>[vector<16xi32>], vector<16xf32>,
        %scatter3A_838 = tpu.memref_slice %arg11[%add3A_788] : memref<16384xf32, #tpu.memory_space<vmem>> -> memref<256xf32, #tpu.memory_space<vmem>>
        tpu.vector_store_idx %scatter3A_838[%add3A_166], %get3A_836 : memref<256xf32, #tpu.memory_space<vmem>>[vector<16xi32>], vector<16xf32>,
        %get3A_839 = arith.constant 5 : i32
        %get3A_840 = arith.index_cast %get3A_839 : i32 to index
        %get3A_841 = arith.index_cast %add3A_785 : i32 to index
        %get3A_842 = tpu.vector_load %arg8[%get3A_840, %get3A_841] {strides = array<i32>} : memref<16x1024xf32, #tpu.memory_space<vmem>>, vector<16xf32>,
        %get3A_843 = arith.constant 5 : i32
        %get3A_844 = arith.index_cast %get3A_843 : i32 to index
        %get3A_845 = arith.index_cast %add3A_785 : i32 to index
        %get3A_846 = tpu.vector_load %arg9[%get3A_844, %get3A_845] {strides = array<i32>} : memref<16x1024xf32, #tpu.memory_space<vmem>>, vector<16xf32>,
        %scatter3A_847 = tpu.memref_slice %arg10[%add3A_788] : memref<16384xf32, #tpu.memory_space<vmem>> -> memref<256xf32, #tpu.memory_space<vmem>>
        tpu.vector_store_idx %scatter3A_847[%add3A_173], %get3A_842 : memref<256xf32, #tpu.memory_space<vmem>>[vector<16xi32>], vector<16xf32>,
        %scatter3A_848 = tpu.memref_slice %arg11[%add3A_788] : memref<16384xf32, #tpu.memory_space<vmem>> -> memref<256xf32, #tpu.memory_space<vmem>>
        tpu.vector_store_idx %scatter3A_848[%add3A_173], %get3A_846 : memref<256xf32, #tpu.memory_space<vmem>>[vector<16xi32>], vector<16xf32>,
        %get3A_849 = arith.constant 6 : i32
        %get3A_850 = arith.index_cast %get3A_849 : i32 to index
        %get3A_851 = arith.index_cast %add3A_785 : i32 to index
        %get3A_852 = tpu.vector_load %arg8[%get3A_850, %get3A_851] {strides = array<i32>} : memref<16x1024xf32, #tpu.memory_space<vmem>>, vector<16xf32>,
        %get3A_853 = arith.constant 6 : i32
        %get3A_854 = arith.index_cast %get3A_853 : i32 to index
        %get3A_855 = arith.index_cast %add3A_785 : i32 to index
        %get3A_856 = tpu.vector_load %arg9[%get3A_854, %get3A_855] {strides = array<i32>} : memref<16x1024xf32, #tpu.memory_space<vmem>>, vector<16xf32>,
        %scatter3A_857 = tpu.memref_slice %arg10[%add3A_788] : memref<16384xf32, #tpu.memory_space<vmem>> -> memref<256xf32, #tpu.memory_space<vmem>>
        tpu.vector_store_idx %scatter3A_857[%add3A_180], %get3A_852 : memref<256xf32, #tpu.memory_space<vmem>>[vector<16xi32>], vector<16xf32>,
        %scatter3A_858 = tpu.memref_slice %arg11[%add3A_788] : memref<16384xf32, #tpu.memory_space<vmem>> -> memref<256xf32, #tpu.memory_space<vmem>>
        tpu.vector_store_idx %scatter3A_858[%add3A_180], %get3A_856 : memref<256xf32, #tpu.memory_space<vmem>>[vector<16xi32>], vector<16xf32>,
        %get3A_859 = arith.constant 7 : i32
        %get3A_860 = arith.index_cast %get3A_859 : i32 to index
        %get3A_861 = arith.index_cast %add3A_785 : i32 to index
        %get3A_862 = tpu.vector_load %arg8[%get3A_860, %get3A_861] {strides = array<i32>} : memref<16x1024xf32, #tpu.memory_space<vmem>>, vector<16xf32>,
        %get3A_863 = arith.constant 7 : i32
        %get3A_864 = arith.index_cast %get3A_863 : i32 to index
        %get3A_865 = arith.index_cast %add3A_785 : i32 to index
        %get3A_866 = tpu.vector_load %arg9[%get3A_864, %get3A_865] {strides = array<i32>} : memref<16x1024xf32, #tpu.memory_space<vmem>>, vector<16xf32>,
        %scatter3A_867 = tpu.memref_slice %arg10[%add3A_788] : memref<16384xf32, #tpu.memory_space<vmem>> -> memref<256xf32, #tpu.memory_space<vmem>>
        tpu.vector_store_idx %scatter3A_867[%add3A_187], %get3A_862 : memref<256xf32, #tpu.memory_space<vmem>>[vector<16xi32>], vector<16xf32>,
        %scatter3A_868 = tpu.memref_slice %arg11[%add3A_788] : memref<16384xf32, #tpu.memory_space<vmem>> -> memref<256xf32, #tpu.memory_space<vmem>>
        tpu.vector_store_idx %scatter3A_868[%add3A_187], %get3A_866 : memref<256xf32, #tpu.memory_space<vmem>>[vector<16xi32>], vector<16xf32>,
        %get3A_869 = arith.constant 8 : i32
        %get3A_870 = arith.index_cast %get3A_869 : i32 to index
        %get3A_871 = arith.index_cast %add3A_785 : i32 to index
        %get3A_872 = tpu.vector_load %arg8[%get3A_870, %get3A_871] {strides = array<i32>} : memref<16x1024xf32, #tpu.memory_space<vmem>>, vector<16xf32>,
        %get3A_873 = arith.constant 8 : i32
        %get3A_874 = arith.index_cast %get3A_873 : i32 to index
        %get3A_875 = arith.index_cast %add3A_785 : i32 to index
        %get3A_876 = tpu.vector_load %arg9[%get3A_874, %get3A_875] {strides = array<i32>} : memref<16x1024xf32, #tpu.memory_space<vmem>>, vector<16xf32>,
        %scatter3A_877 = tpu.memref_slice %arg10[%add3A_788] : memref<16384xf32, #tpu.memory_space<vmem>> -> memref<256xf32, #tpu.memory_space<vmem>>
        tpu.vector_store_idx %scatter3A_877[%add3A_194], %get3A_872 : memref<256xf32, #tpu.memory_space<vmem>>[vector<16xi32>], vector<16xf32>,
        %scatter3A_878 = tpu.memref_slice %arg11[%add3A_788] : memref<16384xf32, #tpu.memory_space<vmem>> -> memref<256xf32, #tpu.memory_space<vmem>>
        tpu.vector_store_idx %scatter3A_878[%add3A_194], %get3A_876 : memref<256xf32, #tpu.memory_space<vmem>>[vector<16xi32>], vector<16xf32>,
        %get3A_879 = arith.constant 9 : i32
        %get3A_880 = arith.index_cast %get3A_879 : i32 to index
        %get3A_881 = arith.index_cast %add3A_785 : i32 to index
        %get3A_882 = tpu.vector_load %arg8[%get3A_880, %get3A_881] {strides = array<i32>} : memref<16x1024xf32, #tpu.memory_space<vmem>>, vector<16xf32>,
        %get3A_883 = arith.constant 9 : i32
        %get3A_884 = arith.index_cast %get3A_883 : i32 to index
        %get3A_885 = arith.index_cast %add3A_785 : i32 to index
        %get3A_886 = tpu.vector_load %arg9[%get3A_884, %get3A_885] {strides = array<i32>} : memref<16x1024xf32, #tpu.memory_space<vmem>>, vector<16xf32>,
        %scatter3A_887 = tpu.memref_slice %arg10[%add3A_788] : memref<16384xf32, #tpu.memory_space<vmem>> -> memref<256xf32, #tpu.memory_space<vmem>>
        tpu.vector_store_idx %scatter3A_887[%add3A_201], %get3A_882 : memref<256xf32, #tpu.memory_space<vmem>>[vector<16xi32>], vector<16xf32>,
        %scatter3A_888 = tpu.memref_slice %arg11[%add3A_788] : memref<16384xf32, #tpu.memory_space<vmem>> -> memref<256xf32, #tpu.memory_space<vmem>>
        tpu.vector_store_idx %scatter3A_888[%add3A_201], %get3A_886 : memref<256xf32, #tpu.memory_space<vmem>>[vector<16xi32>], vector<16xf32>,
        %get3A_889 = arith.constant 10 : i32
        %get3A_890 = arith.index_cast %get3A_889 : i32 to index
        %get3A_891 = arith.index_cast %add3A_785 : i32 to index
        %get3A_892 = tpu.vector_load %arg8[%get3A_890, %get3A_891] {strides = array<i32>} : memref<16x1024xf32, #tpu.memory_space<vmem>>, vector<16xf32>,
        %get3A_893 = arith.constant 10 : i32
        %get3A_894 = arith.index_cast %get3A_893 : i32 to index
        %get3A_895 = arith.index_cast %add3A_785 : i32 to index
        %get3A_896 = tpu.vector_load %arg9[%get3A_894, %get3A_895] {strides = array<i32>} : memref<16x1024xf32, #tpu.memory_space<vmem>>, vector<16xf32>,
        %scatter3A_897 = tpu.memref_slice %arg10[%add3A_788] : memref<16384xf32, #tpu.memory_space<vmem>> -> memref<256xf32, #tpu.memory_space<vmem>>
        tpu.vector_store_idx %scatter3A_897[%add3A_208], %get3A_892 : memref<256xf32, #tpu.memory_space<vmem>>[vector<16xi32>], vector<16xf32>,
        %scatter3A_898 = tpu.memref_slice %arg11[%add3A_788] : memref<16384xf32, #tpu.memory_space<vmem>> -> memref<256xf32, #tpu.memory_space<vmem>>
        tpu.vector_store_idx %scatter3A_898[%add3A_208], %get3A_896 : memref<256xf32, #tpu.memory_space<vmem>>[vector<16xi32>], vector<16xf32>,
        %get3A_899 = arith.constant 11 : i32
        %get3A_900 = arith.index_cast %get3A_899 : i32 to index
        %get3A_901 = arith.index_cast %add3A_785 : i32 to index
        %get3A_902 = tpu.vector_load %arg8[%get3A_900, %get3A_901] {strides = array<i32>} : memref<16x1024xf32, #tpu.memory_space<vmem>>, vector<16xf32>,
        %get3A_903 = arith.constant 11 : i32
        %get3A_904 = arith.index_cast %get3A_903 : i32 to index
        %get3A_905 = arith.index_cast %add3A_785 : i32 to index
        %get3A_906 = tpu.vector_load %arg9[%get3A_904, %get3A_905] {strides = array<i32>} : memref<16x1024xf32, #tpu.memory_space<vmem>>, vector<16xf32>,
        %scatter3A_907 = tpu.memref_slice %arg10[%add3A_788] : memref<16384xf32, #tpu.memory_space<vmem>> -> memref<256xf32, #tpu.memory_space<vmem>>
        tpu.vector_store_idx %scatter3A_907[%add3A_215], %get3A_902 : memref<256xf32, #tpu.memory_space<vmem>>[vector<16xi32>], vector<16xf32>,
        %scatter3A_908 = tpu.memref_slice %arg11[%add3A_788] : memref<16384xf32, #tpu.memory_space<vmem>> -> memref<256xf32, #tpu.memory_space<vmem>>
        tpu.vector_store_idx %scatter3A_908[%add3A_215], %get3A_906 : memref<256xf32, #tpu.memory_space<vmem>>[vector<16xi32>], vector<16xf32>,
        %get3A_909 = arith.constant 12 : i32
        %get3A_910 = arith.index_cast %get3A_909 : i32 to index
        %get3A_911 = arith.index_cast %add3A_785 : i32 to index
        %get3A_912 = tpu.vector_load %arg8[%get3A_910, %get3A_911] {strides = array<i32>} : memref<16x1024xf32, #tpu.memory_space<vmem>>, vector<16xf32>,
        %get3A_913 = arith.constant 12 : i32
        %get3A_914 = arith.index_cast %get3A_913 : i32 to index
        %get3A_915 = arith.index_cast %add3A_785 : i32 to index
        %get3A_916 = tpu.vector_load %arg9[%get3A_914, %get3A_915] {strides = array<i32>} : memref<16x1024xf32, #tpu.memory_space<vmem>>, vector<16xf32>,
        %scatter3A_917 = tpu.memref_slice %arg10[%add3A_788] : memref<16384xf32, #tpu.memory_space<vmem>> -> memref<256xf32, #tpu.memory_space<vmem>>
        tpu.vector_store_idx %scatter3A_917[%add3A_222], %get3A_912 : memref<256xf32, #tpu.memory_space<vmem>>[vector<16xi32>], vector<16xf32>,
        %scatter3A_918 = tpu.memref_slice %arg11[%add3A_788] : memref<16384xf32, #tpu.memory_space<vmem>> -> memref<256xf32, #tpu.memory_space<vmem>>
        tpu.vector_store_idx %scatter3A_918[%add3A_222], %get3A_916 : memref<256xf32, #tpu.memory_space<vmem>>[vector<16xi32>], vector<16xf32>,
        %get3A_919 = arith.constant 13 : i32
        %get3A_920 = arith.index_cast %get3A_919 : i32 to index
        %get3A_921 = arith.index_cast %add3A_785 : i32 to index
        %get3A_922 = tpu.vector_load %arg8[%get3A_920, %get3A_921] {strides = array<i32>} : memref<16x1024xf32, #tpu.memory_space<vmem>>, vector<16xf32>,
        %get3A_923 = arith.constant 13 : i32
        %get3A_924 = arith.index_cast %get3A_923 : i32 to index
        %get3A_925 = arith.index_cast %add3A_785 : i32 to index
        %get3A_926 = tpu.vector_load %arg9[%get3A_924, %get3A_925] {strides = array<i32>} : memref<16x1024xf32, #tpu.memory_space<vmem>>, vector<16xf32>,
        %scatter3A_927 = tpu.memref_slice %arg10[%add3A_788] : memref<16384xf32, #tpu.memory_space<vmem>> -> memref<256xf32, #tpu.memory_space<vmem>>
        tpu.vector_store_idx %scatter3A_927[%add3A_229], %get3A_922 : memref<256xf32, #tpu.memory_space<vmem>>[vector<16xi32>], vector<16xf32>,
        %scatter3A_928 = tpu.memref_slice %arg11[%add3A_788] : memref<16384xf32, #tpu.memory_space<vmem>> -> memref<256xf32, #tpu.memory_space<vmem>>
        tpu.vector_store_idx %scatter3A_928[%add3A_229], %get3A_926 : memref<256xf32, #tpu.memory_space<vmem>>[vector<16xi32>], vector<16xf32>,
        %get3A_929 = arith.constant 14 : i32
        %get3A_930 = arith.index_cast %get3A_929 : i32 to index
        %get3A_931 = arith.index_cast %add3A_785 : i32 to index
        %get3A_932 = tpu.vector_load %arg8[%get3A_930, %get3A_931] {strides = array<i32>} : memref<16x1024xf32, #tpu.memory_space<vmem>>, vector<16xf32>,
        %get3A_933 = arith.constant 14 : i32
        %get3A_934 = arith.index_cast %get3A_933 : i32 to index
        %get3A_935 = arith.index_cast %add3A_785 : i32 to index
        %get3A_936 = tpu.vector_load %arg9[%get3A_934, %get3A_935] {strides = array<i32>} : memref<16x1024xf32, #tpu.memory_space<vmem>>, vector<16xf32>,
        %scatter3A_937 = tpu.memref_slice %arg10[%add3A_788] : memref<16384xf32, #tpu.memory_space<vmem>> -> memref<256xf32, #tpu.memory_space<vmem>>
        tpu.vector_store_idx %scatter3A_937[%add3A_236], %get3A_932 : memref<256xf32, #tpu.memory_space<vmem>>[vector<16xi32>], vector<16xf32>,
        %scatter3A_938 = tpu.memref_slice %arg11[%add3A_788] : memref<16384xf32, #tpu.memory_space<vmem>> -> memref<256xf32, #tpu.memory_space<vmem>>
        tpu.vector_store_idx %scatter3A_938[%add3A_236], %get3A_936 : memref<256xf32, #tpu.memory_space<vmem>>[vector<16xi32>], vector<16xf32>,
        %get3A_939 = arith.constant 15 : i32
        %get3A_940 = arith.index_cast %get3A_939 : i32 to index
        %get3A_941 = arith.index_cast %add3A_785 : i32 to index
        %get3A_942 = tpu.vector_load %arg8[%get3A_940, %get3A_941] {strides = array<i32>} : memref<16x1024xf32, #tpu.memory_space<vmem>>, vector<16xf32>,
        %get3A_943 = arith.constant 15 : i32
        %get3A_944 = arith.index_cast %get3A_943 : i32 to index
        %get3A_945 = arith.index_cast %add3A_785 : i32 to index
        %get3A_946 = tpu.vector_load %arg9[%get3A_944, %get3A_945] {strides = array<i32>} : memref<16x1024xf32, #tpu.memory_space<vmem>>, vector<16xf32>,
        %scatter3A_947 = tpu.memref_slice %arg10[%add3A_788] : memref<16384xf32, #tpu.memory_space<vmem>> -> memref<256xf32, #tpu.memory_space<vmem>>
        tpu.vector_store_idx %scatter3A_947[%add3A_243], %get3A_942 : memref<256xf32, #tpu.memory_space<vmem>>[vector<16xi32>], vector<16xf32>,
        %scatter3A_948 = tpu.memref_slice %arg11[%add3A_788] : memref<16384xf32, #tpu.memory_space<vmem>> -> memref<256xf32, #tpu.memory_space<vmem>>
        tpu.vector_store_idx %scatter3A_948[%add3A_243], %get3A_946 : memref<256xf32, #tpu.memory_space<vmem>>[vector<16xi32>], vector<16xf32>,
      }
      %scan3A_248 = arith.constant 32 : i32
      %sub3A_249 = arith.subi %while3A_78, %mul3A_2 : i32
      %jit3A_250 = arith.constant 2 : i32
      %eq3A_251 = arith.constant 0 : i32
      %eq3A_252 = arith.cmpi eq, %jit3A_250, %eq3A_251 : i32
      %jit3A_253 = arith.constant 1 : i32
      %select_n3A_254 = arith.select %eq3A_252, %jit3A_253, %jit3A_250 : i32
      %rem3A_255 = arith.remsi %sub3A_249, %select_n3A_254 : i32
      %ne3A_256 = arith.constant 0 : i32
      %ne3A_257 = arith.cmpi ne, %rem3A_255, %ne3A_256 : i32
      %lt3A_258 = arith.constant 0 : i32
      %lt3A_259 = arith.cmpi slt, %rem3A_255, %lt3A_258 : i32
      %lt3A_260 = arith.constant 0 : i32
      %lt3A_261 = arith.cmpi slt, %select_n3A_254, %lt3A_260 : i32
      %ne3A_262 = arith.xori %lt3A_259, %lt3A_261 : i1
      %and3A_263 = arith.andi %ne3A_262, %ne3A_257 : i1
      %add3A_264 = arith.addi %rem3A_255, %select_n3A_254 : i32
      %select_n3A_265 = arith.select %and3A_263, %add3A_264, %rem3A_255 : i32
      %mul3A_266 = arith.constant 8192 : i32
      %mul3A_267 = arith.muli %while3A_78, %mul3A_266 : i32
      %mul3A_268 = arith.constant 8192 : i32
      %mul3A_269 = arith.muli %select_n3A_265, %mul3A_268 : i32
      %dma_start3A_270 = tpu.memref_slice %arg10[%mul3A_269] : memref<16384xf32, #tpu.memory_space<vmem>> -> memref<8192xf32, #tpu.memory_space<vmem>>
      %dma_start3A_271 = tpu.memref_slice %arg6[%mul3A_267] : memref<41601024xf32, #tpu.memory_space<hbm>> -> memref<8192xf32, #tpu.memory_space<hbm>>
      %dma_start3A_272 = tpu.memref_slice %arg6[%mul3A_267] : memref<41601024xf32, #tpu.memory_space<hbm>> -> memref<8192xf32, #tpu.memory_space<hbm>>
      %dma_start3A_273 = tpu.memref_slice %arg10[%mul3A_269] : memref<16384xf32, #tpu.memory_space<vmem>> -> memref<8192xf32, #tpu.memory_space<vmem>>
      tpu.enqueue_dma source(%dma_start3A_273 : memref<8192xf32, #tpu.memory_space<vmem>>) target(%dma_start3A_272 : memref<8192xf32, #tpu.memory_space<hbm>>) target_semaphore(%arg13 : memref<!tpu.dma_semaphore, #tpu.memory_space<semaphore_mem>>)
      %mul3A_274 = arith.constant 8192 : i32
      %mul3A_275 = arith.muli %select_n3A_265, %mul3A_274 : i32
      %dma_start3A_276 = tpu.memref_slice %arg11[%mul3A_275] : memref<16384xf32, #tpu.memory_space<vmem>> -> memref<8192xf32, #tpu.memory_space<vmem>>
      %dma_start3A_277 = tpu.memref_slice %arg7[%mul3A_267] : memref<41601024xf32, #tpu.memory_space<hbm>> -> memref<8192xf32, #tpu.memory_space<hbm>>
      %dma_start3A_278 = tpu.memref_slice %arg7[%mul3A_267] : memref<41601024xf32, #tpu.memory_space<hbm>> -> memref<8192xf32, #tpu.memory_space<hbm>>
      %dma_start3A_279 = tpu.memref_slice %arg11[%mul3A_275] : memref<16384xf32, #tpu.memory_space<vmem>> -> memref<8192xf32, #tpu.memory_space<vmem>>
      tpu.enqueue_dma source(%dma_start3A_279 : memref<8192xf32, #tpu.memory_space<vmem>>) target(%dma_start3A_278 : memref<8192xf32, #tpu.memory_space<hbm>>) target_semaphore(%arg13 : memref<!tpu.dma_semaphore, #tpu.memory_space<semaphore_mem>>)
    }
    %while3A_43 = arith.constant 1 : i32
    scf.for %while3A_78 = %while3A_41 to %while3A_37 step %while3A_43  : i32 {
      %sub3A_79 = arith.subi %while3A_78, %mul3A_2 : i32
      %jit3A_80 = arith.constant 2 : i32
      %eq3A_81 = arith.constant 0 : i32
      %eq3A_82 = arith.cmpi eq, %jit3A_80, %eq3A_81 : i32
      %jit3A_83 = arith.constant 1 : i32
      %select_n3A_84 = arith.select %eq3A_82, %jit3A_83, %jit3A_80 : i32
      %rem3A_85 = arith.remsi %sub3A_79, %select_n3A_84 : i32
      %ne3A_86 = arith.constant 0 : i32
      %ne3A_87 = arith.cmpi ne, %rem3A_85, %ne3A_86 : i32
      %lt3A_88 = arith.constant 0 : i32
      %lt3A_89 = arith.cmpi slt, %rem3A_85, %lt3A_88 : i32
      %lt3A_90 = arith.constant 0 : i32
      %lt3A_91 = arith.cmpi slt, %select_n3A_84, %lt3A_90 : i32
      %ne3A_92 = arith.xori %lt3A_89, %lt3A_91 : i1
      %and3A_93 = arith.andi %ne3A_92, %ne3A_87 : i1
      %add3A_94 = arith.addi %rem3A_85, %select_n3A_84 : i32
      %select_n3A_95 = arith.select %and3A_93, %add3A_94, %rem3A_85 : i32
      %add3A_96 = arith.constant 1 : i32
      %add3A_97 = arith.addi %while3A_78, %add3A_96 : i32
      %lt3A_98 = arith.cmpi slt, %add3A_97, %min3A_5 : i32
      %convert_element_type3A_99 = arith.extui %lt3A_98 : i1 to i32
      %cond3A_100 = arith.constant 0 : i32
      %cond3A_101 = arith.cmpi ne, %convert_element_type3A_99, %cond3A_100 : i32
      scf.if %cond3A_101 {
        %add3A_280 = arith.constant 1 : i32
        %add3A_281 = arith.addi %while3A_78, %add3A_280 : i32
        %sub3A_282 = arith.subi %add3A_281, %mul3A_2 : i32
        %jit3A_283 = arith.constant 2 : i32
        %eq3A_284 = arith.constant 0 : i32
        %eq3A_285 = arith.cmpi eq, %jit3A_283, %eq3A_284 : i32
        %jit3A_286 = arith.constant 1 : i32
        %select_n3A_287 = arith.select %eq3A_285, %jit3A_286, %jit3A_283 : i32
        %rem3A_288 = arith.remsi %sub3A_282, %select_n3A_287 : i32
        %ne3A_289 = arith.constant 0 : i32
        %ne3A_290 = arith.cmpi ne, %rem3A_288, %ne3A_289 : i32
        %lt3A_291 = arith.constant 0 : i32
        %lt3A_292 = arith.cmpi slt, %rem3A_288, %lt3A_291 : i32
        %lt3A_293 = arith.constant 0 : i32
        %lt3A_294 = arith.cmpi slt, %select_n3A_287, %lt3A_293 : i32
        %ne3A_295 = arith.xori %lt3A_292, %lt3A_294 : i1
        %and3A_296 = arith.andi %ne3A_295, %ne3A_290 : i1
        %add3A_297 = arith.addi %rem3A_288, %select_n3A_287 : i32
        %select_n3A_298 = arith.select %and3A_296, %add3A_297, %rem3A_288 : i32
        %mul3A_299 = arith.constant 512 : i32
        %mul3A_300 = arith.muli %add3A_281, %mul3A_299 : i32
        %mul3A_301 = arith.constant 512 : i32
        %mul3A_302 = arith.muli %select_n3A_298, %mul3A_301 : i32
        %dma_start3A_303 = arith.constant 0 : i32
        %dma_start3A_304 = tpu.memref_slice %arg8[%dma_start3A_303, %mul3A_302] : memref<16x1024xf32, #tpu.memory_space<vmem>> -> memref<16x512xf32, #tpu.memory_space<vmem>>
        %dma_start3A_305 = arith.constant 0 : i32
        %dma_start3A_306 = tpu.memref_slice %arg2[%dma_start3A_305, %mul3A_300] : memref<16x2600026xf32, #tpu.memory_space<hbm>> -> memref<16x512xf32, #tpu.memory_space<hbm>>
        %dma_start3A_307 = arith.constant 0 : i32
        %dma_start3A_308 = tpu.memref_slice %arg8[%dma_start3A_307, %mul3A_302] : memref<16x1024xf32, #tpu.memory_space<vmem>> -> memref<16x512xf32, #tpu.memory_space<vmem>>
        %dma_start3A_309 = arith.constant 0 : i32
        %dma_start3A_310 = tpu.memref_slice %arg2[%dma_start3A_309, %mul3A_300] : memref<16x2600026xf32, #tpu.memory_space<hbm>> -> memref<16x512xf32, #tpu.memory_space<hbm>>
        tpu.enqueue_dma source(%dma_start3A_310 : memref<16x512xf32, #tpu.memory_space<hbm>>) target(%dma_start3A_308 : memref<16x512xf32, #tpu.memory_space<vmem>>) target_semaphore(%arg12 : memref<!tpu.dma_semaphore, #tpu.memory_space<semaphore_mem>>)
        %mul3A_311 = arith.constant 512 : i32
        %mul3A_312 = arith.muli %select_n3A_298, %mul3A_311 : i32
        %dma_start3A_313 = arith.constant 0 : i32
        %dma_start3A_314 = tpu.memref_slice %arg9[%dma_start3A_313, %mul3A_312] : memref<16x1024xf32, #tpu.memory_space<vmem>> -> memref<16x512xf32, #tpu.memory_space<vmem>>
        %dma_start3A_315 = arith.constant 0 : i32
        %dma_start3A_316 = tpu.memref_slice %arg3[%dma_start3A_315, %mul3A_300] : memref<16x2600026xf32, #tpu.memory_space<hbm>> -> memref<16x512xf32, #tpu.memory_space<hbm>>
        %dma_start3A_317 = arith.constant 0 : i32
        %dma_start3A_318 = tpu.memref_slice %arg9[%dma_start3A_317, %mul3A_312] : memref<16x1024xf32, #tpu.memory_space<vmem>> -> memref<16x512xf32, #tpu.memory_space<vmem>>
        %dma_start3A_319 = arith.constant 0 : i32
        %dma_start3A_320 = tpu.memref_slice %arg3[%dma_start3A_319, %mul3A_300] : memref<16x2600026xf32, #tpu.memory_space<hbm>> -> memref<16x512xf32, #tpu.memory_space<hbm>>
        tpu.enqueue_dma source(%dma_start3A_320 : memref<16x512xf32, #tpu.memory_space<hbm>>) target(%dma_start3A_318 : memref<16x512xf32, #tpu.memory_space<vmem>>) target_semaphore(%arg12 : memref<!tpu.dma_semaphore, #tpu.memory_space<semaphore_mem>>)
      } else {
      }
      %mul3A_102 = arith.constant 512 : i32
      %mul3A_103 = arith.muli %while3A_78, %mul3A_102 : i32
      %dma_wait3A_104 = arith.constant 0 : i32
      %dma_wait3A_105 = arith.constant 0 : i32
      %dma_wait3A_106 = tpu.memref_slice %arg8[%dma_wait3A_104, %dma_wait3A_105] : memref<16x1024xf32, #tpu.memory_space<vmem>> -> memref<16x512xf32, #tpu.memory_space<vmem>>
      %dma_wait3A_107 = arith.constant 0 : i32
      %dma_wait3A_108 = tpu.memref_slice %arg2[%dma_wait3A_107, %mul3A_103] : memref<16x2600026xf32, #tpu.memory_space<hbm>> -> memref<16x512xf32, #tpu.memory_space<hbm>>
      %dma_wait3A_109 = arith.constant 0 : i32
      %dma_wait3A_110 = arith.constant 0 : i32
      %dma_wait3A_111 = tpu.memref_slice %arg8[%dma_wait3A_109, %dma_wait3A_110] : memref<16x1024xf32, #tpu.memory_space<vmem>> -> memref<16x512xf32, #tpu.memory_space<vmem>>
      %dma_wait3A_112 = arith.constant 0 : i32
      %dma_wait3A_113 = tpu.memref_slice %arg2[%dma_wait3A_112, %mul3A_103] : memref<16x2600026xf32, #tpu.memory_space<hbm>> -> memref<16x512xf32, #tpu.memory_space<hbm>>
      tpu.wait_dma2 semaphore(%arg12 : memref<!tpu.dma_semaphore, #tpu.memory_space<semaphore_mem>>) src(%dma_wait3A_113 : memref<16x512xf32, #tpu.memory_space<hbm>>) dst(%dma_wait3A_111 : memref<16x512xf32, #tpu.memory_space<vmem>>)
      %dma_wait3A_114 = arith.constant 0 : i32
      %dma_wait3A_115 = arith.constant 0 : i32
      %dma_wait3A_116 = tpu.memref_slice %arg9[%dma_wait3A_114, %dma_wait3A_115] : memref<16x1024xf32, #tpu.memory_space<vmem>> -> memref<16x512xf32, #tpu.memory_space<vmem>>
      %dma_wait3A_117 = arith.constant 0 : i32
      %dma_wait3A_118 = tpu.memref_slice %arg3[%dma_wait3A_117, %mul3A_103] : memref<16x2600026xf32, #tpu.memory_space<hbm>> -> memref<16x512xf32, #tpu.memory_space<hbm>>
      %dma_wait3A_119 = arith.constant 0 : i32
      %dma_wait3A_120 = arith.constant 0 : i32
      %dma_wait3A_121 = tpu.memref_slice %arg9[%dma_wait3A_119, %dma_wait3A_120] : memref<16x1024xf32, #tpu.memory_space<vmem>> -> memref<16x512xf32, #tpu.memory_space<vmem>>
      %dma_wait3A_122 = arith.constant 0 : i32
      %dma_wait3A_123 = tpu.memref_slice %arg3[%dma_wait3A_122, %mul3A_103] : memref<16x2600026xf32, #tpu.memory_space<hbm>> -> memref<16x512xf32, #tpu.memory_space<hbm>>
      tpu.wait_dma2 semaphore(%arg12 : memref<!tpu.dma_semaphore, #tpu.memory_space<semaphore_mem>>) src(%dma_wait3A_123 : memref<16x512xf32, #tpu.memory_space<hbm>>) dst(%dma_wait3A_121 : memref<16x512xf32, #tpu.memory_space<vmem>>)
      %sub3A_124 = arith.constant 2 : i32
      %sub3A_125 = arith.subi %while3A_78, %sub3A_124 : i32
      %ge3A = arith.cmpi sge, %sub3A_125, %mul3A_2 : i32
      %convert_element_type3A_126 = arith.extui %ge3A : i1 to i32
      %cond3A_127 = arith.constant 0 : i32
      %cond3A_128 = arith.cmpi ne, %convert_element_type3A_126, %cond3A_127 : i32
      scf.if %cond3A_128 {
        %sub3A_280 = arith.constant 2 : i32
        %sub3A_281 = arith.subi %while3A_78, %sub3A_280 : i32
        %mul3A_282 = arith.constant 8192 : i32
        %mul3A_283 = arith.muli %sub3A_281, %mul3A_282 : i32
        %dma_wait3A_284 = arith.constant 0 : i32
        %dma_wait3A_285 = tpu.memref_slice %arg10[%dma_wait3A_284] : memref<16384xf32, #tpu.memory_space<vmem>> -> memref<8192xf32, #tpu.memory_space<vmem>>
        %dma_wait3A_286 = tpu.memref_slice %arg6[%mul3A_283] : memref<41601024xf32, #tpu.memory_space<hbm>> -> memref<8192xf32, #tpu.memory_space<hbm>>
        %dma_wait3A_287 = tpu.memref_slice %arg6[%mul3A_283] : memref<41601024xf32, #tpu.memory_space<hbm>> -> memref<8192xf32, #tpu.memory_space<hbm>>
        %dma_wait3A_288 = arith.constant 0 : i32
        %dma_wait3A_289 = tpu.memref_slice %arg10[%dma_wait3A_288] : memref<16384xf32, #tpu.memory_space<vmem>> -> memref<8192xf32, #tpu.memory_space<vmem>>
        tpu.wait_dma2 semaphore(%arg13 : memref<!tpu.dma_semaphore, #tpu.memory_space<semaphore_mem>>) src(%dma_wait3A_289 : memref<8192xf32, #tpu.memory_space<vmem>>) dst(%dma_wait3A_287 : memref<8192xf32, #tpu.memory_space<hbm>>)
        %dma_wait3A_290 = arith.constant 0 : i32
        %dma_wait3A_291 = tpu.memref_slice %arg11[%dma_wait3A_290] : memref<16384xf32, #tpu.memory_space<vmem>> -> memref<8192xf32, #tpu.memory_space<vmem>>
        %dma_wait3A_292 = tpu.memref_slice %arg7[%mul3A_283] : memref<41601024xf32, #tpu.memory_space<hbm>> -> memref<8192xf32, #tpu.memory_space<hbm>>
        %dma_wait3A_293 = tpu.memref_slice %arg7[%mul3A_283] : memref<41601024xf32, #tpu.memory_space<hbm>> -> memref<8192xf32, #tpu.memory_space<hbm>>
        %dma_wait3A_294 = arith.constant 0 : i32
        %dma_wait3A_295 = tpu.memref_slice %arg11[%dma_wait3A_294] : memref<16384xf32, #tpu.memory_space<vmem>> -> memref<8192xf32, #tpu.memory_space<vmem>>
        tpu.wait_dma2 semaphore(%arg13 : memref<!tpu.dma_semaphore, #tpu.memory_space<semaphore_mem>>) src(%dma_wait3A_295 : memref<8192xf32, #tpu.memory_space<vmem>>) dst(%dma_wait3A_293 : memref<8192xf32, #tpu.memory_space<hbm>>)
      } else {
      }
      %mul3A_129 = arith.constant 512 : i32
      %mul3A_130 = arith.muli %select_n3A_95, %mul3A_129 : i32
      %mul3A_131 = arith.constant 8192 : i32
      %mul3A_132 = arith.muli %select_n3A_95, %mul3A_131 : i32
      %iota3A = tpu.iota {dimensions = array<i32: 0>} : vector<16xi32>
      %mul3A_133 = arith.constant 16 : i32
      %mul3A_134 = vector.broadcast %mul3A_133 : i32 to vector<16xi32>
      %mul3A_135 = arith.muli %iota3A, %mul3A_134 : vector<16xi32>
      %add3A_136 = arith.constant 0 : i32
      %add3A_137 = vector.broadcast %add3A_136 : i32 to vector<16xi32>
      %add3A_138 = arith.addi %mul3A_135, %add3A_137 : vector<16xi32>
      %iota3A_139 = tpu.iota {dimensions = array<i32: 0>} : vector<16xi32>
      %mul3A_140 = arith.constant 16 : i32
      %mul3A_141 = vector.broadcast %mul3A_140 : i32 to vector<16xi32>
      %mul3A_142 = arith.muli %iota3A_139, %mul3A_141 : vector<16xi32>
      %add3A_143 = arith.constant 1 : i32
      %add3A_144 = vector.broadcast %add3A_143 : i32 to vector<16xi32>
      %add3A_145 = arith.addi %mul3A_142, %add3A_144 : vector<16xi32>
      %iota3A_146 = tpu.iota {dimensions = array<i32: 0>} : vector<16xi32>
      %mul3A_147 = arith.constant 16 : i32
      %mul3A_148 = vector.broadcast %mul3A_147 : i32 to vector<16xi32>
      %mul3A_149 = arith.muli %iota3A_146, %mul3A_148 : vector<16xi32>
      %add3A_150 = arith.constant 2 : i32
      %add3A_151 = vector.broadcast %add3A_150 : i32 to vector<16xi32>
      %add3A_152 = arith.addi %mul3A_149, %add3A_151 : vector<16xi32>
      %iota3A_153 = tpu.iota {dimensions = array<i32: 0>} : vector<16xi32>
      %mul3A_154 = arith.constant 16 : i32
      %mul3A_155 = vector.broadcast %mul3A_154 : i32 to vector<16xi32>
      %mul3A_156 = arith.muli %iota3A_153, %mul3A_155 : vector<16xi32>
      %add3A_157 = arith.constant 3 : i32
      %add3A_158 = vector.broadcast %add3A_157 : i32 to vector<16xi32>
      %add3A_159 = arith.addi %mul3A_156, %add3A_158 : vector<16xi32>
      %iota3A_160 = tpu.iota {dimensions = array<i32: 0>} : vector<16xi32>
      %mul3A_161 = arith.constant 16 : i32
      %mul3A_162 = vector.broadcast %mul3A_161 : i32 to vector<16xi32>
      %mul3A_163 = arith.muli %iota3A_160, %mul3A_162 : vector<16xi32>
      %add3A_164 = arith.constant 4 : i32
      %add3A_165 = vector.broadcast %add3A_164 : i32 to vector<16xi32>
      %add3A_166 = arith.addi %mul3A_163, %add3A_165 : vector<16xi32>
      %iota3A_167 = tpu.iota {dimensions = array<i32: 0>} : vector<16xi32>
      %mul3A_168 = arith.constant 16 : i32
      %mul3A_169 = vector.broadcast %mul3A_168 : i32 to vector<16xi32>
      %mul3A_170 = arith.muli %iota3A_167, %mul3A_169 : vector<16xi32>
      %add3A_171 = arith.constant 5 : i32
      %add3A_172 = vector.broadcast %add3A_171 : i32 to vector<16xi32>
      %add3A_173 = arith.addi %mul3A_170, %add3A_172 : vector<16xi32>
      %iota3A_174 = tpu.iota {dimensions = array<i32: 0>} : vector<16xi32>
      %mul3A_175 = arith.constant 16 : i32
      %mul3A_176 = vector.broadcast %mul3A_175 : i32 to vector<16xi32>
      %mul3A_177 = arith.muli %iota3A_174, %mul3A_176 : vector<16xi32>
      %add3A_178 = arith.constant 6 : i32
      %add3A_179 = vector.broadcast %add3A_178 : i32 to vector<16xi32>
      %add3A_180 = arith.addi %mul3A_177, %add3A_179 : vector<16xi32>
      %iota3A_181 = tpu.iota {dimensions = array<i32: 0>} : vector<16xi32>
      %mul3A_182 = arith.constant 16 : i32
      %mul3A_183 = vector.broadcast %mul3A_182 : i32 to vector<16xi32>
      %mul3A_184 = arith.muli %iota3A_181, %mul3A_183 : vector<16xi32>
      %add3A_185 = arith.constant 7 : i32
      %add3A_186 = vector.broadcast %add3A_185 : i32 to vector<16xi32>
      %add3A_187 = arith.addi %mul3A_184, %add3A_186 : vector<16xi32>
      %iota3A_188 = tpu.iota {dimensions = array<i32: 0>} : vector<16xi32>
      %mul3A_189 = arith.constant 16 : i32
      %mul3A_190 = vector.broadcast %mul3A_189 : i32 to vector<16xi32>
      %mul3A_191 = arith.muli %iota3A_188, %mul3A_190 : vector<16xi32>
      %add3A_192 = arith.constant 8 : i32
      %add3A_193 = vector.broadcast %add3A_192 : i32 to vector<16xi32>
      %add3A_194 = arith.addi %mul3A_191, %add3A_193 : vector<16xi32>
      %iota3A_195 = tpu.iota {dimensions = array<i32: 0>} : vector<16xi32>
      %mul3A_196 = arith.constant 16 : i32
      %mul3A_197 = vector.broadcast %mul3A_196 : i32 to vector<16xi32>
      %mul3A_198 = arith.muli %iota3A_195, %mul3A_197 : vector<16xi32>
      %add3A_199 = arith.constant 9 : i32
      %add3A_200 = vector.broadcast %add3A_199 : i32 to vector<16xi32>
      %add3A_201 = arith.addi %mul3A_198, %add3A_200 : vector<16xi32>
      %iota3A_202 = tpu.iota {dimensions = array<i32: 0>} : vector<16xi32>
      %mul3A_203 = arith.constant 16 : i32
      %mul3A_204 = vector.broadcast %mul3A_203 : i32 to vector<16xi32>
      %mul3A_205 = arith.muli %iota3A_202, %mul3A_204 : vector<16xi32>
      %add3A_206 = arith.constant 10 : i32
      %add3A_207 = vector.broadcast %add3A_206 : i32 to vector<16xi32>
      %add3A_208 = arith.addi %mul3A_205, %add3A_207 : vector<16xi32>
      %iota3A_209 = tpu.iota {dimensions = array<i32: 0>} : vector<16xi32>
      %mul3A_210 = arith.constant 16 : i32
      %mul3A_211 = vector.broadcast %mul3A_210 : i32 to vector<16xi32>
      %mul3A_212 = arith.muli %iota3A_209, %mul3A_211 : vector<16xi32>
      %add3A_213 = arith.constant 11 : i32
      %add3A_214 = vector.broadcast %add3A_213 : i32 to vector<16xi32>
      %add3A_215 = arith.addi %mul3A_212, %add3A_214 : vector<16xi32>
      %iota3A_216 = tpu.iota {dimensions = array<i32: 0>} : vector<16xi32>
      %mul3A_217 = arith.constant 16 : i32
      %mul3A_218 = vector.broadcast %mul3A_217 : i32 to vector<16xi32>
      %mul3A_219 = arith.muli %iota3A_216, %mul3A_218 : vector<16xi32>
      %add3A_220 = arith.constant 12 : i32
      %add3A_221 = vector.broadcast %add3A_220 : i32 to vector<16xi32>
      %add3A_222 = arith.addi %mul3A_219, %add3A_221 : vector<16xi32>
      %iota3A_223 = tpu.iota {dimensions = array<i32: 0>} : vector<16xi32>
      %mul3A_224 = arith.constant 16 : i32
      %mul3A_225 = vector.broadcast %mul3A_224 : i32 to vector<16xi32>
      %mul3A_226 = arith.muli %iota3A_223, %mul3A_225 : vector<16xi32>
      %add3A_227 = arith.constant 13 : i32
      %add3A_228 = vector.broadcast %add3A_227 : i32 to vector<16xi32>
      %add3A_229 = arith.addi %mul3A_226, %add3A_228 : vector<16xi32>
      %iota3A_230 = tpu.iota {dimensions = array<i32: 0>} : vector<16xi32>
      %mul3A_231 = arith.constant 16 : i32
      %mul3A_232 = vector.broadcast %mul3A_231 : i32 to vector<16xi32>
      %mul3A_233 = arith.muli %iota3A_230, %mul3A_232 : vector<16xi32>
      %add3A_234 = arith.constant 14 : i32
      %add3A_235 = vector.broadcast %add3A_234 : i32 to vector<16xi32>
      %add3A_236 = arith.addi %mul3A_233, %add3A_235 : vector<16xi32>
      %iota3A_237 = tpu.iota {dimensions = array<i32: 0>} : vector<16xi32>
      %mul3A_238 = arith.constant 16 : i32
      %mul3A_239 = vector.broadcast %mul3A_238 : i32 to vector<16xi32>
      %mul3A_240 = arith.muli %iota3A_237, %mul3A_239 : vector<16xi32>
      %add3A_241 = arith.constant 15 : i32
      %add3A_242 = vector.broadcast %add3A_241 : i32 to vector<16xi32>
      %add3A_243 = arith.addi %mul3A_240, %add3A_242 : vector<16xi32>
      %scan3A = arith.constant 0 : i32
      %scan3A_244 = arith.constant 0 : i32
      %scan3A_245 = arith.constant 32 : i32
      %scan3A_246 = arith.addi %scan3A_244, %scan3A_245 : i32
      %scan3A_247 = arith.constant 4 : i32
      scf.for %scan3A_280 = %scan3A_244 to %scan3A_246 step %scan3A_247  : i32 {
        %mul3A_281 = arith.constant 16 : i32
        %mul3A_282 = arith.muli %scan3A_280, %mul3A_281 : i32
        %add3A_283 = arith.addi %mul3A_130, %mul3A_282 : i32
        %mul3A_284 = arith.constant 256 : i32
        %mul3A_285 = arith.muli %scan3A_280, %mul3A_284 : i32
        %add3A_286 = arith.addi %mul3A_132, %mul3A_285 : i32
        %get3A = arith.constant 0 : i32
        %get3A_287 = arith.index_cast %get3A : i32 to index
        %get3A_288 = arith.index_cast %add3A_283 : i32 to index
        %get3A_289 = tpu.vector_load %arg8[%get3A_287, %get3A_288] {strides = array<i32>} : memref<16x1024xf32, #tpu.memory_space<vmem>>, vector<16xf32>,
        %get3A_290 = arith.constant 0 : i32
        %get3A_291 = arith.index_cast %get3A_290 : i32 to index
        %get3A_292 = arith.index_cast %add3A_283 : i32 to index
        %get3A_293 = tpu.vector_load %arg9[%get3A_291, %get3A_292] {strides = array<i32>} : memref<16x1024xf32, #tpu.memory_space<vmem>>, vector<16xf32>,
        %scatter3A = tpu.memref_slice %arg10[%add3A_286] : memref<16384xf32, #tpu.memory_space<vmem>> -> memref<256xf32, #tpu.memory_space<vmem>>
        tpu.vector_store_idx %scatter3A[%add3A_138], %get3A_289 : memref<256xf32, #tpu.memory_space<vmem>>[vector<16xi32>], vector<16xf32>,
        %scatter3A_294 = tpu.memref_slice %arg11[%add3A_286] : memref<16384xf32, #tpu.memory_space<vmem>> -> memref<256xf32, #tpu.memory_space<vmem>>
        tpu.vector_store_idx %scatter3A_294[%add3A_138], %get3A_293 : memref<256xf32, #tpu.memory_space<vmem>>[vector<16xi32>], vector<16xf32>,
        %get3A_295 = arith.constant 1 : i32
        %get3A_296 = arith.index_cast %get3A_295 : i32 to index
        %get3A_297 = arith.index_cast %add3A_283 : i32 to index
        %get3A_298 = tpu.vector_load %arg8[%get3A_296, %get3A_297] {strides = array<i32>} : memref<16x1024xf32, #tpu.memory_space<vmem>>, vector<16xf32>,
        %get3A_299 = arith.constant 1 : i32
        %get3A_300 = arith.index_cast %get3A_299 : i32 to index
        %get3A_301 = arith.index_cast %add3A_283 : i32 to index
        %get3A_302 = tpu.vector_load %arg9[%get3A_300, %get3A_301] {strides = array<i32>} : memref<16x1024xf32, #tpu.memory_space<vmem>>, vector<16xf32>,
        %scatter3A_303 = tpu.memref_slice %arg10[%add3A_286] : memref<16384xf32, #tpu.memory_space<vmem>> -> memref<256xf32, #tpu.memory_space<vmem>>
        tpu.vector_store_idx %scatter3A_303[%add3A_145], %get3A_298 : memref<256xf32, #tpu.memory_space<vmem>>[vector<16xi32>], vector<16xf32>,
        %scatter3A_304 = tpu.memref_slice %arg11[%add3A_286] : memref<16384xf32, #tpu.memory_space<vmem>> -> memref<256xf32, #tpu.memory_space<vmem>>
        tpu.vector_store_idx %scatter3A_304[%add3A_145], %get3A_302 : memref<256xf32, #tpu.memory_space<vmem>>[vector<16xi32>], vector<16xf32>,
        %get3A_305 = arith.constant 2 : i32
        %get3A_306 = arith.index_cast %get3A_305 : i32 to index
        %get3A_307 = arith.index_cast %add3A_283 : i32 to index
        %get3A_308 = tpu.vector_load %arg8[%get3A_306, %get3A_307] {strides = array<i32>} : memref<16x1024xf32, #tpu.memory_space<vmem>>, vector<16xf32>,
        %get3A_309 = arith.constant 2 : i32
        %get3A_310 = arith.index_cast %get3A_309 : i32 to index
        %get3A_311 = arith.index_cast %add3A_283 : i32 to index
        %get3A_312 = tpu.vector_load %arg9[%get3A_310, %get3A_311] {strides = array<i32>} : memref<16x1024xf32, #tpu.memory_space<vmem>>, vector<16xf32>,
        %scatter3A_313 = tpu.memref_slice %arg10[%add3A_286] : memref<16384xf32, #tpu.memory_space<vmem>> -> memref<256xf32, #tpu.memory_space<vmem>>
        tpu.vector_store_idx %scatter3A_313[%add3A_152], %get3A_308 : memref<256xf32, #tpu.memory_space<vmem>>[vector<16xi32>], vector<16xf32>,
        %scatter3A_314 = tpu.memref_slice %arg11[%add3A_286] : memref<16384xf32, #tpu.memory_space<vmem>> -> memref<256xf32, #tpu.memory_space<vmem>>
        tpu.vector_store_idx %scatter3A_314[%add3A_152], %get3A_312 : memref<256xf32, #tpu.memory_space<vmem>>[vector<16xi32>], vector<16xf32>,
        %get3A_315 = arith.constant 3 : i32
        %get3A_316 = arith.index_cast %get3A_315 : i32 to index
        %get3A_317 = arith.index_cast %add3A_283 : i32 to index
        %get3A_318 = tpu.vector_load %arg8[%get3A_316, %get3A_317] {strides = array<i32>} : memref<16x1024xf32, #tpu.memory_space<vmem>>, vector<16xf32>,
        %get3A_319 = arith.constant 3 : i32
        %get3A_320 = arith.index_cast %get3A_319 : i32 to index
        %get3A_321 = arith.index_cast %add3A_283 : i32 to index
        %get3A_322 = tpu.vector_load %arg9[%get3A_320, %get3A_321] {strides = array<i32>} : memref<16x1024xf32, #tpu.memory_space<vmem>>, vector<16xf32>,
        %scatter3A_323 = tpu.memref_slice %arg10[%add3A_286] : memref<16384xf32, #tpu.memory_space<vmem>> -> memref<256xf32, #tpu.memory_space<vmem>>
        tpu.vector_store_idx %scatter3A_323[%add3A_159], %get3A_318 : memref<256xf32, #tpu.memory_space<vmem>>[vector<16xi32>], vector<16xf32>,
        %scatter3A_324 = tpu.memref_slice %arg11[%add3A_286] : memref<16384xf32, #tpu.memory_space<vmem>> -> memref<256xf32, #tpu.memory_space<vmem>>
        tpu.vector_store_idx %scatter3A_324[%add3A_159], %get3A_322 : memref<256xf32, #tpu.memory_space<vmem>>[vector<16xi32>], vector<16xf32>,
        %get3A_325 = arith.constant 4 : i32
        %get3A_326 = arith.index_cast %get3A_325 : i32 to index
        %get3A_327 = arith.index_cast %add3A_283 : i32 to index
        %get3A_328 = tpu.vector_load %arg8[%get3A_326, %get3A_327] {strides = array<i32>} : memref<16x1024xf32, #tpu.memory_space<vmem>>, vector<16xf32>,
        %get3A_329 = arith.constant 4 : i32
        %get3A_330 = arith.index_cast %get3A_329 : i32 to index
        %get3A_331 = arith.index_cast %add3A_283 : i32 to index
        %get3A_332 = tpu.vector_load %arg9[%get3A_330, %get3A_331] {strides = array<i32>} : memref<16x1024xf32, #tpu.memory_space<vmem>>, vector<16xf32>,
        %scatter3A_333 = tpu.memref_slice %arg10[%add3A_286] : memref<16384xf32, #tpu.memory_space<vmem>> -> memref<256xf32, #tpu.memory_space<vmem>>
        tpu.vector_store_idx %scatter3A_333[%add3A_166], %get3A_328 : memref<256xf32, #tpu.memory_space<vmem>>[vector<16xi32>], vector<16xf32>,
        %scatter3A_334 = tpu.memref_slice %arg11[%add3A_286] : memref<16384xf32, #tpu.memory_space<vmem>> -> memref<256xf32, #tpu.memory_space<vmem>>
        tpu.vector_store_idx %scatter3A_334[%add3A_166], %get3A_332 : memref<256xf32, #tpu.memory_space<vmem>>[vector<16xi32>], vector<16xf32>,
        %get3A_335 = arith.constant 5 : i32
        %get3A_336 = arith.index_cast %get3A_335 : i32 to index
        %get3A_337 = arith.index_cast %add3A_283 : i32 to index
        %get3A_338 = tpu.vector_load %arg8[%get3A_336, %get3A_337] {strides = array<i32>} : memref<16x1024xf32, #tpu.memory_space<vmem>>, vector<16xf32>,
        %get3A_339 = arith.constant 5 : i32
        %get3A_340 = arith.index_cast %get3A_339 : i32 to index
        %get3A_341 = arith.index_cast %add3A_283 : i32 to index
        %get3A_342 = tpu.vector_load %arg9[%get3A_340, %get3A_341] {strides = array<i32>} : memref<16x1024xf32, #tpu.memory_space<vmem>>, vector<16xf32>,
        %scatter3A_343 = tpu.memref_slice %arg10[%add3A_286] : memref<16384xf32, #tpu.memory_space<vmem>> -> memref<256xf32, #tpu.memory_space<vmem>>
        tpu.vector_store_idx %scatter3A_343[%add3A_173], %get3A_338 : memref<256xf32, #tpu.memory_space<vmem>>[vector<16xi32>], vector<16xf32>,
        %scatter3A_344 = tpu.memref_slice %arg11[%add3A_286] : memref<16384xf32, #tpu.memory_space<vmem>> -> memref<256xf32, #tpu.memory_space<vmem>>
        tpu.vector_store_idx %scatter3A_344[%add3A_173], %get3A_342 : memref<256xf32, #tpu.memory_space<vmem>>[vector<16xi32>], vector<16xf32>,
        %get3A_345 = arith.constant 6 : i32
        %get3A_346 = arith.index_cast %get3A_345 : i32 to index
        %get3A_347 = arith.index_cast %add3A_283 : i32 to index
        %get3A_348 = tpu.vector_load %arg8[%get3A_346, %get3A_347] {strides = array<i32>} : memref<16x1024xf32, #tpu.memory_space<vmem>>, vector<16xf32>,
        %get3A_349 = arith.constant 6 : i32
        %get3A_350 = arith.index_cast %get3A_349 : i32 to index
        %get3A_351 = arith.index_cast %add3A_283 : i32 to index
        %get3A_352 = tpu.vector_load %arg9[%get3A_350, %get3A_351] {strides = array<i32>} : memref<16x1024xf32, #tpu.memory_space<vmem>>, vector<16xf32>,
        %scatter3A_353 = tpu.memref_slice %arg10[%add3A_286] : memref<16384xf32, #tpu.memory_space<vmem>> -> memref<256xf32, #tpu.memory_space<vmem>>
        tpu.vector_store_idx %scatter3A_353[%add3A_180], %get3A_348 : memref<256xf32, #tpu.memory_space<vmem>>[vector<16xi32>], vector<16xf32>,
        %scatter3A_354 = tpu.memref_slice %arg11[%add3A_286] : memref<16384xf32, #tpu.memory_space<vmem>> -> memref<256xf32, #tpu.memory_space<vmem>>
        tpu.vector_store_idx %scatter3A_354[%add3A_180], %get3A_352 : memref<256xf32, #tpu.memory_space<vmem>>[vector<16xi32>], vector<16xf32>,
        %get3A_355 = arith.constant 7 : i32
        %get3A_356 = arith.index_cast %get3A_355 : i32 to index
        %get3A_357 = arith.index_cast %add3A_283 : i32 to index
        %get3A_358 = tpu.vector_load %arg8[%get3A_356, %get3A_357] {strides = array<i32>} : memref<16x1024xf32, #tpu.memory_space<vmem>>, vector<16xf32>,
        %get3A_359 = arith.constant 7 : i32
        %get3A_360 = arith.index_cast %get3A_359 : i32 to index
        %get3A_361 = arith.index_cast %add3A_283 : i32 to index
        %get3A_362 = tpu.vector_load %arg9[%get3A_360, %get3A_361] {strides = array<i32>} : memref<16x1024xf32, #tpu.memory_space<vmem>>, vector<16xf32>,
        %scatter3A_363 = tpu.memref_slice %arg10[%add3A_286] : memref<16384xf32, #tpu.memory_space<vmem>> -> memref<256xf32, #tpu.memory_space<vmem>>
        tpu.vector_store_idx %scatter3A_363[%add3A_187], %get3A_358 : memref<256xf32, #tpu.memory_space<vmem>>[vector<16xi32>], vector<16xf32>,
        %scatter3A_364 = tpu.memref_slice %arg11[%add3A_286] : memref<16384xf32, #tpu.memory_space<vmem>> -> memref<256xf32, #tpu.memory_space<vmem>>
        tpu.vector_store_idx %scatter3A_364[%add3A_187], %get3A_362 : memref<256xf32, #tpu.memory_space<vmem>>[vector<16xi32>], vector<16xf32>,
        %get3A_365 = arith.constant 8 : i32
        %get3A_366 = arith.index_cast %get3A_365 : i32 to index
        %get3A_367 = arith.index_cast %add3A_283 : i32 to index
        %get3A_368 = tpu.vector_load %arg8[%get3A_366, %get3A_367] {strides = array<i32>} : memref<16x1024xf32, #tpu.memory_space<vmem>>, vector<16xf32>,
        %get3A_369 = arith.constant 8 : i32
        %get3A_370 = arith.index_cast %get3A_369 : i32 to index
        %get3A_371 = arith.index_cast %add3A_283 : i32 to index
        %get3A_372 = tpu.vector_load %arg9[%get3A_370, %get3A_371] {strides = array<i32>} : memref<16x1024xf32, #tpu.memory_space<vmem>>, vector<16xf32>,
        %scatter3A_373 = tpu.memref_slice %arg10[%add3A_286] : memref<16384xf32, #tpu.memory_space<vmem>> -> memref<256xf32, #tpu.memory_space<vmem>>
        tpu.vector_store_idx %scatter3A_373[%add3A_194], %get3A_368 : memref<256xf32, #tpu.memory_space<vmem>>[vector<16xi32>], vector<16xf32>,
        %scatter3A_374 = tpu.memref_slice %arg11[%add3A_286] : memref<16384xf32, #tpu.memory_space<vmem>> -> memref<256xf32, #tpu.memory_space<vmem>>
        tpu.vector_store_idx %scatter3A_374[%add3A_194], %get3A_372 : memref<256xf32, #tpu.memory_space<vmem>>[vector<16xi32>], vector<16xf32>,
        %get3A_375 = arith.constant 9 : i32
        %get3A_376 = arith.index_cast %get3A_375 : i32 to index
        %get3A_377 = arith.index_cast %add3A_283 : i32 to index
        %get3A_378 = tpu.vector_load %arg8[%get3A_376, %get3A_377] {strides = array<i32>} : memref<16x1024xf32, #tpu.memory_space<vmem>>, vector<16xf32>,
        %get3A_379 = arith.constant 9 : i32
        %get3A_380 = arith.index_cast %get3A_379 : i32 to index
        %get3A_381 = arith.index_cast %add3A_283 : i32 to index
        %get3A_382 = tpu.vector_load %arg9[%get3A_380, %get3A_381] {strides = array<i32>} : memref<16x1024xf32, #tpu.memory_space<vmem>>, vector<16xf32>,
        %scatter3A_383 = tpu.memref_slice %arg10[%add3A_286] : memref<16384xf32, #tpu.memory_space<vmem>> -> memref<256xf32, #tpu.memory_space<vmem>>
        tpu.vector_store_idx %scatter3A_383[%add3A_201], %get3A_378 : memref<256xf32, #tpu.memory_space<vmem>>[vector<16xi32>], vector<16xf32>,
        %scatter3A_384 = tpu.memref_slice %arg11[%add3A_286] : memref<16384xf32, #tpu.memory_space<vmem>> -> memref<256xf32, #tpu.memory_space<vmem>>
        tpu.vector_store_idx %scatter3A_384[%add3A_201], %get3A_382 : memref<256xf32, #tpu.memory_space<vmem>>[vector<16xi32>], vector<16xf32>,
        %get3A_385 = arith.constant 10 : i32
        %get3A_386 = arith.index_cast %get3A_385 : i32 to index
        %get3A_387 = arith.index_cast %add3A_283 : i32 to index
        %get3A_388 = tpu.vector_load %arg8[%get3A_386, %get3A_387] {strides = array<i32>} : memref<16x1024xf32, #tpu.memory_space<vmem>>, vector<16xf32>,
        %get3A_389 = arith.constant 10 : i32
        %get3A_390 = arith.index_cast %get3A_389 : i32 to index
        %get3A_391 = arith.index_cast %add3A_283 : i32 to index
        %get3A_392 = tpu.vector_load %arg9[%get3A_390, %get3A_391] {strides = array<i32>} : memref<16x1024xf32, #tpu.memory_space<vmem>>, vector<16xf32>,
        %scatter3A_393 = tpu.memref_slice %arg10[%add3A_286] : memref<16384xf32, #tpu.memory_space<vmem>> -> memref<256xf32, #tpu.memory_space<vmem>>
        tpu.vector_store_idx %scatter3A_393[%add3A_208], %get3A_388 : memref<256xf32, #tpu.memory_space<vmem>>[vector<16xi32>], vector<16xf32>,
        %scatter3A_394 = tpu.memref_slice %arg11[%add3A_286] : memref<16384xf32, #tpu.memory_space<vmem>> -> memref<256xf32, #tpu.memory_space<vmem>>
        tpu.vector_store_idx %scatter3A_394[%add3A_208], %get3A_392 : memref<256xf32, #tpu.memory_space<vmem>>[vector<16xi32>], vector<16xf32>,
        %get3A_395 = arith.constant 11 : i32
        %get3A_396 = arith.index_cast %get3A_395 : i32 to index
        %get3A_397 = arith.index_cast %add3A_283 : i32 to index
        %get3A_398 = tpu.vector_load %arg8[%get3A_396, %get3A_397] {strides = array<i32>} : memref<16x1024xf32, #tpu.memory_space<vmem>>, vector<16xf32>,
        %get3A_399 = arith.constant 11 : i32
        %get3A_400 = arith.index_cast %get3A_399 : i32 to index
        %get3A_401 = arith.index_cast %add3A_283 : i32 to index
        %get3A_402 = tpu.vector_load %arg9[%get3A_400, %get3A_401] {strides = array<i32>} : memref<16x1024xf32, #tpu.memory_space<vmem>>, vector<16xf32>,
        %scatter3A_403 = tpu.memref_slice %arg10[%add3A_286] : memref<16384xf32, #tpu.memory_space<vmem>> -> memref<256xf32, #tpu.memory_space<vmem>>
        tpu.vector_store_idx %scatter3A_403[%add3A_215], %get3A_398 : memref<256xf32, #tpu.memory_space<vmem>>[vector<16xi32>], vector<16xf32>,
        %scatter3A_404 = tpu.memref_slice %arg11[%add3A_286] : memref<16384xf32, #tpu.memory_space<vmem>> -> memref<256xf32, #tpu.memory_space<vmem>>
        tpu.vector_store_idx %scatter3A_404[%add3A_215], %get3A_402 : memref<256xf32, #tpu.memory_space<vmem>>[vector<16xi32>], vector<16xf32>,
        %get3A_405 = arith.constant 12 : i32
        %get3A_406 = arith.index_cast %get3A_405 : i32 to index
        %get3A_407 = arith.index_cast %add3A_283 : i32 to index
        %get3A_408 = tpu.vector_load %arg8[%get3A_406, %get3A_407] {strides = array<i32>} : memref<16x1024xf32, #tpu.memory_space<vmem>>, vector<16xf32>,
        %get3A_409 = arith.constant 12 : i32
        %get3A_410 = arith.index_cast %get3A_409 : i32 to index
        %get3A_411 = arith.index_cast %add3A_283 : i32 to index
        %get3A_412 = tpu.vector_load %arg9[%get3A_410, %get3A_411] {strides = array<i32>} : memref<16x1024xf32, #tpu.memory_space<vmem>>, vector<16xf32>,
        %scatter3A_413 = tpu.memref_slice %arg10[%add3A_286] : memref<16384xf32, #tpu.memory_space<vmem>> -> memref<256xf32, #tpu.memory_space<vmem>>
        tpu.vector_store_idx %scatter3A_413[%add3A_222], %get3A_408 : memref<256xf32, #tpu.memory_space<vmem>>[vector<16xi32>], vector<16xf32>,
        %scatter3A_414 = tpu.memref_slice %arg11[%add3A_286] : memref<16384xf32, #tpu.memory_space<vmem>> -> memref<256xf32, #tpu.memory_space<vmem>>
        tpu.vector_store_idx %scatter3A_414[%add3A_222], %get3A_412 : memref<256xf32, #tpu.memory_space<vmem>>[vector<16xi32>], vector<16xf32>,
        %get3A_415 = arith.constant 13 : i32
        %get3A_416 = arith.index_cast %get3A_415 : i32 to index
        %get3A_417 = arith.index_cast %add3A_283 : i32 to index
        %get3A_418 = tpu.vector_load %arg8[%get3A_416, %get3A_417] {strides = array<i32>} : memref<16x1024xf32, #tpu.memory_space<vmem>>, vector<16xf32>,
        %get3A_419 = arith.constant 13 : i32
        %get3A_420 = arith.index_cast %get3A_419 : i32 to index
        %get3A_421 = arith.index_cast %add3A_283 : i32 to index
        %get3A_422 = tpu.vector_load %arg9[%get3A_420, %get3A_421] {strides = array<i32>} : memref<16x1024xf32, #tpu.memory_space<vmem>>, vector<16xf32>,
        %scatter3A_423 = tpu.memref_slice %arg10[%add3A_286] : memref<16384xf32, #tpu.memory_space<vmem>> -> memref<256xf32, #tpu.memory_space<vmem>>
        tpu.vector_store_idx %scatter3A_423[%add3A_229], %get3A_418 : memref<256xf32, #tpu.memory_space<vmem>>[vector<16xi32>], vector<16xf32>,
        %scatter3A_424 = tpu.memref_slice %arg11[%add3A_286] : memref<16384xf32, #tpu.memory_space<vmem>> -> memref<256xf32, #tpu.memory_space<vmem>>
        tpu.vector_store_idx %scatter3A_424[%add3A_229], %get3A_422 : memref<256xf32, #tpu.memory_space<vmem>>[vector<16xi32>], vector<16xf32>,
        %get3A_425 = arith.constant 14 : i32
        %get3A_426 = arith.index_cast %get3A_425 : i32 to index
        %get3A_427 = arith.index_cast %add3A_283 : i32 to index
        %get3A_428 = tpu.vector_load %arg8[%get3A_426, %get3A_427] {strides = array<i32>} : memref<16x1024xf32, #tpu.memory_space<vmem>>, vector<16xf32>,
        %get3A_429 = arith.constant 14 : i32
        %get3A_430 = arith.index_cast %get3A_429 : i32 to index
        %get3A_431 = arith.index_cast %add3A_283 : i32 to index
        %get3A_432 = tpu.vector_load %arg9[%get3A_430, %get3A_431] {strides = array<i32>} : memref<16x1024xf32, #tpu.memory_space<vmem>>, vector<16xf32>,
        %scatter3A_433 = tpu.memref_slice %arg10[%add3A_286] : memref<16384xf32, #tpu.memory_space<vmem>> -> memref<256xf32, #tpu.memory_space<vmem>>
        tpu.vector_store_idx %scatter3A_433[%add3A_236], %get3A_428 : memref<256xf32, #tpu.memory_space<vmem>>[vector<16xi32>], vector<16xf32>,
        %scatter3A_434 = tpu.memref_slice %arg11[%add3A_286] : memref<16384xf32, #tpu.memory_space<vmem>> -> memref<256xf32, #tpu.memory_space<vmem>>
        tpu.vector_store_idx %scatter3A_434[%add3A_236], %get3A_432 : memref<256xf32, #tpu.memory_space<vmem>>[vector<16xi32>], vector<16xf32>,
        %get3A_435 = arith.constant 15 : i32
        %get3A_436 = arith.index_cast %get3A_435 : i32 to index
        %get3A_437 = arith.index_cast %add3A_283 : i32 to index
        %get3A_438 = tpu.vector_load %arg8[%get3A_436, %get3A_437] {strides = array<i32>} : memref<16x1024xf32, #tpu.memory_space<vmem>>, vector<16xf32>,
        %get3A_439 = arith.constant 15 : i32
        %get3A_440 = arith.index_cast %get3A_439 : i32 to index
        %get3A_441 = arith.index_cast %add3A_283 : i32 to index
        %get3A_442 = tpu.vector_load %arg9[%get3A_440, %get3A_441] {strides = array<i32>} : memref<16x1024xf32, #tpu.memory_space<vmem>>, vector<16xf32>,
        %scatter3A_443 = tpu.memref_slice %arg10[%add3A_286] : memref<16384xf32, #tpu.memory_space<vmem>> -> memref<256xf32, #tpu.memory_space<vmem>>
        tpu.vector_store_idx %scatter3A_443[%add3A_243], %get3A_438 : memref<256xf32, #tpu.memory_space<vmem>>[vector<16xi32>], vector<16xf32>,
        %scatter3A_444 = tpu.memref_slice %arg11[%add3A_286] : memref<16384xf32, #tpu.memory_space<vmem>> -> memref<256xf32, #tpu.memory_space<vmem>>
        tpu.vector_store_idx %scatter3A_444[%add3A_243], %get3A_442 : memref<256xf32, #tpu.memory_space<vmem>>[vector<16xi32>], vector<16xf32>,
        %scan3A_445 = arith.constant 1 : i32
        %scan3A_446 = arith.addi %scan3A_280, %scan3A_445 : i32
        %mul3A_447 = arith.constant 16 : i32
        %mul3A_448 = arith.muli %scan3A_446, %mul3A_447 : i32
        %add3A_449 = arith.addi %mul3A_130, %mul3A_448 : i32
        %mul3A_450 = arith.constant 256 : i32
        %mul3A_451 = arith.muli %scan3A_446, %mul3A_450 : i32
        %add3A_452 = arith.addi %mul3A_132, %mul3A_451 : i32
        %get3A_453 = arith.constant 0 : i32
        %get3A_454 = arith.index_cast %get3A_453 : i32 to index
        %get3A_455 = arith.index_cast %add3A_449 : i32 to index
        %get3A_456 = tpu.vector_load %arg8[%get3A_454, %get3A_455] {strides = array<i32>} : memref<16x1024xf32, #tpu.memory_space<vmem>>, vector<16xf32>,
        %get3A_457 = arith.constant 0 : i32
        %get3A_458 = arith.index_cast %get3A_457 : i32 to index
        %get3A_459 = arith.index_cast %add3A_449 : i32 to index
        %get3A_460 = tpu.vector_load %arg9[%get3A_458, %get3A_459] {strides = array<i32>} : memref<16x1024xf32, #tpu.memory_space<vmem>>, vector<16xf32>,
        %scatter3A_461 = tpu.memref_slice %arg10[%add3A_452] : memref<16384xf32, #tpu.memory_space<vmem>> -> memref<256xf32, #tpu.memory_space<vmem>>
        tpu.vector_store_idx %scatter3A_461[%add3A_138], %get3A_456 : memref<256xf32, #tpu.memory_space<vmem>>[vector<16xi32>], vector<16xf32>,
        %scatter3A_462 = tpu.memref_slice %arg11[%add3A_452] : memref<16384xf32, #tpu.memory_space<vmem>> -> memref<256xf32, #tpu.memory_space<vmem>>
        tpu.vector_store_idx %scatter3A_462[%add3A_138], %get3A_460 : memref<256xf32, #tpu.memory_space<vmem>>[vector<16xi32>], vector<16xf32>,
        %get3A_463 = arith.constant 1 : i32
        %get3A_464 = arith.index_cast %get3A_463 : i32 to index
        %get3A_465 = arith.index_cast %add3A_449 : i32 to index
        %get3A_466 = tpu.vector_load %arg8[%get3A_464, %get3A_465] {strides = array<i32>} : memref<16x1024xf32, #tpu.memory_space<vmem>>, vector<16xf32>,
        %get3A_467 = arith.constant 1 : i32
        %get3A_468 = arith.index_cast %get3A_467 : i32 to index
        %get3A_469 = arith.index_cast %add3A_449 : i32 to index
        %get3A_470 = tpu.vector_load %arg9[%get3A_468, %get3A_469] {strides = array<i32>} : memref<16x1024xf32, #tpu.memory_space<vmem>>, vector<16xf32>,
        %scatter3A_471 = tpu.memref_slice %arg10[%add3A_452] : memref<16384xf32, #tpu.memory_space<vmem>> -> memref<256xf32, #tpu.memory_space<vmem>>
        tpu.vector_store_idx %scatter3A_471[%add3A_145], %get3A_466 : memref<256xf32, #tpu.memory_space<vmem>>[vector<16xi32>], vector<16xf32>,
        %scatter3A_472 = tpu.memref_slice %arg11[%add3A_452] : memref<16384xf32, #tpu.memory_space<vmem>> -> memref<256xf32, #tpu.memory_space<vmem>>
        tpu.vector_store_idx %scatter3A_472[%add3A_145], %get3A_470 : memref<256xf32, #tpu.memory_space<vmem>>[vector<16xi32>], vector<16xf32>,
        %get3A_473 = arith.constant 2 : i32
        %get3A_474 = arith.index_cast %get3A_473 : i32 to index
        %get3A_475 = arith.index_cast %add3A_449 : i32 to index
        %get3A_476 = tpu.vector_load %arg8[%get3A_474, %get3A_475] {strides = array<i32>} : memref<16x1024xf32, #tpu.memory_space<vmem>>, vector<16xf32>,
        %get3A_477 = arith.constant 2 : i32
        %get3A_478 = arith.index_cast %get3A_477 : i32 to index
        %get3A_479 = arith.index_cast %add3A_449 : i32 to index
        %get3A_480 = tpu.vector_load %arg9[%get3A_478, %get3A_479] {strides = array<i32>} : memref<16x1024xf32, #tpu.memory_space<vmem>>, vector<16xf32>,
        %scatter3A_481 = tpu.memref_slice %arg10[%add3A_452] : memref<16384xf32, #tpu.memory_space<vmem>> -> memref<256xf32, #tpu.memory_space<vmem>>
        tpu.vector_store_idx %scatter3A_481[%add3A_152], %get3A_476 : memref<256xf32, #tpu.memory_space<vmem>>[vector<16xi32>], vector<16xf32>,
        %scatter3A_482 = tpu.memref_slice %arg11[%add3A_452] : memref<16384xf32, #tpu.memory_space<vmem>> -> memref<256xf32, #tpu.memory_space<vmem>>
        tpu.vector_store_idx %scatter3A_482[%add3A_152], %get3A_480 : memref<256xf32, #tpu.memory_space<vmem>>[vector<16xi32>], vector<16xf32>,
        %get3A_483 = arith.constant 3 : i32
        %get3A_484 = arith.index_cast %get3A_483 : i32 to index
        %get3A_485 = arith.index_cast %add3A_449 : i32 to index
        %get3A_486 = tpu.vector_load %arg8[%get3A_484, %get3A_485] {strides = array<i32>} : memref<16x1024xf32, #tpu.memory_space<vmem>>, vector<16xf32>,
        %get3A_487 = arith.constant 3 : i32
        %get3A_488 = arith.index_cast %get3A_487 : i32 to index
        %get3A_489 = arith.index_cast %add3A_449 : i32 to index
        %get3A_490 = tpu.vector_load %arg9[%get3A_488, %get3A_489] {strides = array<i32>} : memref<16x1024xf32, #tpu.memory_space<vmem>>, vector<16xf32>,
        %scatter3A_491 = tpu.memref_slice %arg10[%add3A_452] : memref<16384xf32, #tpu.memory_space<vmem>> -> memref<256xf32, #tpu.memory_space<vmem>>
        tpu.vector_store_idx %scatter3A_491[%add3A_159], %get3A_486 : memref<256xf32, #tpu.memory_space<vmem>>[vector<16xi32>], vector<16xf32>,
        %scatter3A_492 = tpu.memref_slice %arg11[%add3A_452] : memref<16384xf32, #tpu.memory_space<vmem>> -> memref<256xf32, #tpu.memory_space<vmem>>
        tpu.vector_store_idx %scatter3A_492[%add3A_159], %get3A_490 : memref<256xf32, #tpu.memory_space<vmem>>[vector<16xi32>], vector<16xf32>,
        %get3A_493 = arith.constant 4 : i32
        %get3A_494 = arith.index_cast %get3A_493 : i32 to index
        %get3A_495 = arith.index_cast %add3A_449 : i32 to index
        %get3A_496 = tpu.vector_load %arg8[%get3A_494, %get3A_495] {strides = array<i32>} : memref<16x1024xf32, #tpu.memory_space<vmem>>, vector<16xf32>,
        %get3A_497 = arith.constant 4 : i32
        %get3A_498 = arith.index_cast %get3A_497 : i32 to index
        %get3A_499 = arith.index_cast %add3A_449 : i32 to index
        %get3A_500 = tpu.vector_load %arg9[%get3A_498, %get3A_499] {strides = array<i32>} : memref<16x1024xf32, #tpu.memory_space<vmem>>, vector<16xf32>,
        %scatter3A_501 = tpu.memref_slice %arg10[%add3A_452] : memref<16384xf32, #tpu.memory_space<vmem>> -> memref<256xf32, #tpu.memory_space<vmem>>
        tpu.vector_store_idx %scatter3A_501[%add3A_166], %get3A_496 : memref<256xf32, #tpu.memory_space<vmem>>[vector<16xi32>], vector<16xf32>,
        %scatter3A_502 = tpu.memref_slice %arg11[%add3A_452] : memref<16384xf32, #tpu.memory_space<vmem>> -> memref<256xf32, #tpu.memory_space<vmem>>
        tpu.vector_store_idx %scatter3A_502[%add3A_166], %get3A_500 : memref<256xf32, #tpu.memory_space<vmem>>[vector<16xi32>], vector<16xf32>,
        %get3A_503 = arith.constant 5 : i32
        %get3A_504 = arith.index_cast %get3A_503 : i32 to index
        %get3A_505 = arith.index_cast %add3A_449 : i32 to index
        %get3A_506 = tpu.vector_load %arg8[%get3A_504, %get3A_505] {strides = array<i32>} : memref<16x1024xf32, #tpu.memory_space<vmem>>, vector<16xf32>,
        %get3A_507 = arith.constant 5 : i32
        %get3A_508 = arith.index_cast %get3A_507 : i32 to index
        %get3A_509 = arith.index_cast %add3A_449 : i32 to index
        %get3A_510 = tpu.vector_load %arg9[%get3A_508, %get3A_509] {strides = array<i32>} : memref<16x1024xf32, #tpu.memory_space<vmem>>, vector<16xf32>,
        %scatter3A_511 = tpu.memref_slice %arg10[%add3A_452] : memref<16384xf32, #tpu.memory_space<vmem>> -> memref<256xf32, #tpu.memory_space<vmem>>
        tpu.vector_store_idx %scatter3A_511[%add3A_173], %get3A_506 : memref<256xf32, #tpu.memory_space<vmem>>[vector<16xi32>], vector<16xf32>,
        %scatter3A_512 = tpu.memref_slice %arg11[%add3A_452] : memref<16384xf32, #tpu.memory_space<vmem>> -> memref<256xf32, #tpu.memory_space<vmem>>
        tpu.vector_store_idx %scatter3A_512[%add3A_173], %get3A_510 : memref<256xf32, #tpu.memory_space<vmem>>[vector<16xi32>], vector<16xf32>,
        %get3A_513 = arith.constant 6 : i32
        %get3A_514 = arith.index_cast %get3A_513 : i32 to index
        %get3A_515 = arith.index_cast %add3A_449 : i32 to index
        %get3A_516 = tpu.vector_load %arg8[%get3A_514, %get3A_515] {strides = array<i32>} : memref<16x1024xf32, #tpu.memory_space<vmem>>, vector<16xf32>,
        %get3A_517 = arith.constant 6 : i32
        %get3A_518 = arith.index_cast %get3A_517 : i32 to index
        %get3A_519 = arith.index_cast %add3A_449 : i32 to index
        %get3A_520 = tpu.vector_load %arg9[%get3A_518, %get3A_519] {strides = array<i32>} : memref<16x1024xf32, #tpu.memory_space<vmem>>, vector<16xf32>,
        %scatter3A_521 = tpu.memref_slice %arg10[%add3A_452] : memref<16384xf32, #tpu.memory_space<vmem>> -> memref<256xf32, #tpu.memory_space<vmem>>
        tpu.vector_store_idx %scatter3A_521[%add3A_180], %get3A_516 : memref<256xf32, #tpu.memory_space<vmem>>[vector<16xi32>], vector<16xf32>,
        %scatter3A_522 = tpu.memref_slice %arg11[%add3A_452] : memref<16384xf32, #tpu.memory_space<vmem>> -> memref<256xf32, #tpu.memory_space<vmem>>
        tpu.vector_store_idx %scatter3A_522[%add3A_180], %get3A_520 : memref<256xf32, #tpu.memory_space<vmem>>[vector<16xi32>], vector<16xf32>,
        %get3A_523 = arith.constant 7 : i32
        %get3A_524 = arith.index_cast %get3A_523 : i32 to index
        %get3A_525 = arith.index_cast %add3A_449 : i32 to index
        %get3A_526 = tpu.vector_load %arg8[%get3A_524, %get3A_525] {strides = array<i32>} : memref<16x1024xf32, #tpu.memory_space<vmem>>, vector<16xf32>,
        %get3A_527 = arith.constant 7 : i32
        %get3A_528 = arith.index_cast %get3A_527 : i32 to index
        %get3A_529 = arith.index_cast %add3A_449 : i32 to index
        %get3A_530 = tpu.vector_load %arg9[%get3A_528, %get3A_529] {strides = array<i32>} : memref<16x1024xf32, #tpu.memory_space<vmem>>, vector<16xf32>,
        %scatter3A_531 = tpu.memref_slice %arg10[%add3A_452] : memref<16384xf32, #tpu.memory_space<vmem>> -> memref<256xf32, #tpu.memory_space<vmem>>
        tpu.vector_store_idx %scatter3A_531[%add3A_187], %get3A_526 : memref<256xf32, #tpu.memory_space<vmem>>[vector<16xi32>], vector<16xf32>,
        %scatter3A_532 = tpu.memref_slice %arg11[%add3A_452] : memref<16384xf32, #tpu.memory_space<vmem>> -> memref<256xf32, #tpu.memory_space<vmem>>
        tpu.vector_store_idx %scatter3A_532[%add3A_187], %get3A_530 : memref<256xf32, #tpu.memory_space<vmem>>[vector<16xi32>], vector<16xf32>,
        %get3A_533 = arith.constant 8 : i32
        %get3A_534 = arith.index_cast %get3A_533 : i32 to index
        %get3A_535 = arith.index_cast %add3A_449 : i32 to index
        %get3A_536 = tpu.vector_load %arg8[%get3A_534, %get3A_535] {strides = array<i32>} : memref<16x1024xf32, #tpu.memory_space<vmem>>, vector<16xf32>,
        %get3A_537 = arith.constant 8 : i32
        %get3A_538 = arith.index_cast %get3A_537 : i32 to index
        %get3A_539 = arith.index_cast %add3A_449 : i32 to index
        %get3A_540 = tpu.vector_load %arg9[%get3A_538, %get3A_539] {strides = array<i32>} : memref<16x1024xf32, #tpu.memory_space<vmem>>, vector<16xf32>,
        %scatter3A_541 = tpu.memref_slice %arg10[%add3A_452] : memref<16384xf32, #tpu.memory_space<vmem>> -> memref<256xf32, #tpu.memory_space<vmem>>
        tpu.vector_store_idx %scatter3A_541[%add3A_194], %get3A_536 : memref<256xf32, #tpu.memory_space<vmem>>[vector<16xi32>], vector<16xf32>,
        %scatter3A_542 = tpu.memref_slice %arg11[%add3A_452] : memref<16384xf32, #tpu.memory_space<vmem>> -> memref<256xf32, #tpu.memory_space<vmem>>
        tpu.vector_store_idx %scatter3A_542[%add3A_194], %get3A_540 : memref<256xf32, #tpu.memory_space<vmem>>[vector<16xi32>], vector<16xf32>,
        %get3A_543 = arith.constant 9 : i32
        %get3A_544 = arith.index_cast %get3A_543 : i32 to index
        %get3A_545 = arith.index_cast %add3A_449 : i32 to index
        %get3A_546 = tpu.vector_load %arg8[%get3A_544, %get3A_545] {strides = array<i32>} : memref<16x1024xf32, #tpu.memory_space<vmem>>, vector<16xf32>,
        %get3A_547 = arith.constant 9 : i32
        %get3A_548 = arith.index_cast %get3A_547 : i32 to index
        %get3A_549 = arith.index_cast %add3A_449 : i32 to index
        %get3A_550 = tpu.vector_load %arg9[%get3A_548, %get3A_549] {strides = array<i32>} : memref<16x1024xf32, #tpu.memory_space<vmem>>, vector<16xf32>,
        %scatter3A_551 = tpu.memref_slice %arg10[%add3A_452] : memref<16384xf32, #tpu.memory_space<vmem>> -> memref<256xf32, #tpu.memory_space<vmem>>
        tpu.vector_store_idx %scatter3A_551[%add3A_201], %get3A_546 : memref<256xf32, #tpu.memory_space<vmem>>[vector<16xi32>], vector<16xf32>,
        %scatter3A_552 = tpu.memref_slice %arg11[%add3A_452] : memref<16384xf32, #tpu.memory_space<vmem>> -> memref<256xf32, #tpu.memory_space<vmem>>
        tpu.vector_store_idx %scatter3A_552[%add3A_201], %get3A_550 : memref<256xf32, #tpu.memory_space<vmem>>[vector<16xi32>], vector<16xf32>,
        %get3A_553 = arith.constant 10 : i32
        %get3A_554 = arith.index_cast %get3A_553 : i32 to index
        %get3A_555 = arith.index_cast %add3A_449 : i32 to index
        %get3A_556 = tpu.vector_load %arg8[%get3A_554, %get3A_555] {strides = array<i32>} : memref<16x1024xf32, #tpu.memory_space<vmem>>, vector<16xf32>,
        %get3A_557 = arith.constant 10 : i32
        %get3A_558 = arith.index_cast %get3A_557 : i32 to index
        %get3A_559 = arith.index_cast %add3A_449 : i32 to index
        %get3A_560 = tpu.vector_load %arg9[%get3A_558, %get3A_559] {strides = array<i32>} : memref<16x1024xf32, #tpu.memory_space<vmem>>, vector<16xf32>,
        %scatter3A_561 = tpu.memref_slice %arg10[%add3A_452] : memref<16384xf32, #tpu.memory_space<vmem>> -> memref<256xf32, #tpu.memory_space<vmem>>
        tpu.vector_store_idx %scatter3A_561[%add3A_208], %get3A_556 : memref<256xf32, #tpu.memory_space<vmem>>[vector<16xi32>], vector<16xf32>,
        %scatter3A_562 = tpu.memref_slice %arg11[%add3A_452] : memref<16384xf32, #tpu.memory_space<vmem>> -> memref<256xf32, #tpu.memory_space<vmem>>
        tpu.vector_store_idx %scatter3A_562[%add3A_208], %get3A_560 : memref<256xf32, #tpu.memory_space<vmem>>[vector<16xi32>], vector<16xf32>,
        %get3A_563 = arith.constant 11 : i32
        %get3A_564 = arith.index_cast %get3A_563 : i32 to index
        %get3A_565 = arith.index_cast %add3A_449 : i32 to index
        %get3A_566 = tpu.vector_load %arg8[%get3A_564, %get3A_565] {strides = array<i32>} : memref<16x1024xf32, #tpu.memory_space<vmem>>, vector<16xf32>,
        %get3A_567 = arith.constant 11 : i32
        %get3A_568 = arith.index_cast %get3A_567 : i32 to index
        %get3A_569 = arith.index_cast %add3A_449 : i32 to index
        %get3A_570 = tpu.vector_load %arg9[%get3A_568, %get3A_569] {strides = array<i32>} : memref<16x1024xf32, #tpu.memory_space<vmem>>, vector<16xf32>,
        %scatter3A_571 = tpu.memref_slice %arg10[%add3A_452] : memref<16384xf32, #tpu.memory_space<vmem>> -> memref<256xf32, #tpu.memory_space<vmem>>
        tpu.vector_store_idx %scatter3A_571[%add3A_215], %get3A_566 : memref<256xf32, #tpu.memory_space<vmem>>[vector<16xi32>], vector<16xf32>,
        %scatter3A_572 = tpu.memref_slice %arg11[%add3A_452] : memref<16384xf32, #tpu.memory_space<vmem>> -> memref<256xf32, #tpu.memory_space<vmem>>
        tpu.vector_store_idx %scatter3A_572[%add3A_215], %get3A_570 : memref<256xf32, #tpu.memory_space<vmem>>[vector<16xi32>], vector<16xf32>,
        %get3A_573 = arith.constant 12 : i32
        %get3A_574 = arith.index_cast %get3A_573 : i32 to index
        %get3A_575 = arith.index_cast %add3A_449 : i32 to index
        %get3A_576 = tpu.vector_load %arg8[%get3A_574, %get3A_575] {strides = array<i32>} : memref<16x1024xf32, #tpu.memory_space<vmem>>, vector<16xf32>,
        %get3A_577 = arith.constant 12 : i32
        %get3A_578 = arith.index_cast %get3A_577 : i32 to index
        %get3A_579 = arith.index_cast %add3A_449 : i32 to index
        %get3A_580 = tpu.vector_load %arg9[%get3A_578, %get3A_579] {strides = array<i32>} : memref<16x1024xf32, #tpu.memory_space<vmem>>, vector<16xf32>,
        %scatter3A_581 = tpu.memref_slice %arg10[%add3A_452] : memref<16384xf32, #tpu.memory_space<vmem>> -> memref<256xf32, #tpu.memory_space<vmem>>
        tpu.vector_store_idx %scatter3A_581[%add3A_222], %get3A_576 : memref<256xf32, #tpu.memory_space<vmem>>[vector<16xi32>], vector<16xf32>,
        %scatter3A_582 = tpu.memref_slice %arg11[%add3A_452] : memref<16384xf32, #tpu.memory_space<vmem>> -> memref<256xf32, #tpu.memory_space<vmem>>
        tpu.vector_store_idx %scatter3A_582[%add3A_222], %get3A_580 : memref<256xf32, #tpu.memory_space<vmem>>[vector<16xi32>], vector<16xf32>,
        %get3A_583 = arith.constant 13 : i32
        %get3A_584 = arith.index_cast %get3A_583 : i32 to index
        %get3A_585 = arith.index_cast %add3A_449 : i32 to index
        %get3A_586 = tpu.vector_load %arg8[%get3A_584, %get3A_585] {strides = array<i32>} : memref<16x1024xf32, #tpu.memory_space<vmem>>, vector<16xf32>,
        %get3A_587 = arith.constant 13 : i32
        %get3A_588 = arith.index_cast %get3A_587 : i32 to index
        %get3A_589 = arith.index_cast %add3A_449 : i32 to index
        %get3A_590 = tpu.vector_load %arg9[%get3A_588, %get3A_589] {strides = array<i32>} : memref<16x1024xf32, #tpu.memory_space<vmem>>, vector<16xf32>,
        %scatter3A_591 = tpu.memref_slice %arg10[%add3A_452] : memref<16384xf32, #tpu.memory_space<vmem>> -> memref<256xf32, #tpu.memory_space<vmem>>
        tpu.vector_store_idx %scatter3A_591[%add3A_229], %get3A_586 : memref<256xf32, #tpu.memory_space<vmem>>[vector<16xi32>], vector<16xf32>,
        %scatter3A_592 = tpu.memref_slice %arg11[%add3A_452] : memref<16384xf32, #tpu.memory_space<vmem>> -> memref<256xf32, #tpu.memory_space<vmem>>
        tpu.vector_store_idx %scatter3A_592[%add3A_229], %get3A_590 : memref<256xf32, #tpu.memory_space<vmem>>[vector<16xi32>], vector<16xf32>,
        %get3A_593 = arith.constant 14 : i32
        %get3A_594 = arith.index_cast %get3A_593 : i32 to index
        %get3A_595 = arith.index_cast %add3A_449 : i32 to index
        %get3A_596 = tpu.vector_load %arg8[%get3A_594, %get3A_595] {strides = array<i32>} : memref<16x1024xf32, #tpu.memory_space<vmem>>, vector<16xf32>,
        %get3A_597 = arith.constant 14 : i32
        %get3A_598 = arith.index_cast %get3A_597 : i32 to index
        %get3A_599 = arith.index_cast %add3A_449 : i32 to index
        %get3A_600 = tpu.vector_load %arg9[%get3A_598, %get3A_599] {strides = array<i32>} : memref<16x1024xf32, #tpu.memory_space<vmem>>, vector<16xf32>,
        %scatter3A_601 = tpu.memref_slice %arg10[%add3A_452] : memref<16384xf32, #tpu.memory_space<vmem>> -> memref<256xf32, #tpu.memory_space<vmem>>
        tpu.vector_store_idx %scatter3A_601[%add3A_236], %get3A_596 : memref<256xf32, #tpu.memory_space<vmem>>[vector<16xi32>], vector<16xf32>,
        %scatter3A_602 = tpu.memref_slice %arg11[%add3A_452] : memref<16384xf32, #tpu.memory_space<vmem>> -> memref<256xf32, #tpu.memory_space<vmem>>
        tpu.vector_store_idx %scatter3A_602[%add3A_236], %get3A_600 : memref<256xf32, #tpu.memory_space<vmem>>[vector<16xi32>], vector<16xf32>,
        %get3A_603 = arith.constant 15 : i32
        %get3A_604 = arith.index_cast %get3A_603 : i32 to index
        %get3A_605 = arith.index_cast %add3A_449 : i32 to index
        %get3A_606 = tpu.vector_load %arg8[%get3A_604, %get3A_605] {strides = array<i32>} : memref<16x1024xf32, #tpu.memory_space<vmem>>, vector<16xf32>,
        %get3A_607 = arith.constant 15 : i32
        %get3A_608 = arith.index_cast %get3A_607 : i32 to index
        %get3A_609 = arith.index_cast %add3A_449 : i32 to index
        %get3A_610 = tpu.vector_load %arg9[%get3A_608, %get3A_609] {strides = array<i32>} : memref<16x1024xf32, #tpu.memory_space<vmem>>, vector<16xf32>,
        %scatter3A_611 = tpu.memref_slice %arg10[%add3A_452] : memref<16384xf32, #tpu.memory_space<vmem>> -> memref<256xf32, #tpu.memory_space<vmem>>
        tpu.vector_store_idx %scatter3A_611[%add3A_243], %get3A_606 : memref<256xf32, #tpu.memory_space<vmem>>[vector<16xi32>], vector<16xf32>,
        %scatter3A_612 = tpu.memref_slice %arg11[%add3A_452] : memref<16384xf32, #tpu.memory_space<vmem>> -> memref<256xf32, #tpu.memory_space<vmem>>
        tpu.vector_store_idx %scatter3A_612[%add3A_243], %get3A_610 : memref<256xf32, #tpu.memory_space<vmem>>[vector<16xi32>], vector<16xf32>,
        %scan3A_613 = arith.constant 2 : i32
        %scan3A_614 = arith.addi %scan3A_280, %scan3A_613 : i32
        %mul3A_615 = arith.constant 16 : i32
        %mul3A_616 = arith.muli %scan3A_614, %mul3A_615 : i32
        %add3A_617 = arith.addi %mul3A_130, %mul3A_616 : i32
        %mul3A_618 = arith.constant 256 : i32
        %mul3A_619 = arith.muli %scan3A_614, %mul3A_618 : i32
        %add3A_620 = arith.addi %mul3A_132, %mul3A_619 : i32
        %get3A_621 = arith.constant 0 : i32
        %get3A_622 = arith.index_cast %get3A_621 : i32 to index
        %get3A_623 = arith.index_cast %add3A_617 : i32 to index
        %get3A_624 = tpu.vector_load %arg8[%get3A_622, %get3A_623] {strides = array<i32>} : memref<16x1024xf32, #tpu.memory_space<vmem>>, vector<16xf32>,
        %get3A_625 = arith.constant 0 : i32
        %get3A_626 = arith.index_cast %get3A_625 : i32 to index
        %get3A_627 = arith.index_cast %add3A_617 : i32 to index
        %get3A_628 = tpu.vector_load %arg9[%get3A_626, %get3A_627] {strides = array<i32>} : memref<16x1024xf32, #tpu.memory_space<vmem>>, vector<16xf32>,
        %scatter3A_629 = tpu.memref_slice %arg10[%add3A_620] : memref<16384xf32, #tpu.memory_space<vmem>> -> memref<256xf32, #tpu.memory_space<vmem>>
        tpu.vector_store_idx %scatter3A_629[%add3A_138], %get3A_624 : memref<256xf32, #tpu.memory_space<vmem>>[vector<16xi32>], vector<16xf32>,
        %scatter3A_630 = tpu.memref_slice %arg11[%add3A_620] : memref<16384xf32, #tpu.memory_space<vmem>> -> memref<256xf32, #tpu.memory_space<vmem>>
        tpu.vector_store_idx %scatter3A_630[%add3A_138], %get3A_628 : memref<256xf32, #tpu.memory_space<vmem>>[vector<16xi32>], vector<16xf32>,
        %get3A_631 = arith.constant 1 : i32
        %get3A_632 = arith.index_cast %get3A_631 : i32 to index
        %get3A_633 = arith.index_cast %add3A_617 : i32 to index
        %get3A_634 = tpu.vector_load %arg8[%get3A_632, %get3A_633] {strides = array<i32>} : memref<16x1024xf32, #tpu.memory_space<vmem>>, vector<16xf32>,
        %get3A_635 = arith.constant 1 : i32
        %get3A_636 = arith.index_cast %get3A_635 : i32 to index
        %get3A_637 = arith.index_cast %add3A_617 : i32 to index
        %get3A_638 = tpu.vector_load %arg9[%get3A_636, %get3A_637] {strides = array<i32>} : memref<16x1024xf32, #tpu.memory_space<vmem>>, vector<16xf32>,
        %scatter3A_639 = tpu.memref_slice %arg10[%add3A_620] : memref<16384xf32, #tpu.memory_space<vmem>> -> memref<256xf32, #tpu.memory_space<vmem>>
        tpu.vector_store_idx %scatter3A_639[%add3A_145], %get3A_634 : memref<256xf32, #tpu.memory_space<vmem>>[vector<16xi32>], vector<16xf32>,
        %scatter3A_640 = tpu.memref_slice %arg11[%add3A_620] : memref<16384xf32, #tpu.memory_space<vmem>> -> memref<256xf32, #tpu.memory_space<vmem>>
        tpu.vector_store_idx %scatter3A_640[%add3A_145], %get3A_638 : memref<256xf32, #tpu.memory_space<vmem>>[vector<16xi32>], vector<16xf32>,
        %get3A_641 = arith.constant 2 : i32
        %get3A_642 = arith.index_cast %get3A_641 : i32 to index
        %get3A_643 = arith.index_cast %add3A_617 : i32 to index
        %get3A_644 = tpu.vector_load %arg8[%get3A_642, %get3A_643] {strides = array<i32>} : memref<16x1024xf32, #tpu.memory_space<vmem>>, vector<16xf32>,
        %get3A_645 = arith.constant 2 : i32
        %get3A_646 = arith.index_cast %get3A_645 : i32 to index
        %get3A_647 = arith.index_cast %add3A_617 : i32 to index
        %get3A_648 = tpu.vector_load %arg9[%get3A_646, %get3A_647] {strides = array<i32>} : memref<16x1024xf32, #tpu.memory_space<vmem>>, vector<16xf32>,
        %scatter3A_649 = tpu.memref_slice %arg10[%add3A_620] : memref<16384xf32, #tpu.memory_space<vmem>> -> memref<256xf32, #tpu.memory_space<vmem>>
        tpu.vector_store_idx %scatter3A_649[%add3A_152], %get3A_644 : memref<256xf32, #tpu.memory_space<vmem>>[vector<16xi32>], vector<16xf32>,
        %scatter3A_650 = tpu.memref_slice %arg11[%add3A_620] : memref<16384xf32, #tpu.memory_space<vmem>> -> memref<256xf32, #tpu.memory_space<vmem>>
        tpu.vector_store_idx %scatter3A_650[%add3A_152], %get3A_648 : memref<256xf32, #tpu.memory_space<vmem>>[vector<16xi32>], vector<16xf32>,
        %get3A_651 = arith.constant 3 : i32
        %get3A_652 = arith.index_cast %get3A_651 : i32 to index
        %get3A_653 = arith.index_cast %add3A_617 : i32 to index
        %get3A_654 = tpu.vector_load %arg8[%get3A_652, %get3A_653] {strides = array<i32>} : memref<16x1024xf32, #tpu.memory_space<vmem>>, vector<16xf32>,
        %get3A_655 = arith.constant 3 : i32
        %get3A_656 = arith.index_cast %get3A_655 : i32 to index
        %get3A_657 = arith.index_cast %add3A_617 : i32 to index
        %get3A_658 = tpu.vector_load %arg9[%get3A_656, %get3A_657] {strides = array<i32>} : memref<16x1024xf32, #tpu.memory_space<vmem>>, vector<16xf32>,
        %scatter3A_659 = tpu.memref_slice %arg10[%add3A_620] : memref<16384xf32, #tpu.memory_space<vmem>> -> memref<256xf32, #tpu.memory_space<vmem>>
        tpu.vector_store_idx %scatter3A_659[%add3A_159], %get3A_654 : memref<256xf32, #tpu.memory_space<vmem>>[vector<16xi32>], vector<16xf32>,
        %scatter3A_660 = tpu.memref_slice %arg11[%add3A_620] : memref<16384xf32, #tpu.memory_space<vmem>> -> memref<256xf32, #tpu.memory_space<vmem>>
        tpu.vector_store_idx %scatter3A_660[%add3A_159], %get3A_658 : memref<256xf32, #tpu.memory_space<vmem>>[vector<16xi32>], vector<16xf32>,
        %get3A_661 = arith.constant 4 : i32
        %get3A_662 = arith.index_cast %get3A_661 : i32 to index
        %get3A_663 = arith.index_cast %add3A_617 : i32 to index
        %get3A_664 = tpu.vector_load %arg8[%get3A_662, %get3A_663] {strides = array<i32>} : memref<16x1024xf32, #tpu.memory_space<vmem>>, vector<16xf32>,
        %get3A_665 = arith.constant 4 : i32
        %get3A_666 = arith.index_cast %get3A_665 : i32 to index
        %get3A_667 = arith.index_cast %add3A_617 : i32 to index
        %get3A_668 = tpu.vector_load %arg9[%get3A_666, %get3A_667] {strides = array<i32>} : memref<16x1024xf32, #tpu.memory_space<vmem>>, vector<16xf32>,
        %scatter3A_669 = tpu.memref_slice %arg10[%add3A_620] : memref<16384xf32, #tpu.memory_space<vmem>> -> memref<256xf32, #tpu.memory_space<vmem>>
        tpu.vector_store_idx %scatter3A_669[%add3A_166], %get3A_664 : memref<256xf32, #tpu.memory_space<vmem>>[vector<16xi32>], vector<16xf32>,
        %scatter3A_670 = tpu.memref_slice %arg11[%add3A_620] : memref<16384xf32, #tpu.memory_space<vmem>> -> memref<256xf32, #tpu.memory_space<vmem>>
        tpu.vector_store_idx %scatter3A_670[%add3A_166], %get3A_668 : memref<256xf32, #tpu.memory_space<vmem>>[vector<16xi32>], vector<16xf32>,
        %get3A_671 = arith.constant 5 : i32
        %get3A_672 = arith.index_cast %get3A_671 : i32 to index
        %get3A_673 = arith.index_cast %add3A_617 : i32 to index
        %get3A_674 = tpu.vector_load %arg8[%get3A_672, %get3A_673] {strides = array<i32>} : memref<16x1024xf32, #tpu.memory_space<vmem>>, vector<16xf32>,
        %get3A_675 = arith.constant 5 : i32
        %get3A_676 = arith.index_cast %get3A_675 : i32 to index
        %get3A_677 = arith.index_cast %add3A_617 : i32 to index
        %get3A_678 = tpu.vector_load %arg9[%get3A_676, %get3A_677] {strides = array<i32>} : memref<16x1024xf32, #tpu.memory_space<vmem>>, vector<16xf32>,
        %scatter3A_679 = tpu.memref_slice %arg10[%add3A_620] : memref<16384xf32, #tpu.memory_space<vmem>> -> memref<256xf32, #tpu.memory_space<vmem>>
        tpu.vector_store_idx %scatter3A_679[%add3A_173], %get3A_674 : memref<256xf32, #tpu.memory_space<vmem>>[vector<16xi32>], vector<16xf32>,
        %scatter3A_680 = tpu.memref_slice %arg11[%add3A_620] : memref<16384xf32, #tpu.memory_space<vmem>> -> memref<256xf32, #tpu.memory_space<vmem>>
        tpu.vector_store_idx %scatter3A_680[%add3A_173], %get3A_678 : memref<256xf32, #tpu.memory_space<vmem>>[vector<16xi32>], vector<16xf32>,
        %get3A_681 = arith.constant 6 : i32
        %get3A_682 = arith.index_cast %get3A_681 : i32 to index
        %get3A_683 = arith.index_cast %add3A_617 : i32 to index
        %get3A_684 = tpu.vector_load %arg8[%get3A_682, %get3A_683] {strides = array<i32>} : memref<16x1024xf32, #tpu.memory_space<vmem>>, vector<16xf32>,
        %get3A_685 = arith.constant 6 : i32
        %get3A_686 = arith.index_cast %get3A_685 : i32 to index
        %get3A_687 = arith.index_cast %add3A_617 : i32 to index
        %get3A_688 = tpu.vector_load %arg9[%get3A_686, %get3A_687] {strides = array<i32>} : memref<16x1024xf32, #tpu.memory_space<vmem>>, vector<16xf32>,
        %scatter3A_689 = tpu.memref_slice %arg10[%add3A_620] : memref<16384xf32, #tpu.memory_space<vmem>> -> memref<256xf32, #tpu.memory_space<vmem>>
        tpu.vector_store_idx %scatter3A_689[%add3A_180], %get3A_684 : memref<256xf32, #tpu.memory_space<vmem>>[vector<16xi32>], vector<16xf32>,
        %scatter3A_690 = tpu.memref_slice %arg11[%add3A_620] : memref<16384xf32, #tpu.memory_space<vmem>> -> memref<256xf32, #tpu.memory_space<vmem>>
        tpu.vector_store_idx %scatter3A_690[%add3A_180], %get3A_688 : memref<256xf32, #tpu.memory_space<vmem>>[vector<16xi32>], vector<16xf32>,
        %get3A_691 = arith.constant 7 : i32
        %get3A_692 = arith.index_cast %get3A_691 : i32 to index
        %get3A_693 = arith.index_cast %add3A_617 : i32 to index
        %get3A_694 = tpu.vector_load %arg8[%get3A_692, %get3A_693] {strides = array<i32>} : memref<16x1024xf32, #tpu.memory_space<vmem>>, vector<16xf32>,
        %get3A_695 = arith.constant 7 : i32
        %get3A_696 = arith.index_cast %get3A_695 : i32 to index
        %get3A_697 = arith.index_cast %add3A_617 : i32 to index
        %get3A_698 = tpu.vector_load %arg9[%get3A_696, %get3A_697] {strides = array<i32>} : memref<16x1024xf32, #tpu.memory_space<vmem>>, vector<16xf32>,
        %scatter3A_699 = tpu.memref_slice %arg10[%add3A_620] : memref<16384xf32, #tpu.memory_space<vmem>> -> memref<256xf32, #tpu.memory_space<vmem>>
        tpu.vector_store_idx %scatter3A_699[%add3A_187], %get3A_694 : memref<256xf32, #tpu.memory_space<vmem>>[vector<16xi32>], vector<16xf32>,
        %scatter3A_700 = tpu.memref_slice %arg11[%add3A_620] : memref<16384xf32, #tpu.memory_space<vmem>> -> memref<256xf32, #tpu.memory_space<vmem>>
        tpu.vector_store_idx %scatter3A_700[%add3A_187], %get3A_698 : memref<256xf32, #tpu.memory_space<vmem>>[vector<16xi32>], vector<16xf32>,
        %get3A_701 = arith.constant 8 : i32
        %get3A_702 = arith.index_cast %get3A_701 : i32 to index
        %get3A_703 = arith.index_cast %add3A_617 : i32 to index
        %get3A_704 = tpu.vector_load %arg8[%get3A_702, %get3A_703] {strides = array<i32>} : memref<16x1024xf32, #tpu.memory_space<vmem>>, vector<16xf32>,
        %get3A_705 = arith.constant 8 : i32
        %get3A_706 = arith.index_cast %get3A_705 : i32 to index
        %get3A_707 = arith.index_cast %add3A_617 : i32 to index
        %get3A_708 = tpu.vector_load %arg9[%get3A_706, %get3A_707] {strides = array<i32>} : memref<16x1024xf32, #tpu.memory_space<vmem>>, vector<16xf32>,
        %scatter3A_709 = tpu.memref_slice %arg10[%add3A_620] : memref<16384xf32, #tpu.memory_space<vmem>> -> memref<256xf32, #tpu.memory_space<vmem>>
        tpu.vector_store_idx %scatter3A_709[%add3A_194], %get3A_704 : memref<256xf32, #tpu.memory_space<vmem>>[vector<16xi32>], vector<16xf32>,
        %scatter3A_710 = tpu.memref_slice %arg11[%add3A_620] : memref<16384xf32, #tpu.memory_space<vmem>> -> memref<256xf32, #tpu.memory_space<vmem>>
        tpu.vector_store_idx %scatter3A_710[%add3A_194], %get3A_708 : memref<256xf32, #tpu.memory_space<vmem>>[vector<16xi32>], vector<16xf32>,
        %get3A_711 = arith.constant 9 : i32
        %get3A_712 = arith.index_cast %get3A_711 : i32 to index
        %get3A_713 = arith.index_cast %add3A_617 : i32 to index
        %get3A_714 = tpu.vector_load %arg8[%get3A_712, %get3A_713] {strides = array<i32>} : memref<16x1024xf32, #tpu.memory_space<vmem>>, vector<16xf32>,
        %get3A_715 = arith.constant 9 : i32
        %get3A_716 = arith.index_cast %get3A_715 : i32 to index
        %get3A_717 = arith.index_cast %add3A_617 : i32 to index
        %get3A_718 = tpu.vector_load %arg9[%get3A_716, %get3A_717] {strides = array<i32>} : memref<16x1024xf32, #tpu.memory_space<vmem>>, vector<16xf32>,
        %scatter3A_719 = tpu.memref_slice %arg10[%add3A_620] : memref<16384xf32, #tpu.memory_space<vmem>> -> memref<256xf32, #tpu.memory_space<vmem>>
        tpu.vector_store_idx %scatter3A_719[%add3A_201], %get3A_714 : memref<256xf32, #tpu.memory_space<vmem>>[vector<16xi32>], vector<16xf32>,
        %scatter3A_720 = tpu.memref_slice %arg11[%add3A_620] : memref<16384xf32, #tpu.memory_space<vmem>> -> memref<256xf32, #tpu.memory_space<vmem>>
        tpu.vector_store_idx %scatter3A_720[%add3A_201], %get3A_718 : memref<256xf32, #tpu.memory_space<vmem>>[vector<16xi32>], vector<16xf32>,
        %get3A_721 = arith.constant 10 : i32
        %get3A_722 = arith.index_cast %get3A_721 : i32 to index
        %get3A_723 = arith.index_cast %add3A_617 : i32 to index
        %get3A_724 = tpu.vector_load %arg8[%get3A_722, %get3A_723] {strides = array<i32>} : memref<16x1024xf32, #tpu.memory_space<vmem>>, vector<16xf32>,
        %get3A_725 = arith.constant 10 : i32
        %get3A_726 = arith.index_cast %get3A_725 : i32 to index
        %get3A_727 = arith.index_cast %add3A_617 : i32 to index
        %get3A_728 = tpu.vector_load %arg9[%get3A_726, %get3A_727] {strides = array<i32>} : memref<16x1024xf32, #tpu.memory_space<vmem>>, vector<16xf32>,
        %scatter3A_729 = tpu.memref_slice %arg10[%add3A_620] : memref<16384xf32, #tpu.memory_space<vmem>> -> memref<256xf32, #tpu.memory_space<vmem>>
        tpu.vector_store_idx %scatter3A_729[%add3A_208], %get3A_724 : memref<256xf32, #tpu.memory_space<vmem>>[vector<16xi32>], vector<16xf32>,
        %scatter3A_730 = tpu.memref_slice %arg11[%add3A_620] : memref<16384xf32, #tpu.memory_space<vmem>> -> memref<256xf32, #tpu.memory_space<vmem>>
        tpu.vector_store_idx %scatter3A_730[%add3A_208], %get3A_728 : memref<256xf32, #tpu.memory_space<vmem>>[vector<16xi32>], vector<16xf32>,
        %get3A_731 = arith.constant 11 : i32
        %get3A_732 = arith.index_cast %get3A_731 : i32 to index
        %get3A_733 = arith.index_cast %add3A_617 : i32 to index
        %get3A_734 = tpu.vector_load %arg8[%get3A_732, %get3A_733] {strides = array<i32>} : memref<16x1024xf32, #tpu.memory_space<vmem>>, vector<16xf32>,
        %get3A_735 = arith.constant 11 : i32
        %get3A_736 = arith.index_cast %get3A_735 : i32 to index
        %get3A_737 = arith.index_cast %add3A_617 : i32 to index
        %get3A_738 = tpu.vector_load %arg9[%get3A_736, %get3A_737] {strides = array<i32>} : memref<16x1024xf32, #tpu.memory_space<vmem>>, vector<16xf32>,
        %scatter3A_739 = tpu.memref_slice %arg10[%add3A_620] : memref<16384xf32, #tpu.memory_space<vmem>> -> memref<256xf32, #tpu.memory_space<vmem>>
        tpu.vector_store_idx %scatter3A_739[%add3A_215], %get3A_734 : memref<256xf32, #tpu.memory_space<vmem>>[vector<16xi32>], vector<16xf32>,
        %scatter3A_740 = tpu.memref_slice %arg11[%add3A_620] : memref<16384xf32, #tpu.memory_space<vmem>> -> memref<256xf32, #tpu.memory_space<vmem>>
        tpu.vector_store_idx %scatter3A_740[%add3A_215], %get3A_738 : memref<256xf32, #tpu.memory_space<vmem>>[vector<16xi32>], vector<16xf32>,
        %get3A_741 = arith.constant 12 : i32
        %get3A_742 = arith.index_cast %get3A_741 : i32 to index
        %get3A_743 = arith.index_cast %add3A_617 : i32 to index
        %get3A_744 = tpu.vector_load %arg8[%get3A_742, %get3A_743] {strides = array<i32>} : memref<16x1024xf32, #tpu.memory_space<vmem>>, vector<16xf32>,
        %get3A_745 = arith.constant 12 : i32
        %get3A_746 = arith.index_cast %get3A_745 : i32 to index
        %get3A_747 = arith.index_cast %add3A_617 : i32 to index
        %get3A_748 = tpu.vector_load %arg9[%get3A_746, %get3A_747] {strides = array<i32>} : memref<16x1024xf32, #tpu.memory_space<vmem>>, vector<16xf32>,
        %scatter3A_749 = tpu.memref_slice %arg10[%add3A_620] : memref<16384xf32, #tpu.memory_space<vmem>> -> memref<256xf32, #tpu.memory_space<vmem>>
        tpu.vector_store_idx %scatter3A_749[%add3A_222], %get3A_744 : memref<256xf32, #tpu.memory_space<vmem>>[vector<16xi32>], vector<16xf32>,
        %scatter3A_750 = tpu.memref_slice %arg11[%add3A_620] : memref<16384xf32, #tpu.memory_space<vmem>> -> memref<256xf32, #tpu.memory_space<vmem>>
        tpu.vector_store_idx %scatter3A_750[%add3A_222], %get3A_748 : memref<256xf32, #tpu.memory_space<vmem>>[vector<16xi32>], vector<16xf32>,
        %get3A_751 = arith.constant 13 : i32
        %get3A_752 = arith.index_cast %get3A_751 : i32 to index
        %get3A_753 = arith.index_cast %add3A_617 : i32 to index
        %get3A_754 = tpu.vector_load %arg8[%get3A_752, %get3A_753] {strides = array<i32>} : memref<16x1024xf32, #tpu.memory_space<vmem>>, vector<16xf32>,
        %get3A_755 = arith.constant 13 : i32
        %get3A_756 = arith.index_cast %get3A_755 : i32 to index
        %get3A_757 = arith.index_cast %add3A_617 : i32 to index
        %get3A_758 = tpu.vector_load %arg9[%get3A_756, %get3A_757] {strides = array<i32>} : memref<16x1024xf32, #tpu.memory_space<vmem>>, vector<16xf32>,
        %scatter3A_759 = tpu.memref_slice %arg10[%add3A_620] : memref<16384xf32, #tpu.memory_space<vmem>> -> memref<256xf32, #tpu.memory_space<vmem>>
        tpu.vector_store_idx %scatter3A_759[%add3A_229], %get3A_754 : memref<256xf32, #tpu.memory_space<vmem>>[vector<16xi32>], vector<16xf32>,
        %scatter3A_760 = tpu.memref_slice %arg11[%add3A_620] : memref<16384xf32, #tpu.memory_space<vmem>> -> memref<256xf32, #tpu.memory_space<vmem>>
        tpu.vector_store_idx %scatter3A_760[%add3A_229], %get3A_758 : memref<256xf32, #tpu.memory_space<vmem>>[vector<16xi32>], vector<16xf32>,
        %get3A_761 = arith.constant 14 : i32
        %get3A_762 = arith.index_cast %get3A_761 : i32 to index
        %get3A_763 = arith.index_cast %add3A_617 : i32 to index
        %get3A_764 = tpu.vector_load %arg8[%get3A_762, %get3A_763] {strides = array<i32>} : memref<16x1024xf32, #tpu.memory_space<vmem>>, vector<16xf32>,
        %get3A_765 = arith.constant 14 : i32
        %get3A_766 = arith.index_cast %get3A_765 : i32 to index
        %get3A_767 = arith.index_cast %add3A_617 : i32 to index
        %get3A_768 = tpu.vector_load %arg9[%get3A_766, %get3A_767] {strides = array<i32>} : memref<16x1024xf32, #tpu.memory_space<vmem>>, vector<16xf32>,
        %scatter3A_769 = tpu.memref_slice %arg10[%add3A_620] : memref<16384xf32, #tpu.memory_space<vmem>> -> memref<256xf32, #tpu.memory_space<vmem>>
        tpu.vector_store_idx %scatter3A_769[%add3A_236], %get3A_764 : memref<256xf32, #tpu.memory_space<vmem>>[vector<16xi32>], vector<16xf32>,
        %scatter3A_770 = tpu.memref_slice %arg11[%add3A_620] : memref<16384xf32, #tpu.memory_space<vmem>> -> memref<256xf32, #tpu.memory_space<vmem>>
        tpu.vector_store_idx %scatter3A_770[%add3A_236], %get3A_768 : memref<256xf32, #tpu.memory_space<vmem>>[vector<16xi32>], vector<16xf32>,
        %get3A_771 = arith.constant 15 : i32
        %get3A_772 = arith.index_cast %get3A_771 : i32 to index
        %get3A_773 = arith.index_cast %add3A_617 : i32 to index
        %get3A_774 = tpu.vector_load %arg8[%get3A_772, %get3A_773] {strides = array<i32>} : memref<16x1024xf32, #tpu.memory_space<vmem>>, vector<16xf32>,
        %get3A_775 = arith.constant 15 : i32
        %get3A_776 = arith.index_cast %get3A_775 : i32 to index
        %get3A_777 = arith.index_cast %add3A_617 : i32 to index
        %get3A_778 = tpu.vector_load %arg9[%get3A_776, %get3A_777] {strides = array<i32>} : memref<16x1024xf32, #tpu.memory_space<vmem>>, vector<16xf32>,
        %scatter3A_779 = tpu.memref_slice %arg10[%add3A_620] : memref<16384xf32, #tpu.memory_space<vmem>> -> memref<256xf32, #tpu.memory_space<vmem>>
        tpu.vector_store_idx %scatter3A_779[%add3A_243], %get3A_774 : memref<256xf32, #tpu.memory_space<vmem>>[vector<16xi32>], vector<16xf32>,
        %scatter3A_780 = tpu.memref_slice %arg11[%add3A_620] : memref<16384xf32, #tpu.memory_space<vmem>> -> memref<256xf32, #tpu.memory_space<vmem>>
        tpu.vector_store_idx %scatter3A_780[%add3A_243], %get3A_778 : memref<256xf32, #tpu.memory_space<vmem>>[vector<16xi32>], vector<16xf32>,
        %scan3A_781 = arith.constant 3 : i32
        %scan3A_782 = arith.addi %scan3A_280, %scan3A_781 : i32
        %mul3A_783 = arith.constant 16 : i32
        %mul3A_784 = arith.muli %scan3A_782, %mul3A_783 : i32
        %add3A_785 = arith.addi %mul3A_130, %mul3A_784 : i32
        %mul3A_786 = arith.constant 256 : i32
        %mul3A_787 = arith.muli %scan3A_782, %mul3A_786 : i32
        %add3A_788 = arith.addi %mul3A_132, %mul3A_787 : i32
        %get3A_789 = arith.constant 0 : i32
        %get3A_790 = arith.index_cast %get3A_789 : i32 to index
        %get3A_791 = arith.index_cast %add3A_785 : i32 to index
        %get3A_792 = tpu.vector_load %arg8[%get3A_790, %get3A_791] {strides = array<i32>} : memref<16x1024xf32, #tpu.memory_space<vmem>>, vector<16xf32>,
        %get3A_793 = arith.constant 0 : i32
        %get3A_794 = arith.index_cast %get3A_793 : i32 to index
        %get3A_795 = arith.index_cast %add3A_785 : i32 to index
        %get3A_796 = tpu.vector_load %arg9[%get3A_794, %get3A_795] {strides = array<i32>} : memref<16x1024xf32, #tpu.memory_space<vmem>>, vector<16xf32>,
        %scatter3A_797 = tpu.memref_slice %arg10[%add3A_788] : memref<16384xf32, #tpu.memory_space<vmem>> -> memref<256xf32, #tpu.memory_space<vmem>>
        tpu.vector_store_idx %scatter3A_797[%add3A_138], %get3A_792 : memref<256xf32, #tpu.memory_space<vmem>>[vector<16xi32>], vector<16xf32>,
        %scatter3A_798 = tpu.memref_slice %arg11[%add3A_788] : memref<16384xf32, #tpu.memory_space<vmem>> -> memref<256xf32, #tpu.memory_space<vmem>>
        tpu.vector_store_idx %scatter3A_798[%add3A_138], %get3A_796 : memref<256xf32, #tpu.memory_space<vmem>>[vector<16xi32>], vector<16xf32>,
        %get3A_799 = arith.constant 1 : i32
        %get3A_800 = arith.index_cast %get3A_799 : i32 to index
        %get3A_801 = arith.index_cast %add3A_785 : i32 to index
        %get3A_802 = tpu.vector_load %arg8[%get3A_800, %get3A_801] {strides = array<i32>} : memref<16x1024xf32, #tpu.memory_space<vmem>>, vector<16xf32>,
        %get3A_803 = arith.constant 1 : i32
        %get3A_804 = arith.index_cast %get3A_803 : i32 to index
        %get3A_805 = arith.index_cast %add3A_785 : i32 to index
        %get3A_806 = tpu.vector_load %arg9[%get3A_804, %get3A_805] {strides = array<i32>} : memref<16x1024xf32, #tpu.memory_space<vmem>>, vector<16xf32>,
        %scatter3A_807 = tpu.memref_slice %arg10[%add3A_788] : memref<16384xf32, #tpu.memory_space<vmem>> -> memref<256xf32, #tpu.memory_space<vmem>>
        tpu.vector_store_idx %scatter3A_807[%add3A_145], %get3A_802 : memref<256xf32, #tpu.memory_space<vmem>>[vector<16xi32>], vector<16xf32>,
        %scatter3A_808 = tpu.memref_slice %arg11[%add3A_788] : memref<16384xf32, #tpu.memory_space<vmem>> -> memref<256xf32, #tpu.memory_space<vmem>>
        tpu.vector_store_idx %scatter3A_808[%add3A_145], %get3A_806 : memref<256xf32, #tpu.memory_space<vmem>>[vector<16xi32>], vector<16xf32>,
        %get3A_809 = arith.constant 2 : i32
        %get3A_810 = arith.index_cast %get3A_809 : i32 to index
        %get3A_811 = arith.index_cast %add3A_785 : i32 to index
        %get3A_812 = tpu.vector_load %arg8[%get3A_810, %get3A_811] {strides = array<i32>} : memref<16x1024xf32, #tpu.memory_space<vmem>>, vector<16xf32>,
        %get3A_813 = arith.constant 2 : i32
        %get3A_814 = arith.index_cast %get3A_813 : i32 to index
        %get3A_815 = arith.index_cast %add3A_785 : i32 to index
        %get3A_816 = tpu.vector_load %arg9[%get3A_814, %get3A_815] {strides = array<i32>} : memref<16x1024xf32, #tpu.memory_space<vmem>>, vector<16xf32>,
        %scatter3A_817 = tpu.memref_slice %arg10[%add3A_788] : memref<16384xf32, #tpu.memory_space<vmem>> -> memref<256xf32, #tpu.memory_space<vmem>>
        tpu.vector_store_idx %scatter3A_817[%add3A_152], %get3A_812 : memref<256xf32, #tpu.memory_space<vmem>>[vector<16xi32>], vector<16xf32>,
        %scatter3A_818 = tpu.memref_slice %arg11[%add3A_788] : memref<16384xf32, #tpu.memory_space<vmem>> -> memref<256xf32, #tpu.memory_space<vmem>>
        tpu.vector_store_idx %scatter3A_818[%add3A_152], %get3A_816 : memref<256xf32, #tpu.memory_space<vmem>>[vector<16xi32>], vector<16xf32>,
        %get3A_819 = arith.constant 3 : i32
        %get3A_820 = arith.index_cast %get3A_819 : i32 to index
        %get3A_821 = arith.index_cast %add3A_785 : i32 to index
        %get3A_822 = tpu.vector_load %arg8[%get3A_820, %get3A_821] {strides = array<i32>} : memref<16x1024xf32, #tpu.memory_space<vmem>>, vector<16xf32>,
        %get3A_823 = arith.constant 3 : i32
        %get3A_824 = arith.index_cast %get3A_823 : i32 to index
        %get3A_825 = arith.index_cast %add3A_785 : i32 to index
        %get3A_826 = tpu.vector_load %arg9[%get3A_824, %get3A_825] {strides = array<i32>} : memref<16x1024xf32, #tpu.memory_space<vmem>>, vector<16xf32>,
        %scatter3A_827 = tpu.memref_slice %arg10[%add3A_788] : memref<16384xf32, #tpu.memory_space<vmem>> -> memref<256xf32, #tpu.memory_space<vmem>>
        tpu.vector_store_idx %scatter3A_827[%add3A_159], %get3A_822 : memref<256xf32, #tpu.memory_space<vmem>>[vector<16xi32>], vector<16xf32>,
        %scatter3A_828 = tpu.memref_slice %arg11[%add3A_788] : memref<16384xf32, #tpu.memory_space<vmem>> -> memref<256xf32, #tpu.memory_space<vmem>>
        tpu.vector_store_idx %scatter3A_828[%add3A_159], %get3A_826 : memref<256xf32, #tpu.memory_space<vmem>>[vector<16xi32>], vector<16xf32>,
        %get3A_829 = arith.constant 4 : i32
        %get3A_830 = arith.index_cast %get3A_829 : i32 to index
        %get3A_831 = arith.index_cast %add3A_785 : i32 to index
        %get3A_832 = tpu.vector_load %arg8[%get3A_830, %get3A_831] {strides = array<i32>} : memref<16x1024xf32, #tpu.memory_space<vmem>>, vector<16xf32>,
        %get3A_833 = arith.constant 4 : i32
        %get3A_834 = arith.index_cast %get3A_833 : i32 to index
        %get3A_835 = arith.index_cast %add3A_785 : i32 to index
        %get3A_836 = tpu.vector_load %arg9[%get3A_834, %get3A_835] {strides = array<i32>} : memref<16x1024xf32, #tpu.memory_space<vmem>>, vector<16xf32>,
        %scatter3A_837 = tpu.memref_slice %arg10[%add3A_788] : memref<16384xf32, #tpu.memory_space<vmem>> -> memref<256xf32, #tpu.memory_space<vmem>>
        tpu.vector_store_idx %scatter3A_837[%add3A_166], %get3A_832 : memref<256xf32, #tpu.memory_space<vmem>>[vector<16xi32>], vector<16xf32>,
        %scatter3A_838 = tpu.memref_slice %arg11[%add3A_788] : memref<16384xf32, #tpu.memory_space<vmem>> -> memref<256xf32, #tpu.memory_space<vmem>>
        tpu.vector_store_idx %scatter3A_838[%add3A_166], %get3A_836 : memref<256xf32, #tpu.memory_space<vmem>>[vector<16xi32>], vector<16xf32>,
        %get3A_839 = arith.constant 5 : i32
        %get3A_840 = arith.index_cast %get3A_839 : i32 to index
        %get3A_841 = arith.index_cast %add3A_785 : i32 to index
        %get3A_842 = tpu.vector_load %arg8[%get3A_840, %get3A_841] {strides = array<i32>} : memref<16x1024xf32, #tpu.memory_space<vmem>>, vector<16xf32>,
        %get3A_843 = arith.constant 5 : i32
        %get3A_844 = arith.index_cast %get3A_843 : i32 to index
        %get3A_845 = arith.index_cast %add3A_785 : i32 to index
        %get3A_846 = tpu.vector_load %arg9[%get3A_844, %get3A_845] {strides = array<i32>} : memref<16x1024xf32, #tpu.memory_space<vmem>>, vector<16xf32>,
        %scatter3A_847 = tpu.memref_slice %arg10[%add3A_788] : memref<16384xf32, #tpu.memory_space<vmem>> -> memref<256xf32, #tpu.memory_space<vmem>>
        tpu.vector_store_idx %scatter3A_847[%add3A_173], %get3A_842 : memref<256xf32, #tpu.memory_space<vmem>>[vector<16xi32>], vector<16xf32>,
        %scatter3A_848 = tpu.memref_slice %arg11[%add3A_788] : memref<16384xf32, #tpu.memory_space<vmem>> -> memref<256xf32, #tpu.memory_space<vmem>>
        tpu.vector_store_idx %scatter3A_848[%add3A_173], %get3A_846 : memref<256xf32, #tpu.memory_space<vmem>>[vector<16xi32>], vector<16xf32>,
        %get3A_849 = arith.constant 6 : i32
        %get3A_850 = arith.index_cast %get3A_849 : i32 to index
        %get3A_851 = arith.index_cast %add3A_785 : i32 to index
        %get3A_852 = tpu.vector_load %arg8[%get3A_850, %get3A_851] {strides = array<i32>} : memref<16x1024xf32, #tpu.memory_space<vmem>>, vector<16xf32>,
        %get3A_853 = arith.constant 6 : i32
        %get3A_854 = arith.index_cast %get3A_853 : i32 to index
        %get3A_855 = arith.index_cast %add3A_785 : i32 to index
        %get3A_856 = tpu.vector_load %arg9[%get3A_854, %get3A_855] {strides = array<i32>} : memref<16x1024xf32, #tpu.memory_space<vmem>>, vector<16xf32>,
        %scatter3A_857 = tpu.memref_slice %arg10[%add3A_788] : memref<16384xf32, #tpu.memory_space<vmem>> -> memref<256xf32, #tpu.memory_space<vmem>>
        tpu.vector_store_idx %scatter3A_857[%add3A_180], %get3A_852 : memref<256xf32, #tpu.memory_space<vmem>>[vector<16xi32>], vector<16xf32>,
        %scatter3A_858 = tpu.memref_slice %arg11[%add3A_788] : memref<16384xf32, #tpu.memory_space<vmem>> -> memref<256xf32, #tpu.memory_space<vmem>>
        tpu.vector_store_idx %scatter3A_858[%add3A_180], %get3A_856 : memref<256xf32, #tpu.memory_space<vmem>>[vector<16xi32>], vector<16xf32>,
        %get3A_859 = arith.constant 7 : i32
        %get3A_860 = arith.index_cast %get3A_859 : i32 to index
        %get3A_861 = arith.index_cast %add3A_785 : i32 to index
        %get3A_862 = tpu.vector_load %arg8[%get3A_860, %get3A_861] {strides = array<i32>} : memref<16x1024xf32, #tpu.memory_space<vmem>>, vector<16xf32>,
        %get3A_863 = arith.constant 7 : i32
        %get3A_864 = arith.index_cast %get3A_863 : i32 to index
        %get3A_865 = arith.index_cast %add3A_785 : i32 to index
        %get3A_866 = tpu.vector_load %arg9[%get3A_864, %get3A_865] {strides = array<i32>} : memref<16x1024xf32, #tpu.memory_space<vmem>>, vector<16xf32>,
        %scatter3A_867 = tpu.memref_slice %arg10[%add3A_788] : memref<16384xf32, #tpu.memory_space<vmem>> -> memref<256xf32, #tpu.memory_space<vmem>>
        tpu.vector_store_idx %scatter3A_867[%add3A_187], %get3A_862 : memref<256xf32, #tpu.memory_space<vmem>>[vector<16xi32>], vector<16xf32>,
        %scatter3A_868 = tpu.memref_slice %arg11[%add3A_788] : memref<16384xf32, #tpu.memory_space<vmem>> -> memref<256xf32, #tpu.memory_space<vmem>>
        tpu.vector_store_idx %scatter3A_868[%add3A_187], %get3A_866 : memref<256xf32, #tpu.memory_space<vmem>>[vector<16xi32>], vector<16xf32>,
        %get3A_869 = arith.constant 8 : i32
        %get3A_870 = arith.index_cast %get3A_869 : i32 to index
        %get3A_871 = arith.index_cast %add3A_785 : i32 to index
        %get3A_872 = tpu.vector_load %arg8[%get3A_870, %get3A_871] {strides = array<i32>} : memref<16x1024xf32, #tpu.memory_space<vmem>>, vector<16xf32>,
        %get3A_873 = arith.constant 8 : i32
        %get3A_874 = arith.index_cast %get3A_873 : i32 to index
        %get3A_875 = arith.index_cast %add3A_785 : i32 to index
        %get3A_876 = tpu.vector_load %arg9[%get3A_874, %get3A_875] {strides = array<i32>} : memref<16x1024xf32, #tpu.memory_space<vmem>>, vector<16xf32>,
        %scatter3A_877 = tpu.memref_slice %arg10[%add3A_788] : memref<16384xf32, #tpu.memory_space<vmem>> -> memref<256xf32, #tpu.memory_space<vmem>>
        tpu.vector_store_idx %scatter3A_877[%add3A_194], %get3A_872 : memref<256xf32, #tpu.memory_space<vmem>>[vector<16xi32>], vector<16xf32>,
        %scatter3A_878 = tpu.memref_slice %arg11[%add3A_788] : memref<16384xf32, #tpu.memory_space<vmem>> -> memref<256xf32, #tpu.memory_space<vmem>>
        tpu.vector_store_idx %scatter3A_878[%add3A_194], %get3A_876 : memref<256xf32, #tpu.memory_space<vmem>>[vector<16xi32>], vector<16xf32>,
        %get3A_879 = arith.constant 9 : i32
        %get3A_880 = arith.index_cast %get3A_879 : i32 to index
        %get3A_881 = arith.index_cast %add3A_785 : i32 to index
        %get3A_882 = tpu.vector_load %arg8[%get3A_880, %get3A_881] {strides = array<i32>} : memref<16x1024xf32, #tpu.memory_space<vmem>>, vector<16xf32>,
        %get3A_883 = arith.constant 9 : i32
        %get3A_884 = arith.index_cast %get3A_883 : i32 to index
        %get3A_885 = arith.index_cast %add3A_785 : i32 to index
        %get3A_886 = tpu.vector_load %arg9[%get3A_884, %get3A_885] {strides = array<i32>} : memref<16x1024xf32, #tpu.memory_space<vmem>>, vector<16xf32>,
        %scatter3A_887 = tpu.memref_slice %arg10[%add3A_788] : memref<16384xf32, #tpu.memory_space<vmem>> -> memref<256xf32, #tpu.memory_space<vmem>>
        tpu.vector_store_idx %scatter3A_887[%add3A_201], %get3A_882 : memref<256xf32, #tpu.memory_space<vmem>>[vector<16xi32>], vector<16xf32>,
        %scatter3A_888 = tpu.memref_slice %arg11[%add3A_788] : memref<16384xf32, #tpu.memory_space<vmem>> -> memref<256xf32, #tpu.memory_space<vmem>>
        tpu.vector_store_idx %scatter3A_888[%add3A_201], %get3A_886 : memref<256xf32, #tpu.memory_space<vmem>>[vector<16xi32>], vector<16xf32>,
        %get3A_889 = arith.constant 10 : i32
        %get3A_890 = arith.index_cast %get3A_889 : i32 to index
        %get3A_891 = arith.index_cast %add3A_785 : i32 to index
        %get3A_892 = tpu.vector_load %arg8[%get3A_890, %get3A_891] {strides = array<i32>} : memref<16x1024xf32, #tpu.memory_space<vmem>>, vector<16xf32>,
        %get3A_893 = arith.constant 10 : i32
        %get3A_894 = arith.index_cast %get3A_893 : i32 to index
        %get3A_895 = arith.index_cast %add3A_785 : i32 to index
        %get3A_896 = tpu.vector_load %arg9[%get3A_894, %get3A_895] {strides = array<i32>} : memref<16x1024xf32, #tpu.memory_space<vmem>>, vector<16xf32>,
        %scatter3A_897 = tpu.memref_slice %arg10[%add3A_788] : memref<16384xf32, #tpu.memory_space<vmem>> -> memref<256xf32, #tpu.memory_space<vmem>>
        tpu.vector_store_idx %scatter3A_897[%add3A_208], %get3A_892 : memref<256xf32, #tpu.memory_space<vmem>>[vector<16xi32>], vector<16xf32>,
        %scatter3A_898 = tpu.memref_slice %arg11[%add3A_788] : memref<16384xf32, #tpu.memory_space<vmem>> -> memref<256xf32, #tpu.memory_space<vmem>>
        tpu.vector_store_idx %scatter3A_898[%add3A_208], %get3A_896 : memref<256xf32, #tpu.memory_space<vmem>>[vector<16xi32>], vector<16xf32>,
        %get3A_899 = arith.constant 11 : i32
        %get3A_900 = arith.index_cast %get3A_899 : i32 to index
        %get3A_901 = arith.index_cast %add3A_785 : i32 to index
        %get3A_902 = tpu.vector_load %arg8[%get3A_900, %get3A_901] {strides = array<i32>} : memref<16x1024xf32, #tpu.memory_space<vmem>>, vector<16xf32>,
        %get3A_903 = arith.constant 11 : i32
        %get3A_904 = arith.index_cast %get3A_903 : i32 to index
        %get3A_905 = arith.index_cast %add3A_785 : i32 to index
        %get3A_906 = tpu.vector_load %arg9[%get3A_904, %get3A_905] {strides = array<i32>} : memref<16x1024xf32, #tpu.memory_space<vmem>>, vector<16xf32>,
        %scatter3A_907 = tpu.memref_slice %arg10[%add3A_788] : memref<16384xf32, #tpu.memory_space<vmem>> -> memref<256xf32, #tpu.memory_space<vmem>>
        tpu.vector_store_idx %scatter3A_907[%add3A_215], %get3A_902 : memref<256xf32, #tpu.memory_space<vmem>>[vector<16xi32>], vector<16xf32>,
        %scatter3A_908 = tpu.memref_slice %arg11[%add3A_788] : memref<16384xf32, #tpu.memory_space<vmem>> -> memref<256xf32, #tpu.memory_space<vmem>>
        tpu.vector_store_idx %scatter3A_908[%add3A_215], %get3A_906 : memref<256xf32, #tpu.memory_space<vmem>>[vector<16xi32>], vector<16xf32>,
        %get3A_909 = arith.constant 12 : i32
        %get3A_910 = arith.index_cast %get3A_909 : i32 to index
        %get3A_911 = arith.index_cast %add3A_785 : i32 to index
        %get3A_912 = tpu.vector_load %arg8[%get3A_910, %get3A_911] {strides = array<i32>} : memref<16x1024xf32, #tpu.memory_space<vmem>>, vector<16xf32>,
        %get3A_913 = arith.constant 12 : i32
        %get3A_914 = arith.index_cast %get3A_913 : i32 to index
        %get3A_915 = arith.index_cast %add3A_785 : i32 to index
        %get3A_916 = tpu.vector_load %arg9[%get3A_914, %get3A_915] {strides = array<i32>} : memref<16x1024xf32, #tpu.memory_space<vmem>>, vector<16xf32>,
        %scatter3A_917 = tpu.memref_slice %arg10[%add3A_788] : memref<16384xf32, #tpu.memory_space<vmem>> -> memref<256xf32, #tpu.memory_space<vmem>>
        tpu.vector_store_idx %scatter3A_917[%add3A_222], %get3A_912 : memref<256xf32, #tpu.memory_space<vmem>>[vector<16xi32>], vector<16xf32>,
        %scatter3A_918 = tpu.memref_slice %arg11[%add3A_788] : memref<16384xf32, #tpu.memory_space<vmem>> -> memref<256xf32, #tpu.memory_space<vmem>>
        tpu.vector_store_idx %scatter3A_918[%add3A_222], %get3A_916 : memref<256xf32, #tpu.memory_space<vmem>>[vector<16xi32>], vector<16xf32>,
        %get3A_919 = arith.constant 13 : i32
        %get3A_920 = arith.index_cast %get3A_919 : i32 to index
        %get3A_921 = arith.index_cast %add3A_785 : i32 to index
        %get3A_922 = tpu.vector_load %arg8[%get3A_920, %get3A_921] {strides = array<i32>} : memref<16x1024xf32, #tpu.memory_space<vmem>>, vector<16xf32>,
        %get3A_923 = arith.constant 13 : i32
        %get3A_924 = arith.index_cast %get3A_923 : i32 to index
        %get3A_925 = arith.index_cast %add3A_785 : i32 to index
        %get3A_926 = tpu.vector_load %arg9[%get3A_924, %get3A_925] {strides = array<i32>} : memref<16x1024xf32, #tpu.memory_space<vmem>>, vector<16xf32>,
        %scatter3A_927 = tpu.memref_slice %arg10[%add3A_788] : memref<16384xf32, #tpu.memory_space<vmem>> -> memref<256xf32, #tpu.memory_space<vmem>>
        tpu.vector_store_idx %scatter3A_927[%add3A_229], %get3A_922 : memref<256xf32, #tpu.memory_space<vmem>>[vector<16xi32>], vector<16xf32>,
        %scatter3A_928 = tpu.memref_slice %arg11[%add3A_788] : memref<16384xf32, #tpu.memory_space<vmem>> -> memref<256xf32, #tpu.memory_space<vmem>>
        tpu.vector_store_idx %scatter3A_928[%add3A_229], %get3A_926 : memref<256xf32, #tpu.memory_space<vmem>>[vector<16xi32>], vector<16xf32>,
        %get3A_929 = arith.constant 14 : i32
        %get3A_930 = arith.index_cast %get3A_929 : i32 to index
        %get3A_931 = arith.index_cast %add3A_785 : i32 to index
        %get3A_932 = tpu.vector_load %arg8[%get3A_930, %get3A_931] {strides = array<i32>} : memref<16x1024xf32, #tpu.memory_space<vmem>>, vector<16xf32>,
        %get3A_933 = arith.constant 14 : i32
        %get3A_934 = arith.index_cast %get3A_933 : i32 to index
        %get3A_935 = arith.index_cast %add3A_785 : i32 to index
        %get3A_936 = tpu.vector_load %arg9[%get3A_934, %get3A_935] {strides = array<i32>} : memref<16x1024xf32, #tpu.memory_space<vmem>>, vector<16xf32>,
        %scatter3A_937 = tpu.memref_slice %arg10[%add3A_788] : memref<16384xf32, #tpu.memory_space<vmem>> -> memref<256xf32, #tpu.memory_space<vmem>>
        tpu.vector_store_idx %scatter3A_937[%add3A_236], %get3A_932 : memref<256xf32, #tpu.memory_space<vmem>>[vector<16xi32>], vector<16xf32>,
        %scatter3A_938 = tpu.memref_slice %arg11[%add3A_788] : memref<16384xf32, #tpu.memory_space<vmem>> -> memref<256xf32, #tpu.memory_space<vmem>>
        tpu.vector_store_idx %scatter3A_938[%add3A_236], %get3A_936 : memref<256xf32, #tpu.memory_space<vmem>>[vector<16xi32>], vector<16xf32>,
        %get3A_939 = arith.constant 15 : i32
        %get3A_940 = arith.index_cast %get3A_939 : i32 to index
        %get3A_941 = arith.index_cast %add3A_785 : i32 to index
        %get3A_942 = tpu.vector_load %arg8[%get3A_940, %get3A_941] {strides = array<i32>} : memref<16x1024xf32, #tpu.memory_space<vmem>>, vector<16xf32>,
        %get3A_943 = arith.constant 15 : i32
        %get3A_944 = arith.index_cast %get3A_943 : i32 to index
        %get3A_945 = arith.index_cast %add3A_785 : i32 to index
        %get3A_946 = tpu.vector_load %arg9[%get3A_944, %get3A_945] {strides = array<i32>} : memref<16x1024xf32, #tpu.memory_space<vmem>>, vector<16xf32>,
        %scatter3A_947 = tpu.memref_slice %arg10[%add3A_788] : memref<16384xf32, #tpu.memory_space<vmem>> -> memref<256xf32, #tpu.memory_space<vmem>>
        tpu.vector_store_idx %scatter3A_947[%add3A_243], %get3A_942 : memref<256xf32, #tpu.memory_space<vmem>>[vector<16xi32>], vector<16xf32>,
        %scatter3A_948 = tpu.memref_slice %arg11[%add3A_788] : memref<16384xf32, #tpu.memory_space<vmem>> -> memref<256xf32, #tpu.memory_space<vmem>>
        tpu.vector_store_idx %scatter3A_948[%add3A_243], %get3A_946 : memref<256xf32, #tpu.memory_space<vmem>>[vector<16xi32>], vector<16xf32>,
      }
      %scan3A_248 = arith.constant 32 : i32
      %sub3A_249 = arith.subi %while3A_78, %mul3A_2 : i32
      %jit3A_250 = arith.constant 2 : i32
      %eq3A_251 = arith.constant 0 : i32
      %eq3A_252 = arith.cmpi eq, %jit3A_250, %eq3A_251 : i32
      %jit3A_253 = arith.constant 1 : i32
      %select_n3A_254 = arith.select %eq3A_252, %jit3A_253, %jit3A_250 : i32
      %rem3A_255 = arith.remsi %sub3A_249, %select_n3A_254 : i32
      %ne3A_256 = arith.constant 0 : i32
      %ne3A_257 = arith.cmpi ne, %rem3A_255, %ne3A_256 : i32
      %lt3A_258 = arith.constant 0 : i32
      %lt3A_259 = arith.cmpi slt, %rem3A_255, %lt3A_258 : i32
      %lt3A_260 = arith.constant 0 : i32
      %lt3A_261 = arith.cmpi slt, %select_n3A_254, %lt3A_260 : i32
      %ne3A_262 = arith.xori %lt3A_259, %lt3A_261 : i1
      %and3A_263 = arith.andi %ne3A_262, %ne3A_257 : i1
      %add3A_264 = arith.addi %rem3A_255, %select_n3A_254 : i32
      %select_n3A_265 = arith.select %and3A_263, %add3A_264, %rem3A_255 : i32
      %mul3A_266 = arith.constant 8192 : i32
      %mul3A_267 = arith.muli %while3A_78, %mul3A_266 : i32
      %mul3A_268 = arith.constant 8192 : i32
      %mul3A_269 = arith.muli %select_n3A_265, %mul3A_268 : i32
      %dma_start3A_270 = tpu.memref_slice %arg10[%mul3A_269] : memref<16384xf32, #tpu.memory_space<vmem>> -> memref<8192xf32, #tpu.memory_space<vmem>>
      %dma_start3A_271 = tpu.memref_slice %arg6[%mul3A_267] : memref<41601024xf32, #tpu.memory_space<hbm>> -> memref<8192xf32, #tpu.memory_space<hbm>>
      %dma_start3A_272 = tpu.memref_slice %arg6[%mul3A_267] : memref<41601024xf32, #tpu.memory_space<hbm>> -> memref<8192xf32, #tpu.memory_space<hbm>>
      %dma_start3A_273 = tpu.memref_slice %arg10[%mul3A_269] : memref<16384xf32, #tpu.memory_space<vmem>> -> memref<8192xf32, #tpu.memory_space<vmem>>
      tpu.enqueue_dma source(%dma_start3A_273 : memref<8192xf32, #tpu.memory_space<vmem>>) target(%dma_start3A_272 : memref<8192xf32, #tpu.memory_space<hbm>>) target_semaphore(%arg13 : memref<!tpu.dma_semaphore, #tpu.memory_space<semaphore_mem>>)
      %mul3A_274 = arith.constant 8192 : i32
      %mul3A_275 = arith.muli %select_n3A_265, %mul3A_274 : i32
      %dma_start3A_276 = tpu.memref_slice %arg11[%mul3A_275] : memref<16384xf32, #tpu.memory_space<vmem>> -> memref<8192xf32, #tpu.memory_space<vmem>>
      %dma_start3A_277 = tpu.memref_slice %arg7[%mul3A_267] : memref<41601024xf32, #tpu.memory_space<hbm>> -> memref<8192xf32, #tpu.memory_space<hbm>>
      %dma_start3A_278 = tpu.memref_slice %arg7[%mul3A_267] : memref<41601024xf32, #tpu.memory_space<hbm>> -> memref<8192xf32, #tpu.memory_space<hbm>>
      %dma_start3A_279 = tpu.memref_slice %arg11[%mul3A_275] : memref<16384xf32, #tpu.memory_space<vmem>> -> memref<8192xf32, #tpu.memory_space<vmem>>
      tpu.enqueue_dma source(%dma_start3A_279 : memref<8192xf32, #tpu.memory_space<vmem>>) target(%dma_start3A_278 : memref<8192xf32, #tpu.memory_space<hbm>>) target_semaphore(%arg13 : memref<!tpu.dma_semaphore, #tpu.memory_space<semaphore_mem>>)
    }
    %sub3A_44 = arith.constant 2 : i32
    %sub3A_45 = arith.subi %min3A_5, %sub3A_44 : i32
    %mul3A_46 = arith.constant 8192 : i32
    %mul3A_47 = arith.muli %sub3A_45, %mul3A_46 : i32
    %dma_wait3A = arith.constant 0 : i32
    %dma_wait3A_48 = tpu.memref_slice %arg10[%dma_wait3A] : memref<16384xf32, #tpu.memory_space<vmem>> -> memref<8192xf32, #tpu.memory_space<vmem>>
    %dma_wait3A_49 = tpu.memref_slice %arg6[%mul3A_47] : memref<41601024xf32, #tpu.memory_space<hbm>> -> memref<8192xf32, #tpu.memory_space<hbm>>
    %dma_wait3A_50 = tpu.memref_slice %arg6[%mul3A_47] : memref<41601024xf32, #tpu.memory_space<hbm>> -> memref<8192xf32, #tpu.memory_space<hbm>>
    %dma_wait3A_51 = arith.constant 0 : i32
    %dma_wait3A_52 = tpu.memref_slice %arg10[%dma_wait3A_51] : memref<16384xf32, #tpu.memory_space<vmem>> -> memref<8192xf32, #tpu.memory_space<vmem>>
    tpu.wait_dma2 semaphore(%arg13 : memref<!tpu.dma_semaphore, #tpu.memory_space<semaphore_mem>>) src(%dma_wait3A_52 : memref<8192xf32, #tpu.memory_space<vmem>>) dst(%dma_wait3A_50 : memref<8192xf32, #tpu.memory_space<hbm>>)
    %dma_wait3A_53 = arith.constant 0 : i32
    %dma_wait3A_54 = tpu.memref_slice %arg11[%dma_wait3A_53] : memref<16384xf32, #tpu.memory_space<vmem>> -> memref<8192xf32, #tpu.memory_space<vmem>>
    %dma_wait3A_55 = tpu.memref_slice %arg7[%mul3A_47] : memref<41601024xf32, #tpu.memory_space<hbm>> -> memref<8192xf32, #tpu.memory_space<hbm>>
    %dma_wait3A_56 = tpu.memref_slice %arg7[%mul3A_47] : memref<41601024xf32, #tpu.memory_space<hbm>> -> memref<8192xf32, #tpu.memory_space<hbm>>
    %dma_wait3A_57 = arith.constant 0 : i32
    %dma_wait3A_58 = tpu.memref_slice %arg11[%dma_wait3A_57] : memref<16384xf32, #tpu.memory_space<vmem>> -> memref<8192xf32, #tpu.memory_space<vmem>>
    tpu.wait_dma2 semaphore(%arg13 : memref<!tpu.dma_semaphore, #tpu.memory_space<semaphore_mem>>) src(%dma_wait3A_58 : memref<8192xf32, #tpu.memory_space<vmem>>) dst(%dma_wait3A_56 : memref<8192xf32, #tpu.memory_space<hbm>>)
    %sub3A_59 = arith.constant 1 : i32
    %sub3A_60 = arith.subi %min3A_5, %sub3A_59 : i32
    %mul3A_61 = arith.constant 8192 : i32
    %mul3A_62 = arith.muli %sub3A_60, %mul3A_61 : i32
    %dma_wait3A_63 = arith.constant 0 : i32
    %dma_wait3A_64 = tpu.memref_slice %arg10[%dma_wait3A_63] : memref<16384xf32, #tpu.memory_space<vmem>> -> memref<8192xf32, #tpu.memory_space<vmem>>
    %dma_wait3A_65 = tpu.memref_slice %arg6[%mul3A_62] : memref<41601024xf32, #tpu.memory_space<hbm>> -> memref<8192xf32, #tpu.memory_space<hbm>>
    %dma_wait3A_66 = tpu.memref_slice %arg6[%mul3A_62] : memref<41601024xf32, #tpu.memory_space<hbm>> -> memref<8192xf32, #tpu.memory_space<hbm>>
    %dma_wait3A_67 = arith.constant 0 : i32
    %dma_wait3A_68 = tpu.memref_slice %arg10[%dma_wait3A_67] : memref<16384xf32, #tpu.memory_space<vmem>> -> memref<8192xf32, #tpu.memory_space<vmem>>
    tpu.wait_dma2 semaphore(%arg13 : memref<!tpu.dma_semaphore, #tpu.memory_space<semaphore_mem>>) src(%dma_wait3A_68 : memref<8192xf32, #tpu.memory_space<vmem>>) dst(%dma_wait3A_66 : memref<8192xf32, #tpu.memory_space<hbm>>)
    %dma_wait3A_69 = arith.constant 0 : i32
    %dma_wait3A_70 = tpu.memref_slice %arg11[%dma_wait3A_69] : memref<16384xf32, #tpu.memory_space<vmem>> -> memref<8192xf32, #tpu.memory_space<vmem>>
    %dma_wait3A_71 = tpu.memref_slice %arg7[%mul3A_62] : memref<41601024xf32, #tpu.memory_space<hbm>> -> memref<8192xf32, #tpu.memory_space<hbm>>
    %dma_wait3A_72 = tpu.memref_slice %arg7[%mul3A_62] : memref<41601024xf32, #tpu.memory_space<hbm>> -> memref<8192xf32, #tpu.memory_space<hbm>>
    %dma_wait3A_73 = arith.constant 0 : i32
    %dma_wait3A_74 = tpu.memref_slice %arg11[%dma_wait3A_73] : memref<16384xf32, #tpu.memory_space<vmem>> -> memref<8192xf32, #tpu.memory_space<vmem>>
    tpu.wait_dma2 semaphore(%arg13 : memref<!tpu.dma_semaphore, #tpu.memory_space<semaphore_mem>>) src(%dma_wait3A_74 : memref<8192xf32, #tpu.memory_space<vmem>>) dst(%dma_wait3A_72 : memref<8192xf32, #tpu.memory_space<hbm>>)
    %eq3A_75 = arith.constant 31 : i32
    %eq3A_76 = arith.cmpi eq, %add3A, %eq3A_75 : i32
    %convert_element_type3A = arith.extui %eq3A_76 : i1 to i32
    %cond3A = arith.constant 0 : i32
    %cond3A_77 = arith.cmpi ne, %convert_element_type3A, %cond3A : i32
    scf.if %cond3A_77 {
      "tpu.region"() ({
        %run_scoped3A = tpu.sem_alloc : memref<!tpu.dma_semaphore, #tpu.memory_space<semaphore_mem>>
        %dma_start3A_78 = arith.constant 0 : i32
        %dma_start3A_79 = tpu.memref_slice %arg10[%dma_start3A_78] : memref<16384xf32, #tpu.memory_space<vmem>> -> memref<2048xf32, #tpu.memory_space<vmem>>
        %dma_start3A_80 = arith.constant 0 : i32
        %dma_start3A_81 = tpu.memref_slice %arg10[%dma_start3A_80] : memref<16384xf32, #tpu.memory_space<vmem>> -> memref<2048xf32, #tpu.memory_space<vmem>>
        tpu.enqueue_dma source(%arg4 : memref<2048xf32, #tpu.memory_space<hbm>>) target(%dma_start3A_81 : memref<2048xf32, #tpu.memory_space<vmem>>) target_semaphore(%run_scoped3A : memref<!tpu.dma_semaphore, #tpu.memory_space<semaphore_mem>>)
        %dma_wait3A_82 = arith.constant 0 : i32
        %dma_wait3A_83 = tpu.memref_slice %arg10[%dma_wait3A_82] : memref<16384xf32, #tpu.memory_space<vmem>> -> memref<2048xf32, #tpu.memory_space<vmem>>
        %dma_wait3A_84 = arith.constant 0 : i32
        %dma_wait3A_85 = tpu.memref_slice %arg10[%dma_wait3A_84] : memref<16384xf32, #tpu.memory_space<vmem>> -> memref<2048xf32, #tpu.memory_space<vmem>>
        tpu.wait_dma2 semaphore(%run_scoped3A : memref<!tpu.dma_semaphore, #tpu.memory_space<semaphore_mem>>) src(%arg4 : memref<2048xf32, #tpu.memory_space<hbm>>) dst(%dma_wait3A_85 : memref<2048xf32, #tpu.memory_space<vmem>>)
        tpu.yield
      }) : () -> ()
      "tpu.region"() ({
        %run_scoped3A = tpu.sem_alloc : memref<!tpu.dma_semaphore, #tpu.memory_space<semaphore_mem>>
        %dma_start3A_78 = arith.constant 0 : i32
        %dma_start3A_79 = tpu.memref_slice %arg10[%dma_start3A_78] : memref<16384xf32, #tpu.memory_space<vmem>> -> memref<2048xf32, #tpu.memory_space<vmem>>
        %dma_start3A_80 = arith.constant 41598976 : i32
        %dma_start3A_81 = tpu.memref_slice %arg6[%dma_start3A_80] : memref<41601024xf32, #tpu.memory_space<hbm>> -> memref<2048xf32, #tpu.memory_space<hbm>>
        %dma_start3A_82 = arith.constant 41598976 : i32
        %dma_start3A_83 = tpu.memref_slice %arg6[%dma_start3A_82] : memref<41601024xf32, #tpu.memory_space<hbm>> -> memref<2048xf32, #tpu.memory_space<hbm>>
        %dma_start3A_84 = arith.constant 0 : i32
        %dma_start3A_85 = tpu.memref_slice %arg10[%dma_start3A_84] : memref<16384xf32, #tpu.memory_space<vmem>> -> memref<2048xf32, #tpu.memory_space<vmem>>
        tpu.enqueue_dma source(%dma_start3A_85 : memref<2048xf32, #tpu.memory_space<vmem>>) target(%dma_start3A_83 : memref<2048xf32, #tpu.memory_space<hbm>>) target_semaphore(%run_scoped3A : memref<!tpu.dma_semaphore, #tpu.memory_space<semaphore_mem>>)
        %dma_wait3A_86 = arith.constant 0 : i32
        %dma_wait3A_87 = tpu.memref_slice %arg10[%dma_wait3A_86] : memref<16384xf32, #tpu.memory_space<vmem>> -> memref<2048xf32, #tpu.memory_space<vmem>>
        %dma_wait3A_88 = arith.constant 41598976 : i32
        %dma_wait3A_89 = tpu.memref_slice %arg6[%dma_wait3A_88] : memref<41601024xf32, #tpu.memory_space<hbm>> -> memref<2048xf32, #tpu.memory_space<hbm>>
        %dma_wait3A_90 = arith.constant 41598976 : i32
        %dma_wait3A_91 = tpu.memref_slice %arg6[%dma_wait3A_90] : memref<41601024xf32, #tpu.memory_space<hbm>> -> memref<2048xf32, #tpu.memory_space<hbm>>
        %dma_wait3A_92 = arith.constant 0 : i32
        %dma_wait3A_93 = tpu.memref_slice %arg10[%dma_wait3A_92] : memref<16384xf32, #tpu.memory_space<vmem>> -> memref<2048xf32, #tpu.memory_space<vmem>>
        tpu.wait_dma2 semaphore(%run_scoped3A : memref<!tpu.dma_semaphore, #tpu.memory_space<semaphore_mem>>) src(%dma_wait3A_93 : memref<2048xf32, #tpu.memory_space<vmem>>) dst(%dma_wait3A_91 : memref<2048xf32, #tpu.memory_space<hbm>>)
        tpu.yield
      }) : () -> ()
      "tpu.region"() ({
        %run_scoped3A = tpu.sem_alloc : memref<!tpu.dma_semaphore, #tpu.memory_space<semaphore_mem>>
        %dma_start3A_78 = arith.constant 0 : i32
        %dma_start3A_79 = tpu.memref_slice %arg11[%dma_start3A_78] : memref<16384xf32, #tpu.memory_space<vmem>> -> memref<2048xf32, #tpu.memory_space<vmem>>
        %dma_start3A_80 = arith.constant 0 : i32
        %dma_start3A_81 = tpu.memref_slice %arg11[%dma_start3A_80] : memref<16384xf32, #tpu.memory_space<vmem>> -> memref<2048xf32, #tpu.memory_space<vmem>>
        tpu.enqueue_dma source(%arg5 : memref<2048xf32, #tpu.memory_space<hbm>>) target(%dma_start3A_81 : memref<2048xf32, #tpu.memory_space<vmem>>) target_semaphore(%run_scoped3A : memref<!tpu.dma_semaphore, #tpu.memory_space<semaphore_mem>>)
        %dma_wait3A_82 = arith.constant 0 : i32
        %dma_wait3A_83 = tpu.memref_slice %arg11[%dma_wait3A_82] : memref<16384xf32, #tpu.memory_space<vmem>> -> memref<2048xf32, #tpu.memory_space<vmem>>
        %dma_wait3A_84 = arith.constant 0 : i32
        %dma_wait3A_85 = tpu.memref_slice %arg11[%dma_wait3A_84] : memref<16384xf32, #tpu.memory_space<vmem>> -> memref<2048xf32, #tpu.memory_space<vmem>>
        tpu.wait_dma2 semaphore(%run_scoped3A : memref<!tpu.dma_semaphore, #tpu.memory_space<semaphore_mem>>) src(%arg5 : memref<2048xf32, #tpu.memory_space<hbm>>) dst(%dma_wait3A_85 : memref<2048xf32, #tpu.memory_space<vmem>>)
        tpu.yield
      }) : () -> ()
      "tpu.region"() ({
        %run_scoped3A = tpu.sem_alloc : memref<!tpu.dma_semaphore, #tpu.memory_space<semaphore_mem>>
        %dma_start3A_78 = arith.constant 0 : i32
        %dma_start3A_79 = tpu.memref_slice %arg11[%dma_start3A_78] : memref<16384xf32, #tpu.memory_space<vmem>> -> memref<2048xf32, #tpu.memory_space<vmem>>
        %dma_start3A_80 = arith.constant 41598976 : i32
        %dma_start3A_81 = tpu.memref_slice %arg7[%dma_start3A_80] : memref<41601024xf32, #tpu.memory_space<hbm>> -> memref<2048xf32, #tpu.memory_space<hbm>>
        %dma_start3A_82 = arith.constant 41598976 : i32
        %dma_start3A_83 = tpu.memref_slice %arg7[%dma_start3A_82] : memref<41601024xf32, #tpu.memory_space<hbm>> -> memref<2048xf32, #tpu.memory_space<hbm>>
        %dma_start3A_84 = arith.constant 0 : i32
        %dma_start3A_85 = tpu.memref_slice %arg11[%dma_start3A_84] : memref<16384xf32, #tpu.memory_space<vmem>> -> memref<2048xf32, #tpu.memory_space<vmem>>
        tpu.enqueue_dma source(%dma_start3A_85 : memref<2048xf32, #tpu.memory_space<vmem>>) target(%dma_start3A_83 : memref<2048xf32, #tpu.memory_space<hbm>>) target_semaphore(%run_scoped3A : memref<!tpu.dma_semaphore, #tpu.memory_space<semaphore_mem>>)
        %dma_wait3A_86 = arith.constant 0 : i32
        %dma_wait3A_87 = tpu.memref_slice %arg11[%dma_wait3A_86] : memref<16384xf32, #tpu.memory_space<vmem>> -> memref<2048xf32, #tpu.memory_space<vmem>>
        %dma_wait3A_88 = arith.constant 41598976 : i32
        %dma_wait3A_89 = tpu.memref_slice %arg7[%dma_wait3A_88] : memref<41601024xf32, #tpu.memory_space<hbm>> -> memref<2048xf32, #tpu.memory_space<hbm>>
        %dma_wait3A_90 = arith.constant 41598976 : i32
        %dma_wait3A_91 = tpu.memref_slice %arg7[%dma_wait3A_90] : memref<41601024xf32, #tpu.memory_space<hbm>> -> memref<2048xf32, #tpu.memory_space<hbm>>
        %dma_wait3A_92 = arith.constant 0 : i32
        %dma_wait3A_93 = tpu.memref_slice %arg11[%dma_wait3A_92] : memref<16384xf32, #tpu.memory_space<vmem>> -> memref<2048xf32, #tpu.memory_space<vmem>>
        tpu.wait_dma2 semaphore(%run_scoped3A : memref<!tpu.dma_semaphore, #tpu.memory_space<semaphore_mem>>) src(%dma_wait3A_93 : memref<2048xf32, #tpu.memory_space<vmem>>) dst(%dma_wait3A_91 : memref<2048xf32, #tpu.memory_space<hbm>>)
        tpu.yield
      }) : () -> ()
    } else {
    }
    return
  }
}

#map = affine_map<(d0, d1) -> (0)>
#map1 = affine_map<(d0, d1) -> (0, 0)>
module attributes {stable_mosaic.version = 14 : i64} {
  func.func @body(%arg0: i32, %arg1: i32, %arg2: memref<425984xi32, #tpu.memory_space<hbm>>, %arg3: memref<2600064x16xf32, #tpu.memory_space<hbm>>, %arg4: memref<2600064x16xf32, #tpu.memory_space<hbm>>, %arg5: memref<425984x16xf32, #tpu.memory_space<hbm>>, %arg6: memref<425984x16xf32, #tpu.memory_space<hbm>>, %arg7: memref<2048xi32, #tpu.memory_space<vmem>>, %arg8: memref<2048x16xf32, #tpu.memory_space<vmem>>, %arg9: memref<2048x16xf32, #tpu.memory_space<vmem>>, %arg10: memref<!tpu.dma_semaphore, #tpu.memory_space<semaphore_mem>>, %arg11: memref<!tpu.dma_semaphore, #tpu.memory_space<semaphore_mem>>, %arg12: memref<!tpu.dma_semaphore, #tpu.memory_space<semaphore_mem>>) attributes {dimension_semantics = [#tpu.dimension_semantics<core_parallel>, #tpu.dimension_semantics<subcore_parallel>], iteration_bounds = array<i64: 2, 16>, scalar_prefetch = 0 : i64, scratch_operands = 6 : i64, tpu.core_type = #tpu.core_type<sc_vector_subcore>, window_params = [{transform_indices = #map}, {transform_indices = #map1}, {transform_indices = #map1}, {transform_indices = #map1}, {transform_indices = #map1}]} {
    %mul3A = arith.constant 2 : i32
    %mul3A_0 = arith.muli %arg1, %mul3A : i32
    %add3A = arith.addi %mul3A_0, %arg0 : i32
    %mul3A_1 = arith.constant 13312 : i32
    %mul3A_2 = arith.muli %add3A, %mul3A_1 : i32
    %add3A_3 = arith.constant 0 : i32
    %add3A_4 = arith.addi %mul3A_2, %add3A_3 : i32
    %dma_start3A = arith.constant 0 : i32
    %dma_start3A_5 = tpu.memref_slice %arg7[%dma_start3A] : memref<2048xi32, #tpu.memory_space<vmem>> -> memref<1024xi32, #tpu.memory_space<vmem>>
    %dma_start3A_6 = tpu.memref_slice %arg2[%add3A_4] : memref<425984xi32, #tpu.memory_space<hbm>> -> memref<1024xi32, #tpu.memory_space<hbm>>
    %dma_start3A_7 = arith.constant 0 : i32
    %dma_start3A_8 = tpu.memref_slice %arg7[%dma_start3A_7] : memref<2048xi32, #tpu.memory_space<vmem>> -> memref<1024xi32, #tpu.memory_space<vmem>>
    %dma_start3A_9 = tpu.memref_slice %arg2[%add3A_4] : memref<425984xi32, #tpu.memory_space<hbm>> -> memref<1024xi32, #tpu.memory_space<hbm>>
    tpu.enqueue_dma source(%dma_start3A_9 : memref<1024xi32, #tpu.memory_space<hbm>>) target(%dma_start3A_8 : memref<1024xi32, #tpu.memory_space<vmem>>) target_semaphore(%arg10 : memref<!tpu.dma_semaphore, #tpu.memory_space<semaphore_mem>>)
    %dma_wait3A = arith.constant 0 : i32
    %dma_wait3A_10 = tpu.memref_slice %arg7[%dma_wait3A] : memref<2048xi32, #tpu.memory_space<vmem>> -> memref<1024xi32, #tpu.memory_space<vmem>>
    %dma_wait3A_11 = tpu.memref_slice %arg2[%add3A_4] : memref<425984xi32, #tpu.memory_space<hbm>> -> memref<1024xi32, #tpu.memory_space<hbm>>
    %dma_wait3A_12 = arith.constant 0 : i32
    %dma_wait3A_13 = tpu.memref_slice %arg7[%dma_wait3A_12] : memref<2048xi32, #tpu.memory_space<vmem>> -> memref<1024xi32, #tpu.memory_space<vmem>>
    %dma_wait3A_14 = tpu.memref_slice %arg2[%add3A_4] : memref<425984xi32, #tpu.memory_space<hbm>> -> memref<1024xi32, #tpu.memory_space<hbm>>
    tpu.wait_dma2 semaphore(%arg10 : memref<!tpu.dma_semaphore, #tpu.memory_space<semaphore_mem>>) src(%dma_wait3A_14 : memref<1024xi32, #tpu.memory_space<hbm>>) dst(%dma_wait3A_13 : memref<1024xi32, #tpu.memory_space<vmem>>)
    %dma_start3A_15 = arith.constant 0 : i32
    %dma_start3A_16 = arith.constant 0 : i32
    %dma_start3A_17 = tpu.memref_slice %arg8[%dma_start3A_15, %dma_start3A_16] : memref<2048x16xf32, #tpu.memory_space<vmem>> -> memref<128x16xf32, #tpu.memory_space<vmem>>
    %dma_start3A_18 = arith.constant 0 : i32
    %dma_start3A_19 = tpu.memref_slice %arg7[%dma_start3A_18] : memref<2048xi32, #tpu.memory_space<vmem>> -> memref<128xi32, #tpu.memory_space<vmem>>
    %dma_start3A_20 = arith.constant 0 : i32
    %dma_start3A_21 = arith.constant 0 : i32
    %dma_start3A_22 = tpu.memref_slice %arg3[%dma_start3A_20, %dma_start3A_21] : memref<2600064x16xf32, #tpu.memory_space<hbm>> -> memref<2600064x16xf32, #tpu.memory_space<hbm>>
    tpu.enqueue_indirect_dma source(%dma_start3A_22 : memref<2600064x16xf32, #tpu.memory_space<hbm>>) target(%dma_start3A_17 : memref<128x16xf32, #tpu.memory_space<vmem>>) offsets(%dma_start3A_19 : memref<128xi32, #tpu.memory_space<vmem>>) semaphore(%arg11 : memref<!tpu.dma_semaphore, #tpu.memory_space<semaphore_mem>>)
    %dma_start3A_23 = arith.constant 0 : i32
    %dma_start3A_24 = arith.constant 0 : i32
    %dma_start3A_25 = tpu.memref_slice %arg9[%dma_start3A_23, %dma_start3A_24] : memref<2048x16xf32, #tpu.memory_space<vmem>> -> memref<128x16xf32, #tpu.memory_space<vmem>>
    %dma_start3A_26 = arith.constant 0 : i32
    %dma_start3A_27 = tpu.memref_slice %arg7[%dma_start3A_26] : memref<2048xi32, #tpu.memory_space<vmem>> -> memref<128xi32, #tpu.memory_space<vmem>>
    %dma_start3A_28 = arith.constant 0 : i32
    %dma_start3A_29 = arith.constant 0 : i32
    %dma_start3A_30 = tpu.memref_slice %arg4[%dma_start3A_28, %dma_start3A_29] : memref<2600064x16xf32, #tpu.memory_space<hbm>> -> memref<2600064x16xf32, #tpu.memory_space<hbm>>
    tpu.enqueue_indirect_dma source(%dma_start3A_30 : memref<2600064x16xf32, #tpu.memory_space<hbm>>) target(%dma_start3A_25 : memref<128x16xf32, #tpu.memory_space<vmem>>) offsets(%dma_start3A_27 : memref<128xi32, #tpu.memory_space<vmem>>) semaphore(%arg11 : memref<!tpu.dma_semaphore, #tpu.memory_space<semaphore_mem>>)
    %dma_start3A_31 = arith.constant 128 : i32
    %dma_start3A_32 = arith.constant 0 : i32
    %dma_start3A_33 = tpu.memref_slice %arg8[%dma_start3A_31, %dma_start3A_32] : memref<2048x16xf32, #tpu.memory_space<vmem>> -> memref<128x16xf32, #tpu.memory_space<vmem>>
    %dma_start3A_34 = arith.constant 128 : i32
    %dma_start3A_35 = tpu.memref_slice %arg7[%dma_start3A_34] : memref<2048xi32, #tpu.memory_space<vmem>> -> memref<128xi32, #tpu.memory_space<vmem>>
    %dma_start3A_36 = arith.constant 0 : i32
    %dma_start3A_37 = arith.constant 0 : i32
    %dma_start3A_38 = tpu.memref_slice %arg3[%dma_start3A_36, %dma_start3A_37] : memref<2600064x16xf32, #tpu.memory_space<hbm>> -> memref<2600064x16xf32, #tpu.memory_space<hbm>>
    tpu.enqueue_indirect_dma source(%dma_start3A_38 : memref<2600064x16xf32, #tpu.memory_space<hbm>>) target(%dma_start3A_33 : memref<128x16xf32, #tpu.memory_space<vmem>>) offsets(%dma_start3A_35 : memref<128xi32, #tpu.memory_space<vmem>>) semaphore(%arg11 : memref<!tpu.dma_semaphore, #tpu.memory_space<semaphore_mem>>)
    %dma_start3A_39 = arith.constant 128 : i32
    %dma_start3A_40 = arith.constant 0 : i32
    %dma_start3A_41 = tpu.memref_slice %arg9[%dma_start3A_39, %dma_start3A_40] : memref<2048x16xf32, #tpu.memory_space<vmem>> -> memref<128x16xf32, #tpu.memory_space<vmem>>
    %dma_start3A_42 = arith.constant 128 : i32
    %dma_start3A_43 = tpu.memref_slice %arg7[%dma_start3A_42] : memref<2048xi32, #tpu.memory_space<vmem>> -> memref<128xi32, #tpu.memory_space<vmem>>
    %dma_start3A_44 = arith.constant 0 : i32
    %dma_start3A_45 = arith.constant 0 : i32
    %dma_start3A_46 = tpu.memref_slice %arg4[%dma_start3A_44, %dma_start3A_45] : memref<2600064x16xf32, #tpu.memory_space<hbm>> -> memref<2600064x16xf32, #tpu.memory_space<hbm>>
    tpu.enqueue_indirect_dma source(%dma_start3A_46 : memref<2600064x16xf32, #tpu.memory_space<hbm>>) target(%dma_start3A_41 : memref<128x16xf32, #tpu.memory_space<vmem>>) offsets(%dma_start3A_43 : memref<128xi32, #tpu.memory_space<vmem>>) semaphore(%arg11 : memref<!tpu.dma_semaphore, #tpu.memory_space<semaphore_mem>>)
    %dma_start3A_47 = arith.constant 256 : i32
    %dma_start3A_48 = arith.constant 0 : i32
    %dma_start3A_49 = tpu.memref_slice %arg8[%dma_start3A_47, %dma_start3A_48] : memref<2048x16xf32, #tpu.memory_space<vmem>> -> memref<128x16xf32, #tpu.memory_space<vmem>>
    %dma_start3A_50 = arith.constant 256 : i32
    %dma_start3A_51 = tpu.memref_slice %arg7[%dma_start3A_50] : memref<2048xi32, #tpu.memory_space<vmem>> -> memref<128xi32, #tpu.memory_space<vmem>>
    %dma_start3A_52 = arith.constant 0 : i32
    %dma_start3A_53 = arith.constant 0 : i32
    %dma_start3A_54 = tpu.memref_slice %arg3[%dma_start3A_52, %dma_start3A_53] : memref<2600064x16xf32, #tpu.memory_space<hbm>> -> memref<2600064x16xf32, #tpu.memory_space<hbm>>
    tpu.enqueue_indirect_dma source(%dma_start3A_54 : memref<2600064x16xf32, #tpu.memory_space<hbm>>) target(%dma_start3A_49 : memref<128x16xf32, #tpu.memory_space<vmem>>) offsets(%dma_start3A_51 : memref<128xi32, #tpu.memory_space<vmem>>) semaphore(%arg11 : memref<!tpu.dma_semaphore, #tpu.memory_space<semaphore_mem>>)
    %dma_start3A_55 = arith.constant 256 : i32
    %dma_start3A_56 = arith.constant 0 : i32
    %dma_start3A_57 = tpu.memref_slice %arg9[%dma_start3A_55, %dma_start3A_56] : memref<2048x16xf32, #tpu.memory_space<vmem>> -> memref<128x16xf32, #tpu.memory_space<vmem>>
    %dma_start3A_58 = arith.constant 256 : i32
    %dma_start3A_59 = tpu.memref_slice %arg7[%dma_start3A_58] : memref<2048xi32, #tpu.memory_space<vmem>> -> memref<128xi32, #tpu.memory_space<vmem>>
    %dma_start3A_60 = arith.constant 0 : i32
    %dma_start3A_61 = arith.constant 0 : i32
    %dma_start3A_62 = tpu.memref_slice %arg4[%dma_start3A_60, %dma_start3A_61] : memref<2600064x16xf32, #tpu.memory_space<hbm>> -> memref<2600064x16xf32, #tpu.memory_space<hbm>>
    tpu.enqueue_indirect_dma source(%dma_start3A_62 : memref<2600064x16xf32, #tpu.memory_space<hbm>>) target(%dma_start3A_57 : memref<128x16xf32, #tpu.memory_space<vmem>>) offsets(%dma_start3A_59 : memref<128xi32, #tpu.memory_space<vmem>>) semaphore(%arg11 : memref<!tpu.dma_semaphore, #tpu.memory_space<semaphore_mem>>)
    %dma_start3A_63 = arith.constant 384 : i32
    %dma_start3A_64 = arith.constant 0 : i32
    %dma_start3A_65 = tpu.memref_slice %arg8[%dma_start3A_63, %dma_start3A_64] : memref<2048x16xf32, #tpu.memory_space<vmem>> -> memref<128x16xf32, #tpu.memory_space<vmem>>
    %dma_start3A_66 = arith.constant 384 : i32
    %dma_start3A_67 = tpu.memref_slice %arg7[%dma_start3A_66] : memref<2048xi32, #tpu.memory_space<vmem>> -> memref<128xi32, #tpu.memory_space<vmem>>
    %dma_start3A_68 = arith.constant 0 : i32
    %dma_start3A_69 = arith.constant 0 : i32
    %dma_start3A_70 = tpu.memref_slice %arg3[%dma_start3A_68, %dma_start3A_69] : memref<2600064x16xf32, #tpu.memory_space<hbm>> -> memref<2600064x16xf32, #tpu.memory_space<hbm>>
    tpu.enqueue_indirect_dma source(%dma_start3A_70 : memref<2600064x16xf32, #tpu.memory_space<hbm>>) target(%dma_start3A_65 : memref<128x16xf32, #tpu.memory_space<vmem>>) offsets(%dma_start3A_67 : memref<128xi32, #tpu.memory_space<vmem>>) semaphore(%arg11 : memref<!tpu.dma_semaphore, #tpu.memory_space<semaphore_mem>>)
    %dma_start3A_71 = arith.constant 384 : i32
    %dma_start3A_72 = arith.constant 0 : i32
    %dma_start3A_73 = tpu.memref_slice %arg9[%dma_start3A_71, %dma_start3A_72] : memref<2048x16xf32, #tpu.memory_space<vmem>> -> memref<128x16xf32, #tpu.memory_space<vmem>>
    %dma_start3A_74 = arith.constant 384 : i32
    %dma_start3A_75 = tpu.memref_slice %arg7[%dma_start3A_74] : memref<2048xi32, #tpu.memory_space<vmem>> -> memref<128xi32, #tpu.memory_space<vmem>>
    %dma_start3A_76 = arith.constant 0 : i32
    %dma_start3A_77 = arith.constant 0 : i32
    %dma_start3A_78 = tpu.memref_slice %arg4[%dma_start3A_76, %dma_start3A_77] : memref<2600064x16xf32, #tpu.memory_space<hbm>> -> memref<2600064x16xf32, #tpu.memory_space<hbm>>
    tpu.enqueue_indirect_dma source(%dma_start3A_78 : memref<2600064x16xf32, #tpu.memory_space<hbm>>) target(%dma_start3A_73 : memref<128x16xf32, #tpu.memory_space<vmem>>) offsets(%dma_start3A_75 : memref<128xi32, #tpu.memory_space<vmem>>) semaphore(%arg11 : memref<!tpu.dma_semaphore, #tpu.memory_space<semaphore_mem>>)
    %dma_start3A_79 = arith.constant 512 : i32
    %dma_start3A_80 = arith.constant 0 : i32
    %dma_start3A_81 = tpu.memref_slice %arg8[%dma_start3A_79, %dma_start3A_80] : memref<2048x16xf32, #tpu.memory_space<vmem>> -> memref<128x16xf32, #tpu.memory_space<vmem>>
    %dma_start3A_82 = arith.constant 512 : i32
    %dma_start3A_83 = tpu.memref_slice %arg7[%dma_start3A_82] : memref<2048xi32, #tpu.memory_space<vmem>> -> memref<128xi32, #tpu.memory_space<vmem>>
    %dma_start3A_84 = arith.constant 0 : i32
    %dma_start3A_85 = arith.constant 0 : i32
    %dma_start3A_86 = tpu.memref_slice %arg3[%dma_start3A_84, %dma_start3A_85] : memref<2600064x16xf32, #tpu.memory_space<hbm>> -> memref<2600064x16xf32, #tpu.memory_space<hbm>>
    tpu.enqueue_indirect_dma source(%dma_start3A_86 : memref<2600064x16xf32, #tpu.memory_space<hbm>>) target(%dma_start3A_81 : memref<128x16xf32, #tpu.memory_space<vmem>>) offsets(%dma_start3A_83 : memref<128xi32, #tpu.memory_space<vmem>>) semaphore(%arg11 : memref<!tpu.dma_semaphore, #tpu.memory_space<semaphore_mem>>)
    %dma_start3A_87 = arith.constant 512 : i32
    %dma_start3A_88 = arith.constant 0 : i32
    %dma_start3A_89 = tpu.memref_slice %arg9[%dma_start3A_87, %dma_start3A_88] : memref<2048x16xf32, #tpu.memory_space<vmem>> -> memref<128x16xf32, #tpu.memory_space<vmem>>
    %dma_start3A_90 = arith.constant 512 : i32
    %dma_start3A_91 = tpu.memref_slice %arg7[%dma_start3A_90] : memref<2048xi32, #tpu.memory_space<vmem>> -> memref<128xi32, #tpu.memory_space<vmem>>
    %dma_start3A_92 = arith.constant 0 : i32
    %dma_start3A_93 = arith.constant 0 : i32
    %dma_start3A_94 = tpu.memref_slice %arg4[%dma_start3A_92, %dma_start3A_93] : memref<2600064x16xf32, #tpu.memory_space<hbm>> -> memref<2600064x16xf32, #tpu.memory_space<hbm>>
    tpu.enqueue_indirect_dma source(%dma_start3A_94 : memref<2600064x16xf32, #tpu.memory_space<hbm>>) target(%dma_start3A_89 : memref<128x16xf32, #tpu.memory_space<vmem>>) offsets(%dma_start3A_91 : memref<128xi32, #tpu.memory_space<vmem>>) semaphore(%arg11 : memref<!tpu.dma_semaphore, #tpu.memory_space<semaphore_mem>>)
    %dma_start3A_95 = arith.constant 640 : i32
    %dma_start3A_96 = arith.constant 0 : i32
    %dma_start3A_97 = tpu.memref_slice %arg8[%dma_start3A_95, %dma_start3A_96] : memref<2048x16xf32, #tpu.memory_space<vmem>> -> memref<128x16xf32, #tpu.memory_space<vmem>>
    %dma_start3A_98 = arith.constant 640 : i32
    %dma_start3A_99 = tpu.memref_slice %arg7[%dma_start3A_98] : memref<2048xi32, #tpu.memory_space<vmem>> -> memref<128xi32, #tpu.memory_space<vmem>>
    %dma_start3A_100 = arith.constant 0 : i32
    %dma_start3A_101 = arith.constant 0 : i32
    %dma_start3A_102 = tpu.memref_slice %arg3[%dma_start3A_100, %dma_start3A_101] : memref<2600064x16xf32, #tpu.memory_space<hbm>> -> memref<2600064x16xf32, #tpu.memory_space<hbm>>
    tpu.enqueue_indirect_dma source(%dma_start3A_102 : memref<2600064x16xf32, #tpu.memory_space<hbm>>) target(%dma_start3A_97 : memref<128x16xf32, #tpu.memory_space<vmem>>) offsets(%dma_start3A_99 : memref<128xi32, #tpu.memory_space<vmem>>) semaphore(%arg11 : memref<!tpu.dma_semaphore, #tpu.memory_space<semaphore_mem>>)
    %dma_start3A_103 = arith.constant 640 : i32
    %dma_start3A_104 = arith.constant 0 : i32
    %dma_start3A_105 = tpu.memref_slice %arg9[%dma_start3A_103, %dma_start3A_104] : memref<2048x16xf32, #tpu.memory_space<vmem>> -> memref<128x16xf32, #tpu.memory_space<vmem>>
    %dma_start3A_106 = arith.constant 640 : i32
    %dma_start3A_107 = tpu.memref_slice %arg7[%dma_start3A_106] : memref<2048xi32, #tpu.memory_space<vmem>> -> memref<128xi32, #tpu.memory_space<vmem>>
    %dma_start3A_108 = arith.constant 0 : i32
    %dma_start3A_109 = arith.constant 0 : i32
    %dma_start3A_110 = tpu.memref_slice %arg4[%dma_start3A_108, %dma_start3A_109] : memref<2600064x16xf32, #tpu.memory_space<hbm>> -> memref<2600064x16xf32, #tpu.memory_space<hbm>>
    tpu.enqueue_indirect_dma source(%dma_start3A_110 : memref<2600064x16xf32, #tpu.memory_space<hbm>>) target(%dma_start3A_105 : memref<128x16xf32, #tpu.memory_space<vmem>>) offsets(%dma_start3A_107 : memref<128xi32, #tpu.memory_space<vmem>>) semaphore(%arg11 : memref<!tpu.dma_semaphore, #tpu.memory_space<semaphore_mem>>)
    %dma_start3A_111 = arith.constant 768 : i32
    %dma_start3A_112 = arith.constant 0 : i32
    %dma_start3A_113 = tpu.memref_slice %arg8[%dma_start3A_111, %dma_start3A_112] : memref<2048x16xf32, #tpu.memory_space<vmem>> -> memref<128x16xf32, #tpu.memory_space<vmem>>
    %dma_start3A_114 = arith.constant 768 : i32
    %dma_start3A_115 = tpu.memref_slice %arg7[%dma_start3A_114] : memref<2048xi32, #tpu.memory_space<vmem>> -> memref<128xi32, #tpu.memory_space<vmem>>
    %dma_start3A_116 = arith.constant 0 : i32
    %dma_start3A_117 = arith.constant 0 : i32
    %dma_start3A_118 = tpu.memref_slice %arg3[%dma_start3A_116, %dma_start3A_117] : memref<2600064x16xf32, #tpu.memory_space<hbm>> -> memref<2600064x16xf32, #tpu.memory_space<hbm>>
    tpu.enqueue_indirect_dma source(%dma_start3A_118 : memref<2600064x16xf32, #tpu.memory_space<hbm>>) target(%dma_start3A_113 : memref<128x16xf32, #tpu.memory_space<vmem>>) offsets(%dma_start3A_115 : memref<128xi32, #tpu.memory_space<vmem>>) semaphore(%arg11 : memref<!tpu.dma_semaphore, #tpu.memory_space<semaphore_mem>>)
    %dma_start3A_119 = arith.constant 768 : i32
    %dma_start3A_120 = arith.constant 0 : i32
    %dma_start3A_121 = tpu.memref_slice %arg9[%dma_start3A_119, %dma_start3A_120] : memref<2048x16xf32, #tpu.memory_space<vmem>> -> memref<128x16xf32, #tpu.memory_space<vmem>>
    %dma_start3A_122 = arith.constant 768 : i32
    %dma_start3A_123 = tpu.memref_slice %arg7[%dma_start3A_122] : memref<2048xi32, #tpu.memory_space<vmem>> -> memref<128xi32, #tpu.memory_space<vmem>>
    %dma_start3A_124 = arith.constant 0 : i32
    %dma_start3A_125 = arith.constant 0 : i32
    %dma_start3A_126 = tpu.memref_slice %arg4[%dma_start3A_124, %dma_start3A_125] : memref<2600064x16xf32, #tpu.memory_space<hbm>> -> memref<2600064x16xf32, #tpu.memory_space<hbm>>
    tpu.enqueue_indirect_dma source(%dma_start3A_126 : memref<2600064x16xf32, #tpu.memory_space<hbm>>) target(%dma_start3A_121 : memref<128x16xf32, #tpu.memory_space<vmem>>) offsets(%dma_start3A_123 : memref<128xi32, #tpu.memory_space<vmem>>) semaphore(%arg11 : memref<!tpu.dma_semaphore, #tpu.memory_space<semaphore_mem>>)
    %dma_start3A_127 = arith.constant 896 : i32
    %dma_start3A_128 = arith.constant 0 : i32
    %dma_start3A_129 = tpu.memref_slice %arg8[%dma_start3A_127, %dma_start3A_128] : memref<2048x16xf32, #tpu.memory_space<vmem>> -> memref<128x16xf32, #tpu.memory_space<vmem>>
    %dma_start3A_130 = arith.constant 896 : i32
    %dma_start3A_131 = tpu.memref_slice %arg7[%dma_start3A_130] : memref<2048xi32, #tpu.memory_space<vmem>> -> memref<128xi32, #tpu.memory_space<vmem>>
    %dma_start3A_132 = arith.constant 0 : i32
    %dma_start3A_133 = arith.constant 0 : i32
    %dma_start3A_134 = tpu.memref_slice %arg3[%dma_start3A_132, %dma_start3A_133] : memref<2600064x16xf32, #tpu.memory_space<hbm>> -> memref<2600064x16xf32, #tpu.memory_space<hbm>>
    tpu.enqueue_indirect_dma source(%dma_start3A_134 : memref<2600064x16xf32, #tpu.memory_space<hbm>>) target(%dma_start3A_129 : memref<128x16xf32, #tpu.memory_space<vmem>>) offsets(%dma_start3A_131 : memref<128xi32, #tpu.memory_space<vmem>>) semaphore(%arg11 : memref<!tpu.dma_semaphore, #tpu.memory_space<semaphore_mem>>)
    %dma_start3A_135 = arith.constant 896 : i32
    %dma_start3A_136 = arith.constant 0 : i32
    %dma_start3A_137 = tpu.memref_slice %arg9[%dma_start3A_135, %dma_start3A_136] : memref<2048x16xf32, #tpu.memory_space<vmem>> -> memref<128x16xf32, #tpu.memory_space<vmem>>
    %dma_start3A_138 = arith.constant 896 : i32
    %dma_start3A_139 = tpu.memref_slice %arg7[%dma_start3A_138] : memref<2048xi32, #tpu.memory_space<vmem>> -> memref<128xi32, #tpu.memory_space<vmem>>
    %dma_start3A_140 = arith.constant 0 : i32
    %dma_start3A_141 = arith.constant 0 : i32
    %dma_start3A_142 = tpu.memref_slice %arg4[%dma_start3A_140, %dma_start3A_141] : memref<2600064x16xf32, #tpu.memory_space<hbm>> -> memref<2600064x16xf32, #tpu.memory_space<hbm>>
    tpu.enqueue_indirect_dma source(%dma_start3A_142 : memref<2600064x16xf32, #tpu.memory_space<hbm>>) target(%dma_start3A_137 : memref<128x16xf32, #tpu.memory_space<vmem>>) offsets(%dma_start3A_139 : memref<128xi32, #tpu.memory_space<vmem>>) semaphore(%arg11 : memref<!tpu.dma_semaphore, #tpu.memory_space<semaphore_mem>>)
    %scan3A = arith.constant 0 : i32
    %scan3A_143 = arith.constant 0 : i32
    %scan3A_144 = arith.constant 13 : i32
    %scan3A_145 = arith.addi %scan3A_143, %scan3A_144 : i32
    %scan3A_146 = arith.constant 1 : i32
    scf.for %scan3A_170 = %scan3A_143 to %scan3A_145 step %scan3A_146  : i32 {
      %jit3A = arith.constant 2 : i32
      %eq3A = arith.constant 0 : i32
      %eq3A_171 = arith.cmpi eq, %jit3A, %eq3A : i32
      %jit3A_172 = arith.constant 1 : i32
      %select_n3A = arith.select %eq3A_171, %jit3A_172, %jit3A : i32
      %rem3A = arith.remsi %scan3A_170, %select_n3A : i32
      %ne3A = arith.constant 0 : i32
      %ne3A_173 = arith.cmpi ne, %rem3A, %ne3A : i32
      %lt3A = arith.constant 0 : i32
      %lt3A_174 = arith.cmpi slt, %rem3A, %lt3A : i32
      %lt3A_175 = arith.constant 0 : i32
      %lt3A_176 = arith.cmpi slt, %select_n3A, %lt3A_175 : i32
      %ne3A_177 = arith.xori %lt3A_174, %lt3A_176 : i1
      %and3A = arith.andi %ne3A_177, %ne3A_173 : i1
      %add3A_178 = arith.addi %rem3A, %select_n3A : i32
      %select_n3A_179 = arith.select %and3A, %add3A_178, %rem3A : i32
      %mul3A_180 = arith.constant 1024 : i32
      %mul3A_181 = arith.muli %select_n3A_179, %mul3A_180 : i32
      %mul3A_182 = arith.constant 1024 : i32
      %mul3A_183 = arith.muli %scan3A_170, %mul3A_182 : i32
      %add3A_184 = arith.addi %mul3A_2, %mul3A_183 : i32
      %dma_wait3A_185 = arith.constant 0 : i32
      %dma_wait3A_186 = arith.constant 0 : i32
      %dma_wait3A_187 = tpu.memref_slice %arg8[%dma_wait3A_185, %dma_wait3A_186] : memref<2048x16xf32, #tpu.memory_space<vmem>> -> memref<128x16xf32, #tpu.memory_space<vmem>>
      %dma_wait3A_188 = arith.constant 0 : i32
      %dma_wait3A_189 = tpu.memref_slice %arg7[%dma_wait3A_188] : memref<2048xi32, #tpu.memory_space<vmem>> -> memref<128xi32, #tpu.memory_space<vmem>>
      %dma_wait3A_190 = arith.constant 0 : i32
      %dma_wait3A_191 = arith.constant 0 : i32
      %dma_wait3A_192 = tpu.memref_slice %arg3[%dma_wait3A_190, %dma_wait3A_191] : memref<2600064x16xf32, #tpu.memory_space<hbm>> -> memref<2600064x16xf32, #tpu.memory_space<hbm>>
      tpu.wait_indirect_dma semaphore(%arg11 : memref<!tpu.dma_semaphore, #tpu.memory_space<semaphore_mem>>) src(%dma_wait3A_192 : memref<2600064x16xf32, #tpu.memory_space<hbm>>) dst(%dma_wait3A_187 : memref<128x16xf32, #tpu.memory_space<vmem>>)
      %dma_wait3A_193 = arith.constant 0 : i32
      %dma_wait3A_194 = arith.constant 0 : i32
      %dma_wait3A_195 = tpu.memref_slice %arg8[%dma_wait3A_193, %dma_wait3A_194] : memref<2048x16xf32, #tpu.memory_space<vmem>> -> memref<128x16xf32, #tpu.memory_space<vmem>>
      %dma_wait3A_196 = arith.constant 0 : i32
      %dma_wait3A_197 = tpu.memref_slice %arg7[%dma_wait3A_196] : memref<2048xi32, #tpu.memory_space<vmem>> -> memref<128xi32, #tpu.memory_space<vmem>>
      %dma_wait3A_198 = arith.constant 0 : i32
      %dma_wait3A_199 = arith.constant 0 : i32
      %dma_wait3A_200 = tpu.memref_slice %arg3[%dma_wait3A_198, %dma_wait3A_199] : memref<2600064x16xf32, #tpu.memory_space<hbm>> -> memref<2600064x16xf32, #tpu.memory_space<hbm>>
      tpu.wait_indirect_dma semaphore(%arg11 : memref<!tpu.dma_semaphore, #tpu.memory_space<semaphore_mem>>) src(%dma_wait3A_200 : memref<2600064x16xf32, #tpu.memory_space<hbm>>) dst(%dma_wait3A_195 : memref<128x16xf32, #tpu.memory_space<vmem>>)
      %dma_wait3A_201 = arith.constant 0 : i32
      %dma_wait3A_202 = arith.constant 0 : i32
      %dma_wait3A_203 = tpu.memref_slice %arg8[%dma_wait3A_201, %dma_wait3A_202] : memref<2048x16xf32, #tpu.memory_space<vmem>> -> memref<128x16xf32, #tpu.memory_space<vmem>>
      %dma_wait3A_204 = arith.constant 0 : i32
      %dma_wait3A_205 = tpu.memref_slice %arg7[%dma_wait3A_204] : memref<2048xi32, #tpu.memory_space<vmem>> -> memref<128xi32, #tpu.memory_space<vmem>>
      %dma_wait3A_206 = arith.constant 0 : i32
      %dma_wait3A_207 = arith.constant 0 : i32
      %dma_wait3A_208 = tpu.memref_slice %arg3[%dma_wait3A_206, %dma_wait3A_207] : memref<2600064x16xf32, #tpu.memory_space<hbm>> -> memref<2600064x16xf32, #tpu.memory_space<hbm>>
      tpu.wait_indirect_dma semaphore(%arg11 : memref<!tpu.dma_semaphore, #tpu.memory_space<semaphore_mem>>) src(%dma_wait3A_208 : memref<2600064x16xf32, #tpu.memory_space<hbm>>) dst(%dma_wait3A_203 : memref<128x16xf32, #tpu.memory_space<vmem>>)
      %dma_wait3A_209 = arith.constant 0 : i32
      %dma_wait3A_210 = arith.constant 0 : i32
      %dma_wait3A_211 = tpu.memref_slice %arg8[%dma_wait3A_209, %dma_wait3A_210] : memref<2048x16xf32, #tpu.memory_space<vmem>> -> memref<128x16xf32, #tpu.memory_space<vmem>>
      %dma_wait3A_212 = arith.constant 0 : i32
      %dma_wait3A_213 = tpu.memref_slice %arg7[%dma_wait3A_212] : memref<2048xi32, #tpu.memory_space<vmem>> -> memref<128xi32, #tpu.memory_space<vmem>>
      %dma_wait3A_214 = arith.constant 0 : i32
      %dma_wait3A_215 = arith.constant 0 : i32
      %dma_wait3A_216 = tpu.memref_slice %arg3[%dma_wait3A_214, %dma_wait3A_215] : memref<2600064x16xf32, #tpu.memory_space<hbm>> -> memref<2600064x16xf32, #tpu.memory_space<hbm>>
      tpu.wait_indirect_dma semaphore(%arg11 : memref<!tpu.dma_semaphore, #tpu.memory_space<semaphore_mem>>) src(%dma_wait3A_216 : memref<2600064x16xf32, #tpu.memory_space<hbm>>) dst(%dma_wait3A_211 : memref<128x16xf32, #tpu.memory_space<vmem>>)
      %dma_wait3A_217 = arith.constant 0 : i32
      %dma_wait3A_218 = arith.constant 0 : i32
      %dma_wait3A_219 = tpu.memref_slice %arg8[%dma_wait3A_217, %dma_wait3A_218] : memref<2048x16xf32, #tpu.memory_space<vmem>> -> memref<128x16xf32, #tpu.memory_space<vmem>>
      %dma_wait3A_220 = arith.constant 0 : i32
      %dma_wait3A_221 = tpu.memref_slice %arg7[%dma_wait3A_220] : memref<2048xi32, #tpu.memory_space<vmem>> -> memref<128xi32, #tpu.memory_space<vmem>>
      %dma_wait3A_222 = arith.constant 0 : i32
      %dma_wait3A_223 = arith.constant 0 : i32
      %dma_wait3A_224 = tpu.memref_slice %arg3[%dma_wait3A_222, %dma_wait3A_223] : memref<2600064x16xf32, #tpu.memory_space<hbm>> -> memref<2600064x16xf32, #tpu.memory_space<hbm>>
      tpu.wait_indirect_dma semaphore(%arg11 : memref<!tpu.dma_semaphore, #tpu.memory_space<semaphore_mem>>) src(%dma_wait3A_224 : memref<2600064x16xf32, #tpu.memory_space<hbm>>) dst(%dma_wait3A_219 : memref<128x16xf32, #tpu.memory_space<vmem>>)
      %dma_wait3A_225 = arith.constant 0 : i32
      %dma_wait3A_226 = arith.constant 0 : i32
      %dma_wait3A_227 = tpu.memref_slice %arg8[%dma_wait3A_225, %dma_wait3A_226] : memref<2048x16xf32, #tpu.memory_space<vmem>> -> memref<128x16xf32, #tpu.memory_space<vmem>>
      %dma_wait3A_228 = arith.constant 0 : i32
      %dma_wait3A_229 = tpu.memref_slice %arg7[%dma_wait3A_228] : memref<2048xi32, #tpu.memory_space<vmem>> -> memref<128xi32, #tpu.memory_space<vmem>>
      %dma_wait3A_230 = arith.constant 0 : i32
      %dma_wait3A_231 = arith.constant 0 : i32
      %dma_wait3A_232 = tpu.memref_slice %arg3[%dma_wait3A_230, %dma_wait3A_231] : memref<2600064x16xf32, #tpu.memory_space<hbm>> -> memref<2600064x16xf32, #tpu.memory_space<hbm>>
      tpu.wait_indirect_dma semaphore(%arg11 : memref<!tpu.dma_semaphore, #tpu.memory_space<semaphore_mem>>) src(%dma_wait3A_232 : memref<2600064x16xf32, #tpu.memory_space<hbm>>) dst(%dma_wait3A_227 : memref<128x16xf32, #tpu.memory_space<vmem>>)
      %dma_wait3A_233 = arith.constant 0 : i32
      %dma_wait3A_234 = arith.constant 0 : i32
      %dma_wait3A_235 = tpu.memref_slice %arg8[%dma_wait3A_233, %dma_wait3A_234] : memref<2048x16xf32, #tpu.memory_space<vmem>> -> memref<128x16xf32, #tpu.memory_space<vmem>>
      %dma_wait3A_236 = arith.constant 0 : i32
      %dma_wait3A_237 = tpu.memref_slice %arg7[%dma_wait3A_236] : memref<2048xi32, #tpu.memory_space<vmem>> -> memref<128xi32, #tpu.memory_space<vmem>>
      %dma_wait3A_238 = arith.constant 0 : i32
      %dma_wait3A_239 = arith.constant 0 : i32
      %dma_wait3A_240 = tpu.memref_slice %arg3[%dma_wait3A_238, %dma_wait3A_239] : memref<2600064x16xf32, #tpu.memory_space<hbm>> -> memref<2600064x16xf32, #tpu.memory_space<hbm>>
      tpu.wait_indirect_dma semaphore(%arg11 : memref<!tpu.dma_semaphore, #tpu.memory_space<semaphore_mem>>) src(%dma_wait3A_240 : memref<2600064x16xf32, #tpu.memory_space<hbm>>) dst(%dma_wait3A_235 : memref<128x16xf32, #tpu.memory_space<vmem>>)
      %dma_wait3A_241 = arith.constant 0 : i32
      %dma_wait3A_242 = arith.constant 0 : i32
      %dma_wait3A_243 = tpu.memref_slice %arg8[%dma_wait3A_241, %dma_wait3A_242] : memref<2048x16xf32, #tpu.memory_space<vmem>> -> memref<128x16xf32, #tpu.memory_space<vmem>>
      %dma_wait3A_244 = arith.constant 0 : i32
      %dma_wait3A_245 = tpu.memref_slice %arg7[%dma_wait3A_244] : memref<2048xi32, #tpu.memory_space<vmem>> -> memref<128xi32, #tpu.memory_space<vmem>>
      %dma_wait3A_246 = arith.constant 0 : i32
      %dma_wait3A_247 = arith.constant 0 : i32
      %dma_wait3A_248 = tpu.memref_slice %arg3[%dma_wait3A_246, %dma_wait3A_247] : memref<2600064x16xf32, #tpu.memory_space<hbm>> -> memref<2600064x16xf32, #tpu.memory_space<hbm>>
      tpu.wait_indirect_dma semaphore(%arg11 : memref<!tpu.dma_semaphore, #tpu.memory_space<semaphore_mem>>) src(%dma_wait3A_248 : memref<2600064x16xf32, #tpu.memory_space<hbm>>) dst(%dma_wait3A_243 : memref<128x16xf32, #tpu.memory_space<vmem>>)
      %dma_wait3A_249 = arith.constant 0 : i32
      %dma_wait3A_250 = arith.constant 0 : i32
      %dma_wait3A_251 = tpu.memref_slice %arg8[%dma_wait3A_249, %dma_wait3A_250] : memref<2048x16xf32, #tpu.memory_space<vmem>> -> memref<128x16xf32, #tpu.memory_space<vmem>>
      %dma_wait3A_252 = arith.constant 0 : i32
      %dma_wait3A_253 = tpu.memref_slice %arg7[%dma_wait3A_252] : memref<2048xi32, #tpu.memory_space<vmem>> -> memref<128xi32, #tpu.memory_space<vmem>>
      %dma_wait3A_254 = arith.constant 0 : i32
      %dma_wait3A_255 = arith.constant 0 : i32
      %dma_wait3A_256 = tpu.memref_slice %arg3[%dma_wait3A_254, %dma_wait3A_255] : memref<2600064x16xf32, #tpu.memory_space<hbm>> -> memref<2600064x16xf32, #tpu.memory_space<hbm>>
      tpu.wait_indirect_dma semaphore(%arg11 : memref<!tpu.dma_semaphore, #tpu.memory_space<semaphore_mem>>) src(%dma_wait3A_256 : memref<2600064x16xf32, #tpu.memory_space<hbm>>) dst(%dma_wait3A_251 : memref<128x16xf32, #tpu.memory_space<vmem>>)
      %dma_wait3A_257 = arith.constant 0 : i32
      %dma_wait3A_258 = arith.constant 0 : i32
      %dma_wait3A_259 = tpu.memref_slice %arg8[%dma_wait3A_257, %dma_wait3A_258] : memref<2048x16xf32, #tpu.memory_space<vmem>> -> memref<128x16xf32, #tpu.memory_space<vmem>>
      %dma_wait3A_260 = arith.constant 0 : i32
      %dma_wait3A_261 = tpu.memref_slice %arg7[%dma_wait3A_260] : memref<2048xi32, #tpu.memory_space<vmem>> -> memref<128xi32, #tpu.memory_space<vmem>>
      %dma_wait3A_262 = arith.constant 0 : i32
      %dma_wait3A_263 = arith.constant 0 : i32
      %dma_wait3A_264 = tpu.memref_slice %arg3[%dma_wait3A_262, %dma_wait3A_263] : memref<2600064x16xf32, #tpu.memory_space<hbm>> -> memref<2600064x16xf32, #tpu.memory_space<hbm>>
      tpu.wait_indirect_dma semaphore(%arg11 : memref<!tpu.dma_semaphore, #tpu.memory_space<semaphore_mem>>) src(%dma_wait3A_264 : memref<2600064x16xf32, #tpu.memory_space<hbm>>) dst(%dma_wait3A_259 : memref<128x16xf32, #tpu.memory_space<vmem>>)
      %dma_wait3A_265 = arith.constant 0 : i32
      %dma_wait3A_266 = arith.constant 0 : i32
      %dma_wait3A_267 = tpu.memref_slice %arg8[%dma_wait3A_265, %dma_wait3A_266] : memref<2048x16xf32, #tpu.memory_space<vmem>> -> memref<128x16xf32, #tpu.memory_space<vmem>>
      %dma_wait3A_268 = arith.constant 0 : i32
      %dma_wait3A_269 = tpu.memref_slice %arg7[%dma_wait3A_268] : memref<2048xi32, #tpu.memory_space<vmem>> -> memref<128xi32, #tpu.memory_space<vmem>>
      %dma_wait3A_270 = arith.constant 0 : i32
      %dma_wait3A_271 = arith.constant 0 : i32
      %dma_wait3A_272 = tpu.memref_slice %arg3[%dma_wait3A_270, %dma_wait3A_271] : memref<2600064x16xf32, #tpu.memory_space<hbm>> -> memref<2600064x16xf32, #tpu.memory_space<hbm>>
      tpu.wait_indirect_dma semaphore(%arg11 : memref<!tpu.dma_semaphore, #tpu.memory_space<semaphore_mem>>) src(%dma_wait3A_272 : memref<2600064x16xf32, #tpu.memory_space<hbm>>) dst(%dma_wait3A_267 : memref<128x16xf32, #tpu.memory_space<vmem>>)
      %dma_wait3A_273 = arith.constant 0 : i32
      %dma_wait3A_274 = arith.constant 0 : i32
      %dma_wait3A_275 = tpu.memref_slice %arg8[%dma_wait3A_273, %dma_wait3A_274] : memref<2048x16xf32, #tpu.memory_space<vmem>> -> memref<128x16xf32, #tpu.memory_space<vmem>>
      %dma_wait3A_276 = arith.constant 0 : i32
      %dma_wait3A_277 = tpu.memref_slice %arg7[%dma_wait3A_276] : memref<2048xi32, #tpu.memory_space<vmem>> -> memref<128xi32, #tpu.memory_space<vmem>>
      %dma_wait3A_278 = arith.constant 0 : i32
      %dma_wait3A_279 = arith.constant 0 : i32
      %dma_wait3A_280 = tpu.memref_slice %arg3[%dma_wait3A_278, %dma_wait3A_279] : memref<2600064x16xf32, #tpu.memory_space<hbm>> -> memref<2600064x16xf32, #tpu.memory_space<hbm>>
      tpu.wait_indirect_dma semaphore(%arg11 : memref<!tpu.dma_semaphore, #tpu.memory_space<semaphore_mem>>) src(%dma_wait3A_280 : memref<2600064x16xf32, #tpu.memory_space<hbm>>) dst(%dma_wait3A_275 : memref<128x16xf32, #tpu.memory_space<vmem>>)
      %dma_wait3A_281 = arith.constant 0 : i32
      %dma_wait3A_282 = arith.constant 0 : i32
      %dma_wait3A_283 = tpu.memref_slice %arg8[%dma_wait3A_281, %dma_wait3A_282] : memref<2048x16xf32, #tpu.memory_space<vmem>> -> memref<128x16xf32, #tpu.memory_space<vmem>>
      %dma_wait3A_284 = arith.constant 0 : i32
      %dma_wait3A_285 = tpu.memref_slice %arg7[%dma_wait3A_284] : memref<2048xi32, #tpu.memory_space<vmem>> -> memref<128xi32, #tpu.memory_space<vmem>>
      %dma_wait3A_286 = arith.constant 0 : i32
      %dma_wait3A_287 = arith.constant 0 : i32
      %dma_wait3A_288 = tpu.memref_slice %arg3[%dma_wait3A_286, %dma_wait3A_287] : memref<2600064x16xf32, #tpu.memory_space<hbm>> -> memref<2600064x16xf32, #tpu.memory_space<hbm>>
      tpu.wait_indirect_dma semaphore(%arg11 : memref<!tpu.dma_semaphore, #tpu.memory_space<semaphore_mem>>) src(%dma_wait3A_288 : memref<2600064x16xf32, #tpu.memory_space<hbm>>) dst(%dma_wait3A_283 : memref<128x16xf32, #tpu.memory_space<vmem>>)
      %dma_wait3A_289 = arith.constant 0 : i32
      %dma_wait3A_290 = arith.constant 0 : i32
      %dma_wait3A_291 = tpu.memref_slice %arg8[%dma_wait3A_289, %dma_wait3A_290] : memref<2048x16xf32, #tpu.memory_space<vmem>> -> memref<128x16xf32, #tpu.memory_space<vmem>>
      %dma_wait3A_292 = arith.constant 0 : i32
      %dma_wait3A_293 = tpu.memref_slice %arg7[%dma_wait3A_292] : memref<2048xi32, #tpu.memory_space<vmem>> -> memref<128xi32, #tpu.memory_space<vmem>>
      %dma_wait3A_294 = arith.constant 0 : i32
      %dma_wait3A_295 = arith.constant 0 : i32
      %dma_wait3A_296 = tpu.memref_slice %arg3[%dma_wait3A_294, %dma_wait3A_295] : memref<2600064x16xf32, #tpu.memory_space<hbm>> -> memref<2600064x16xf32, #tpu.memory_space<hbm>>
      tpu.wait_indirect_dma semaphore(%arg11 : memref<!tpu.dma_semaphore, #tpu.memory_space<semaphore_mem>>) src(%dma_wait3A_296 : memref<2600064x16xf32, #tpu.memory_space<hbm>>) dst(%dma_wait3A_291 : memref<128x16xf32, #tpu.memory_space<vmem>>)
      %dma_wait3A_297 = arith.constant 0 : i32
      %dma_wait3A_298 = arith.constant 0 : i32
      %dma_wait3A_299 = tpu.memref_slice %arg8[%dma_wait3A_297, %dma_wait3A_298] : memref<2048x16xf32, #tpu.memory_space<vmem>> -> memref<128x16xf32, #tpu.memory_space<vmem>>
      %dma_wait3A_300 = arith.constant 0 : i32
      %dma_wait3A_301 = tpu.memref_slice %arg7[%dma_wait3A_300] : memref<2048xi32, #tpu.memory_space<vmem>> -> memref<128xi32, #tpu.memory_space<vmem>>
      %dma_wait3A_302 = arith.constant 0 : i32
      %dma_wait3A_303 = arith.constant 0 : i32
      %dma_wait3A_304 = tpu.memref_slice %arg3[%dma_wait3A_302, %dma_wait3A_303] : memref<2600064x16xf32, #tpu.memory_space<hbm>> -> memref<2600064x16xf32, #tpu.memory_space<hbm>>
      tpu.wait_indirect_dma semaphore(%arg11 : memref<!tpu.dma_semaphore, #tpu.memory_space<semaphore_mem>>) src(%dma_wait3A_304 : memref<2600064x16xf32, #tpu.memory_space<hbm>>) dst(%dma_wait3A_299 : memref<128x16xf32, #tpu.memory_space<vmem>>)
      %dma_wait3A_305 = arith.constant 0 : i32
      %dma_wait3A_306 = arith.constant 0 : i32
      %dma_wait3A_307 = tpu.memref_slice %arg8[%dma_wait3A_305, %dma_wait3A_306] : memref<2048x16xf32, #tpu.memory_space<vmem>> -> memref<128x16xf32, #tpu.memory_space<vmem>>
      %dma_wait3A_308 = arith.constant 0 : i32
      %dma_wait3A_309 = tpu.memref_slice %arg7[%dma_wait3A_308] : memref<2048xi32, #tpu.memory_space<vmem>> -> memref<128xi32, #tpu.memory_space<vmem>>
      %dma_wait3A_310 = arith.constant 0 : i32
      %dma_wait3A_311 = arith.constant 0 : i32
      %dma_wait3A_312 = tpu.memref_slice %arg3[%dma_wait3A_310, %dma_wait3A_311] : memref<2600064x16xf32, #tpu.memory_space<hbm>> -> memref<2600064x16xf32, #tpu.memory_space<hbm>>
      tpu.wait_indirect_dma semaphore(%arg11 : memref<!tpu.dma_semaphore, #tpu.memory_space<semaphore_mem>>) src(%dma_wait3A_312 : memref<2600064x16xf32, #tpu.memory_space<hbm>>) dst(%dma_wait3A_307 : memref<128x16xf32, #tpu.memory_space<vmem>>)
      %sub3A = arith.constant 1 : i32
      %sub3A_313 = arith.subi %scan3A_170, %sub3A : i32
      %ge3A = arith.constant 0 : i32
      %ge3A_314 = arith.cmpi sge, %sub3A_313, %ge3A : i32
      %convert_element_type3A = arith.extui %ge3A_314 : i1 to i32
      %cond3A = arith.constant 0 : i32
      %cond3A_315 = arith.cmpi ne, %convert_element_type3A, %cond3A : i32
      scf.if %cond3A_315 {
        %sub3A_345 = arith.constant 1 : i32
        %sub3A_346 = arith.subi %scan3A_170, %sub3A_345 : i32
        %mul3A_347 = arith.constant 1024 : i32
        %mul3A_348 = arith.muli %sub3A_346, %mul3A_347 : i32
        %add3A_349 = arith.addi %mul3A_2, %mul3A_348 : i32
        %dma_wait3A_350 = arith.constant 0 : i32
        %dma_wait3A_351 = arith.constant 0 : i32
        %dma_wait3A_352 = tpu.memref_slice %arg8[%dma_wait3A_350, %dma_wait3A_351] : memref<2048x16xf32, #tpu.memory_space<vmem>> -> memref<1024x16xf32, #tpu.memory_space<vmem>>
        %dma_wait3A_353 = arith.constant 0 : i32
        %dma_wait3A_354 = tpu.memref_slice %arg5[%add3A_349, %dma_wait3A_353] : memref<425984x16xf32, #tpu.memory_space<hbm>> -> memref<1024x16xf32, #tpu.memory_space<hbm>>
        %dma_wait3A_355 = arith.constant 0 : i32
        %dma_wait3A_356 = tpu.memref_slice %arg5[%add3A_349, %dma_wait3A_355] : memref<425984x16xf32, #tpu.memory_space<hbm>> -> memref<1024x16xf32, #tpu.memory_space<hbm>>
        %dma_wait3A_357 = arith.constant 0 : i32
        %dma_wait3A_358 = arith.constant 0 : i32
        %dma_wait3A_359 = tpu.memref_slice %arg8[%dma_wait3A_357, %dma_wait3A_358] : memref<2048x16xf32, #tpu.memory_space<vmem>> -> memref<1024x16xf32, #tpu.memory_space<vmem>>
        tpu.wait_dma2 semaphore(%arg12 : memref<!tpu.dma_semaphore, #tpu.memory_space<semaphore_mem>>) src(%dma_wait3A_359 : memref<1024x16xf32, #tpu.memory_space<vmem>>) dst(%dma_wait3A_356 : memref<1024x16xf32, #tpu.memory_space<hbm>>)
        %dma_wait3A_360 = arith.constant 0 : i32
        %dma_wait3A_361 = arith.constant 0 : i32
        %dma_wait3A_362 = tpu.memref_slice %arg9[%dma_wait3A_360, %dma_wait3A_361] : memref<2048x16xf32, #tpu.memory_space<vmem>> -> memref<1024x16xf32, #tpu.memory_space<vmem>>
        %dma_wait3A_363 = arith.constant 0 : i32
        %dma_wait3A_364 = tpu.memref_slice %arg6[%add3A_349, %dma_wait3A_363] : memref<425984x16xf32, #tpu.memory_space<hbm>> -> memref<1024x16xf32, #tpu.memory_space<hbm>>
        %dma_wait3A_365 = arith.constant 0 : i32
        %dma_wait3A_366 = tpu.memref_slice %arg6[%add3A_349, %dma_wait3A_365] : memref<425984x16xf32, #tpu.memory_space<hbm>> -> memref<1024x16xf32, #tpu.memory_space<hbm>>
        %dma_wait3A_367 = arith.constant 0 : i32
        %dma_wait3A_368 = arith.constant 0 : i32
        %dma_wait3A_369 = tpu.memref_slice %arg9[%dma_wait3A_367, %dma_wait3A_368] : memref<2048x16xf32, #tpu.memory_space<vmem>> -> memref<1024x16xf32, #tpu.memory_space<vmem>>
        tpu.wait_dma2 semaphore(%arg12 : memref<!tpu.dma_semaphore, #tpu.memory_space<semaphore_mem>>) src(%dma_wait3A_369 : memref<1024x16xf32, #tpu.memory_space<vmem>>) dst(%dma_wait3A_366 : memref<1024x16xf32, #tpu.memory_space<hbm>>)
      } else {
      }
      %add3A_316 = arith.constant 1 : i32
      %add3A_317 = arith.addi %scan3A_170, %add3A_316 : i32
      %lt3A_318 = arith.constant 13 : i32
      %lt3A_319 = arith.cmpi slt, %add3A_317, %lt3A_318 : i32
      %convert_element_type3A_320 = arith.extui %lt3A_319 : i1 to i32
      %cond3A_321 = arith.constant 0 : i32
      %cond3A_322 = arith.cmpi ne, %convert_element_type3A_320, %cond3A_321 : i32
      scf.if %cond3A_322 {
        %add3A_345 = arith.constant 1 : i32
        %add3A_346 = arith.addi %scan3A_170, %add3A_345 : i32
        %jit3A_347 = arith.constant 2 : i32
        %eq3A_348 = arith.constant 0 : i32
        %eq3A_349 = arith.cmpi eq, %jit3A_347, %eq3A_348 : i32
        %jit3A_350 = arith.constant 1 : i32
        %select_n3A_351 = arith.select %eq3A_349, %jit3A_350, %jit3A_347 : i32
        %rem3A_352 = arith.remsi %add3A_346, %select_n3A_351 : i32
        %ne3A_353 = arith.constant 0 : i32
        %ne3A_354 = arith.cmpi ne, %rem3A_352, %ne3A_353 : i32
        %lt3A_355 = arith.constant 0 : i32
        %lt3A_356 = arith.cmpi slt, %rem3A_352, %lt3A_355 : i32
        %lt3A_357 = arith.constant 0 : i32
        %lt3A_358 = arith.cmpi slt, %select_n3A_351, %lt3A_357 : i32
        %ne3A_359 = arith.xori %lt3A_356, %lt3A_358 : i1
        %and3A_360 = arith.andi %ne3A_359, %ne3A_354 : i1
        %add3A_361 = arith.addi %rem3A_352, %select_n3A_351 : i32
        %select_n3A_362 = arith.select %and3A_360, %add3A_361, %rem3A_352 : i32
        %mul3A_363 = arith.constant 1024 : i32
        %mul3A_364 = arith.muli %select_n3A_362, %mul3A_363 : i32
        %mul3A_365 = arith.constant 1024 : i32
        %mul3A_366 = arith.muli %add3A_346, %mul3A_365 : i32
        %add3A_367 = arith.addi %mul3A_2, %mul3A_366 : i32
        %dma_start3A_368 = tpu.memref_slice %arg7[%mul3A_364] : memref<2048xi32, #tpu.memory_space<vmem>> -> memref<1024xi32, #tpu.memory_space<vmem>>
        %dma_start3A_369 = tpu.memref_slice %arg2[%add3A_367] : memref<425984xi32, #tpu.memory_space<hbm>> -> memref<1024xi32, #tpu.memory_space<hbm>>
        %dma_start3A_370 = tpu.memref_slice %arg7[%mul3A_364] : memref<2048xi32, #tpu.memory_space<vmem>> -> memref<1024xi32, #tpu.memory_space<vmem>>
        %dma_start3A_371 = tpu.memref_slice %arg2[%add3A_367] : memref<425984xi32, #tpu.memory_space<hbm>> -> memref<1024xi32, #tpu.memory_space<hbm>>
        tpu.enqueue_dma source(%dma_start3A_371 : memref<1024xi32, #tpu.memory_space<hbm>>) target(%dma_start3A_370 : memref<1024xi32, #tpu.memory_space<vmem>>) target_semaphore(%arg10 : memref<!tpu.dma_semaphore, #tpu.memory_space<semaphore_mem>>)
        %dma_wait3A_372 = tpu.memref_slice %arg7[%mul3A_364] : memref<2048xi32, #tpu.memory_space<vmem>> -> memref<1024xi32, #tpu.memory_space<vmem>>
        %dma_wait3A_373 = tpu.memref_slice %arg2[%add3A_367] : memref<425984xi32, #tpu.memory_space<hbm>> -> memref<1024xi32, #tpu.memory_space<hbm>>
        %dma_wait3A_374 = tpu.memref_slice %arg7[%mul3A_364] : memref<2048xi32, #tpu.memory_space<vmem>> -> memref<1024xi32, #tpu.memory_space<vmem>>
        %dma_wait3A_375 = tpu.memref_slice %arg2[%add3A_367] : memref<425984xi32, #tpu.memory_space<hbm>> -> memref<1024xi32, #tpu.memory_space<hbm>>
        tpu.wait_dma2 semaphore(%arg10 : memref<!tpu.dma_semaphore, #tpu.memory_space<semaphore_mem>>) src(%dma_wait3A_375 : memref<1024xi32, #tpu.memory_space<hbm>>) dst(%dma_wait3A_374 : memref<1024xi32, #tpu.memory_space<vmem>>)
        %add3A_376 = arith.constant 0 : i32
        %add3A_377 = arith.addi %mul3A_364, %add3A_376 : i32
        %add3A_378 = arith.constant 0 : i32
        %add3A_379 = arith.addi %mul3A_364, %add3A_378 : i32
        %dma_start3A_380 = arith.constant 0 : i32
        %dma_start3A_381 = tpu.memref_slice %arg8[%add3A_379, %dma_start3A_380] : memref<2048x16xf32, #tpu.memory_space<vmem>> -> memref<128x16xf32, #tpu.memory_space<vmem>>
        %dma_start3A_382 = tpu.memref_slice %arg7[%add3A_377] : memref<2048xi32, #tpu.memory_space<vmem>> -> memref<128xi32, #tpu.memory_space<vmem>>
        %dma_start3A_383 = arith.constant 0 : i32
        %dma_start3A_384 = arith.constant 0 : i32
        %dma_start3A_385 = tpu.memref_slice %arg3[%dma_start3A_383, %dma_start3A_384] : memref<2600064x16xf32, #tpu.memory_space<hbm>> -> memref<2600064x16xf32, #tpu.memory_space<hbm>>
        tpu.enqueue_indirect_dma source(%dma_start3A_385 : memref<2600064x16xf32, #tpu.memory_space<hbm>>) target(%dma_start3A_381 : memref<128x16xf32, #tpu.memory_space<vmem>>) offsets(%dma_start3A_382 : memref<128xi32, #tpu.memory_space<vmem>>) semaphore(%arg11 : memref<!tpu.dma_semaphore, #tpu.memory_space<semaphore_mem>>)
        %dma_start3A_386 = arith.constant 0 : i32
        %dma_start3A_387 = tpu.memref_slice %arg9[%add3A_379, %dma_start3A_386] : memref<2048x16xf32, #tpu.memory_space<vmem>> -> memref<128x16xf32, #tpu.memory_space<vmem>>
        %dma_start3A_388 = tpu.memref_slice %arg7[%add3A_377] : memref<2048xi32, #tpu.memory_space<vmem>> -> memref<128xi32, #tpu.memory_space<vmem>>
        %dma_start3A_389 = arith.constant 0 : i32
        %dma_start3A_390 = arith.constant 0 : i32
        %dma_start3A_391 = tpu.memref_slice %arg4[%dma_start3A_389, %dma_start3A_390] : memref<2600064x16xf32, #tpu.memory_space<hbm>> -> memref<2600064x16xf32, #tpu.memory_space<hbm>>
        tpu.enqueue_indirect_dma source(%dma_start3A_391 : memref<2600064x16xf32, #tpu.memory_space<hbm>>) target(%dma_start3A_387 : memref<128x16xf32, #tpu.memory_space<vmem>>) offsets(%dma_start3A_388 : memref<128xi32, #tpu.memory_space<vmem>>) semaphore(%arg11 : memref<!tpu.dma_semaphore, #tpu.memory_space<semaphore_mem>>)
        %add3A_392 = arith.constant 128 : i32
        %add3A_393 = arith.addi %mul3A_364, %add3A_392 : i32
        %add3A_394 = arith.constant 128 : i32
        %add3A_395 = arith.addi %mul3A_364, %add3A_394 : i32
        %dma_start3A_396 = arith.constant 0 : i32
        %dma_start3A_397 = tpu.memref_slice %arg8[%add3A_395, %dma_start3A_396] : memref<2048x16xf32, #tpu.memory_space<vmem>> -> memref<128x16xf32, #tpu.memory_space<vmem>>
        %dma_start3A_398 = tpu.memref_slice %arg7[%add3A_393] : memref<2048xi32, #tpu.memory_space<vmem>> -> memref<128xi32, #tpu.memory_space<vmem>>
        %dma_start3A_399 = arith.constant 0 : i32
        %dma_start3A_400 = arith.constant 0 : i32
        %dma_start3A_401 = tpu.memref_slice %arg3[%dma_start3A_399, %dma_start3A_400] : memref<2600064x16xf32, #tpu.memory_space<hbm>> -> memref<2600064x16xf32, #tpu.memory_space<hbm>>
        tpu.enqueue_indirect_dma source(%dma_start3A_401 : memref<2600064x16xf32, #tpu.memory_space<hbm>>) target(%dma_start3A_397 : memref<128x16xf32, #tpu.memory_space<vmem>>) offsets(%dma_start3A_398 : memref<128xi32, #tpu.memory_space<vmem>>) semaphore(%arg11 : memref<!tpu.dma_semaphore, #tpu.memory_space<semaphore_mem>>)
        %dma_start3A_402 = arith.constant 0 : i32
        %dma_start3A_403 = tpu.memref_slice %arg9[%add3A_395, %dma_start3A_402] : memref<2048x16xf32, #tpu.memory_space<vmem>> -> memref<128x16xf32, #tpu.memory_space<vmem>>
        %dma_start3A_404 = tpu.memref_slice %arg7[%add3A_393] : memref<2048xi32, #tpu.memory_space<vmem>> -> memref<128xi32, #tpu.memory_space<vmem>>
        %dma_start3A_405 = arith.constant 0 : i32
        %dma_start3A_406 = arith.constant 0 : i32
        %dma_start3A_407 = tpu.memref_slice %arg4[%dma_start3A_405, %dma_start3A_406] : memref<2600064x16xf32, #tpu.memory_space<hbm>> -> memref<2600064x16xf32, #tpu.memory_space<hbm>>
        tpu.enqueue_indirect_dma source(%dma_start3A_407 : memref<2600064x16xf32, #tpu.memory_space<hbm>>) target(%dma_start3A_403 : memref<128x16xf32, #tpu.memory_space<vmem>>) offsets(%dma_start3A_404 : memref<128xi32, #tpu.memory_space<vmem>>) semaphore(%arg11 : memref<!tpu.dma_semaphore, #tpu.memory_space<semaphore_mem>>)
        %add3A_408 = arith.constant 256 : i32
        %add3A_409 = arith.addi %mul3A_364, %add3A_408 : i32
        %add3A_410 = arith.constant 256 : i32
        %add3A_411 = arith.addi %mul3A_364, %add3A_410 : i32
        %dma_start3A_412 = arith.constant 0 : i32
        %dma_start3A_413 = tpu.memref_slice %arg8[%add3A_411, %dma_start3A_412] : memref<2048x16xf32, #tpu.memory_space<vmem>> -> memref<128x16xf32, #tpu.memory_space<vmem>>
        %dma_start3A_414 = tpu.memref_slice %arg7[%add3A_409] : memref<2048xi32, #tpu.memory_space<vmem>> -> memref<128xi32, #tpu.memory_space<vmem>>
        %dma_start3A_415 = arith.constant 0 : i32
        %dma_start3A_416 = arith.constant 0 : i32
        %dma_start3A_417 = tpu.memref_slice %arg3[%dma_start3A_415, %dma_start3A_416] : memref<2600064x16xf32, #tpu.memory_space<hbm>> -> memref<2600064x16xf32, #tpu.memory_space<hbm>>
        tpu.enqueue_indirect_dma source(%dma_start3A_417 : memref<2600064x16xf32, #tpu.memory_space<hbm>>) target(%dma_start3A_413 : memref<128x16xf32, #tpu.memory_space<vmem>>) offsets(%dma_start3A_414 : memref<128xi32, #tpu.memory_space<vmem>>) semaphore(%arg11 : memref<!tpu.dma_semaphore, #tpu.memory_space<semaphore_mem>>)
        %dma_start3A_418 = arith.constant 0 : i32
        %dma_start3A_419 = tpu.memref_slice %arg9[%add3A_411, %dma_start3A_418] : memref<2048x16xf32, #tpu.memory_space<vmem>> -> memref<128x16xf32, #tpu.memory_space<vmem>>
        %dma_start3A_420 = tpu.memref_slice %arg7[%add3A_409] : memref<2048xi32, #tpu.memory_space<vmem>> -> memref<128xi32, #tpu.memory_space<vmem>>
        %dma_start3A_421 = arith.constant 0 : i32
        %dma_start3A_422 = arith.constant 0 : i32
        %dma_start3A_423 = tpu.memref_slice %arg4[%dma_start3A_421, %dma_start3A_422] : memref<2600064x16xf32, #tpu.memory_space<hbm>> -> memref<2600064x16xf32, #tpu.memory_space<hbm>>
        tpu.enqueue_indirect_dma source(%dma_start3A_423 : memref<2600064x16xf32, #tpu.memory_space<hbm>>) target(%dma_start3A_419 : memref<128x16xf32, #tpu.memory_space<vmem>>) offsets(%dma_start3A_420 : memref<128xi32, #tpu.memory_space<vmem>>) semaphore(%arg11 : memref<!tpu.dma_semaphore, #tpu.memory_space<semaphore_mem>>)
        %add3A_424 = arith.constant 384 : i32
        %add3A_425 = arith.addi %mul3A_364, %add3A_424 : i32
        %add3A_426 = arith.constant 384 : i32
        %add3A_427 = arith.addi %mul3A_364, %add3A_426 : i32
        %dma_start3A_428 = arith.constant 0 : i32
        %dma_start3A_429 = tpu.memref_slice %arg8[%add3A_427, %dma_start3A_428] : memref<2048x16xf32, #tpu.memory_space<vmem>> -> memref<128x16xf32, #tpu.memory_space<vmem>>
        %dma_start3A_430 = tpu.memref_slice %arg7[%add3A_425] : memref<2048xi32, #tpu.memory_space<vmem>> -> memref<128xi32, #tpu.memory_space<vmem>>
        %dma_start3A_431 = arith.constant 0 : i32
        %dma_start3A_432 = arith.constant 0 : i32
        %dma_start3A_433 = tpu.memref_slice %arg3[%dma_start3A_431, %dma_start3A_432] : memref<2600064x16xf32, #tpu.memory_space<hbm>> -> memref<2600064x16xf32, #tpu.memory_space<hbm>>
        tpu.enqueue_indirect_dma source(%dma_start3A_433 : memref<2600064x16xf32, #tpu.memory_space<hbm>>) target(%dma_start3A_429 : memref<128x16xf32, #tpu.memory_space<vmem>>) offsets(%dma_start3A_430 : memref<128xi32, #tpu.memory_space<vmem>>) semaphore(%arg11 : memref<!tpu.dma_semaphore, #tpu.memory_space<semaphore_mem>>)
        %dma_start3A_434 = arith.constant 0 : i32
        %dma_start3A_435 = tpu.memref_slice %arg9[%add3A_427, %dma_start3A_434] : memref<2048x16xf32, #tpu.memory_space<vmem>> -> memref<128x16xf32, #tpu.memory_space<vmem>>
        %dma_start3A_436 = tpu.memref_slice %arg7[%add3A_425] : memref<2048xi32, #tpu.memory_space<vmem>> -> memref<128xi32, #tpu.memory_space<vmem>>
        %dma_start3A_437 = arith.constant 0 : i32
        %dma_start3A_438 = arith.constant 0 : i32
        %dma_start3A_439 = tpu.memref_slice %arg4[%dma_start3A_437, %dma_start3A_438] : memref<2600064x16xf32, #tpu.memory_space<hbm>> -> memref<2600064x16xf32, #tpu.memory_space<hbm>>
        tpu.enqueue_indirect_dma source(%dma_start3A_439 : memref<2600064x16xf32, #tpu.memory_space<hbm>>) target(%dma_start3A_435 : memref<128x16xf32, #tpu.memory_space<vmem>>) offsets(%dma_start3A_436 : memref<128xi32, #tpu.memory_space<vmem>>) semaphore(%arg11 : memref<!tpu.dma_semaphore, #tpu.memory_space<semaphore_mem>>)
        %add3A_440 = arith.constant 512 : i32
        %add3A_441 = arith.addi %mul3A_364, %add3A_440 : i32
        %add3A_442 = arith.constant 512 : i32
        %add3A_443 = arith.addi %mul3A_364, %add3A_442 : i32
        %dma_start3A_444 = arith.constant 0 : i32
        %dma_start3A_445 = tpu.memref_slice %arg8[%add3A_443, %dma_start3A_444] : memref<2048x16xf32, #tpu.memory_space<vmem>> -> memref<128x16xf32, #tpu.memory_space<vmem>>
        %dma_start3A_446 = tpu.memref_slice %arg7[%add3A_441] : memref<2048xi32, #tpu.memory_space<vmem>> -> memref<128xi32, #tpu.memory_space<vmem>>
        %dma_start3A_447 = arith.constant 0 : i32
        %dma_start3A_448 = arith.constant 0 : i32
        %dma_start3A_449 = tpu.memref_slice %arg3[%dma_start3A_447, %dma_start3A_448] : memref<2600064x16xf32, #tpu.memory_space<hbm>> -> memref<2600064x16xf32, #tpu.memory_space<hbm>>
        tpu.enqueue_indirect_dma source(%dma_start3A_449 : memref<2600064x16xf32, #tpu.memory_space<hbm>>) target(%dma_start3A_445 : memref<128x16xf32, #tpu.memory_space<vmem>>) offsets(%dma_start3A_446 : memref<128xi32, #tpu.memory_space<vmem>>) semaphore(%arg11 : memref<!tpu.dma_semaphore, #tpu.memory_space<semaphore_mem>>)
        %dma_start3A_450 = arith.constant 0 : i32
        %dma_start3A_451 = tpu.memref_slice %arg9[%add3A_443, %dma_start3A_450] : memref<2048x16xf32, #tpu.memory_space<vmem>> -> memref<128x16xf32, #tpu.memory_space<vmem>>
        %dma_start3A_452 = tpu.memref_slice %arg7[%add3A_441] : memref<2048xi32, #tpu.memory_space<vmem>> -> memref<128xi32, #tpu.memory_space<vmem>>
        %dma_start3A_453 = arith.constant 0 : i32
        %dma_start3A_454 = arith.constant 0 : i32
        %dma_start3A_455 = tpu.memref_slice %arg4[%dma_start3A_453, %dma_start3A_454] : memref<2600064x16xf32, #tpu.memory_space<hbm>> -> memref<2600064x16xf32, #tpu.memory_space<hbm>>
        tpu.enqueue_indirect_dma source(%dma_start3A_455 : memref<2600064x16xf32, #tpu.memory_space<hbm>>) target(%dma_start3A_451 : memref<128x16xf32, #tpu.memory_space<vmem>>) offsets(%dma_start3A_452 : memref<128xi32, #tpu.memory_space<vmem>>) semaphore(%arg11 : memref<!tpu.dma_semaphore, #tpu.memory_space<semaphore_mem>>)
        %add3A_456 = arith.constant 640 : i32
        %add3A_457 = arith.addi %mul3A_364, %add3A_456 : i32
        %add3A_458 = arith.constant 640 : i32
        %add3A_459 = arith.addi %mul3A_364, %add3A_458 : i32
        %dma_start3A_460 = arith.constant 0 : i32
        %dma_start3A_461 = tpu.memref_slice %arg8[%add3A_459, %dma_start3A_460] : memref<2048x16xf32, #tpu.memory_space<vmem>> -> memref<128x16xf32, #tpu.memory_space<vmem>>
        %dma_start3A_462 = tpu.memref_slice %arg7[%add3A_457] : memref<2048xi32, #tpu.memory_space<vmem>> -> memref<128xi32, #tpu.memory_space<vmem>>
        %dma_start3A_463 = arith.constant 0 : i32
        %dma_start3A_464 = arith.constant 0 : i32
        %dma_start3A_465 = tpu.memref_slice %arg3[%dma_start3A_463, %dma_start3A_464] : memref<2600064x16xf32, #tpu.memory_space<hbm>> -> memref<2600064x16xf32, #tpu.memory_space<hbm>>
        tpu.enqueue_indirect_dma source(%dma_start3A_465 : memref<2600064x16xf32, #tpu.memory_space<hbm>>) target(%dma_start3A_461 : memref<128x16xf32, #tpu.memory_space<vmem>>) offsets(%dma_start3A_462 : memref<128xi32, #tpu.memory_space<vmem>>) semaphore(%arg11 : memref<!tpu.dma_semaphore, #tpu.memory_space<semaphore_mem>>)
        %dma_start3A_466 = arith.constant 0 : i32
        %dma_start3A_467 = tpu.memref_slice %arg9[%add3A_459, %dma_start3A_466] : memref<2048x16xf32, #tpu.memory_space<vmem>> -> memref<128x16xf32, #tpu.memory_space<vmem>>
        %dma_start3A_468 = tpu.memref_slice %arg7[%add3A_457] : memref<2048xi32, #tpu.memory_space<vmem>> -> memref<128xi32, #tpu.memory_space<vmem>>
        %dma_start3A_469 = arith.constant 0 : i32
        %dma_start3A_470 = arith.constant 0 : i32
        %dma_start3A_471 = tpu.memref_slice %arg4[%dma_start3A_469, %dma_start3A_470] : memref<2600064x16xf32, #tpu.memory_space<hbm>> -> memref<2600064x16xf32, #tpu.memory_space<hbm>>
        tpu.enqueue_indirect_dma source(%dma_start3A_471 : memref<2600064x16xf32, #tpu.memory_space<hbm>>) target(%dma_start3A_467 : memref<128x16xf32, #tpu.memory_space<vmem>>) offsets(%dma_start3A_468 : memref<128xi32, #tpu.memory_space<vmem>>) semaphore(%arg11 : memref<!tpu.dma_semaphore, #tpu.memory_space<semaphore_mem>>)
        %add3A_472 = arith.constant 768 : i32
        %add3A_473 = arith.addi %mul3A_364, %add3A_472 : i32
        %add3A_474 = arith.constant 768 : i32
        %add3A_475 = arith.addi %mul3A_364, %add3A_474 : i32
        %dma_start3A_476 = arith.constant 0 : i32
        %dma_start3A_477 = tpu.memref_slice %arg8[%add3A_475, %dma_start3A_476] : memref<2048x16xf32, #tpu.memory_space<vmem>> -> memref<128x16xf32, #tpu.memory_space<vmem>>
        %dma_start3A_478 = tpu.memref_slice %arg7[%add3A_473] : memref<2048xi32, #tpu.memory_space<vmem>> -> memref<128xi32, #tpu.memory_space<vmem>>
        %dma_start3A_479 = arith.constant 0 : i32
        %dma_start3A_480 = arith.constant 0 : i32
        %dma_start3A_481 = tpu.memref_slice %arg3[%dma_start3A_479, %dma_start3A_480] : memref<2600064x16xf32, #tpu.memory_space<hbm>> -> memref<2600064x16xf32, #tpu.memory_space<hbm>>
        tpu.enqueue_indirect_dma source(%dma_start3A_481 : memref<2600064x16xf32, #tpu.memory_space<hbm>>) target(%dma_start3A_477 : memref<128x16xf32, #tpu.memory_space<vmem>>) offsets(%dma_start3A_478 : memref<128xi32, #tpu.memory_space<vmem>>) semaphore(%arg11 : memref<!tpu.dma_semaphore, #tpu.memory_space<semaphore_mem>>)
        %dma_start3A_482 = arith.constant 0 : i32
        %dma_start3A_483 = tpu.memref_slice %arg9[%add3A_475, %dma_start3A_482] : memref<2048x16xf32, #tpu.memory_space<vmem>> -> memref<128x16xf32, #tpu.memory_space<vmem>>
        %dma_start3A_484 = tpu.memref_slice %arg7[%add3A_473] : memref<2048xi32, #tpu.memory_space<vmem>> -> memref<128xi32, #tpu.memory_space<vmem>>
        %dma_start3A_485 = arith.constant 0 : i32
        %dma_start3A_486 = arith.constant 0 : i32
        %dma_start3A_487 = tpu.memref_slice %arg4[%dma_start3A_485, %dma_start3A_486] : memref<2600064x16xf32, #tpu.memory_space<hbm>> -> memref<2600064x16xf32, #tpu.memory_space<hbm>>
        tpu.enqueue_indirect_dma source(%dma_start3A_487 : memref<2600064x16xf32, #tpu.memory_space<hbm>>) target(%dma_start3A_483 : memref<128x16xf32, #tpu.memory_space<vmem>>) offsets(%dma_start3A_484 : memref<128xi32, #tpu.memory_space<vmem>>) semaphore(%arg11 : memref<!tpu.dma_semaphore, #tpu.memory_space<semaphore_mem>>)
        %add3A_488 = arith.constant 896 : i32
        %add3A_489 = arith.addi %mul3A_364, %add3A_488 : i32
        %add3A_490 = arith.constant 896 : i32
        %add3A_491 = arith.addi %mul3A_364, %add3A_490 : i32
        %dma_start3A_492 = arith.constant 0 : i32
        %dma_start3A_493 = tpu.memref_slice %arg8[%add3A_491, %dma_start3A_492] : memref<2048x16xf32, #tpu.memory_space<vmem>> -> memref<128x16xf32, #tpu.memory_space<vmem>>
        %dma_start3A_494 = tpu.memref_slice %arg7[%add3A_489] : memref<2048xi32, #tpu.memory_space<vmem>> -> memref<128xi32, #tpu.memory_space<vmem>>
        %dma_start3A_495 = arith.constant 0 : i32
        %dma_start3A_496 = arith.constant 0 : i32
        %dma_start3A_497 = tpu.memref_slice %arg3[%dma_start3A_495, %dma_start3A_496] : memref<2600064x16xf32, #tpu.memory_space<hbm>> -> memref<2600064x16xf32, #tpu.memory_space<hbm>>
        tpu.enqueue_indirect_dma source(%dma_start3A_497 : memref<2600064x16xf32, #tpu.memory_space<hbm>>) target(%dma_start3A_493 : memref<128x16xf32, #tpu.memory_space<vmem>>) offsets(%dma_start3A_494 : memref<128xi32, #tpu.memory_space<vmem>>) semaphore(%arg11 : memref<!tpu.dma_semaphore, #tpu.memory_space<semaphore_mem>>)
        %dma_start3A_498 = arith.constant 0 : i32
        %dma_start3A_499 = tpu.memref_slice %arg9[%add3A_491, %dma_start3A_498] : memref<2048x16xf32, #tpu.memory_space<vmem>> -> memref<128x16xf32, #tpu.memory_space<vmem>>
        %dma_start3A_500 = tpu.memref_slice %arg7[%add3A_489] : memref<2048xi32, #tpu.memory_space<vmem>> -> memref<128xi32, #tpu.memory_space<vmem>>
        %dma_start3A_501 = arith.constant 0 : i32
        %dma_start3A_502 = arith.constant 0 : i32
        %dma_start3A_503 = tpu.memref_slice %arg4[%dma_start3A_501, %dma_start3A_502] : memref<2600064x16xf32, #tpu.memory_space<hbm>> -> memref<2600064x16xf32, #tpu.memory_space<hbm>>
        tpu.enqueue_indirect_dma source(%dma_start3A_503 : memref<2600064x16xf32, #tpu.memory_space<hbm>>) target(%dma_start3A_499 : memref<128x16xf32, #tpu.memory_space<vmem>>) offsets(%dma_start3A_500 : memref<128xi32, #tpu.memory_space<vmem>>) semaphore(%arg11 : memref<!tpu.dma_semaphore, #tpu.memory_space<semaphore_mem>>)
      } else {
      }
      %dma_start3A_323 = arith.constant 0 : i32
      %dma_start3A_324 = tpu.memref_slice %arg8[%mul3A_181, %dma_start3A_323] : memref<2048x16xf32, #tpu.memory_space<vmem>> -> memref<1024x16xf32, #tpu.memory_space<vmem>>
      %dma_start3A_325 = arith.constant 0 : i32
      %dma_start3A_326 = tpu.memref_slice %arg5[%add3A_184, %dma_start3A_325] : memref<425984x16xf32, #tpu.memory_space<hbm>> -> memref<1024x16xf32, #tpu.memory_space<hbm>>
      %dma_start3A_327 = arith.constant 0 : i32
      %dma_start3A_328 = tpu.memref_slice %arg5[%add3A_184, %dma_start3A_327] : memref<425984x16xf32, #tpu.memory_space<hbm>> -> memref<1024x16xf32, #tpu.memory_space<hbm>>
      %dma_start3A_329 = arith.constant 0 : i32
      %dma_start3A_330 = tpu.memref_slice %arg8[%mul3A_181, %dma_start3A_329] : memref<2048x16xf32, #tpu.memory_space<vmem>> -> memref<1024x16xf32, #tpu.memory_space<vmem>>
      tpu.enqueue_dma source(%dma_start3A_330 : memref<1024x16xf32, #tpu.memory_space<vmem>>) target(%dma_start3A_328 : memref<1024x16xf32, #tpu.memory_space<hbm>>) target_semaphore(%arg12 : memref<!tpu.dma_semaphore, #tpu.memory_space<semaphore_mem>>)
      %scan3A_331 = arith.constant 0 : i32
      %scan3A_332 = arith.constant 0 : i32
      %scan3A_333 = arith.constant 1024 : i32
      %scan3A_334 = arith.addi %scan3A_332, %scan3A_333 : i32
      %scan3A_335 = arith.constant 4 : i32
      scf.for %scan3A_345 = %scan3A_332 to %scan3A_334 step %scan3A_335  : i32 {
        %add3A_346 = arith.addi %mul3A_181, %scan3A_345 : i32
        %get3A = arith.index_cast %add3A_346 : i32 to index
        %get3A_347 = arith.constant 0 : index
        %get3A_348 = tpu.vector_load %arg9[%get3A, %get3A_347] {strides = array<i32>} : memref<2048x16xf32, #tpu.memory_space<vmem>>, vector<1x16xf32>,
        %get3A_349 = vector.shape_cast %get3A_348 : vector<1x16xf32> to vector<16xf32>
        %abs3A = math.absf %get3A_349 : vector<16xf32>
        %neg3A = arith.constant 0.000000e+00 : f32
        %neg3A_350 = vector.broadcast %neg3A : f32 to vector<16xf32>
        %neg3A_351 = arith.subf %neg3A_350, %abs3A : vector<16xf32>
        %exp3A = math.exp %neg3A_351 : vector<16xf32>
        %mul3A_352 = arith.constant -0.0172080602 : f32
        %mul3A_353 = vector.broadcast %mul3A_352 : f32 to vector<16xf32>
        %mul3A_354 = arith.mulf %mul3A_353, %exp3A : vector<16xf32>
        %add3A_355 = arith.constant 0.0817268118 : f32
        %add3A_356 = vector.broadcast %add3A_355 : f32 to vector<16xf32>
        %add3A_357 = arith.addf %mul3A_354, %add3A_356 : vector<16xf32>
        %mul3A_358 = arith.mulf %add3A_357, %exp3A : vector<16xf32>
        %add3A_359 = arith.constant -0.188782677 : f32
        %add3A_360 = vector.broadcast %add3A_359 : f32 to vector<16xf32>
        %add3A_361 = arith.addf %mul3A_358, %add3A_360 : vector<16xf32>
        %mul3A_362 = arith.mulf %add3A_361, %exp3A : vector<16xf32>
        %add3A_363 = arith.constant 0.314590544 : f32
        %add3A_364 = vector.broadcast %add3A_363 : f32 to vector<16xf32>
        %add3A_365 = arith.addf %mul3A_362, %add3A_364 : vector<16xf32>
        %mul3A_366 = arith.mulf %add3A_365, %exp3A : vector<16xf32>
        %add3A_367 = arith.constant -0.496977925 : f32
        %add3A_368 = vector.broadcast %add3A_367 : f32 to vector<16xf32>
        %add3A_369 = arith.addf %mul3A_366, %add3A_368 : vector<16xf32>
        %mul3A_370 = arith.mulf %add3A_369, %exp3A : vector<16xf32>
        %add3A_371 = arith.constant 0.999792456 : f32
        %add3A_372 = vector.broadcast %add3A_371 : f32 to vector<16xf32>
        %add3A_373 = arith.addf %mul3A_370, %add3A_372 : vector<16xf32>
        %mul3A_374 = arith.mulf %add3A_373, %exp3A : vector<16xf32>
        %add3A_375 = arith.constant 1.03507555E-4 : f32
        %add3A_376 = vector.broadcast %add3A_375 : f32 to vector<16xf32>
        %add3A_377 = arith.addf %mul3A_374, %add3A_376 : vector<16xf32>
        %max3A = arith.constant 0.000000e+00 : f32
        %max3A_378 = vector.broadcast %max3A : f32 to vector<16xf32>
        %max3A_379 = arith.maximumf %get3A_349, %max3A_378 : vector<16xf32>
        %add3A_380 = arith.addf %max3A_379, %add3A_377 : vector<16xf32>
        %add3A_381 = arith.addi %mul3A_181, %scan3A_345 : i32
        %swap3A = arith.index_cast %add3A_381 : i32 to index
        %swap3A_382 = arith.constant 0 : index
        %swap3A_383 = tpu.vector_load %arg9[%swap3A, %swap3A_382] {strides = array<i32>} : memref<2048x16xf32, #tpu.memory_space<vmem>>, vector<1x16xf32>,
        %swap3A_384 = vector.shape_cast %swap3A_383 : vector<1x16xf32> to vector<16xf32>
        %swap3A_385 = vector.shape_cast %add3A_380 : vector<16xf32> to vector<1x16xf32>
        tpu.vector_store %arg9[%swap3A, %swap3A_382], %swap3A_385 {strides = array<i32>} : memref<2048x16xf32, #tpu.memory_space<vmem>>, vector<1x16xf32>,
        %scan3A_386 = arith.constant 1 : i32
        %scan3A_387 = arith.addi %scan3A_345, %scan3A_386 : i32
        %add3A_388 = arith.addi %mul3A_181, %scan3A_387 : i32
        %get3A_389 = arith.index_cast %add3A_388 : i32 to index
        %get3A_390 = arith.constant 0 : index
        %get3A_391 = tpu.vector_load %arg9[%get3A_389, %get3A_390] {strides = array<i32>} : memref<2048x16xf32, #tpu.memory_space<vmem>>, vector<1x16xf32>,
        %get3A_392 = vector.shape_cast %get3A_391 : vector<1x16xf32> to vector<16xf32>
        %abs3A_393 = math.absf %get3A_392 : vector<16xf32>
        %neg3A_394 = arith.constant 0.000000e+00 : f32
        %neg3A_395 = vector.broadcast %neg3A_394 : f32 to vector<16xf32>
        %neg3A_396 = arith.subf %neg3A_395, %abs3A_393 : vector<16xf32>
        %exp3A_397 = math.exp %neg3A_396 : vector<16xf32>
        %mul3A_398 = arith.constant -0.0172080602 : f32
        %mul3A_399 = vector.broadcast %mul3A_398 : f32 to vector<16xf32>
        %mul3A_400 = arith.mulf %mul3A_399, %exp3A_397 : vector<16xf32>
        %add3A_401 = arith.constant 0.0817268118 : f32
        %add3A_402 = vector.broadcast %add3A_401 : f32 to vector<16xf32>
        %add3A_403 = arith.addf %mul3A_400, %add3A_402 : vector<16xf32>
        %mul3A_404 = arith.mulf %add3A_403, %exp3A_397 : vector<16xf32>
        %add3A_405 = arith.constant -0.188782677 : f32
        %add3A_406 = vector.broadcast %add3A_405 : f32 to vector<16xf32>
        %add3A_407 = arith.addf %mul3A_404, %add3A_406 : vector<16xf32>
        %mul3A_408 = arith.mulf %add3A_407, %exp3A_397 : vector<16xf32>
        %add3A_409 = arith.constant 0.314590544 : f32
        %add3A_410 = vector.broadcast %add3A_409 : f32 to vector<16xf32>
        %add3A_411 = arith.addf %mul3A_408, %add3A_410 : vector<16xf32>
        %mul3A_412 = arith.mulf %add3A_411, %exp3A_397 : vector<16xf32>
        %add3A_413 = arith.constant -0.496977925 : f32
        %add3A_414 = vector.broadcast %add3A_413 : f32 to vector<16xf32>
        %add3A_415 = arith.addf %mul3A_412, %add3A_414 : vector<16xf32>
        %mul3A_416 = arith.mulf %add3A_415, %exp3A_397 : vector<16xf32>
        %add3A_417 = arith.constant 0.999792456 : f32
        %add3A_418 = vector.broadcast %add3A_417 : f32 to vector<16xf32>
        %add3A_419 = arith.addf %mul3A_416, %add3A_418 : vector<16xf32>
        %mul3A_420 = arith.mulf %add3A_419, %exp3A_397 : vector<16xf32>
        %add3A_421 = arith.constant 1.03507555E-4 : f32
        %add3A_422 = vector.broadcast %add3A_421 : f32 to vector<16xf32>
        %add3A_423 = arith.addf %mul3A_420, %add3A_422 : vector<16xf32>
        %max3A_424 = arith.constant 0.000000e+00 : f32
        %max3A_425 = vector.broadcast %max3A_424 : f32 to vector<16xf32>
        %max3A_426 = arith.maximumf %get3A_392, %max3A_425 : vector<16xf32>
        %add3A_427 = arith.addf %max3A_426, %add3A_423 : vector<16xf32>
        %add3A_428 = arith.addi %mul3A_181, %scan3A_387 : i32
        %swap3A_429 = arith.index_cast %add3A_428 : i32 to index
        %swap3A_430 = arith.constant 0 : index
        %swap3A_431 = tpu.vector_load %arg9[%swap3A_429, %swap3A_430] {strides = array<i32>} : memref<2048x16xf32, #tpu.memory_space<vmem>>, vector<1x16xf32>,
        %swap3A_432 = vector.shape_cast %swap3A_431 : vector<1x16xf32> to vector<16xf32>
        %swap3A_433 = vector.shape_cast %add3A_427 : vector<16xf32> to vector<1x16xf32>
        tpu.vector_store %arg9[%swap3A_429, %swap3A_430], %swap3A_433 {strides = array<i32>} : memref<2048x16xf32, #tpu.memory_space<vmem>>, vector<1x16xf32>,
        %scan3A_434 = arith.constant 2 : i32
        %scan3A_435 = arith.addi %scan3A_345, %scan3A_434 : i32
        %add3A_436 = arith.addi %mul3A_181, %scan3A_435 : i32
        %get3A_437 = arith.index_cast %add3A_436 : i32 to index
        %get3A_438 = arith.constant 0 : index
        %get3A_439 = tpu.vector_load %arg9[%get3A_437, %get3A_438] {strides = array<i32>} : memref<2048x16xf32, #tpu.memory_space<vmem>>, vector<1x16xf32>,
        %get3A_440 = vector.shape_cast %get3A_439 : vector<1x16xf32> to vector<16xf32>
        %abs3A_441 = math.absf %get3A_440 : vector<16xf32>
        %neg3A_442 = arith.constant 0.000000e+00 : f32
        %neg3A_443 = vector.broadcast %neg3A_442 : f32 to vector<16xf32>
        %neg3A_444 = arith.subf %neg3A_443, %abs3A_441 : vector<16xf32>
        %exp3A_445 = math.exp %neg3A_444 : vector<16xf32>
        %mul3A_446 = arith.constant -0.0172080602 : f32
        %mul3A_447 = vector.broadcast %mul3A_446 : f32 to vector<16xf32>
        %mul3A_448 = arith.mulf %mul3A_447, %exp3A_445 : vector<16xf32>
        %add3A_449 = arith.constant 0.0817268118 : f32
        %add3A_450 = vector.broadcast %add3A_449 : f32 to vector<16xf32>
        %add3A_451 = arith.addf %mul3A_448, %add3A_450 : vector<16xf32>
        %mul3A_452 = arith.mulf %add3A_451, %exp3A_445 : vector<16xf32>
        %add3A_453 = arith.constant -0.188782677 : f32
        %add3A_454 = vector.broadcast %add3A_453 : f32 to vector<16xf32>
        %add3A_455 = arith.addf %mul3A_452, %add3A_454 : vector<16xf32>
        %mul3A_456 = arith.mulf %add3A_455, %exp3A_445 : vector<16xf32>
        %add3A_457 = arith.constant 0.314590544 : f32
        %add3A_458 = vector.broadcast %add3A_457 : f32 to vector<16xf32>
        %add3A_459 = arith.addf %mul3A_456, %add3A_458 : vector<16xf32>
        %mul3A_460 = arith.mulf %add3A_459, %exp3A_445 : vector<16xf32>
        %add3A_461 = arith.constant -0.496977925 : f32
        %add3A_462 = vector.broadcast %add3A_461 : f32 to vector<16xf32>
        %add3A_463 = arith.addf %mul3A_460, %add3A_462 : vector<16xf32>
        %mul3A_464 = arith.mulf %add3A_463, %exp3A_445 : vector<16xf32>
        %add3A_465 = arith.constant 0.999792456 : f32
        %add3A_466 = vector.broadcast %add3A_465 : f32 to vector<16xf32>
        %add3A_467 = arith.addf %mul3A_464, %add3A_466 : vector<16xf32>
        %mul3A_468 = arith.mulf %add3A_467, %exp3A_445 : vector<16xf32>
        %add3A_469 = arith.constant 1.03507555E-4 : f32
        %add3A_470 = vector.broadcast %add3A_469 : f32 to vector<16xf32>
        %add3A_471 = arith.addf %mul3A_468, %add3A_470 : vector<16xf32>
        %max3A_472 = arith.constant 0.000000e+00 : f32
        %max3A_473 = vector.broadcast %max3A_472 : f32 to vector<16xf32>
        %max3A_474 = arith.maximumf %get3A_440, %max3A_473 : vector<16xf32>
        %add3A_475 = arith.addf %max3A_474, %add3A_471 : vector<16xf32>
        %add3A_476 = arith.addi %mul3A_181, %scan3A_435 : i32
        %swap3A_477 = arith.index_cast %add3A_476 : i32 to index
        %swap3A_478 = arith.constant 0 : index
        %swap3A_479 = tpu.vector_load %arg9[%swap3A_477, %swap3A_478] {strides = array<i32>} : memref<2048x16xf32, #tpu.memory_space<vmem>>, vector<1x16xf32>,
        %swap3A_480 = vector.shape_cast %swap3A_479 : vector<1x16xf32> to vector<16xf32>
        %swap3A_481 = vector.shape_cast %add3A_475 : vector<16xf32> to vector<1x16xf32>
        tpu.vector_store %arg9[%swap3A_477, %swap3A_478], %swap3A_481 {strides = array<i32>} : memref<2048x16xf32, #tpu.memory_space<vmem>>, vector<1x16xf32>,
        %scan3A_482 = arith.constant 3 : i32
        %scan3A_483 = arith.addi %scan3A_345, %scan3A_482 : i32
        %add3A_484 = arith.addi %mul3A_181, %scan3A_483 : i32
        %get3A_485 = arith.index_cast %add3A_484 : i32 to index
        %get3A_486 = arith.constant 0 : index
        %get3A_487 = tpu.vector_load %arg9[%get3A_485, %get3A_486] {strides = array<i32>} : memref<2048x16xf32, #tpu.memory_space<vmem>>, vector<1x16xf32>,
        %get3A_488 = vector.shape_cast %get3A_487 : vector<1x16xf32> to vector<16xf32>
        %abs3A_489 = math.absf %get3A_488 : vector<16xf32>
        %neg3A_490 = arith.constant 0.000000e+00 : f32
        %neg3A_491 = vector.broadcast %neg3A_490 : f32 to vector<16xf32>
        %neg3A_492 = arith.subf %neg3A_491, %abs3A_489 : vector<16xf32>
        %exp3A_493 = math.exp %neg3A_492 : vector<16xf32>
        %mul3A_494 = arith.constant -0.0172080602 : f32
        %mul3A_495 = vector.broadcast %mul3A_494 : f32 to vector<16xf32>
        %mul3A_496 = arith.mulf %mul3A_495, %exp3A_493 : vector<16xf32>
        %add3A_497 = arith.constant 0.0817268118 : f32
        %add3A_498 = vector.broadcast %add3A_497 : f32 to vector<16xf32>
        %add3A_499 = arith.addf %mul3A_496, %add3A_498 : vector<16xf32>
        %mul3A_500 = arith.mulf %add3A_499, %exp3A_493 : vector<16xf32>
        %add3A_501 = arith.constant -0.188782677 : f32
        %add3A_502 = vector.broadcast %add3A_501 : f32 to vector<16xf32>
        %add3A_503 = arith.addf %mul3A_500, %add3A_502 : vector<16xf32>
        %mul3A_504 = arith.mulf %add3A_503, %exp3A_493 : vector<16xf32>
        %add3A_505 = arith.constant 0.314590544 : f32
        %add3A_506 = vector.broadcast %add3A_505 : f32 to vector<16xf32>
        %add3A_507 = arith.addf %mul3A_504, %add3A_506 : vector<16xf32>
        %mul3A_508 = arith.mulf %add3A_507, %exp3A_493 : vector<16xf32>
        %add3A_509 = arith.constant -0.496977925 : f32
        %add3A_510 = vector.broadcast %add3A_509 : f32 to vector<16xf32>
        %add3A_511 = arith.addf %mul3A_508, %add3A_510 : vector<16xf32>
        %mul3A_512 = arith.mulf %add3A_511, %exp3A_493 : vector<16xf32>
        %add3A_513 = arith.constant 0.999792456 : f32
        %add3A_514 = vector.broadcast %add3A_513 : f32 to vector<16xf32>
        %add3A_515 = arith.addf %mul3A_512, %add3A_514 : vector<16xf32>
        %mul3A_516 = arith.mulf %add3A_515, %exp3A_493 : vector<16xf32>
        %add3A_517 = arith.constant 1.03507555E-4 : f32
        %add3A_518 = vector.broadcast %add3A_517 : f32 to vector<16xf32>
        %add3A_519 = arith.addf %mul3A_516, %add3A_518 : vector<16xf32>
        %max3A_520 = arith.constant 0.000000e+00 : f32
        %max3A_521 = vector.broadcast %max3A_520 : f32 to vector<16xf32>
        %max3A_522 = arith.maximumf %get3A_488, %max3A_521 : vector<16xf32>
        %add3A_523 = arith.addf %max3A_522, %add3A_519 : vector<16xf32>
        %add3A_524 = arith.addi %mul3A_181, %scan3A_483 : i32
        %swap3A_525 = arith.index_cast %add3A_524 : i32 to index
        %swap3A_526 = arith.constant 0 : index
        %swap3A_527 = tpu.vector_load %arg9[%swap3A_525, %swap3A_526] {strides = array<i32>} : memref<2048x16xf32, #tpu.memory_space<vmem>>, vector<1x16xf32>,
        %swap3A_528 = vector.shape_cast %swap3A_527 : vector<1x16xf32> to vector<16xf32>
        %swap3A_529 = vector.shape_cast %add3A_523 : vector<16xf32> to vector<1x16xf32>
        tpu.vector_store %arg9[%swap3A_525, %swap3A_526], %swap3A_529 {strides = array<i32>} : memref<2048x16xf32, #tpu.memory_space<vmem>>, vector<1x16xf32>,
      }
      %scan3A_336 = arith.constant 1024 : i32
      %dma_start3A_337 = arith.constant 0 : i32
      %dma_start3A_338 = tpu.memref_slice %arg9[%mul3A_181, %dma_start3A_337] : memref<2048x16xf32, #tpu.memory_space<vmem>> -> memref<1024x16xf32, #tpu.memory_space<vmem>>
      %dma_start3A_339 = arith.constant 0 : i32
      %dma_start3A_340 = tpu.memref_slice %arg6[%add3A_184, %dma_start3A_339] : memref<425984x16xf32, #tpu.memory_space<hbm>> -> memref<1024x16xf32, #tpu.memory_space<hbm>>
      %dma_start3A_341 = arith.constant 0 : i32
      %dma_start3A_342 = tpu.memref_slice %arg6[%add3A_184, %dma_start3A_341] : memref<425984x16xf32, #tpu.memory_space<hbm>> -> memref<1024x16xf32, #tpu.memory_space<hbm>>
      %dma_start3A_343 = arith.constant 0 : i32
      %dma_start3A_344 = tpu.memref_slice %arg9[%mul3A_181, %dma_start3A_343] : memref<2048x16xf32, #tpu.memory_space<vmem>> -> memref<1024x16xf32, #tpu.memory_space<vmem>>
      tpu.enqueue_dma source(%dma_start3A_344 : memref<1024x16xf32, #tpu.memory_space<vmem>>) target(%dma_start3A_342 : memref<1024x16xf32, #tpu.memory_space<hbm>>) target_semaphore(%arg12 : memref<!tpu.dma_semaphore, #tpu.memory_space<semaphore_mem>>)
    }
    %scan3A_147 = arith.constant 13 : i32
    %add3A_148 = arith.constant 12288 : i32
    %add3A_149 = arith.addi %mul3A_2, %add3A_148 : i32
    %dma_wait3A_150 = arith.constant 0 : i32
    %dma_wait3A_151 = arith.constant 0 : i32
    %dma_wait3A_152 = tpu.memref_slice %arg8[%dma_wait3A_150, %dma_wait3A_151] : memref<2048x16xf32, #tpu.memory_space<vmem>> -> memref<1024x16xf32, #tpu.memory_space<vmem>>
    %dma_wait3A_153 = arith.constant 0 : i32
    %dma_wait3A_154 = tpu.memref_slice %arg5[%add3A_149, %dma_wait3A_153] : memref<425984x16xf32, #tpu.memory_space<hbm>> -> memref<1024x16xf32, #tpu.memory_space<hbm>>
    %dma_wait3A_155 = arith.constant 0 : i32
    %dma_wait3A_156 = tpu.memref_slice %arg5[%add3A_149, %dma_wait3A_155] : memref<425984x16xf32, #tpu.memory_space<hbm>> -> memref<1024x16xf32, #tpu.memory_space<hbm>>
    %dma_wait3A_157 = arith.constant 0 : i32
    %dma_wait3A_158 = arith.constant 0 : i32
    %dma_wait3A_159 = tpu.memref_slice %arg8[%dma_wait3A_157, %dma_wait3A_158] : memref<2048x16xf32, #tpu.memory_space<vmem>> -> memref<1024x16xf32, #tpu.memory_space<vmem>>
    tpu.wait_dma2 semaphore(%arg12 : memref<!tpu.dma_semaphore, #tpu.memory_space<semaphore_mem>>) src(%dma_wait3A_159 : memref<1024x16xf32, #tpu.memory_space<vmem>>) dst(%dma_wait3A_156 : memref<1024x16xf32, #tpu.memory_space<hbm>>)
    %dma_wait3A_160 = arith.constant 0 : i32
    %dma_wait3A_161 = arith.constant 0 : i32
    %dma_wait3A_162 = tpu.memref_slice %arg9[%dma_wait3A_160, %dma_wait3A_161] : memref<2048x16xf32, #tpu.memory_space<vmem>> -> memref<1024x16xf32, #tpu.memory_space<vmem>>
    %dma_wait3A_163 = arith.constant 0 : i32
    %dma_wait3A_164 = tpu.memref_slice %arg6[%add3A_149, %dma_wait3A_163] : memref<425984x16xf32, #tpu.memory_space<hbm>> -> memref<1024x16xf32, #tpu.memory_space<hbm>>
    %dma_wait3A_165 = arith.constant 0 : i32
    %dma_wait3A_166 = tpu.memref_slice %arg6[%add3A_149, %dma_wait3A_165] : memref<425984x16xf32, #tpu.memory_space<hbm>> -> memref<1024x16xf32, #tpu.memory_space<hbm>>
    %dma_wait3A_167 = arith.constant 0 : i32
    %dma_wait3A_168 = arith.constant 0 : i32
    %dma_wait3A_169 = tpu.memref_slice %arg9[%dma_wait3A_167, %dma_wait3A_168] : memref<2048x16xf32, #tpu.memory_space<vmem>> -> memref<1024x16xf32, #tpu.memory_space<vmem>>
    tpu.wait_dma2 semaphore(%arg12 : memref<!tpu.dma_semaphore, #tpu.memory_space<semaphore_mem>>) src(%dma_wait3A_169 : memref<1024x16xf32, #tpu.memory_space<vmem>>) dst(%dma_wait3A_166 : memref<1024x16xf32, #tpu.memory_space<hbm>>)
    return
  }
}

</mosaic_0001>

<sc_bundles>
// kernel: kernel.4.cloned.1.call-start
scs
__scs_entry_jumppad:
0x0: {  	(pc) =	sbr.rel $0x88, $3  }
0x1: {  	(tag) =	ssettag $0x0;
	lr =	simm.s32 $0x1  }
0x2: {  	[smem:$0x3F9D] =	sst lr;
	_ =	strace $0xD0000000  }
0x3: {  	_ = 	snop  }
0x4: {  	_ = 	snop  }
0x5: {  	_ = 	snop  }
0x6: {  	_ = 	snop  }
0x7: {  	_ = 	snop  }
__scs_overlays_trampoline_lowered:
0x8: {  	[smem:$0x3FAC] =	sst s0  }
0x9: {  	[smem:$0x3FAD] =	sst s1  }
0xa: {  	[smem:$0x3FAE] =	sst s2  }
0xb: {  	[smem:$0x3FAF] =	sst s3  }
0xc: {  	[smem:$0x3FB0] =	sst s4  }
0xd: {  	[smem:$0x3FB1] =	sst s5  }
0xe: {  	[smem:$0x3FB2] =	sst s6  }
0xf: {  	[smem:$0x3FB3] =	sst s7  }
0x10: {  	[smem:$0x3FB4] =	sst s8  }
0x11: {  	[smem:$0x3FB5] =	sst s9;
	s0 =	simm.s32 @!p0 $0x0  }
0x12: {  	s1 =	sld [smem:$0x3F9B];
	s0 =	simm.s32 @p0 $0x1  }
0x13: {  	[smem:$0x3FB6] =	sst s0;
	s0 =	simm.s32 @!p1 $0x0  }
0x14: {  	s2 =	sld [smem:$0x3F9A];
	s0 =	simm.s32 @p1 $0x1  }
0x15: {  	[smem:$0x3FB7] =	sst s0;
	s0 =	simm.s32 @!p2 $0x0  }
0x16: {  	s3 =	sld [smem:$0x3FDB];
	s0 =	simm.s32 @p2 $0x1  }
0x17: {  	s4 =	simm.s32 $0x1BF5;
	[smem:$0x3FB9] =	sst s0  }
0x18: {  	s0 =	sld [smem:$0x3F9C];
	_ =	swait.ge [sflag:s4], $0x0  }
0x19: {  	s7 =	sld [smem:$0x3F9D]  }
0x1a: {  	s8 =	sadd.s32 $0xFFFFE003, lr  }
0x1b: {  	s9 =	sadd.s32 $0xFFFFFEF7, lr;
	s5 =	simm.s32 $0xFFFFFFFF;
	p2 =	slt.u32 s8, $0xFFFFF086  }
0x1c: {  	p1 =	slt.u32 s9, $0xF7A;
	s5 =	simm.s32 @!p2 $0x0  }
0x1d: {  	s5 =	simm.s32 @p1 $0x1;
	p0 =	seq.s32 s7, s2  }
0x1e: {  	s7 =	smul.u32 @!p0 $0xF7A, s2;
	p2 =	seq.s32 @!p0 s5, $0x0  }
0x1f: {  	s9 =	smul.u32 $0xF7A, s1;
	s8 =	simm.s32 @!p0 $0x1BF5;
	p2 =	por !p2, p0  }
0x20: {  	[sflag:s8] =	ssyncset.s32 @!p0 $0xFFFFF086;
	s6 =	sadd.s32 @!p0 s3, s7;
	s7 =	simm.s32 @!p0 $0x108  }
0x21: {  	s3 =	sadd.s32 s3, s9;
	s6 =	sadd.s32 @!p0 $0x88, s6;
	s7 =	simm.s32 @p2 $0x1082  }
0x22: {  	[simem:s7], [sflag:s8] =	dma.local @!p0 [hbm:s6], $0xF7A  }
0x23: {  	s9 =	sor.u32 $0xD0000000, s2;
	s6 =	simm.s32 $0x108;
	_ =	swait.ge @!p0 [sflag:s8], $0x0  }
0x24: {  	s3 =	sadd.s32 $0x88, s3;
	s6 =	simm.s32 @!p1 $0x1082;
	[sflag:s4] =	ssyncset.s32 $0xFFFFF086  }
0x25: {  	[simem:s6], [sflag:s4] =	dma.local [hbm:s3], $0xF7A  }
0x26: {  	[smem:$0x3F9D] =	sst s1;
	(tag) =	ssettag s2;
	_ =	strace s9  }
0x27: {  	s1 =	sld [smem:$0x3FAD]  }
0x28: {  	s2 =	sld [smem:$0x3FAE]  }
0x29: {  	s4 =	sld [smem:$0x3FB0]  }
0x2a: {  	p0 =	seq.s32 s5, $0x0;
	s5 =	sld [smem:$0x3FB1]  }
0x2b: {  	s6 =	sld [smem:$0x3FB2]  }
0x2c: {  	s7 =	sld [smem:$0x3FB3]  }
0x2d: {  	s3 =	simm.s32 $0x108;
	s8 =	sld [smem:$0x3FB4]  }
0x2e: {  	s3 =	simm.s32 @!p0 $0x1082;
	s9 =	sld [smem:$0x3FB5]  }
0x2f: {  	lr =	sadd.s32 s0, s3;
	s0 =	sld [smem:$0x3FAC]  }
0x30: {  	s3 =	sld [smem:$0x3FAF]  }
0x31: {  	[smem:$0x3FB8] =	sst s10  }
0x32: {  	s10 =	sld [smem:$0x3FB6];
	_ =	sdelay $0x3  }
0x33: {  	p0 =	seq.s32 s10, $0x1;
	s10 =	sld [smem:$0x3FB8];
	_ =	sdelay $0x3  }
0x34: {  	[smem:$0x3FB8] =	sst s10  }
0x35: {  	s10 =	sld [smem:$0x3FB7];
	_ =	sdelay $0x3  }
0x36: {  	p1 =	seq.s32 s10, $0x1;
	s10 =	sld [smem:$0x3FB8];
	_ =	sdelay $0x3  }
0x37: {  	[smem:$0x3FB8] =	sst s10  }
0x38: {  	s10 =	sld [smem:$0x3FB9]  }
0x39: {  	_ = 	snop;
	(pc) =	sbr.ind lr, $3  }
0x3a: {  	_ = 	snop  }
0x3b: {  	_ = 	snop  }
0x3c: {  	p2 =	seq.s32 s10, $0x1;
	s10 =	sld [smem:$0x3FB8]  }
0x3d: {  	_ =	shalt  }
0x3e: {  	_ =	shalt  }
0x3f: {  	_ =	shalt  }
0x40: {  	_ =	shalt  }
0x41: {  	_ =	shalt  }
0x42: {  	_ =	shalt  }
0x43: {  	_ =	shalt  }
0x44: {  	_ =	shalt  }
0x45: {  	_ =	shalt  }
0x46: {  	_ =	shalt  }
0x47: {  	_ =	shalt  }
0x48: {  	_ =	shalt  }
0x49: {  	_ =	shalt  }
0x4a: {  	_ =	shalt  }
0x4b: {  	_ =	shalt  }
0x4c: {  	_ =	shalt  }
0x4d: {  	_ =	shalt  }
0x4e: {  	_ =	shalt  }
0x4f: {  	_ =	shalt  }
0x50: {  	_ =	shalt  }
0x51: {  	_ =	shalt  }
0x52: {  	_ =	shalt  }
0x53: {  	_ =	shalt  }
0x54: {  	_ =	shalt  }
0x55: {  	_ =	shalt  }
0x56: {  	_ =	shalt  }
0x57: {  	_ =	shalt  }
0x58: {  	_ =	shalt  }
0x59: {  	_ =	shalt  }
0x5a: {  	_ =	shalt  }
0x5b: {  	_ =	shalt  }
0x5c: {  	_ =	shalt  }
0x5d: {  	_ =	shalt  }
0x5e: {  	_ =	shalt  }
0x5f: {  	_ =	shalt  }
0x60: {  	_ =	shalt  }
0x61: {  	_ =	shalt  }
0x62: {  	_ =	shalt  }
0x63: {  	_ =	shalt  }
0x64: {  	_ =	shalt  }
0x65: {  	_ =	shalt  }
0x66: {  	_ =	shalt  }
0x67: {  	_ =	shalt  }
0x68: {  	_ =	shalt  }
0x69: {  	_ =	shalt  }
0x6a: {  	_ =	shalt  }
0x6b: {  	_ =	shalt  }
0x6c: {  	_ =	shalt  }
0x6d: {  	_ =	shalt  }
0x6e: {  	_ =	shalt  }
0x6f: {  	_ =	shalt  }
0x70: {  	_ =	shalt  }
0x71: {  	_ =	shalt  }
0x72: {  	_ =	shalt  }
0x73: {  	_ =	shalt  }
0x74: {  	_ =	shalt  }
0x75: {  	_ =	shalt  }
0x76: {  	_ =	shalt  }
0x77: {  	_ =	shalt  }
0x78: {  	_ =	shalt  }
0x79: {  	_ =	shalt  }
0x7a: {  	_ =	shalt  }
0x7b: {  	_ =	shalt  }
0x7c: {  	_ =	shalt  }
0x7d: {  	_ =	shalt  }
0x7e: {  	_ =	shalt  }
0x7f: {  	_ =	shalt  }
0x80: {  	_ =	shalt  }
0x81: {  	_ =	shalt  }
0x82: {  	_ =	shalt  }
0x83: {  	_ =	shalt  }
0x84: {  	_ =	shalt  }
0x85: {  	_ =	shalt  }
0x86: {  	_ =	shalt  }
0x87: {  	_ =	shalt  }
.Lfunc_end0:
.L_simem_size_0:
called_computation_lowered:
.L_overlay_start_0:
0x88: {  	s2 =	sld [smem:$0x3FD9]  }
0x89: {  	s3 =	sld [smem:$0x3FFE];
	_ =	sdelay $0x1  }
0x8a: {  	s1 =	srdreg.scid  }
0x8b: {  	s0 =	sand.u32 $0x1, s1  }
0x8c: {  	s14 =	sshll.u32 s0, $0xA;
	s2 =	sadd.s32 s3, s2  }
0x8d: {  	s2 =	sadd.s32 s2, s14  }
0x8e: {  	[smem:$0x3FC4] =	sst s2  }
0x8f: {  	_ = 	snop  }
0x90: {  	s2 =	sld [smem:$0x3FD0];
	_ =	sdelay $0x1  }
0x91: {  	s15 =	sld [smem:$0x3FC7]  }
0x92: {  	s5 =	simm.s32 $0xA;
	s6 =	simm.s32 $0x10;
	s4 =	sld [smem:$0x3FC6]  }
0x93: {  	[smem:s6], [sflag:s5] =	dma.local [hbm:s2], $0x1  }
0x94: {  	_ =	swait.eq [sflag:s5], $0x1  }
0x95: {  	[sflag:s5] =	ssyncset.done $0x0  }
0x96: {  	s16 =	sld [smem:$0x10];
	[sflag:s5] =	ssyncadd.s32 $0xFFFFFFFF  }
0x97: {  	s17 =	sld [smem:$0x11];
	(tm) =	ssettm $0x1  }
0x98: {  	s18 =	sld [smem:$0x3FFB];
	_ =	sdelay $0x3  }
0x99: {  	_ =	strace s18  }
0x9a: {  	s6 =	sld [smem:$0x3FFC];
	_ =	sdelay $0x3  }
0x9b: {  	_ =	strace s6  }
0x9c: {  	s6 =	sld [smem:$0x3FFD];
	_ =	sdelay $0x3  }
0x9d: {  	_ =	strace s6  }
0x9e: {  	_ =	strace $0x8FFFFFFF  }
0x9f: {  	s19 =	sld [smem:$0x3FDB];
	_ =	sdelay $0x1  }
0xa0: {  	s7 =	simm.s32 $_scs_section_size  }
0xa1: {  	s8 =	simm.s32 $_size__tile_overlayer_lowered;
	s9 =	simm.s32 $_tile_overlayer_lowered  }
0xa2: {  	s22 =	simm.s32 $0x1BFF;
	s21 =	sshll.u32 s9, $0x1;
	s6 =	sadd.s32 s7, s19  }
0xa3: {  	s10 =	simm.s32 $0x0;
	s20 =	sshll.u32 s8, $0x1;
	s8 =	sadd.s32 s21, s6  }
0xa4: {  	[timem:s10], [sflag:s22] =	dma.local [hbm:s8], s20  }
0xa5: {  	_ =	swait.ge [sflag:s22], s20  }
0xa6: {  	s7 =	ssub.s32 $0x0, s20;
	[sflag:s22] =	ssyncset.done $0x0  }
0xa7: {  	[sflag:s22] =	ssyncadd.s32 s7;
	_ =	sdelay $0x1  }
0xa8: {  	s23 =	simm.s32 $0x1B8B  }
0xa9: {  	_ =	swait.ge [sflag:s23], $0x1  }
0xaa: {  	[sflag:s23] =	ssyncset.done $0x0  }
0xab: {  	s25 =	simm.s32 $0x1B8E;
	s24 =	sld [smem:$0x3FFE];
	[sflag:s23] =	ssyncadd.s32 $0xFFFFFFFF  }
0xac: {  	s26 =	simm.s32 $execute0_lowered;
	[smem:$0x3FD2] =	sst s25  }
0xad: {  	s8 =	sshll.u32 s26, $0x1;
	_ =	strace $0x80000046;
	[dreg:$0x1] =	wrdreg $0xFFFFFFFF  }
0xae: {  	s28 =	simm.s32 $_size_execute0_lowered;
	s6 =	sadd.s32 s6, s8;
	[dreg:$0x0] =	wrdreg $0x0  }
0xaf: {  	s8 =	sshll.u32 s28, $0x1;
	[dreg:$0x2] =	wrdreg s6  }
0xb0: {  	[dreg:$0x3] =	wrdreg s8  }
0xb1: {  	[dreg:$0x4] =	wrdreg $0xC0  }
0xb2: {  	_ =	task [dreg:s10], $0x5FFFF  }
0xb3: {  	[dreg:$0x1] =	wrdreg $0xFFFFFFFF  }
0xb4: {  	[dreg:$0x0] =	wrdreg $0x60  }
0xb5: {  	[dreg:$0x2] =	wrdreg s15  }
0xb6: {  	[dreg:$0x3] =	wrdreg s4  }
0xb7: {  	[dreg:$0x4] =	wrdreg s17  }
0xb8: {  	[dreg:$0x5] =	wrdreg s16  }
0xb9: {  	[dreg:$0x6] =	wrdreg s24  }
0xba: {  	[dreg:$0x7] =	wrdreg $0x9  }
0xbb: {  	_ =	task.clear_ibuf [dreg:s10], $0x8FFFF;
	_ =	strace $0x90000046  }
0xbc: {  	s29 =	simm.s32 $0x9;
	_ =	strace $0x80000048  }
0xbd: {  	_ =	swait.ge [sflag:s29], $0x1  }
0xbe: {  	[sflag:s29] =	ssyncadd.s32 $0xFFFFFFFF  }
0xbf: {  	_ =	strace $0x90000048  }
0xc0: {  	_ =	sfence  }
0xc1: {  	s30 =	sld [smem:$0x0];
	_ =	sdelay $0x2  }
0xc2: {  	s31 =	sshll.u32 s1, $0xD;
	s1 =	sshrl.u32 s1, $0x2  }
0xc3: {  	s3 =	sand.u32 $0x4000, s31;
	s1 =	sadd.s32 s1, s30  }
0xc4: {  	s0 =	sor.u32 s3, s0;
	s1 =	sshll.u32 s1, $0x11  }
0xc5: {  	s0 =	sor.u32 s1, s0  }
0xc6: {  	s0 =	sadd.s32 $0x8F2B, s0  }
0xc7: {  	[sflag:s0] =	ssyncadd.remote.s32 $0x1  }
0xc8: {  	_ =	sfence.sel $0xFFFF  }
0xc9: {  	[dreg:$0x0] =	wrdreg $0xFFFFFFFF;
	(pc) =	sbr.abs _section_cstart, $3  }
0xca: {  	[dreg:$0x1] =	wrdreg $0xFFFFFFFF  }
0xcb: {  	_ =	task.clear_ibuf [dreg:s10], $0x2FFFF;
	_ =	strace $0x9FFFFFFF  }
0xcc: {  	(tm) =	ssettm $0x7FFFFFFF  }
0xcd: {  	_ =	shalt  }
tec
execute0_lowered:
.L_overlay_start_1:
0x0: {  	(tag) =	ssettag $0x1  }
0x1: {  	s1 =	rddreg [dreg:$0x0]  }
0x2: {  	s2 =	rddreg [dreg:$0x1]  }
0x3: {  	s0 =	rddreg [dreg:$0x4];
	s3 =	srdreg.scid  }
0x4: {  	s4 =	stileid.u32;
	s6 =	simm.s32 $0x0;
	s22 =	simm.s32 $0x1  }
0x5: {  	s24 =	simm.s32 $0x0;
	s3 =	sand.u32 $0x1, s3;
	s4 =	sshll.u32 s4, $0x1  }
0x6: {  	[smem:$0x7FF] =	sst s6;
	s8 =	sadd.s32 $0x1600, s0;
	s9 =	sadd.s32 $0x4F7000, s0  }
0x7: {  	s12 =	sadd.s32 $0x4F6E00, s0;
	s4 =	sor.u32 s3, s4;
	s3 =	ssub.s32 $0x2, s3  }
0x8: {  	v0 =	vlaneseq.u32;
	s0 =	sadd.s32 $0x9EC800, s0;
	_ =	strace $0x80000047;
	s10 =	sshrl.u32 s3, $0x1  }
0x9: {  	v0 =	vmul.u32 $0x10, v0;
	[dreg:$0x8] =	wrdreg s12;
	s5 =	smul.u32 $0x13E00, s4;
	s3 =	ssub.s32 s3, s10  }
0xa: {  	[dreg:$0x9] =	wrdreg s0;
	s7 =	smul.u32 $0x9F, s4;
	s29 =	smax.u32 s3, $0x1  }
.Ltmp0:
0xb: {  	v1 =	vor.u32 $0x1, v0;
	v2 =	vor.u32 $0x2, v0;
	v3 =	vor.u32 $0x3, v0;
	s28 =	sadd.s32 s1, s5;
	[dreg:$0xa] =	wrdreg s29;
	(pc) =	sbr.rel .LBB2_1-.Ltmp0, $4  }
0xc: {  	v4 =	vor.u32 $0x4, v0;
	v5 =	vor.u32 $0x5, v0;
	v6 =	vor.u32 $0x6, v0;
	p1 =	sne.s32 s4, $0x1F;
	s5 =	sadd.s32 s2, s5;
	[dreg:$0x6] =	wrdreg s28  }
0xd: {  	v7 =	vor.u32 $0x7, v0;
	v8 =	vor.u32 $0x8, v0;
	v9 =	vor.u32 $0x9, v0;
	s11 =	smin.u32 s7, $0x1337;
	s30 =	sadd.s32 $0x27AC80, s28;
	[dreg:$0x7] =	wrdreg s5  }
0xe: {  	v10 =	vor.u32 $0xA, v0;
	v11 =	vor.u32 $0xB, v0;
	v12 =	vor.u32 $0xC, v0;
	s10 =	sadd.s32 $0x9F, s11;
	s31 =	sadd.s32 $0x27AC80, s5;
	[dreg:$0xb] =	wrdreg s30  }
0xf: {  	v13 =	vor.u32 $0xD, v0;
	v14 =	vor.u32 $0xE, v0;
	v15 =	vor.u32 $0xF, v0;
	s13 =	sadd.s32 $0x2, s7;
	[dreg:$0xc] =	wrdreg s31;
	p0 =	sge.u32 s7, s10  }
.LBB2_5:
0x10: {  	s0 =	simm.s32 $0x2  }
0x11: {  	_ =	swait.ge [sflag:s0], $0x2000  }
0x12: {  	[sflag:s0] =	ssyncset.done $0x0  }
0x13: {  	[sflag:s0] =	ssyncadd.s32 $0xFFFFE000  }
0x14: {  	_ =	swait.ge [sflag:s0], $0x2000  }
0x15: {  	[sflag:s0] =	ssyncset.done $0x0  }
0x16: {  	[sflag:s0] =	ssyncadd.s32 $0xFFFFE000  }
0x17: {  	_ =	swait.ge [sflag:s0], $0x2000  }
0x18: {  	[sflag:s0] =	ssyncset.done $0x0  }
0x19: {  	[sflag:s0] =	ssyncadd.s32 $0xFFFFE000  }
0x1a: {  	_ =	swait.ge [sflag:s0], $0x2000  }
0x1b: {  	[sflag:s0] =	ssyncset.done $0x0  }
0x1c: {  	[sflag:s0] =	ssyncadd.s32 $0xFFFFE000  }
0x1d: {  	s3 =	simm.s32 @!p1 $0x8000;
	s0 =	simm.s32 @!p1 $0x0;
	s4 =	rddreg [dreg:$0x2]  }
0x1e: {  	[tilespmem:s3], [sflag:$0x3] =	stream.linear.gather @!p1 [hbm4b:s4+s0], $0x800, $0x38;
	[tilespmem:$0x10000] =	vst v63  }
0x1f: {  	s4 =	simm.s32 @!p1 $0x3  }
0x20: {  	_ =	swait.ge @!p1 [sflag:s4], $0x800  }
0x21: {  	[sflag:s4] =	ssyncset.done @!p1 $0x0  }
0x22: {  	s5 =	rddreg [dreg:$0x8];
	[sflag:s4] =	ssyncadd.s32 @!p1 $0xFFFFF800  }
0x23: {  	[hbm4b:s5+s0] =	stream.linear.scatter @!p1 [tilespmem:s3], [sflag:$0x3], $0x800, $0x38;
	[tilespmem:$0x10000] =	vst v63  }
0x24: {  	_ =	swait.ge @!p1 [sflag:s4], $0x800  }
0x25: {  	[sflag:s4] =	ssyncset.done @!p1 $0x0  }
0x26: {  	[sflag:s4] =	ssyncadd.s32 @!p1 $0xFFFFF800  }
0x27: {  	s3 =	simm.s32 @!p1 $0xC000;
	s5 =	rddreg [dreg:$0x3]  }
0x28: {  	[tilespmem:s3], [sflag:$0x3] =	stream.linear.gather @!p1 [hbm4b:s5+s0], $0x800, $0x38;
	[tilespmem:$0x10000] =	vst v63  }
0x29: {  	_ =	swait.ge @!p1 [sflag:s4], $0x800  }
0x2a: {  	[sflag:s4] =	ssyncset.done @!p1 $0x0  }
0x2b: {  	s5 =	rddreg [dreg:$0x9];
	[sflag:s4] =	ssyncadd.s32 @!p1 $0xFFFFF800  }
0x2c: {  	[hbm4b:s5+s0] =	stream.linear.scatter @!p1 [tilespmem:s3], [sflag:$0x3], $0x800, $0x38;
	[tilespmem:$0x10000] =	vst v63  }
0x2d: {  	_ =	swait.ge @!p1 [sflag:s4], $0x800  }
0x2e: {  	s24 =	sadd.s32 $0x1, s24;
	s31 =	rddreg [dreg:$0xa]  }
0x2f: {  	p2 =	sne.s32 s24, s31  }
.Ltmp1:
0x30: {  	_ = 	snop;
	(pc) =	sbr.rel @!p2 .LBB2_6-.Ltmp1, $3  }
0x31: {  	_ =	sdelay $0x1  }
0x32: {  	[sflag:s4] =	ssyncset.done @!p1 $0x0  }
0x33: {  	[sflag:s4] =	ssyncadd.s32 @!p1 $0xFFFFF800  }
.LBB2_1:
0x34: {  	s0 =	rddreg [dreg:$0x6]  }
0x35: {  	[tilespmem:s6], [sflag:$0x1] =	stream.linear.gather [hbm4b:s0+s6], $0x1000, $0x38;
	[tilespmem:$0x10000] =	vst v63  }
0x36: {  	s26 =	rddreg [dreg:$0xb];
	s3 =	simm.s32 $0x2000  }
0x37: {  	[tilespmem:s3], [sflag:$0x1] =	stream.linear.gather [hbm4b:s26+s6], $0x1000, $0x38;
	[tilespmem:$0x10000] =	vst v63  }
.Ltmp2:
0x38: {  	s28 =	rddreg [dreg:$0x7];
	(pc) =	sbr.rel @p0 .LBB2_5-.Ltmp2, $4  }
0x39: {  	s29 =	simm.s32 $0x4000;
	s30 =	rddreg [dreg:$0xc]  }
0x3a: {  	[tilespmem:s29], [sflag:$0x1] =	stream.linear.gather [hbm4b:s28+s6], $0x1000, $0x38;
	[tilespmem:$0x10000] =	vst v63  }
0x3b: {  	s31 =	simm.s32 $0x6000;
	p2 =	por $0x0, $0x0;
	s26 =	smov.u32 s7  }
0x3c: {  	[tilespmem:s31], [sflag:$0x1] =	stream.linear.gather [hbm4b:s30+s6], $0x1000, $0x38;
	[tilespmem:$0x10000] =	vst v63  }
.LBB2_2:
0x3d: {  	s25 =	sadd.s32 $0x1, s26  }
0x3e: {  	p3 =	sge.u32 s25, s10  }
0x3f: {  	s0 =	ssub.s32 @!p3 s25, s7;
	s3 =	sshll.u32 @!p3 s25, $0x9  }
0x40: {  	s0 =	sshll.u32 @!p3 s0, $0xC;
	s3 =	sand.u32 @!p3 $0x1FFFFE00, s3  }
0x41: {  	s5 =	simm.s32 @!p3 $0x0;
	s0 =	sand.u32 @!p3 $0x1000, s0;
	s4 =	sadd.s32 @!p3 s1, s3  }
0x42: {  	[tilespmem:s0], [sflag:$0x1] =	stream.linear.gather @!p3 [hbm4b:s4+s5], $0x1000, $0x38;
	[tilespmem:$0x10000] =	vst v63  }
0x43: {  	s4 =	sadd.s32 @!p3 $0x27AC80, s4;
	s14 =	sor.u32 @!p3 $0x2000, s0  }
0x44: {  	[tilespmem:s14], [sflag:$0x1] =	stream.linear.gather @!p3 [hbm4b:s4+s5], $0x1000, $0x38;
	[tilespmem:$0x10000] =	vst v63  }
0x45: {  	s3 =	sadd.s32 @!p3 s2, s3;
	s4 =	sor.u32 @!p3 $0x4000, s0  }
0x46: {  	[tilespmem:s4], [sflag:$0x1] =	stream.linear.gather @!p3 [hbm4b:s3+s5], $0x1000, $0x38;
	[tilespmem:$0x10000] =	vst v63  }
0x47: {  	s0 =	sor.u32 @!p3 $0x6000, s0;
	s3 =	sadd.s32 @!p3 $0x27AC80, s3  }
0x48: {  	[tilespmem:s0], [sflag:$0x1] =	stream.linear.gather @!p3 [hbm4b:s3+s5], $0x1000, $0x38;
	[tilespmem:$0x10000] =	vst v63  }
0x49: {  	_ =	swait.ge [sflag:s22], $0x2000  }
0x4a: {  	[sflag:s22] =	ssyncset.done $0x0  }
0x4b: {  	[sflag:s22] =	ssyncadd.s32 $0xFFFFE000  }
0x4c: {  	s21 =	ssub.s32 s26, s7;
	s30 =	simm.s32 $0xFFFFFFFC;
	_ =	swait.ge [sflag:s22], $0x2000  }
0x4d: {  	s31 =	simm.s32 $0x8000;
	p3 =	slt.u32 s26, s13;
	[sflag:s22] =	ssyncset.done $0x0  }
0x4e: {  	s23 =	sand.u32 $0x1, s21;
	s0 =	simm.s32 @!p3 $0x2;
	[sflag:s22] =	ssyncadd.s32 $0xFFFFE000  }
0x4f: {  	s28 =	sshll.u32 s23, $0xD;
	s3 =	simm.s32 $0x1;
	_ =	swait.ge @!p3 [sflag:s0], $0x2000  }
0x50: {  	s4 =	simm.s32 $0x0;
	s3 =	simm.s32 @!p2 $0x0;
	[sflag:s0] =	ssyncset.done @!p3 $0x0  }
0x51: {  	s5 =	simm.s32 $0x0;
	s20 =	sshll.u32 s3, $0xF;
	[sflag:s0] =	ssyncadd.s32 @!p3 $0xFFFFE000  }
0x52: {  	s19 =	sshll.u32 s3, $0xC;
	s3 =	sshrl.u32 s20, $0x2;
	_ =	swait.ge @!p3 [sflag:s0], $0x2000  }
0x53: {  	s29 =	smov.u32 s19;
	s20 =	simm.s32 $0x0;
	[sflag:s0] =	ssyncset.done @!p3 $0x0  }
0x54: {  	[sflag:s0] =	ssyncadd.s32 @!p3 $0xFFFFE000;
	s0 =	simm.s32 $0xC000;
	p3 =	por $0x0, $0x0  }
.LBB2_3:
0x55: {  	s16 =	sadd.s32 s5, s19  }
0x56: {  	s14 =	sand.u32 $0x40, s20;
	s15 =	sand.u32 $0x1C00, s16  }
0x57: {  	s18 =	sor.u32 s14, s15  }
0x58: {  	v16 =	vld [tilespmem:s18+$0x0]  }
0x59: {  	v17 =	vld [tilespmem:s18+$0x4000];
	_ =	sdelay $0x2  }
0x5a: {  	s14 =	sadd.s32 s3, s31  }
0x5b: {  	s21 =	sadd.s32 s3, s0;
	[tilespmem:v0+s14+$0x0] =	vst.idx.msk $0xffff, v16  }
0x5c: {  	[tilespmem:v0+s21+$0x0] =	vst.idx.msk $0xffff, v17  }
0x5d: {  	v16 =	vld [tilespmem:s18+$0x80]  }
0x5e: {  	v17 =	vld [tilespmem:s18+$0x4080];
	_ =	sdelay $0x3  }
0x5f: {  	[tilespmem:v1+s14+$0x0] =	vst.idx.msk $0xffff, v16  }
0x60: {  	[tilespmem:v1+s21+$0x0] =	vst.idx.msk $0xffff, v17  }
0x61: {  	v16 =	vld [tilespmem:s18+$0x100]  }
0x62: {  	v17 =	vld [tilespmem:s18+$0x4100];
	_ =	sdelay $0x2  }
0x63: {  	s15 =	sand.u32 $0xFFFFFC00, s29  }
0x64: {  	s17 =	sadd.s32 s15, s20;
	[tilespmem:v2+s14+$0x0] =	vst.idx.msk $0xffff, v16  }
0x65: {  	s11 =	sor.u32 $0x180, s17;
	[tilespmem:v2+s21+$0x0] =	vst.idx.msk $0xffff, v17  }
0x66: {  	v16 =	vld [tilespmem:s11+$0x0]  }
0x67: {  	s12 =	simm.s32 $0x1;
	v17 =	vld [tilespmem:s11+$0x4000]  }
0x68: {  	s12 =	simm.s32 @!p3 $0x0  }
0x69: {  	s12 =	sshll.u32 s12, $0x6  }
0x6a: {  	s11 =	sadd.s32 s12, s5  }
0x6b: {  	s11 =	sadd.s32 s11, s19;
	[tilespmem:v3+s14+$0x0] =	vst.idx.msk $0xffff, v16  }
0x6c: {  	s23 =	sor.u32 $0x200, s11;
	[tilespmem:v3+s21+$0x0] =	vst.idx.msk $0xffff, v17  }
0x6d: {  	v16 =	vld [tilespmem:s23+$0x0]  }
0x6e: {  	v17 =	vld [tilespmem:s23+$0x4000];
	_ =	sdelay $0x3  }
0x6f: {  	[tilespmem:v4+s14+$0x0] =	vst.idx.msk $0xffff, v16  }
0x70: {  	s23 =	sor.u32 $0x280, s11;
	[tilespmem:v4+s21+$0x0] =	vst.idx.msk $0xffff, v17  }
0x71: {  	v16 =	vld [tilespmem:s23+$0x0]  }
0x72: {  	v17 =	vld [tilespmem:s23+$0x4000];
	_ =	sdelay $0x3  }
0x73: {  	[tilespmem:v5+s14+$0x0] =	vst.idx.msk $0xffff, v16  }
0x74: {  	s23 =	sor.u32 $0x300, s11;
	[tilespmem:v5+s21+$0x0] =	vst.idx.msk $0xffff, v17  }
0x75: {  	v16 =	vld [tilespmem:s23+$0x0]  }
0x76: {  	v17 =	vld [tilespmem:s23+$0x4000];
	_ =	sdelay $0x3  }
0x77: {  	s12 =	sadd.s32 s4, s19;
	[tilespmem:v6+s14+$0x0] =	vst.idx.msk $0xffff, v16  }
0x78: {  	s23 =	sor.u32 $0x380, s12;
	[tilespmem:v6+s21+$0x0] =	vst.idx.msk $0xffff, v17  }
0x79: {  	v16 =	vld [tilespmem:s23+$0x0]  }
0x7a: {  	v17 =	vld [tilespmem:s23+$0x4000];
	_ =	sdelay $0x3  }
0x7b: {  	[tilespmem:v7+s14+$0x0] =	vst.idx.msk $0xffff, v16  }
0x7c: {  	[tilespmem:v7+s21+$0x0] =	vst.idx.msk $0xffff, v17  }
0x7d: {  	v16 =	vld [tilespmem:s18+$0x2000]  }
0x7e: {  	v17 =	vld [tilespmem:s18+$0x6000];
	_ =	sdelay $0x3  }
0x7f: {  	[tilespmem:v8+s14+$0x0] =	vst.idx.msk $0xffff, v16  }
0x80: {  	[tilespmem:v8+s21+$0x0] =	vst.idx.msk $0xffff, v17  }
0x81: {  	v16 =	vld [tilespmem:s18+$0x2080]  }
0x82: {  	v17 =	vld [tilespmem:s18+$0x6080];
	_ =	sdelay $0x3  }
0x83: {  	[tilespmem:v9+s14+$0x0] =	vst.idx.msk $0xffff, v16  }
0x84: {  	[tilespmem:v9+s21+$0x0] =	vst.idx.msk $0xffff, v17  }
0x85: {  	v16 =	vld [tilespmem:s18+$0x2100]  }
0x86: {  	v17 =	vld [tilespmem:s18+$0x6100];
	_ =	sdelay $0x3  }
0x87: {  	[tilespmem:v10+s14+$0x0] =	vst.idx.msk $0xffff, v16  }
0x88: {  	s23 =	sor.u32 $0x2180, s17;
	[tilespmem:v10+s21+$0x0] =	vst.idx.msk $0xffff, v17  }
0x89: {  	v16 =	vld [tilespmem:s23+$0x0]  }
0x8a: {  	v17 =	vld [tilespmem:s23+$0x4000];
	_ =	sdelay $0x3  }
0x8b: {  	[tilespmem:v11+s14+$0x0] =	vst.idx.msk $0xffff, v16  }
0x8c: {  	s23 =	sor.u32 $0x2200, s11;
	[tilespmem:v11+s21+$0x0] =	vst.idx.msk $0xffff, v17  }
0x8d: {  	v16 =	vld [tilespmem:s23+$0x0]  }
0x8e: {  	v17 =	vld [tilespmem:s23+$0x4000];
	_ =	sdelay $0x3  }
0x8f: {  	[tilespmem:v12+s14+$0x0] =	vst.idx.msk $0xffff, v16  }
0x90: {  	s23 =	sor.u32 $0x2280, s11;
	[tilespmem:v12+s21+$0x0] =	vst.idx.msk $0xffff, v17  }
0x91: {  	v16 =	vld [tilespmem:s23+$0x0]  }
0x92: {  	v17 =	vld [tilespmem:s23+$0x4000];
	_ =	sdelay $0x3  }
0x93: {  	[tilespmem:v13+s14+$0x0] =	vst.idx.msk $0xffff, v16  }
0x94: {  	s11 =	sor.u32 $0x2300, s11;
	[tilespmem:v13+s21+$0x0] =	vst.idx.msk $0xffff, v17  }
0x95: {  	v16 =	vld [tilespmem:s11+$0x0]  }
0x96: {  	v17 =	vld [tilespmem:s11+$0x4000];
	_ =	sdelay $0x3  }
0x97: {  	[tilespmem:v14+s14+$0x0] =	vst.idx.msk $0xffff, v16  }
0x98: {  	s23 =	sor.u32 $0x2380, s12;
	[tilespmem:v14+s21+$0x0] =	vst.idx.msk $0xffff, v17  }
0x99: {  	v16 =	vld [tilespmem:s23+$0x0]  }
0x9a: {  	v17 =	vld [tilespmem:s23+$0x4000];
	_ =	sdelay $0x2  }
0x9b: {  	s12 =	sadd.s32 $0x80, s16;
	s11 =	sadd.s32 $0x10, s20  }
0x9c: {  	s18 =	sand.u32 $0x50, s11;
	s23 =	sand.u32 $0x1C00, s12;
	[tilespmem:v15+s14+$0x0] =	vst.idx.msk $0xffff, v16  }
0x9d: {  	s18 =	sor.u32 s18, s23;
	[tilespmem:v15+s21+$0x0] =	vst.idx.msk $0xffff, v17  }
0x9e: {  	v16 =	vld [tilespmem:s18+$0x0]  }
0x9f: {  	v17 =	vld [tilespmem:s18+$0x4000];
	_ =	sdelay $0x3  }
0xa0: {  	[tilespmem:v0+s14+$0x100] =	vst.idx.msk $0xffff, v16  }
0xa1: {  	[tilespmem:v0+s21+$0x100] =	vst.idx.msk $0xffff, v17  }
0xa2: {  	v16 =	vld [tilespmem:s18+$0x80]  }
0xa3: {  	v17 =	vld [tilespmem:s18+$0x4080];
	_ =	sdelay $0x3  }
0xa4: {  	[tilespmem:v1+s14+$0x100] =	vst.idx.msk $0xffff, v16  }
0xa5: {  	[tilespmem:v1+s21+$0x100] =	vst.idx.msk $0xffff, v17  }
0xa6: {  	v16 =	vld [tilespmem:s18+$0x100]  }
0xa7: {  	v17 =	vld [tilespmem:s18+$0x4100];
	_ =	sdelay $0x3  }
0xa8: {  	s17 =	sadd.s32 $0x10, s17;
	[tilespmem:v2+s14+$0x100] =	vst.idx.msk $0xffff, v16  }
0xa9: {  	s23 =	sor.u32 $0x180, s17;
	[tilespmem:v2+s21+$0x100] =	vst.idx.msk $0xffff, v17  }
0xaa: {  	v16 =	vld [tilespmem:s23+$0x0]  }
0xab: {  	v17 =	vld [tilespmem:s23+$0x4000];
	_ =	sdelay $0x3  }
0xac: {  	[tilespmem:v3+s14+$0x100] =	vst.idx.msk $0xffff, v16  }
0xad: {  	[tilespmem:v3+s21+$0x100] =	vst.idx.msk $0xffff, v17  }
0xae: {  	v16 =	vld [tilespmem:s18+$0x200]  }
0xaf: {  	v17 =	vld [tilespmem:s18+$0x4200];
	_ =	sdelay $0x3  }
0xb0: {  	[tilespmem:v4+s14+$0x100] =	vst.idx.msk $0xffff, v16  }
0xb1: {  	[tilespmem:v4+s21+$0x100] =	vst.idx.msk $0xffff, v17  }
0xb2: {  	v16 =	vld [tilespmem:s18+$0x280]  }
0xb3: {  	v17 =	vld [tilespmem:s18+$0x4280];
	_ =	sdelay $0x3  }
0xb4: {  	[tilespmem:v5+s14+$0x100] =	vst.idx.msk $0xffff, v16  }
0xb5: {  	[tilespmem:v5+s21+$0x100] =	vst.idx.msk $0xffff, v17  }
0xb6: {  	v16 =	vld [tilespmem:s18+$0x300]  }
0xb7: {  	v17 =	vld [tilespmem:s18+$0x4300];
	_ =	sdelay $0x3  }
0xb8: {  	s11 =	sor.u32 s12, s11;
	[tilespmem:v6+s14+$0x100] =	vst.idx.msk $0xffff, v16  }
0xb9: {  	s11 =	sor.u32 $0x300, s11;
	[tilespmem:v6+s21+$0x100] =	vst.idx.msk $0xffff, v17  }
0xba: {  	v16 =	vld [tilespmem:s11+$0x0]  }
0xbb: {  	v17 =	vld [tilespmem:s11+$0x4000];
	_ =	sdelay $0x3  }
0xbc: {  	[tilespmem:v7+s14+$0x100] =	vst.idx.msk $0xffff, v16  }
0xbd: {  	[tilespmem:v7+s21+$0x100] =	vst.idx.msk $0xffff, v17  }
0xbe: {  	v16 =	vld [tilespmem:s18+$0x2000]  }
0xbf: {  	v17 =	vld [tilespmem:s18+$0x6000];
	_ =	sdelay $0x3  }
0xc0: {  	[tilespmem:v8+s14+$0x100] =	vst.idx.msk $0xffff, v16  }
0xc1: {  	[tilespmem:v8+s21+$0x100] =	vst.idx.msk $0xffff, v17  }
0xc2: {  	v16 =	vld [tilespmem:s18+$0x2080]  }
0xc3: {  	v17 =	vld [tilespmem:s18+$0x6080];
	_ =	sdelay $0x3  }
0xc4: {  	[tilespmem:v9+s14+$0x100] =	vst.idx.msk $0xffff, v16  }
0xc5: {  	[tilespmem:v9+s21+$0x100] =	vst.idx.msk $0xffff, v17  }
0xc6: {  	v16 =	vld [tilespmem:s18+$0x2100]  }
0xc7: {  	v17 =	vld [tilespmem:s18+$0x6100];
	_ =	sdelay $0x3  }
0xc8: {  	[tilespmem:v10+s14+$0x100] =	vst.idx.msk $0xffff, v16  }
0xc9: {  	s12 =	sor.u32 $0x2180, s17;
	[tilespmem:v10+s21+$0x100] =	vst.idx.msk $0xffff, v17  }
0xca: {  	v16 =	vld [tilespmem:s12+$0x0]  }
0xcb: {  	v17 =	vld [tilespmem:s12+$0x4000];
	_ =	sdelay $0x3  }
0xcc: {  	[tilespmem:v11+s14+$0x100] =	vst.idx.msk $0xffff, v16  }
0xcd: {  	[tilespmem:v11+s21+$0x100] =	vst.idx.msk $0xffff, v17  }
0xce: {  	v16 =	vld [tilespmem:s18+$0x2200]  }
0xcf: {  	v17 =	vld [tilespmem:s18+$0x6200];
	_ =	sdelay $0x3  }
0xd0: {  	[tilespmem:v12+s14+$0x100] =	vst.idx.msk $0xffff, v16  }
0xd1: {  	[tilespmem:v12+s21+$0x100] =	vst.idx.msk $0xffff, v17  }
0xd2: {  	v16 =	vld [tilespmem:s18+$0x2280]  }
0xd3: {  	v17 =	vld [tilespmem:s18+$0x6280];
	_ =	sdelay $0x3  }
0xd4: {  	[tilespmem:v13+s14+$0x100] =	vst.idx.msk $0xffff, v16  }
0xd5: {  	[tilespmem:v13+s21+$0x100] =	vst.idx.msk $0xffff, v17  }
0xd6: {  	v16 =	vld [tilespmem:s18+$0x2300]  }
0xd7: {  	v17 =	vld [tilespmem:s18+$0x6300];
	_ =	sdelay $0x3  }
0xd8: {  	[tilespmem:v14+s14+$0x100] =	vst.idx.msk $0xffff, v16  }
0xd9: {  	s17 =	sor.u32 $0x2380, s17;
	[tilespmem:v14+s21+$0x100] =	vst.idx.msk $0xffff, v17  }
0xda: {  	v16 =	vld [tilespmem:s17+$0x0]  }
0xdb: {  	v17 =	vld [tilespmem:s17+$0x4000];
	_ =	sdelay $0x2  }
0xdc: {  	s11 =	sadd.s32 $0x20, s20;
	s12 =	sadd.s32 $0x100, s16  }
0xdd: {  	s23 =	sand.u32 $0x1C00, s12;
	s18 =	sand.u32 $0x60, s11;
	[tilespmem:v15+s14+$0x100] =	vst.idx.msk $0xffff, v16  }
0xde: {  	s17 =	sor.u32 s18, s23;
	[tilespmem:v15+s21+$0x100] =	vst.idx.msk $0xffff, v17  }
0xdf: {  	v16 =	vld [tilespmem:s17+$0x0]  }
0xe0: {  	v17 =	vld [tilespmem:s17+$0x4000];
	_ =	sdelay $0x3  }
0xe1: {  	[tilespmem:v0+s14+$0x200] =	vst.idx.msk $0xffff, v16  }
0xe2: {  	[tilespmem:v0+s21+$0x200] =	vst.idx.msk $0xffff, v17  }
0xe3: {  	v16 =	vld [tilespmem:s17+$0x80]  }
0xe4: {  	v17 =	vld [tilespmem:s17+$0x4080];
	_ =	sdelay $0x3  }
0xe5: {  	[tilespmem:v1+s14+$0x200] =	vst.idx.msk $0xffff, v16  }
0xe6: {  	[tilespmem:v1+s21+$0x200] =	vst.idx.msk $0xffff, v17  }
0xe7: {  	v16 =	vld [tilespmem:s17+$0x100]  }
0xe8: {  	v17 =	vld [tilespmem:s17+$0x4100];
	_ =	sdelay $0x3  }
0xe9: {  	s18 =	sadd.s32 s15, s11;
	[tilespmem:v2+s14+$0x200] =	vst.idx.msk $0xffff, v16  }
0xea: {  	s23 =	sor.u32 $0x180, s18;
	[tilespmem:v2+s21+$0x200] =	vst.idx.msk $0xffff, v17  }
0xeb: {  	v16 =	vld [tilespmem:s23+$0x0]  }
0xec: {  	v17 =	vld [tilespmem:s23+$0x4000];
	_ =	sdelay $0x3  }
0xed: {  	[tilespmem:v3+s14+$0x200] =	vst.idx.msk $0xffff, v16  }
0xee: {  	[tilespmem:v3+s21+$0x200] =	vst.idx.msk $0xffff, v17  }
0xef: {  	v16 =	vld [tilespmem:s17+$0x200]  }
0xf0: {  	v17 =	vld [tilespmem:s17+$0x4200];
	_ =	sdelay $0x3  }
0xf1: {  	[tilespmem:v4+s14+$0x200] =	vst.idx.msk $0xffff, v16  }
0xf2: {  	[tilespmem:v4+s21+$0x200] =	vst.idx.msk $0xffff, v17  }
0xf3: {  	v16 =	vld [tilespmem:s17+$0x280]  }
0xf4: {  	v17 =	vld [tilespmem:s17+$0x4280];
	_ =	sdelay $0x3  }
0xf5: {  	[tilespmem:v5+s14+$0x200] =	vst.idx.msk $0xffff, v16  }
0xf6: {  	[tilespmem:v5+s21+$0x200] =	vst.idx.msk $0xffff, v17  }
0xf7: {  	v16 =	vld [tilespmem:s17+$0x300]  }
0xf8: {  	v17 =	vld [tilespmem:s17+$0x4300];
	_ =	sdelay $0x3  }
0xf9: {  	s11 =	sor.u32 s12, s11;
	[tilespmem:v6+s14+$0x200] =	vst.idx.msk $0xffff, v16  }
0xfa: {  	s11 =	sor.u32 $0x280, s11;
	[tilespmem:v6+s21+$0x200] =	vst.idx.msk $0xffff, v17  }
0xfb: {  	v16 =	vld [tilespmem:s11+$0x0]  }
0xfc: {  	v17 =	vld [tilespmem:s11+$0x4000];
	_ =	sdelay $0x3  }
0xfd: {  	[tilespmem:v7+s14+$0x200] =	vst.idx.msk $0xffff, v16  }
0xfe: {  	[tilespmem:v7+s21+$0x200] =	vst.idx.msk $0xffff, v17  }
0xff: {  	v16 =	vld [tilespmem:s17+$0x2000]  }
0x100: {  	v17 =	vld [tilespmem:s17+$0x6000];
	_ =	sdelay $0x3  }
0x101: {  	[tilespmem:v8+s14+$0x200] =	vst.idx.msk $0xffff, v16  }
0x102: {  	[tilespmem:v8+s21+$0x200] =	vst.idx.msk $0xffff, v17  }
0x103: {  	v16 =	vld [tilespmem:s17+$0x2080]  }
0x104: {  	v17 =	vld [tilespmem:s17+$0x6080];
	_ =	sdelay $0x3  }
0x105: {  	[tilespmem:v9+s14+$0x200] =	vst.idx.msk $0xffff, v16  }
0x106: {  	[tilespmem:v9+s21+$0x200] =	vst.idx.msk $0xffff, v17  }
0x107: {  	v16 =	vld [tilespmem:s17+$0x2100]  }
0x108: {  	v17 =	vld [tilespmem:s17+$0x6100];
	_ =	sdelay $0x3  }
0x109: {  	[tilespmem:v10+s14+$0x200] =	vst.idx.msk $0xffff, v16  }
0x10a: {  	s23 =	sor.u32 $0x2180, s18;
	[tilespmem:v10+s21+$0x200] =	vst.idx.msk $0xffff, v17  }
0x10b: {  	v16 =	vld [tilespmem:s23+$0x0]  }
0x10c: {  	v17 =	vld [tilespmem:s23+$0x4000];
	_ =	sdelay $0x3  }
0x10d: {  	[tilespmem:v11+s14+$0x200] =	vst.idx.msk $0xffff, v16  }
0x10e: {  	[tilespmem:v11+s21+$0x200] =	vst.idx.msk $0xffff, v17  }
0x10f: {  	v16 =	vld [tilespmem:s17+$0x2200]  }
0x110: {  	v17 =	vld [tilespmem:s17+$0x6200];
	_ =	sdelay $0x3  }
0x111: {  	[tilespmem:v12+s14+$0x200] =	vst.idx.msk $0xffff, v16  }
0x112: {  	[tilespmem:v12+s21+$0x200] =	vst.idx.msk $0xffff, v17  }
0x113: {  	v16 =	vld [tilespmem:s17+$0x2280]  }
0x114: {  	v17 =	vld [tilespmem:s17+$0x6280];
	_ =	sdelay $0x3  }
0x115: {  	[tilespmem:v13+s14+$0x200] =	vst.idx.msk $0xffff, v16  }
0x116: {  	[tilespmem:v13+s21+$0x200] =	vst.idx.msk $0xffff, v17  }
0x117: {  	v16 =	vld [tilespmem:s17+$0x2300]  }
0x118: {  	v17 =	vld [tilespmem:s17+$0x6300];
	_ =	sdelay $0x3  }
0x119: {  	[tilespmem:v14+s14+$0x200] =	vst.idx.msk $0xffff, v16  }
0x11a: {  	s12 =	sor.u32 $0x2380, s18;
	[tilespmem:v14+s21+$0x200] =	vst.idx.msk $0xffff, v17  }
0x11b: {  	v16 =	vld [tilespmem:s12+$0x0]  }
0x11c: {  	v17 =	vld [tilespmem:s12+$0x4000];
	_ =	sdelay $0x2  }
0x11d: {  	s11 =	sadd.s32 $0x30, s20;
	s12 =	sadd.s32 $0x180, s16  }
0x11e: {  	s17 =	sand.u32 $0x70, s11;
	s18 =	sand.u32 $0x1C00, s12;
	[tilespmem:v15+s14+$0x200] =	vst.idx.msk $0xffff, v16  }
0x11f: {  	s16 =	sor.u32 s17, s18;
	[tilespmem:v15+s21+$0x200] =	vst.idx.msk $0xffff, v17  }
0x120: {  	v16 =	vld [tilespmem:s16+$0x0]  }
0x121: {  	v17 =	vld [tilespmem:s16+$0x4000];
	_ =	sdelay $0x3  }
0x122: {  	[tilespmem:v0+s14+$0x300] =	vst.idx.msk $0xffff, v16  }
0x123: {  	[tilespmem:v0+s21+$0x300] =	vst.idx.msk $0xffff, v17  }
0x124: {  	v16 =	vld [tilespmem:s16+$0x80]  }
0x125: {  	v17 =	vld [tilespmem:s16+$0x4080];
	_ =	sdelay $0x3  }
0x126: {  	[tilespmem:v1+s14+$0x300] =	vst.idx.msk $0xffff, v16  }
0x127: {  	[tilespmem:v1+s21+$0x300] =	vst.idx.msk $0xffff, v17  }
0x128: {  	v16 =	vld [tilespmem:s16+$0x100]  }
0x129: {  	v17 =	vld [tilespmem:s16+$0x4100];
	_ =	sdelay $0x3  }
0x12a: {  	s15 =	sadd.s32 s15, s11;
	[tilespmem:v2+s14+$0x300] =	vst.idx.msk $0xffff, v16  }
0x12b: {  	s23 =	sor.u32 $0x180, s15;
	[tilespmem:v2+s21+$0x300] =	vst.idx.msk $0xffff, v17  }
0x12c: {  	v16 =	vld [tilespmem:s23+$0x0]  }
0x12d: {  	v17 =	vld [tilespmem:s23+$0x4000];
	_ =	sdelay $0x3  }
0x12e: {  	[tilespmem:v3+s14+$0x300] =	vst.idx.msk $0xffff, v16  }
0x12f: {  	[tilespmem:v3+s21+$0x300] =	vst.idx.msk $0xffff, v17  }
0x130: {  	v16 =	vld [tilespmem:s16+$0x200]  }
0x131: {  	v17 =	vld [tilespmem:s16+$0x4200];
	_ =	sdelay $0x3  }
0x132: {  	[tilespmem:v4+s14+$0x300] =	vst.idx.msk $0xffff, v16  }
0x133: {  	[tilespmem:v4+s21+$0x300] =	vst.idx.msk $0xffff, v17  }
0x134: {  	v16 =	vld [tilespmem:s16+$0x280]  }
0x135: {  	v17 =	vld [tilespmem:s16+$0x4280];
	_ =	sdelay $0x3  }
0x136: {  	[tilespmem:v5+s14+$0x300] =	vst.idx.msk $0xffff, v16  }
0x137: {  	[tilespmem:v5+s21+$0x300] =	vst.idx.msk $0xffff, v17  }
0x138: {  	v16 =	vld [tilespmem:s16+$0x300]  }
0x139: {  	v17 =	vld [tilespmem:s16+$0x4300];
	_ =	sdelay $0x3  }
0x13a: {  	s11 =	sor.u32 s12, s11;
	[tilespmem:v6+s14+$0x300] =	vst.idx.msk $0xffff, v16  }
0x13b: {  	s11 =	sor.u32 $0x200, s11;
	[tilespmem:v6+s21+$0x300] =	vst.idx.msk $0xffff, v17  }
0x13c: {  	v16 =	vld [tilespmem:s11+$0x0]  }
0x13d: {  	v17 =	vld [tilespmem:s11+$0x4000];
	_ =	sdelay $0x3  }
0x13e: {  	[tilespmem:v7+s14+$0x300] =	vst.idx.msk $0xffff, v16  }
0x13f: {  	[tilespmem:v7+s21+$0x300] =	vst.idx.msk $0xffff, v17  }
0x140: {  	v16 =	vld [tilespmem:s16+$0x2000]  }
0x141: {  	v17 =	vld [tilespmem:s16+$0x6000];
	_ =	sdelay $0x3  }
0x142: {  	[tilespmem:v8+s14+$0x300] =	vst.idx.msk $0xffff, v16  }
0x143: {  	[tilespmem:v8+s21+$0x300] =	vst.idx.msk $0xffff, v17  }
0x144: {  	v16 =	vld [tilespmem:s16+$0x2080]  }
0x145: {  	v17 =	vld [tilespmem:s16+$0x6080];
	_ =	sdelay $0x3  }
0x146: {  	[tilespmem:v9+s14+$0x300] =	vst.idx.msk $0xffff, v16  }
0x147: {  	[tilespmem:v9+s21+$0x300] =	vst.idx.msk $0xffff, v17  }
0x148: {  	v16 =	vld [tilespmem:s16+$0x2100]  }
0x149: {  	v17 =	vld [tilespmem:s16+$0x6100];
	_ =	sdelay $0x3  }
0x14a: {  	[tilespmem:v10+s14+$0x300] =	vst.idx.msk $0xffff, v16  }
0x14b: {  	s18 =	sor.u32 $0x2180, s15;
	[tilespmem:v10+s21+$0x300] =	vst.idx.msk $0xffff, v17  }
0x14c: {  	v16 =	vld [tilespmem:s18+$0x0]  }
0x14d: {  	v17 =	vld [tilespmem:s18+$0x4000];
	_ =	sdelay $0x3  }
0x14e: {  	[tilespmem:v11+s14+$0x300] =	vst.idx.msk $0xffff, v16  }
0x14f: {  	[tilespmem:v11+s21+$0x300] =	vst.idx.msk $0xffff, v17  }
0x150: {  	v16 =	vld [tilespmem:s16+$0x2200]  }
0x151: {  	v17 =	vld [tilespmem:s16+$0x6200];
	_ =	sdelay $0x3  }
0x152: {  	[tilespmem:v12+s14+$0x300] =	vst.idx.msk $0xffff, v16  }
0x153: {  	[tilespmem:v12+s21+$0x300] =	vst.idx.msk $0xffff, v17  }
0x154: {  	v16 =	vld [tilespmem:s16+$0x2280]  }
0x155: {  	v17 =	vld [tilespmem:s16+$0x6280];
	_ =	sdelay $0x3  }
0x156: {  	[tilespmem:v13+s14+$0x300] =	vst.idx.msk $0xffff, v16  }
0x157: {  	[tilespmem:v13+s21+$0x300] =	vst.idx.msk $0xffff, v17  }
0x158: {  	v16 =	vld [tilespmem:s16+$0x2300]  }
0x159: {  	v17 =	vld [tilespmem:s16+$0x6300];
	_ =	sdelay $0x3  }
0x15a: {  	[tilespmem:v14+s14+$0x300] =	vst.idx.msk $0xffff, v16  }
0x15b: {  	s23 =	sor.u32 $0x2380, s15;
	[tilespmem:v14+s21+$0x300] =	vst.idx.msk $0xffff, v17  }
0x15c: {  	s30 =	sadd.s32 $0x4, s30;
	v16 =	vld [tilespmem:s23+$0x0]  }
0x15d: {  	p4 =	slt.u32 s30, $0x1C;
	v17 =	vld [tilespmem:s23+$0x4000]  }
.Ltmp3:
0x15e: {  	_ = 	snop;
	(pc) =	sbr.rel @p4 .LBB2_3-.Ltmp3, $4  }
0x15f: {  	_ = 	snop  }
0x160: {  	s0 =	sadd.s32 $0x400, s0  }
0x161: {  	p3 =	por !p3, !p3;
	s31 =	sadd.s32 $0x400, s31;
	s29 =	sadd.s32 $0x200, s29;
	[tilespmem:v15+s14+$0x300] =	vst.idx.msk $0xffff, v16  }
0x162: {  	s5 =	sadd.s32 $0x200, s5;
	s4 =	sadd.s32 $0x240, s4;
	s20 =	sadd.s32 $0x40, s20;
	[tilespmem:v15+s21+$0x300] =	vst.idx.msk $0xffff, v17  }
0x163: {  	p3 =	slt.u32 s25, s10  }
.Ltmp4:
0x164: {  	s0 =	sshll.u32 s26, $0xA;
	s4 =	sor.u32 $0x8000, s28;
	(pc) =	sbr.rel @p3 .LBB2_2-.Ltmp4, $4  }
.Ltmp5:
0x165: {  	s31 =	sor.u32 $0xC000, s28;
	s3 =	sadd.s32 s8, s0;
	(pc) =	sbr.rel @!p3 .LBB2_5-.Ltmp5, $4  }
0x166: {  	[hbm4b:s3+s6] =	stream.linear.scatter [tilespmem:s4], [sflag:$0x2], $0x2000, $0x38;
	[tilespmem:$0x10000] =	vst v63  }
0x167: {  	p2 =	por !p2, !p2;
	s26 =	smov.u32 s25;
	s0 =	sadd.s32 s9, s0  }
0x168: {  	[hbm4b:s0+s6] =	stream.linear.scatter [tilespmem:s31], [sflag:$0x2], $0x2000, $0x38;
	[tilespmem:$0x10000] =	vst v63  }
0x169: {  	_ = 	snop  }
.LBB2_6:
0x16a: {  	_ =	sfence.sel $0x180000  }
0x16b: {  	[bflag:$0x0] =	sbarrier.arrive $0xFFFF  }
0x16c: {  	_ =	strace $0x90000047  }
0x16d: {  	s0 =	stileid.u32;
	[bflag:$0x2] =	sbarrier.arrive $0xFFFF  }
0x16e: {  	p0 =	sne.s32 s0, $0x0;
	s0 =	rddreg [dreg:$0x5]  }
0x16f: {  	s0 =	sadd.s32 @!p0 $0x100000, s0  }
0x170: {  	[sflag:s0] =	ssyncadd.tile.s32 @!p0 $0x1;
	_ =	shalt  }
.Lfunc_end2:
_tile_overlayer_lowered:
.L_overlay_start_2:
0x171: {  	(tag) =	ssettag $0x2  }
0x172: {  	s0 =	rddreg [dreg:$0x0];
	s2 =	stileid.u32  }
0x173: {  	s1 =	rddreg [dreg:$0x1];
	p0 =	sne.s32 s2, $0x0  }
0x174: {  	s3 =	rddreg [dreg:$0x2];
	[bflag:$0x3] =	sbarrier.arrive $0xFFFF;
	s2 =	simm.s32 @!p0 $0x1C03  }
0x175: {  	[timem:s3], [sflag:s2] =	dma.local @!p0 [hbm:s0], s1  }
0x176: {  	s0 =	simm.s32 @!p0 $0x3  }
0x177: {  	_ =	swait.ge @!p0 [sflag:s0], s1  }
0x178: {  	s1 =	ssub.s32 @!p0 $0x0, s1;
	[sflag:s0] =	ssyncset.done @!p0 $0x0  }
0x179: {  	[sflag:s0] =	ssyncadd.s32 @!p0 s1  }
0x17a: {  	[bflag:$0x3] =	sbarrier.arrive $0xFFFF  }
0x17b: {  	_ =	shalt  }

// kernel: kernel.7.cloned.1.call-start
scs
__scs_entry_jumppad:
0x0: {  	(pc) =	sbr.rel $0x88, $3  }
0x1: {  	(tag) =	ssettag $0x0;
	lr =	simm.s32 $0x1  }
0x2: {  	[smem:$0x3F9D] =	sst lr;
	_ =	strace $0xD0000000  }
0x3: {  	_ = 	snop  }
0x4: {  	_ = 	snop  }
0x5: {  	_ = 	snop  }
0x6: {  	_ = 	snop  }
0x7: {  	_ = 	snop  }
__scs_overlays_trampoline_lowered:
0x8: {  	[smem:$0x3FAC] =	sst s0  }
0x9: {  	[smem:$0x3FAD] =	sst s1  }
0xa: {  	[smem:$0x3FAE] =	sst s2  }
0xb: {  	[smem:$0x3FAF] =	sst s3  }
0xc: {  	[smem:$0x3FB0] =	sst s4  }
0xd: {  	[smem:$0x3FB1] =	sst s5  }
0xe: {  	[smem:$0x3FB2] =	sst s6  }
0xf: {  	[smem:$0x3FB3] =	sst s7  }
0x10: {  	[smem:$0x3FB4] =	sst s8  }
0x11: {  	[smem:$0x3FB5] =	sst s9;
	s0 =	simm.s32 @!p0 $0x0  }
0x12: {  	s1 =	sld [smem:$0x3F9B];
	s0 =	simm.s32 @p0 $0x1  }
0x13: {  	[smem:$0x3FB6] =	sst s0;
	s0 =	simm.s32 @!p1 $0x0  }
0x14: {  	s2 =	sld [smem:$0x3F9A];
	s0 =	simm.s32 @p1 $0x1  }
0x15: {  	[smem:$0x3FB7] =	sst s0;
	s0 =	simm.s32 @!p2 $0x0  }
0x16: {  	s3 =	sld [smem:$0x3FDB];
	s0 =	simm.s32 @p2 $0x1  }
0x17: {  	s4 =	simm.s32 $0x1BF5;
	[smem:$0x3FB9] =	sst s0  }
0x18: {  	s0 =	sld [smem:$0x3F9C];
	_ =	swait.ge [sflag:s4], $0x0  }
0x19: {  	s7 =	sld [smem:$0x3F9D]  }
0x1a: {  	s8 =	sadd.s32 $0xFFFFE003, lr  }
0x1b: {  	s9 =	sadd.s32 $0xFFFFFEF7, lr;
	s5 =	simm.s32 $0xFFFFFFFF;
	p2 =	slt.u32 s8, $0xFFFFF086  }
0x1c: {  	p1 =	slt.u32 s9, $0xF7A;
	s5 =	simm.s32 @!p2 $0x0  }
0x1d: {  	s5 =	simm.s32 @p1 $0x1;
	p0 =	seq.s32 s7, s2  }
0x1e: {  	s7 =	smul.u32 @!p0 $0xF7A, s2;
	p2 =	seq.s32 @!p0 s5, $0x0  }
0x1f: {  	s9 =	smul.u32 $0xF7A, s1;
	s8 =	simm.s32 @!p0 $0x1BF5;
	p2 =	por !p2, p0  }
0x20: {  	[sflag:s8] =	ssyncset.s32 @!p0 $0xFFFFF086;
	s6 =	sadd.s32 @!p0 s3, s7;
	s7 =	simm.s32 @!p0 $0x108  }
0x21: {  	s3 =	sadd.s32 s3, s9;
	s6 =	sadd.s32 @!p0 $0x88, s6;
	s7 =	simm.s32 @p2 $0x1082  }
0x22: {  	[simem:s7], [sflag:s8] =	dma.local @!p0 [hbm:s6], $0xF7A  }
0x23: {  	s9 =	sor.u32 $0xD0000000, s2;
	s6 =	simm.s32 $0x108;
	_ =	swait.ge @!p0 [sflag:s8], $0x0  }
0x24: {  	s3 =	sadd.s32 $0x88, s3;
	s6 =	simm.s32 @!p1 $0x1082;
	[sflag:s4] =	ssyncset.s32 $0xFFFFF086  }
0x25: {  	[simem:s6], [sflag:s4] =	dma.local [hbm:s3], $0xF7A  }
0x26: {  	[smem:$0x3F9D] =	sst s1;
	(tag) =	ssettag s2;
	_ =	strace s9  }
0x27: {  	s1 =	sld [smem:$0x3FAD]  }
0x28: {  	s2 =	sld [smem:$0x3FAE]  }
0x29: {  	s4 =	sld [smem:$0x3FB0]  }
0x2a: {  	p0 =	seq.s32 s5, $0x0;
	s5 =	sld [smem:$0x3FB1]  }
0x2b: {  	s6 =	sld [smem:$0x3FB2]  }
0x2c: {  	s7 =	sld [smem:$0x3FB3]  }
0x2d: {  	s3 =	simm.s32 $0x108;
	s8 =	sld [smem:$0x3FB4]  }
0x2e: {  	s3 =	simm.s32 @!p0 $0x1082;
	s9 =	sld [smem:$0x3FB5]  }
0x2f: {  	lr =	sadd.s32 s0, s3;
	s0 =	sld [smem:$0x3FAC]  }
0x30: {  	s3 =	sld [smem:$0x3FAF]  }
0x31: {  	[smem:$0x3FB8] =	sst s10  }
0x32: {  	s10 =	sld [smem:$0x3FB6];
	_ =	sdelay $0x3  }
0x33: {  	p0 =	seq.s32 s10, $0x1;
	s10 =	sld [smem:$0x3FB8];
	_ =	sdelay $0x3  }
0x34: {  	[smem:$0x3FB8] =	sst s10  }
0x35: {  	s10 =	sld [smem:$0x3FB7];
	_ =	sdelay $0x3  }
0x36: {  	p1 =	seq.s32 s10, $0x1;
	s10 =	sld [smem:$0x3FB8];
	_ =	sdelay $0x3  }
0x37: {  	[smem:$0x3FB8] =	sst s10  }
0x38: {  	s10 =	sld [smem:$0x3FB9]  }
0x39: {  	_ = 	snop;
	(pc) =	sbr.ind lr, $3  }
0x3a: {  	_ = 	snop  }
0x3b: {  	_ = 	snop  }
0x3c: {  	p2 =	seq.s32 s10, $0x1;
	s10 =	sld [smem:$0x3FB8]  }
0x3d: {  	_ =	shalt  }
0x3e: {  	_ =	shalt  }
0x3f: {  	_ =	shalt  }
0x40: {  	_ =	shalt  }
0x41: {  	_ =	shalt  }
0x42: {  	_ =	shalt  }
0x43: {  	_ =	shalt  }
0x44: {  	_ =	shalt  }
0x45: {  	_ =	shalt  }
0x46: {  	_ =	shalt  }
0x47: {  	_ =	shalt  }
0x48: {  	_ =	shalt  }
0x49: {  	_ =	shalt  }
0x4a: {  	_ =	shalt  }
0x4b: {  	_ =	shalt  }
0x4c: {  	_ =	shalt  }
0x4d: {  	_ =	shalt  }
0x4e: {  	_ =	shalt  }
0x4f: {  	_ =	shalt  }
0x50: {  	_ =	shalt  }
0x51: {  	_ =	shalt  }
0x52: {  	_ =	shalt  }
0x53: {  	_ =	shalt  }
0x54: {  	_ =	shalt  }
0x55: {  	_ =	shalt  }
0x56: {  	_ =	shalt  }
0x57: {  	_ =	shalt  }
0x58: {  	_ =	shalt  }
0x59: {  	_ =	shalt  }
0x5a: {  	_ =	shalt  }
0x5b: {  	_ =	shalt  }
0x5c: {  	_ =	shalt  }
0x5d: {  	_ =	shalt  }
0x5e: {  	_ =	shalt  }
0x5f: {  	_ =	shalt  }
0x60: {  	_ =	shalt  }
0x61: {  	_ =	shalt  }
0x62: {  	_ =	shalt  }
0x63: {  	_ =	shalt  }
0x64: {  	_ =	shalt  }
0x65: {  	_ =	shalt  }
0x66: {  	_ =	shalt  }
0x67: {  	_ =	shalt  }
0x68: {  	_ =	shalt  }
0x69: {  	_ =	shalt  }
0x6a: {  	_ =	shalt  }
0x6b: {  	_ =	shalt  }
0x6c: {  	_ =	shalt  }
0x6d: {  	_ =	shalt  }
0x6e: {  	_ =	shalt  }
0x6f: {  	_ =	shalt  }
0x70: {  	_ =	shalt  }
0x71: {  	_ =	shalt  }
0x72: {  	_ =	shalt  }
0x73: {  	_ =	shalt  }
0x74: {  	_ =	shalt  }
0x75: {  	_ =	shalt  }
0x76: {  	_ =	shalt  }
0x77: {  	_ =	shalt  }
0x78: {  	_ =	shalt  }
0x79: {  	_ =	shalt  }
0x7a: {  	_ =	shalt  }
0x7b: {  	_ =	shalt  }
0x7c: {  	_ =	shalt  }
0x7d: {  	_ =	shalt  }
0x7e: {  	_ =	shalt  }
0x7f: {  	_ =	shalt  }
0x80: {  	_ =	shalt  }
0x81: {  	_ =	shalt  }
0x82: {  	_ =	shalt  }
0x83: {  	_ =	shalt  }
0x84: {  	_ =	shalt  }
0x85: {  	_ =	shalt  }
0x86: {  	_ =	shalt  }
0x87: {  	_ =	shalt  }
.Lfunc_end0:
.L_simem_size_0:
called_computation.1_lowered:
.L_overlay_start_0:
0x88: {  	s2 =	sld [smem:$0x3FD9]  }
0x89: {  	s3 =	sld [smem:$0x3FFE];
	_ =	sdelay $0x1  }
0x8a: {  	s1 =	srdreg.scid  }
0x8b: {  	s0 =	sand.u32 $0x1, s1  }
0x8c: {  	s14 =	sshll.u32 s0, $0xA;
	s2 =	sadd.s32 s3, s2  }
0x8d: {  	s2 =	sadd.s32 s2, s14  }
0x8e: {  	[smem:$0x3FC4] =	sst s2  }
0x8f: {  	_ = 	snop  }
0x90: {  	s2 =	sld [smem:$0x3FD0];
	_ =	sdelay $0x2  }
0x91: {  	s15 =	simm.s32 $0xA;
	s4 =	simm.s32 $0x10  }
0x92: {  	[smem:s4], [sflag:s15] =	dma.local [hbm:s2], $0x1  }
0x93: {  	_ =	swait.eq [sflag:s15], $0x1  }
0x94: {  	[sflag:s15] =	ssyncset.done $0x0  }
0x95: {  	s16 =	sld [smem:$0x10];
	[sflag:s15] =	ssyncadd.s32 $0xFFFFFFFF  }
0x96: {  	s17 =	sld [smem:$0x11];
	(tm) =	ssettm $0x1  }
0x97: {  	s18 =	sld [smem:$0x3FFB];
	_ =	sdelay $0x3  }
0x98: {  	_ =	strace s18  }
0x99: {  	s4 =	sld [smem:$0x3FFC];
	_ =	sdelay $0x3  }
0x9a: {  	_ =	strace s4  }
0x9b: {  	s4 =	sld [smem:$0x3FFD];
	_ =	sdelay $0x3  }
0x9c: {  	_ =	strace s4  }
0x9d: {  	_ =	strace $0x8FFFFFFF  }
0x9e: {  	s19 =	sld [smem:$0x3FDB];
	_ =	sdelay $0x1  }
0x9f: {  	s5 =	simm.s32 $_scs_section_size  }
0xa0: {  	s6 =	simm.s32 $_size__tile_overlayer_lowered;
	s7 =	simm.s32 $_tile_overlayer_lowered  }
0xa1: {  	s22 =	simm.s32 $0x1BFF;
	s21 =	sshll.u32 s7, $0x1;
	s4 =	sadd.s32 s5, s19  }
0xa2: {  	s8 =	simm.s32 $0x0;
	s20 =	sshll.u32 s6, $0x1;
	s6 =	sadd.s32 s21, s4  }
0xa3: {  	[timem:s8], [sflag:s22] =	dma.local [hbm:s6], s20  }
0xa4: {  	_ =	swait.ge [sflag:s22], s20  }
0xa5: {  	s5 =	ssub.s32 $0x0, s20;
	[sflag:s22] =	ssyncset.done $0x0  }
0xa6: {  	[sflag:s22] =	ssyncadd.s32 s5;
	_ =	sdelay $0x1  }
0xa7: {  	s23 =	simm.s32 $0x1B8B  }
0xa8: {  	_ =	swait.ge [sflag:s23], $0x1  }
0xa9: {  	[sflag:s23] =	ssyncset.done $0x0  }
0xaa: {  	s25 =	simm.s32 $0x1B8E;
	s24 =	sld [smem:$0x3FFE];
	[sflag:s23] =	ssyncadd.s32 $0xFFFFFFFF  }
0xab: {  	s26 =	simm.s32 $execute0_lowered;
	[smem:$0x3FD2] =	sst s25  }
0xac: {  	s6 =	sshll.u32 s26, $0x1;
	_ =	strace $0x80000049;
	[dreg:$0x1] =	wrdreg $0xFFFFFFFF  }
0xad: {  	s28 =	simm.s32 $_size_execute0_lowered;
	s4 =	sadd.s32 s4, s6;
	[dreg:$0x0] =	wrdreg $0x0  }
0xae: {  	s6 =	sshll.u32 s28, $0x1;
	[dreg:$0x2] =	wrdreg s4  }
0xaf: {  	[dreg:$0x3] =	wrdreg s6  }
0xb0: {  	[dreg:$0x4] =	wrdreg $0xC0  }
0xb1: {  	_ =	task [dreg:s8], $0x5FFFF  }
0xb2: {  	[dreg:$0x1] =	wrdreg $0xFFFFFFFF  }
0xb3: {  	[dreg:$0x0] =	wrdreg $0x60  }
0xb4: {  	[dreg:$0x2] =	wrdreg s24  }
0xb5: {  	[dreg:$0x3] =	wrdreg s16  }
0xb6: {  	[dreg:$0x4] =	wrdreg s17  }
0xb7: {  	[dreg:$0x5] =	wrdreg $0x9  }
0xb8: {  	_ =	task.clear_ibuf [dreg:s8], $0x6FFFF;
	_ =	strace $0x90000049  }
0xb9: {  	s29 =	simm.s32 $0x9;
	_ =	strace $0x8000004B  }
0xba: {  	_ =	swait.ge [sflag:s29], $0x1  }
0xbb: {  	[sflag:s29] =	ssyncadd.s32 $0xFFFFFFFF  }
0xbc: {  	_ =	strace $0x9000004B  }
0xbd: {  	_ =	sfence  }
0xbe: {  	s30 =	sld [smem:$0x0];
	_ =	sdelay $0x2  }
0xbf: {  	s31 =	sshll.u32 s1, $0xD;
	s1 =	sshrl.u32 s1, $0x2  }
0xc0: {  	s3 =	sand.u32 $0x4000, s31;
	s1 =	sadd.s32 s1, s30  }
0xc1: {  	s0 =	sor.u32 s3, s0;
	s1 =	sshll.u32 s1, $0x11  }
0xc2: {  	s0 =	sor.u32 s1, s0  }
0xc3: {  	s0 =	sadd.s32 $0x8F2B, s0  }
0xc4: {  	[sflag:s0] =	ssyncadd.remote.s32 $0x1  }
0xc5: {  	_ =	sfence.sel $0xFFFF  }
0xc6: {  	[dreg:$0x0] =	wrdreg $0xFFFFFFFF;
	(pc) =	sbr.abs _section_cstart, $3  }
0xc7: {  	[dreg:$0x1] =	wrdreg $0xFFFFFFFF  }
0xc8: {  	_ =	task.clear_ibuf [dreg:s8], $0x2FFFF;
	_ =	strace $0x9FFFFFFF  }
0xc9: {  	(tm) =	ssettm $0x7FFFFFFF  }
tec
execute0_lowered:
.L_overlay_start_1:
0x0: {  	(tag) =	ssettag $0x1  }
0x1: {  	s0 =	rddreg [dreg:$0x0]  }
0x2: {  	s2 =	rddreg [dreg:$0x1]  }
0x3: {  	s3 =	rddreg [dreg:$0x2];
	s1 =	srdreg.scid  }
0x4: {  	s5 =	stileid.u32;
	s4 =	simm.s32 $0x0;
	s12 =	simm.s32 $0x1  }
0x5: {  	s13 =	simm.s32 $0x80;
	s18 =	simm.s32 $0x100;
	s21 =	simm.s32 $0x180  }
0x6: {  	s24 =	simm.s32 $0x200;
	s28 =	simm.s32 $0x280;
	s31 =	simm.s32 $0x300  }
0x7: {  	s14 =	simm.s32 $0x380;
	s15 =	simm.s32 $0x4000;
	s16 =	simm.s32 $0xC000  }
0x8: {  	s17 =	simm.s32 $0x2;
	s19 =	simm.s32 $0x3;
	s20 =	simm.s32 $0x0  }
0x9: {  	s1 =	sand.u32 $0x1, s1;
	s5 =	sshll.u32 s5, $0x1;
	[smem:$0x7FF] =	sst s4  }
0xa: {  	s6 =	sadd.s32 $0x9ECA00, s0;
	s7 =	sadd.s32 $0x1600, s0;
	s10 =	sor.u32 s1, s5  }
0xb: {  	s8 =	sadd.s32 $0x4F7000, s0;
	s1 =	ssub.s32 $0x2, s1;
	s5 =	smul.u32 $0x3400, s10  }
0xc: {  	s0 =	simm.s32 $0x3800;
	_ =	strace $0x8000004A;
	s9 =	sshrl.u32 s1, $0x1  }
0xd: {  	s10 =	smul.u32 $0x34000, s10;
	s29 =	ssub.s32 s1, s9;
	s30 =	sshrl.u32 s5, $0x3  }
0xe: {  	s1 =	simm.s32 $0xB800;
	s11 =	smax.u32 s29, $0x1;
	s9 =	sadd.s32 s6, s30  }
.LBB2_1:
0xf: {  	[tilespmem:s4], [sflag:$0x1] =	stream.linear.gather [hbm4b:s9+s4], $0x400, $0x38;
	[tilespmem:$0x10800] =	vst v63  }
0x10: {  	_ =	swait.ge [sflag:s12], $0x400  }
0x11: {  	[sflag:s12] =	ssyncset.done $0x0  }
0x12: {  	s22 =	simm.s32 $0x800;
	[sflag:s12] =	ssyncadd.s32 $0xFFFFFC00  }
0x13: {  	[tilespmem:s22], [sflag:$0x2] =	stream.indirect.gather [hbm4b:s7+s13], $0x10, s4, s13, $0xb8;
	[tilespmem:$0x10800] =	vst v63  }
0x14: {  	s30 =	simm.s32 $0x8800  }
0x15: {  	[tilespmem:s30], [sflag:$0x2] =	stream.indirect.gather [hbm4b:s8+s13], $0x10, s4, s13, $0xb8;
	[tilespmem:$0x10800] =	vst v63  }
0x16: {  	s23 =	simm.s32 $0x1000  }
0x17: {  	[tilespmem:s23], [sflag:$0x2] =	stream.indirect.gather [hbm4b:s7+s13], $0x10, s13, s13, $0xb8;
	[tilespmem:$0x10800] =	vst v63  }
0x18: {  	s25 =	simm.s32 $0x9000  }
0x19: {  	[tilespmem:s25], [sflag:$0x2] =	stream.indirect.gather [hbm4b:s8+s13], $0x10, s13, s13, $0xb8;
	[tilespmem:$0x10800] =	vst v63  }
0x1a: {  	s26 =	simm.s32 $0x1800  }
0x1b: {  	[tilespmem:s26], [sflag:$0x2] =	stream.indirect.gather [hbm4b:s7+s13], $0x10, s18, s13, $0xb8;
	[tilespmem:$0x10800] =	vst v63  }
0x1c: {  	s29 =	simm.s32 $0x9800  }
0x1d: {  	[tilespmem:s29], [sflag:$0x2] =	stream.indirect.gather [hbm4b:s8+s13], $0x10, s18, s13, $0xb8;
	[tilespmem:$0x10800] =	vst v63  }
0x1e: {  	s30 =	simm.s32 $0x2000  }
0x1f: {  	[tilespmem:s30], [sflag:$0x2] =	stream.indirect.gather [hbm4b:s7+s13], $0x10, s21, s13, $0xb8;
	[tilespmem:$0x10800] =	vst v63  }
0x20: {  	s23 =	simm.s32 $0xA000  }
0x21: {  	[tilespmem:s23], [sflag:$0x2] =	stream.indirect.gather [hbm4b:s8+s13], $0x10, s21, s13, $0xb8;
	[tilespmem:$0x10800] =	vst v63  }
0x22: {  	s25 =	simm.s32 $0x2800  }
0x23: {  	[tilespmem:s25], [sflag:$0x2] =	stream.indirect.gather [hbm4b:s7+s13], $0x10, s24, s13, $0xb8;
	[tilespmem:$0x10800] =	vst v63  }
0x24: {  	s26 =	simm.s32 $0xA800  }
0x25: {  	[tilespmem:s26], [sflag:$0x2] =	stream.indirect.gather [hbm4b:s8+s13], $0x10, s24, s13, $0xb8;
	[tilespmem:$0x10800] =	vst v63  }
0x26: {  	s29 =	simm.s32 $0x3000  }
0x27: {  	[tilespmem:s29], [sflag:$0x2] =	stream.indirect.gather [hbm4b:s7+s13], $0x10, s28, s13, $0xb8;
	[tilespmem:$0x10800] =	vst v63  }
0x28: {  	s30 =	simm.s32 $0xB000  }
0x29: {  	[tilespmem:s30], [sflag:$0x2] =	stream.indirect.gather [hbm4b:s8+s13], $0x10, s28, s13, $0xb8;
	[tilespmem:$0x10800] =	vst v63  }
0x2a: {  	_ = 	snop  }
0x2b: {  	[tilespmem:s0], [sflag:$0x2] =	stream.indirect.gather [hbm4b:s7+s13], $0x10, s31, s13, $0xb8;
	[tilespmem:$0x10800] =	vst v63  }
0x2c: {  	_ = 	snop  }
0x2d: {  	[tilespmem:s1], [sflag:$0x2] =	stream.indirect.gather [hbm4b:s8+s13], $0x10, s31, s13, $0xb8;
	[tilespmem:$0x10800] =	vst v63  }
0x2e: {  	_ = 	snop  }
0x2f: {  	[tilespmem:s15], [sflag:$0x2] =	stream.indirect.gather [hbm4b:s7+s13], $0x10, s14, s13, $0xb8;
	[tilespmem:$0x10800] =	vst v63  }
0x30: {  	s26 =	simm.s32 $0x0  }
0x31: {  	[tilespmem:s16], [sflag:$0x2] =	stream.indirect.gather [hbm4b:s8+s13], $0x10, s14, s13, $0xb8;
	[tilespmem:$0x10800] =	vst v63  }
.LBB2_2:
0x32: {  	_ =	swait.ge [sflag:s17], $0x800  }
0x33: {  	[sflag:s17] =	ssyncset.done $0x0  }
0x34: {  	[sflag:s17] =	ssyncadd.s32 $0xFFFFF800  }
0x35: {  	_ =	swait.ge [sflag:s17], $0x800  }
0x36: {  	[sflag:s17] =	ssyncset.done $0x0  }
0x37: {  	[sflag:s17] =	ssyncadd.s32 $0xFFFFF800  }
0x38: {  	_ =	swait.ge [sflag:s17], $0x800  }
0x39: {  	[sflag:s17] =	ssyncset.done $0x0  }
0x3a: {  	[sflag:s17] =	ssyncadd.s32 $0xFFFFF800  }
0x3b: {  	_ =	swait.ge [sflag:s17], $0x800  }
0x3c: {  	[sflag:s17] =	ssyncset.done $0x0  }
0x3d: {  	[sflag:s17] =	ssyncadd.s32 $0xFFFFF800  }
0x3e: {  	_ =	swait.ge [sflag:s17], $0x800  }
0x3f: {  	[sflag:s17] =	ssyncset.done $0x0  }
0x40: {  	[sflag:s17] =	ssyncadd.s32 $0xFFFFF800  }
0x41: {  	_ =	swait.ge [sflag:s17], $0x800  }
0x42: {  	[sflag:s17] =	ssyncset.done $0x0  }
0x43: {  	[sflag:s17] =	ssyncadd.s32 $0xFFFFF800  }
0x44: {  	_ =	swait.ge [sflag:s17], $0x800  }
0x45: {  	[sflag:s17] =	ssyncset.done $0x0  }
0x46: {  	[sflag:s17] =	ssyncadd.s32 $0xFFFFF800  }
0x47: {  	_ =	swait.ge [sflag:s17], $0x800  }
0x48: {  	[sflag:s17] =	ssyncset.done $0x0  }
0x49: {  	[sflag:s17] =	ssyncadd.s32 $0xFFFFF800  }
0x4a: {  	_ =	swait.ge [sflag:s17], $0x800  }
0x4b: {  	[sflag:s17] =	ssyncset.done $0x0  }
0x4c: {  	[sflag:s17] =	ssyncadd.s32 $0xFFFFF800  }
0x4d: {  	_ =	swait.ge [sflag:s17], $0x800  }
0x4e: {  	[sflag:s17] =	ssyncset.done $0x0  }
0x4f: {  	[sflag:s17] =	ssyncadd.s32 $0xFFFFF800  }
0x50: {  	_ =	swait.ge [sflag:s17], $0x800  }
0x51: {  	[sflag:s17] =	ssyncset.done $0x0  }
0x52: {  	[sflag:s17] =	ssyncadd.s32 $0xFFFFF800  }
0x53: {  	_ =	swait.ge [sflag:s17], $0x800  }
0x54: {  	[sflag:s17] =	ssyncset.done $0x0  }
0x55: {  	[sflag:s17] =	ssyncadd.s32 $0xFFFFF800  }
0x56: {  	_ =	swait.ge [sflag:s17], $0x800  }
0x57: {  	[sflag:s17] =	ssyncset.done $0x0  }
0x58: {  	[sflag:s17] =	ssyncadd.s32 $0xFFFFF800  }
0x59: {  	_ =	swait.ge [sflag:s17], $0x800  }
0x5a: {  	[sflag:s17] =	ssyncset.done $0x0  }
0x5b: {  	[sflag:s17] =	ssyncadd.s32 $0xFFFFF800  }
0x5c: {  	_ =	swait.ge [sflag:s17], $0x800  }
0x5d: {  	[sflag:s17] =	ssyncset.done $0x0  }
0x5e: {  	[sflag:s17] =	ssyncadd.s32 $0xFFFFF800  }
0x5f: {  	_ =	swait.ge [sflag:s17], $0x800  }
0x60: {  	p0 =	seq.s32 s26, $0x0;
	[sflag:s17] =	ssyncset.done $0x0  }
0x61: {  	s22 =	simm.s32 @!p0 $0x3;
	p1 =	seq.s32 @!p0 s26, $0xC;
	[sflag:s17] =	ssyncadd.s32 $0xFFFFF800  }
0x62: {  	p1 =	por p0, !p1;
	_ =	swait.ge @!p0 [sflag:s22], $0x4000  }
.Ltmp0:
0x63: {  	[sflag:s22] =	ssyncset.done @!p0 $0x0;
	(pc) =	sbr.rel @!p1 .LBB2_4-.Ltmp0, $4  }
0x64: {  	[sflag:s22] =	ssyncadd.s32 @!p0 $0xFFFFC000  }
0x65: {  	_ =	swait.ge @!p0 [sflag:s22], $0x4000  }
0x66: {  	[sflag:s22] =	ssyncset.done @!p0 $0x0  }
0x67: {  	[sflag:s22] =	ssyncadd.s32 @!p0 $0xFFFFC000;
	s22 =	simm.s32 @!p0 $0xD  }
0x68: {  	s22 =	sadd.s32 @!p0 $0x1, s26  }
0x69: {  	s22 =	simm.s32 @p0 $0x1  }
0x6a: {  	s23 =	sshll.u32 s22, $0xA  }
0x6b: {  	s25 =	sadd.s32 s5, s23  }
0x6c: {  	s25 =	sshrl.u32 s25, $0x3  }
0x6d: {  	s23 =	sand.u32 $0x400, s23;
	s25 =	sadd.s32 s6, s25  }
0x6e: {  	[tilespmem:s23], [sflag:$0x1] =	stream.linear.gather [hbm4b:s25+s4], $0x400, $0x38;
	[tilespmem:$0x10800] =	vst v63  }
0x6f: {  	_ =	swait.ge [sflag:s12], $0x400  }
0x70: {  	s30 =	sshll.u32 s23, $0x4;
	[sflag:s12] =	ssyncset.done $0x0  }
0x71: {  	s29 =	sor.u32 $0x800, s30;
	[sflag:s12] =	ssyncadd.s32 $0xFFFFFC00  }
0x72: {  	[tilespmem:s29], [sflag:$0x2] =	stream.indirect.gather [hbm4b:s7+s13], $0x10, s23, s13, $0xb8;
	[tilespmem:$0x10800] =	vst v63  }
0x73: {  	s25 =	sor.u32 $0x8800, s30  }
0x74: {  	[tilespmem:s25], [sflag:$0x2] =	stream.indirect.gather [hbm4b:s8+s13], $0x10, s23, s13, $0xb8;
	[tilespmem:$0x10800] =	vst v63  }
0x75: {  	s25 =	sor.u32 $0x80, s23  }
0x76: {  	s29 =	sshll.u32 s25, $0x4  }
0x77: {  	s30 =	sadd.s32 $0x800, s29  }
0x78: {  	[tilespmem:s30], [sflag:$0x2] =	stream.indirect.gather [hbm4b:s7+s13], $0x10, s25, s13, $0xb8;
	[tilespmem:$0x10800] =	vst v63  }
0x79: {  	s29 =	sadd.s32 $0x8800, s29  }
0x7a: {  	[tilespmem:s29], [sflag:$0x2] =	stream.indirect.gather [hbm4b:s8+s13], $0x10, s25, s13, $0xb8;
	[tilespmem:$0x10800] =	vst v63  }
0x7b: {  	s25 =	sor.u32 $0x100, s23  }
0x7c: {  	s29 =	sshll.u32 s25, $0x4  }
0x7d: {  	s30 =	sor.u32 $0x800, s29  }
0x7e: {  	[tilespmem:s30], [sflag:$0x2] =	stream.indirect.gather [hbm4b:s7+s13], $0x10, s25, s13, $0xb8;
	[tilespmem:$0x10800] =	vst v63  }
0x7f: {  	s29 =	sor.u32 $0x8800, s29  }
0x80: {  	[tilespmem:s29], [sflag:$0x2] =	stream.indirect.gather [hbm4b:s8+s13], $0x10, s25, s13, $0xb8;
	[tilespmem:$0x10800] =	vst v63  }
0x81: {  	s25 =	sor.u32 $0x180, s23  }
0x82: {  	s29 =	sshll.u32 s25, $0x4  }
0x83: {  	s30 =	sadd.s32 $0x800, s29  }
0x84: {  	[tilespmem:s30], [sflag:$0x2] =	stream.indirect.gather [hbm4b:s7+s13], $0x10, s25, s13, $0xb8;
	[tilespmem:$0x10800] =	vst v63  }
0x85: {  	s29 =	sadd.s32 $0x8800, s29  }
0x86: {  	[tilespmem:s29], [sflag:$0x2] =	stream.indirect.gather [hbm4b:s8+s13], $0x10, s25, s13, $0xb8;
	[tilespmem:$0x10800] =	vst v63  }
0x87: {  	s25 =	sor.u32 $0x200, s23  }
0x88: {  	s29 =	sshll.u32 s25, $0x4  }
0x89: {  	s30 =	sor.u32 $0x800, s29  }
0x8a: {  	[tilespmem:s30], [sflag:$0x2] =	stream.indirect.gather [hbm4b:s7+s13], $0x10, s25, s13, $0xb8;
	[tilespmem:$0x10800] =	vst v63  }
0x8b: {  	s29 =	sor.u32 $0x8800, s29  }
0x8c: {  	[tilespmem:s29], [sflag:$0x2] =	stream.indirect.gather [hbm4b:s8+s13], $0x10, s25, s13, $0xb8;
	[tilespmem:$0x10800] =	vst v63  }
0x8d: {  	s25 =	sor.u32 $0x280, s23  }
0x8e: {  	s29 =	sshll.u32 s25, $0x4  }
0x8f: {  	s30 =	sadd.s32 $0x800, s29  }
0x90: {  	[tilespmem:s30], [sflag:$0x2] =	stream.indirect.gather [hbm4b:s7+s13], $0x10, s25, s13, $0xb8;
	[tilespmem:$0x10800] =	vst v63  }
0x91: {  	s29 =	sadd.s32 $0x8800, s29  }
0x92: {  	[tilespmem:s29], [sflag:$0x2] =	stream.indirect.gather [hbm4b:s8+s13], $0x10, s25, s13, $0xb8;
	[tilespmem:$0x10800] =	vst v63  }
0x93: {  	s25 =	sor.u32 $0x300, s23  }
0x94: {  	s29 =	sshll.u32 s25, $0x4  }
0x95: {  	s30 =	sor.u32 $0x800, s29  }
0x96: {  	[tilespmem:s30], [sflag:$0x2] =	stream.indirect.gather [hbm4b:s7+s13], $0x10, s25, s13, $0xb8;
	[tilespmem:$0x10800] =	vst v63  }
0x97: {  	s23 =	sor.u32 $0x380, s23;
	s29 =	sor.u32 $0x8800, s29  }
0x98: {  	[tilespmem:s29], [sflag:$0x2] =	stream.indirect.gather [hbm4b:s8+s13], $0x10, s25, s13, $0xb8;
	[tilespmem:$0x10800] =	vst v63  }
0x99: {  	s25 =	sshll.u32 s23, $0x4  }
0x9a: {  	s30 =	sadd.s32 $0x800, s25  }
0x9b: {  	[tilespmem:s30], [sflag:$0x2] =	stream.indirect.gather [hbm4b:s7+s13], $0x10, s23, s13, $0xb8;
	[tilespmem:$0x10800] =	vst v63  }
0x9c: {  	s25 =	sadd.s32 $0x8800, s25  }
0x9d: {  	[tilespmem:s25], [sflag:$0x2] =	stream.indirect.gather [hbm4b:s8+s13], $0x10, s23, s13, $0xb8;
	[tilespmem:$0x10800] =	vst v63  }
.LBB2_4:
0x9e: {  	s23 =	sshll.u32 s26, $0xA;
	s25 =	sshll.u32 s26, $0xE  }
0x9f: {  	s26 =	sand.u32 $0x1, s26;
	s29 =	sand.u32 $0x400, s23;
	s25 =	sadd.s32 s10, s25  }
0xa0: {  	s26 =	sshll.u32 s26, $0xE;
	s23 =	sshrl.u32 s25, $0x3;
	s25 =	sshll.u32 s29, $0x4  }
0xa1: {  	s26 =	sor.u32 $0x8820, s26;
	s29 =	sadd.s32 s2, s23;
	s30 =	sadd.s32 $0x800, s25  }
0xa2: {  	[hbm4b:s29+s4] =	stream.linear.scatter [tilespmem:s30], [sflag:$0x3], $0x4000, $0x38;
	[tilespmem:$0x10800] =	vst v63  }
0xa3: {  	v0 =	vld [tilespmem:s26+$0xFFFFFFE0]  }
0xa4: {  	v1 =	vld [tilespmem:s26+$0x0]  }
0xa5: {  	v2 =	vld [tilespmem:s26+$0x10]  }
0xa6: {  	v3 =	vld [tilespmem:s26+$0xFFFFFFF0];
	_ =	sdelay $0x1  }
0xa7: {  	v4 =	vand.u32 $0x7FFFFFFF, v0  }
0xa8: {  	v5 =	vand.u32 $0x7FFFFFFF, v1;
	v4 =	vsub.f32 $0.0e+00, v4  }
0xa9: {  	v6 =	vand.u32 $0x7FFFFFFF, v2;
	v5 =	vsub.f32 $0.0e+00, v5  }
0xaa: {  	v7 =	vand.u32 $0x7FFFFFFF, v3;
	v6 =	vsub.f32 $0.0e+00, v6;
	v4 =	vmul.f32 $1.442695020e+00, v4  }
0xab: {  	v7 =	vsub.f32 $0.0e+00, v7;
	v5 =	vmul.f32 $1.442695020e+00, v5  }
0xac: {  	v6 =	vmul.f32 $1.442695020e+00, v6;
	(erf) = vpow2.f32 v4  }
0xad: {  	v4 =	vmul.f32 $1.442695020e+00, v7;
	(erf) = vpow2.f32 v5  }
0xae: {  	(erf) = vpow2.f32 v6  }
0xaf: {  	(erf) = vpow2.f32 v4;
	_ =	sdelay $0x5  }
0xb0: {  	v4 =	vpop (erf)  }
0xb1: {  	v5 =	vmul.f32 $1.720806020e-02, v4;
	v58 =	vpop (erf)  }
0xb2: {  	v59 =	vmul.f32 $1.720806020e-02, v58;
	v8 =	vpop (erf)  }
0xb3: {  	v5 =	vsub.f32 $8.172681180e-02, v5;
	v9 =	vmul.f32 $1.720806020e-02, v8;
	v10 =	vpop (erf)  }
0xb4: {  	v11 =	vmul.f32 $1.720806020e-02, v10;
	v7 =	vsub.f32 $8.172681180e-02, v59  }
0xb5: {  	v5 =	vmul.f32 v5, v4;
	v9 =	vsub.f32 $8.172681180e-02, v9  }
0xb6: {  	v11 =	vsub.f32 $8.172681180e-02, v11;
	v7 =	vmul.f32 v7, v58  }
0xb7: {  	v5 =	vadd.f32 $-1.887826770e-01, v5;
	v9 =	vmul.f32 v9, v8  }
0xb8: {  	v11 =	vmul.f32 v11, v10;
	v7 =	vadd.f32 $-1.887826770e-01, v7  }
0xb9: {  	v5 =	vmul.f32 v5, v4;
	v9 =	vadd.f32 $-1.887826770e-01, v9  }
0xba: {  	v11 =	vadd.f32 $-1.887826770e-01, v11;
	v7 =	vmul.f32 v7, v58  }
0xbb: {  	v5 =	vadd.f32 $3.145905440e-01, v5;
	v9 =	vmul.f32 v9, v8  }
0xbc: {  	v11 =	vmul.f32 v11, v10;
	v7 =	vadd.f32 $3.145905440e-01, v7  }
0xbd: {  	v5 =	vmul.f32 v5, v4;
	v9 =	vadd.f32 $3.145905440e-01, v9  }
0xbe: {  	v11 =	vadd.f32 $3.145905440e-01, v11;
	v7 =	vmul.f32 v7, v58  }
0xbf: {  	v5 =	vadd.f32 $-4.969779250e-01, v5;
	v9 =	vmul.f32 v9, v8  }
0xc0: {  	v11 =	vmul.f32 v11, v10;
	v7 =	vadd.f32 $-4.969779250e-01, v7  }
0xc1: {  	v5 =	vmul.f32 v5, v4;
	v9 =	vadd.f32 $-4.969779250e-01, v9  }
0xc2: {  	v11 =	vadd.f32 $-4.969779250e-01, v11;
	v7 =	vmul.f32 v7, v58  }
0xc3: {  	v5 =	vadd.f32 $9.997924560e-01, v5;
	v9 =	vmul.f32 v9, v8  }
0xc4: {  	v11 =	vmul.f32 v11, v10;
	v7 =	vadd.f32 $9.997924560e-01, v7  }
0xc5: {  	v4 =	vmul.f32 v5, v4;
	v5 =	vadd.f32 $9.997924560e-01, v9  }
0xc6: {  	v60 =	vadd.f32 $9.997924560e-01, v11;
	v6 =	vmul.f32 v7, v58  }
0xc7: {  	v4 =	vadd.f32 $1.035075550e-04, v4;
	v5 =	vmul.f32 v5, v8  }
0xc8: {  	v0 =	vmax.f32 v0, $0.0e+00;
	v61 =	vmul.f32 v60, v10;
	v6 =	vadd.f32 $1.035075550e-04, v6  }
0xc9: {  	v62 =	vmax.f32 v1, $0.0e+00;
	v4 =	vadd.f32 v4, v0;
	v5 =	vadd.f32 $1.035075550e-04, v5  }
0xca: {  	v63 =	vmax.f32 v2, $0.0e+00;
	v1 =	vadd.f32 $1.035075550e-04, v61;
	v2 =	vadd.f32 v6, v62  }
0xcb: {  	s29 =	simm.s32 $0x0;
	s30 =	sadd.s32 $0x40, s26;
	v0 =	vmax.f32 v3, $0.0e+00;
	[tilespmem:s26+$0xFFFFFFE0] =	vst v4;
	v3 =	vadd.f32 v5, v63  }
.LBB2_5:
0xcc: {  	v4 =	vld [tilespmem:s30+$0xFFFFFFE0];
	v0 =	vadd.f32 v1, v0;
	[tilespmem:s26+$0x0] =	vst v2  }
0xcd: {  	v1 =	vld [tilespmem:s30+$0x0];
	[tilespmem:s26+$0x10] =	vst v3  }
0xce: {  	s29 =	sadd.s32 $0x4, s29;
	v3 =	vld [tilespmem:s30+$0x10];
	[tilespmem:s26+$0xFFFFFFF0] =	vst v0;
	s26 =	smov.u32 s30  }
0xcf: {  	p0 =	slt.u32 s29, $0x3FC;
	v0 =	vld [tilespmem:s30+$0xFFFFFFF0];
	_ =	sdelay $0x1  }
0xd0: {  	v2 =	vand.u32 $0x7FFFFFFF, v4  }
0xd1: {  	v2 =	vsub.f32 $0.0e+00, v2;
	v5 =	vand.u32 $0x7FFFFFFF, v1  }
0xd2: {  	v5 =	vsub.f32 $0.0e+00, v5;
	v6 =	vand.u32 $0x7FFFFFFF, v3  }
0xd3: {  	v2 =	vmul.f32 $1.442695020e+00, v2;
	v7 =	vand.u32 $0x7FFFFFFF, v0;
	v6 =	vsub.f32 $0.0e+00, v6  }
0xd4: {  	v0 =	vmax.f32 v0, $0.0e+00;
	v7 =	vsub.f32 $0.0e+00, v7;
	v5 =	vmul.f32 $1.442695020e+00, v5  }
0xd5: {  	v6 =	vmul.f32 $1.442695020e+00, v6;
	(erf) = vpow2.f32 v2  }
0xd6: {  	v2 =	vmul.f32 $1.442695020e+00, v7;
	(erf) = vpow2.f32 v5  }
0xd7: {  	(erf) = vpow2.f32 v6  }
0xd8: {  	(erf) = vpow2.f32 v2;
	_ =	sdelay $0x5  }
0xd9: {  	v2 =	vpop (erf)  }
0xda: {  	v5 =	vmul.f32 $1.720806020e-02, v2;
	v6 =	vpop (erf)  }
0xdb: {  	v7 =	vmul.f32 $1.720806020e-02, v6;
	v8 =	vpop (erf)  }
0xdc: {  	v5 =	vsub.f32 $8.172681180e-02, v5;
	v9 =	vmul.f32 $1.720806020e-02, v8;
	v10 =	vpop (erf)  }
0xdd: {  	v11 =	vmul.f32 $1.720806020e-02, v10;
	v7 =	vsub.f32 $8.172681180e-02, v7  }
0xde: {  	v5 =	vmul.f32 v5, v2;
	v9 =	vsub.f32 $8.172681180e-02, v9  }
0xdf: {  	v11 =	vsub.f32 $8.172681180e-02, v11;
	v7 =	vmul.f32 v7, v6  }
0xe0: {  	v5 =	vadd.f32 $-1.887826770e-01, v5;
	v9 =	vmul.f32 v9, v8  }
0xe1: {  	v11 =	vmul.f32 v11, v10;
	v7 =	vadd.f32 $-1.887826770e-01, v7  }
0xe2: {  	v5 =	vmul.f32 v5, v2;
	v9 =	vadd.f32 $-1.887826770e-01, v9  }
0xe3: {  	v11 =	vadd.f32 $-1.887826770e-01, v11;
	v7 =	vmul.f32 v7, v6  }
0xe4: {  	v5 =	vadd.f32 $3.145905440e-01, v5;
	v9 =	vmul.f32 v9, v8  }
0xe5: {  	v11 =	vmul.f32 v11, v10;
	v7 =	vadd.f32 $3.145905440e-01, v7  }
0xe6: {  	v5 =	vmul.f32 v5, v2;
	v9 =	vadd.f32 $3.145905440e-01, v9  }
0xe7: {  	v11 =	vadd.f32 $3.145905440e-01, v11;
	v7 =	vmul.f32 v7, v6  }
0xe8: {  	v5 =	vadd.f32 $-4.969779250e-01, v5;
	v9 =	vmul.f32 v9, v8  }
0xe9: {  	v11 =	vmul.f32 v11, v10;
	v7 =	vadd.f32 $-4.969779250e-01, v7  }
0xea: {  	v5 =	vmul.f32 v5, v2;
	v9 =	vadd.f32 $-4.969779250e-01, v9  }
0xeb: {  	v11 =	vadd.f32 $-4.969779250e-01, v11;
	v7 =	vmul.f32 v7, v6  }
0xec: {  	v5 =	vadd.f32 $9.997924560e-01, v5;
	v9 =	vmul.f32 v9, v8  }
0xed: {  	v11 =	vmul.f32 v11, v10;
	v7 =	vadd.f32 $9.997924560e-01, v7  }
0xee: {  	v2 =	vmul.f32 v5, v2;
	v5 =	vadd.f32 $9.997924560e-01, v9  }
0xef: {  	v9 =	vadd.f32 $9.997924560e-01, v11;
	v6 =	vmul.f32 v7, v6  }
.Ltmp1:
0xf0: {  	v2 =	vadd.f32 $1.035075550e-04, v2;
	v5 =	vmul.f32 v5, v8;
	(pc) =	sbr.rel @p0 .LBB2_5-.Ltmp1, $4  }
0xf1: {  	v4 =	vmax.f32 v4, $0.0e+00;
	v7 =	vmul.f32 v9, v10;
	v6 =	vadd.f32 $1.035075550e-04, v6  }
0xf2: {  	v4 =	vadd.f32 v2, v4;
	v2 =	vmax.f32 v1, $0.0e+00;
	v5 =	vadd.f32 $1.035075550e-04, v5  }
0xf3: {  	v3 =	vmax.f32 v3, $0.0e+00;
	v1 =	vadd.f32 $1.035075550e-04, v7;
	v2 =	vadd.f32 v6, v2  }
0xf4: {  	s30 =	sadd.s32 $0x40, s30;
	[tilespmem:s26+$0xFFFFFFE0] =	vst v4;
	v3 =	vadd.f32 v5, v3  }
0xf5: {  	p0 =	slt.u32 s22, $0xD  }
.Ltmp2:
0xf6: {  	_ = 	snop;
	(pc) =	sbr.rel @p0 .LBB2_2-.Ltmp2, $4  }
0xf7: {  	v0 =	vadd.f32 v1, v0;
	[tilespmem:s26+$0x0] =	vst v2  }
0xf8: {  	[tilespmem:s26+$0x10] =	vst v3  }
0xf9: {  	s23 =	sadd.s32 s3, s23;
	s25 =	sadd.s32 $0x8800, s25;
	[tilespmem:s26+$0xFFFFFFF0] =	vst v0;
	s26 =	smov.u32 s22  }
0xfa: {  	[hbm4b:s23+s4] =	stream.linear.scatter [tilespmem:s25], [sflag:$0x3], $0x4000, $0x38;
	[tilespmem:$0x10800] =	vst v63  }
0xfb: {  	s20 =	sadd.s32 $0x1, s20  }
0xfc: {  	_ =	swait.ge [sflag:s19], $0x4000;
	p0 =	sne.s32 s20, s11  }
.Ltmp3:
0xfd: {  	[sflag:s19] =	ssyncset.done $0x0;
	(pc) =	sbr.rel @p0 .LBB2_1-.Ltmp3, $4  }
0xfe: {  	[sflag:s19] =	ssyncadd.s32 $0xFFFFC000  }
0xff: {  	_ =	swait.ge [sflag:s19], $0x4000  }
0x100: {  	[sflag:s19] =	ssyncset.done $0x0  }
0x101: {  	[sflag:s19] =	ssyncadd.s32 $0xFFFFC000  }
0x102: {  	_ =	sfence.sel $0x180000  }
0x103: {  	[bflag:$0x0] =	sbarrier.arrive $0xFFFF  }
0x104: {  	_ =	strace $0x9000004A  }
0x105: {  	s0 =	stileid.u32;
	[bflag:$0x2] =	sbarrier.arrive $0xFFFF  }
0x106: {  	p0 =	sne.s32 s0, $0x0;
	s0 =	rddreg [dreg:$0x3]  }
0x107: {  	s0 =	sadd.s32 @!p0 $0x100000, s0  }
0x108: {  	[sflag:s0] =	ssyncadd.tile.s32 @!p0 $0x1;
	_ =	shalt  }
.Lfunc_end2:
_tile_overlayer_lowered:
.L_overlay_start_2:
0x109: {  	(tag) =	ssettag $0x2  }
0x10a: {  	s0 =	rddreg [dreg:$0x0];
	s2 =	stileid.u32  }
0x10b: {  	s1 =	rddreg [dreg:$0x1];
	p0 =	sne.s32 s2, $0x0  }
0x10c: {  	s3 =	rddreg [dreg:$0x2];
	[bflag:$0x3] =	sbarrier.arrive $0xFFFF;
	s2 =	simm.s32 @!p0 $0x1C04  }
0x10d: {  	[timem:s3], [sflag:s2] =	dma.local @!p0 [hbm:s0], s1  }
0x10e: {  	s0 =	simm.s32 @!p0 $0x4  }
0x10f: {  	_ =	swait.ge @!p0 [sflag:s0], s1  }
0x110: {  	s1 =	ssub.s32 @!p0 $0x0, s1;
	[sflag:s0] =	ssyncset.done @!p0 $0x0  }
0x111: {  	[sflag:s0] =	ssyncadd.s32 @!p0 s1  }
0x112: {  	[bflag:$0x3] =	sbarrier.arrive $0xFFFF  }
0x113: {  	_ =	shalt  }

</sc_bundles>
